<compile_context>
chip_gen: v7x
topology: tpu7x:2x2x1
jax: 0.10.2.dev20260603
libtpu: 0.0.44.dev20260713+nightly
codegen_flags: <defaults>
</compile_context>

<pallas_src>
import functools

import jax
import jax.numpy as jnp
import numpy as np
from jax import lax
from jax.experimental import pallas as pl
from jax.experimental.pallas import tpu as pltpu
from jax.experimental.pallas import tpu_sc as plsc

_B = 128
_X = 32768
_N = _B * _X
_TOPK = 64 * _B
_MIN32 = np.int32(-2147483648)

_NC = 2
_NS = 16
_NW = _NC * _NS
_L = 16
_PERW = _N // _NW
_CH = 8192
_NCHUNK = _PERW // _CH


def _sortable(s):
    return s ^ ((s >> 31) | _MIN32)


def _mk_sc_hist(nbins, bin_of, match_of, n_param):
    def body(*refs):
        if n_param:
            x_hbm, p_hbm, out_hbm, buf, hist, merged, pv = refs
        else:
            x_hbm, out_hbm, buf, hist, merged = refs
            pv = None
        wid = lax.axis_index("s") * _NC + lax.axis_index("c")
        base = wid * _PERW
        if n_param:
            pltpu.sync_copy(p_hbm, pv)
        zero16 = jnp.zeros((_L,), jnp.int32)
        ones16 = jnp.ones((_L,), jnp.int32)
        lane = lax.broadcasted_iota(jnp.int32, (_L,), 0)
        laneoff = lane * nbins
        trash = lane + np.int32(nbins * _L)

        def zr(i, carry):
            hist[pl.ds(i * 16, 16)] = zero16
            return carry

        lax.fori_loop(0, nbins * _L // 16, zr, 0, unroll=8)

        def chunk(c, carry):
            pltpu.sync_copy(x_hbm.at[pl.ds(base + c * _CH, _CH)], buf)
            cbase = base + c * _CH

            def sl(j, carry2):
                s = buf[pl.ds(j * 16, 16)]
                ku = _sortable(s)
                idx = (cbase + j * 16) + lax.broadcasted_iota(
                    jnp.int32, (_L,), 0)
                b = bin_of(ku, idx)
                if match_of is None:
                    slot = laneoff + b
                else:
                    m = match_of(ku, idx, pv)
                    slot = jnp.where(m, laneoff + b, trash)
                plsc.addupdate_scatter(hist, [slot], ones16)
                return carry2

            lax.fori_loop(0, _CH // 16, sl, 0, unroll=8)
            return carry

        lax.fori_loop(0, _NCHUNK, chunk, 0)

        def mg(i, carry):
            acc = zero16
            for lane in range(_L):
                acc = acc + hist[pl.ds(lane * nbins + i * 16, 16)]
            merged[pl.ds(i * 16, 16)] = acc
            return carry

        lax.fori_loop(0, nbins // 16, mg, 0)
        pltpu.sync_copy(merged, out_hbm.at[wid])

    mesh = plsc.VectorSubcoreMesh(core_axis_name="c", subcore_axis_name="s")
    scratch = [
        pltpu.VMEM((_CH,), jnp.int32),
        pltpu.VMEM((nbins * _L + _L,), jnp.int32),
        pltpu.VMEM((nbins,), jnp.int32),
    ]
    if n_param:
        scratch.append(pltpu.VMEM((n_param * _L,), jnp.int32))
    return pl.kernel(
        body,
        out_type=jax.ShapeDtypeStruct((_NW, nbins), jnp.int32),
        mesh=mesh,
        scratch_types=scratch,
        compiler_params=pltpu.CompilerParams(needs_layout_passes=False),
    )


@functools.lru_cache(maxsize=None)
def _sc_kernels():
    p1 = _mk_sc_hist(
        4096,
        lambda ku, idx: lax.shift_right_logical(ku, 20),
        None, 0)
    p2 = _mk_sc_hist(
        4096,
        lambda ku, idx: lax.shift_right_logical(ku, 8) & np.int32(0xFFF),
        lambda ku, idx, pv:
            lax.shift_right_logical(ku, 20) == pv[pl.ds(0, 16)],
        1)
    p3 = _mk_sc_hist(
        256,
        lambda ku, idx: ku & np.int32(0xFF),
        lambda ku, idx, pv:
            lax.shift_right_logical(ku, 8) == pv[pl.ds(0, 16)],
        1)
    i1 = _mk_sc_hist(
        2048,
        lambda ku, idx: lax.shift_right_logical(idx, 11),
        lambda ku, idx, pv: ku == pv[pl.ds(0, 16)],
        1)
    i2 = _mk_sc_hist(
        2048,
        lambda ku, idx: idx & np.int32(0x7FF),
        lambda ku, idx, pv: (ku == pv[pl.ds(0, 16)])
        & (lax.shift_right_logical(idx, 11) == pv[pl.ds(16, 16)]),
        2)
    return p1, p2, p3, i1, i2


def _mk_select(nbins, descending):
    rows = nbins // 128

    def body(kr_ref, h_ref, o_ref):
        hm = jnp.sum(h_ref[...], axis=0).reshape(rows, 128)
        cc = lax.broadcasted_iota(jnp.int32, (128, 128), 0)
        cr = lax.broadcasted_iota(jnp.int32, (128, 128), 1)
        upper = (cc <= cr).astype(jnp.float32)
        ri = lax.broadcasted_iota(jnp.int32, (rows, rows), 0)
        rj = lax.broadcasted_iota(jnp.int32, (rows, rows), 1)
        lstrict = (ri > rj).astype(jnp.float32)
        cincl = jnp.zeros((rows, 128), jnp.int32)
        for k in range(3):
            part = ((hm >> (8 * k)) & np.int32(0xFF)).astype(jnp.float32)
            winp = jnp.dot(part, upper, preferred_element_type=jnp.float32)
            rowtot = winp[:, 127:128].astype(jnp.int32)
            rt_lo = (rowtot & np.int32(0xFF)).astype(jnp.float32)
            rt_hi = (rowtot >> 8).astype(jnp.float32)
            excl = (jnp.dot(lstrict, rt_lo,
                            preferred_element_type=jnp.float32)
                    .astype(jnp.int32)
                    + (jnp.dot(lstrict, rt_hi,
                               preferred_element_type=jnp.float32)
                       .astype(jnp.int32) << 8))
            cincl = cincl + ((winp.astype(jnp.int32) + excl) << (8 * k))
        total = cincl[rows - 1, 127]
        if descending:
            before = total - cincl
        else:
            before = cincl - hm
        kr = kr_ref[0]
        pred = (before < kr) & (before + hm >= kr)
        binidx = (lax.broadcasted_iota(jnp.int32, (rows, 128), 0) * 128
                  + lax.broadcasted_iota(jnp.int32, (rows, 128), 1))
        zero = jnp.zeros((rows, 128), jnp.int32)
        bstar = jnp.sum(jnp.where(pred, binidx, zero))
        bcount = jnp.sum(jnp.where(pred, before, zero))
        bsize = jnp.sum(jnp.where(pred, hm, zero))
        rowsel = lax.broadcasted_iota(jnp.int32, (8, 128), 0)
        out = jnp.where(rowsel == 0, bstar,
                        jnp.where(rowsel == 1, bcount, bsize))
        o_ref[...] = out

    return pl.pallas_call(
        body,
        in_specs=[
            pl.BlockSpec(memory_space=pltpu.SMEM),
            pl.BlockSpec((_NW, nbins), lambda: (0, 0)),
        ],
        out_specs=pl.BlockSpec((8, 128), lambda: (0, 0)),
        out_shape=jax.ShapeDtypeStruct((8, 128), jnp.int32),
    )


_sel_desc_4096 = _mk_select(4096, True)
_sel_desc_256 = _mk_select(256, True)
_sel_asc_2048 = _mk_select(2048, False)


def _mask_body(sel_ref, x_ref, o_ref):
    tt = sel_ref[0]
    q = sel_ref[1]
    ttm = tt ^ _MIN32
    blk = pl.program_id(0)
    x = x_ref[...]
    ku = _sortable(lax.bitcast_convert_type(x, jnp.int32))
    row = lax.broadcasted_iota(jnp.int32, (8, _X), 0) + blk * 8
    col = lax.broadcasted_iota(jnp.int32, (8, _X), 1)
    idx = row * _X + col
    keep = ((ku ^ _MIN32) > ttm) | ((ku == tt) & (idx <= q))
    o_ref[...] = x * keep.astype(jnp.float32)


_mask_call = pl.pallas_call(
    _mask_body,
    grid=(_B // 8,),
    in_specs=[
        pl.BlockSpec(memory_space=pltpu.SMEM),
        pl.BlockSpec((8, _X), lambda i: (i, 0)),
    ],
    out_specs=pl.BlockSpec((8, _X), lambda i: (i, 0)),
    out_shape=jax.ShapeDtypeStruct((_B, _X), jnp.float32),
)


def _splat(v):
    return jnp.full((_L,), v, jnp.int32)


def kernel(input_BX):
    _sc_pass1, _sc_pass2, _sc_pass3, _sc_passI1, _sc_passI2 = _sc_kernels()
    xflat = lax.bitcast_convert_type(input_BX, jnp.int32).reshape(-1)

    h1 = _sc_pass1(xflat)
    s1 = _sel_desc_4096(jnp.array([_TOPK], jnp.int32), h1)
    b1, r1 = s1[0, 0], s1[1, 0]
    kr2 = jnp.int32(_TOPK) - r1

    h2 = _sc_pass2(xflat, _splat(b1))
    s2 = _sel_desc_4096(kr2.reshape(1), h2)
    b2, r2 = s2[0, 0], s2[1, 0]
    kr3 = kr2 - r2
    p24 = (b1 << 12) | b2

    h3 = _sc_pass3(xflat, _splat(p24))
    s3 = _sel_desc_256(kr3.reshape(1), h3)
    b3, r3, m3 = s3[0, 0], s3[1, 0], s3[2, 0]
    need = kr3 - r3
    tt = (p24 << 8) | b3

    def no_split():
        return jnp.int32(_N)

    def split():
        hi1 = _sc_passI1(xflat, _splat(tt))
        a1 = _sel_asc_2048(need.reshape(1), hi1)
        c1, below1 = a1[0, 0], a1[1, 0]
        need2 = need - below1
        hi2 = _sc_passI2(xflat, jnp.concatenate([_splat(tt), _splat(c1)]))
        a2 = _sel_asc_2048(need2.reshape(1), hi2)
        c2 = a2[0, 0]
        return (c1 << 11) | c2

    q = lax.cond(need == m3, no_split, split)
    return _mask_call(jnp.stack([tt, q]), input_BX)

# --- scband reference (transcript-rebuilt; emitter-appended) ---
"""Pipeline reference for scband-batch-top-kfilter-7567732376178 (READ-ONLY COPY).

The authoritative reference and input builder live on the scoring server;
editing this copy changes nothing except your own understanding.
"""

import jax, jax.numpy as jnp
import numpy as np

K = 64

def setup_inputs(seed: int = 0) -> dict:
    key = jax.random.key(seed)
    input_BX = jax.random.normal(key, (128, 32768), dtype=jnp.float32)
    return {"input_BX": input_BX}

def reference(input_BX):
    # BatchTopK: keep top (k * batch_size) activations across the whole batch.
    batch_size = input_BX.shape[0]
    # torch .flatten(end_dim=1) on a 2D [B, X] tensor yields a 1D tensor of size B*X
    flat_input = input_BX.reshape(-1)
    _, indices = jax.lax.top_k(flat_input, K * batch_size)
    mask = jnp.zeros_like(flat_input, dtype=jnp.bool_).at[indices].set(True)
    return input_BX * mask.reshape(input_BX.shape)

if __name__ == "__main__":
    import jax
    _d = setup_inputs()
    print(jax.jit(kernel)(*tuple(_d.values())))

</pallas_src>

<mosaic_0001>
#map = affine_map<(d0, d1) -> (0)>
#map1 = affine_map<(d0, d1) -> (0, 0)>
module attributes {stable_mosaic.version = 14 : i64} {
  func.func @body(%arg0: i32, %arg1: i32, %arg2: memref<4194304xi32, #tpu.memory_space<hbm>>, %arg3: memref<16xi32, #tpu.memory_space<hbm>>, %arg4: memref<32x4096xi32, #tpu.memory_space<hbm>>, %arg5: memref<8192xi32, #tpu.memory_space<vmem>>, %arg6: memref<65552xi32, #tpu.memory_space<vmem>>, %arg7: memref<4096xi32, #tpu.memory_space<vmem>>, %arg8: memref<16xi32, #tpu.memory_space<vmem>>) attributes {dimension_semantics = [#tpu.dimension_semantics<core_parallel>, #tpu.dimension_semantics<subcore_parallel>], iteration_bounds = array<i64: 2, 16>, scalar_prefetch = 0 : i64, scratch_operands = 4 : i64, tpu.core_type = #tpu.core_type<sc_vector_subcore>, window_params = [{transform_indices = #map}, {transform_indices = #map}, {transform_indices = #map1}]} {
    %mul3A = arith.constant 2 : i32
    %mul3A_0 = arith.muli %arg1, %mul3A : i32
    %add3A = arith.addi %mul3A_0, %arg0 : i32
    %mul3A_1 = arith.constant 131072 : i32
    %mul3A_2 = arith.muli %add3A, %mul3A_1 : i32
    "tpu.region"() ({
      %run_scoped3A = tpu.sem_alloc : memref<!tpu.dma_semaphore, #tpu.memory_space<semaphore_mem>>
      tpu.enqueue_dma source(%arg3 : memref<16xi32, #tpu.memory_space<hbm>>) target(%arg8 : memref<16xi32, #tpu.memory_space<vmem>>) target_semaphore(%run_scoped3A : memref<!tpu.dma_semaphore, #tpu.memory_space<semaphore_mem>>)
      tpu.wait_dma2 semaphore(%run_scoped3A : memref<!tpu.dma_semaphore, #tpu.memory_space<semaphore_mem>>) src(%arg3 : memref<16xi32, #tpu.memory_space<hbm>>) dst(%arg8 : memref<16xi32, #tpu.memory_space<vmem>>)
      tpu.yield
    }) : () -> ()
    %broadcast_in_dim3A = arith.constant 0 : i32
    %broadcast_in_dim3A_3 = vector.broadcast %broadcast_in_dim3A : i32 to vector<16xi32>
    %broadcast_in_dim3A_4 = arith.constant 1 : i32
    %broadcast_in_dim3A_5 = vector.broadcast %broadcast_in_dim3A_4 : i32 to vector<16xi32>
    %iota3A = tpu.iota {dimensions = array<i32: 0>} : vector<16xi32>
    %mul3A_6 = arith.constant 4096 : i32
    %mul3A_7 = vector.broadcast %mul3A_6 : i32 to vector<16xi32>
    %mul3A_8 = arith.muli %iota3A, %mul3A_7 : vector<16xi32>
    %add3A_9 = arith.constant 65536 : i32
    %add3A_10 = vector.broadcast %add3A_9 : i32 to vector<16xi32>
    %add3A_11 = arith.addi %iota3A, %add3A_10 : vector<16xi32>
    %scan3A = arith.constant 0 : i32
    %scan3A_12 = arith.constant 0 : i32
    %scan3A_13 = arith.constant 4096 : i32
    %scan3A_14 = arith.addi %scan3A_12, %scan3A_13 : i32
    %scan3A_15 = arith.constant 8 : i32
    scf.for %scan3A_29 = %scan3A_12 to %scan3A_14 step %scan3A_15  : i32 {
      %mul3A_30 = arith.constant 16 : i32
      %mul3A_31 = arith.muli %scan3A_29, %mul3A_30 : i32
      %swap3A = arith.index_cast %mul3A_31 : i32 to index
      %swap3A_32 = tpu.vector_load %arg6[%swap3A] {strides = array<i32>} : memref<65552xi32, #tpu.memory_space<vmem>>, vector<16xi32>,
      tpu.vector_store %arg6[%swap3A], %broadcast_in_dim3A_3 {strides = array<i32>} : memref<65552xi32, #tpu.memory_space<vmem>>, vector<16xi32>,
      %scan3A_33 = arith.constant 1 : i32
      %scan3A_34 = arith.addi %scan3A_29, %scan3A_33 : i32
      %mul3A_35 = arith.constant 16 : i32
      %mul3A_36 = arith.muli %scan3A_34, %mul3A_35 : i32
      %swap3A_37 = arith.index_cast %mul3A_36 : i32 to index
      %swap3A_38 = tpu.vector_load %arg6[%swap3A_37] {strides = array<i32>} : memref<65552xi32, #tpu.memory_space<vmem>>, vector<16xi32>,
      tpu.vector_store %arg6[%swap3A_37], %broadcast_in_dim3A_3 {strides = array<i32>} : memref<65552xi32, #tpu.memory_space<vmem>>, vector<16xi32>,
      %scan3A_39 = arith.constant 2 : i32
      %scan3A_40 = arith.addi %scan3A_29, %scan3A_39 : i32
      %mul3A_41 = arith.constant 16 : i32
      %mul3A_42 = arith.muli %scan3A_40, %mul3A_41 : i32
      %swap3A_43 = arith.index_cast %mul3A_42 : i32 to index
      %swap3A_44 = tpu.vector_load %arg6[%swap3A_43] {strides = array<i32>} : memref<65552xi32, #tpu.memory_space<vmem>>, vector<16xi32>,
      tpu.vector_store %arg6[%swap3A_43], %broadcast_in_dim3A_3 {strides = array<i32>} : memref<65552xi32, #tpu.memory_space<vmem>>, vector<16xi32>,
      %scan3A_45 = arith.constant 3 : i32
      %scan3A_46 = arith.addi %scan3A_29, %scan3A_45 : i32
      %mul3A_47 = arith.constant 16 : i32
      %mul3A_48 = arith.muli %scan3A_46, %mul3A_47 : i32
      %swap3A_49 = arith.index_cast %mul3A_48 : i32 to index
      %swap3A_50 = tpu.vector_load %arg6[%swap3A_49] {strides = array<i32>} : memref<65552xi32, #tpu.memory_space<vmem>>, vector<16xi32>,
      tpu.vector_store %arg6[%swap3A_49], %broadcast_in_dim3A_3 {strides = array<i32>} : memref<65552xi32, #tpu.memory_space<vmem>>, vector<16xi32>,
      %scan3A_51 = arith.constant 4 : i32
      %scan3A_52 = arith.addi %scan3A_29, %scan3A_51 : i32
      %mul3A_53 = arith.constant 16 : i32
      %mul3A_54 = arith.muli %scan3A_52, %mul3A_53 : i32
      %swap3A_55 = arith.index_cast %mul3A_54 : i32 to index
      %swap3A_56 = tpu.vector_load %arg6[%swap3A_55] {strides = array<i32>} : memref<65552xi32, #tpu.memory_space<vmem>>, vector<16xi32>,
      tpu.vector_store %arg6[%swap3A_55], %broadcast_in_dim3A_3 {strides = array<i32>} : memref<65552xi32, #tpu.memory_space<vmem>>, vector<16xi32>,
      %scan3A_57 = arith.constant 5 : i32
      %scan3A_58 = arith.addi %scan3A_29, %scan3A_57 : i32
      %mul3A_59 = arith.constant 16 : i32
      %mul3A_60 = arith.muli %scan3A_58, %mul3A_59 : i32
      %swap3A_61 = arith.index_cast %mul3A_60 : i32 to index
      %swap3A_62 = tpu.vector_load %arg6[%swap3A_61] {strides = array<i32>} : memref<65552xi32, #tpu.memory_space<vmem>>, vector<16xi32>,
      tpu.vector_store %arg6[%swap3A_61], %broadcast_in_dim3A_3 {strides = array<i32>} : memref<65552xi32, #tpu.memory_space<vmem>>, vector<16xi32>,
      %scan3A_63 = arith.constant 6 : i32
      %scan3A_64 = arith.addi %scan3A_29, %scan3A_63 : i32
      %mul3A_65 = arith.constant 16 : i32
      %mul3A_66 = arith.muli %scan3A_64, %mul3A_65 : i32
      %swap3A_67 = arith.index_cast %mul3A_66 : i32 to index
      %swap3A_68 = tpu.vector_load %arg6[%swap3A_67] {strides = array<i32>} : memref<65552xi32, #tpu.memory_space<vmem>>, vector<16xi32>,
      tpu.vector_store %arg6[%swap3A_67], %broadcast_in_dim3A_3 {strides = array<i32>} : memref<65552xi32, #tpu.memory_space<vmem>>, vector<16xi32>,
      %scan3A_69 = arith.constant 7 : i32
      %scan3A_70 = arith.addi %scan3A_29, %scan3A_69 : i32
      %mul3A_71 = arith.constant 16 : i32
      %mul3A_72 = arith.muli %scan3A_70, %mul3A_71 : i32
      %swap3A_73 = arith.index_cast %mul3A_72 : i32 to index
      %swap3A_74 = tpu.vector_load %arg6[%swap3A_73] {strides = array<i32>} : memref<65552xi32, #tpu.memory_space<vmem>>, vector<16xi32>,
      tpu.vector_store %arg6[%swap3A_73], %broadcast_in_dim3A_3 {strides = array<i32>} : memref<65552xi32, #tpu.memory_space<vmem>>, vector<16xi32>,
    }
    %scan3A_16 = arith.constant 4096 : i32
    %scan3A_17 = arith.constant 0 : i32
    %scan3A_18 = arith.constant 0 : i32
    %scan3A_19 = arith.constant 16 : i32
    %scan3A_20 = arith.addi %scan3A_18, %scan3A_19 : i32
    %scan3A_21 = arith.constant 1 : i32
    scf.for %scan3A_29 = %scan3A_18 to %scan3A_20 step %scan3A_21  : i32 {
      %mul3A_30 = arith.constant 8192 : i32
      %mul3A_31 = arith.muli %scan3A_29, %mul3A_30 : i32
      %add3A_32 = arith.addi %mul3A_2, %mul3A_31 : i32
      "tpu.region"() ({
        %run_scoped3A = tpu.sem_alloc : memref<!tpu.dma_semaphore, #tpu.memory_space<semaphore_mem>>
        %dma_start3A = tpu.memref_slice %arg2[%add3A_32] : memref<4194304xi32, #tpu.memory_space<hbm>> -> memref<8192xi32, #tpu.memory_space<hbm>>
        %dma_start3A_42 = tpu.memref_slice %arg2[%add3A_32] : memref<4194304xi32, #tpu.memory_space<hbm>> -> memref<8192xi32, #tpu.memory_space<hbm>>
        tpu.enqueue_dma source(%dma_start3A_42 : memref<8192xi32, #tpu.memory_space<hbm>>) target(%arg5 : memref<8192xi32, #tpu.memory_space<vmem>>) target_semaphore(%run_scoped3A : memref<!tpu.dma_semaphore, #tpu.memory_space<semaphore_mem>>)
        %dma_wait3A = tpu.memref_slice %arg2[%add3A_32] : memref<4194304xi32, #tpu.memory_space<hbm>> -> memref<8192xi32, #tpu.memory_space<hbm>>
        %dma_wait3A_43 = tpu.memref_slice %arg2[%add3A_32] : memref<4194304xi32, #tpu.memory_space<hbm>> -> memref<8192xi32, #tpu.memory_space<hbm>>
        tpu.wait_dma2 semaphore(%run_scoped3A : memref<!tpu.dma_semaphore, #tpu.memory_space<semaphore_mem>>) src(%dma_wait3A_43 : memref<8192xi32, #tpu.memory_space<hbm>>) dst(%arg5 : memref<8192xi32, #tpu.memory_space<vmem>>)
        tpu.yield
      }) : () -> ()
      %mul3A_33 = arith.constant 8192 : i32
      %mul3A_34 = arith.muli %scan3A_29, %mul3A_33 : i32
      %add3A_35 = arith.addi %mul3A_2, %mul3A_34 : i32
      %scan3A_36 = arith.constant 0 : i32
      %scan3A_37 = arith.constant 0 : i32
      %scan3A_38 = arith.constant 512 : i32
      %scan3A_39 = arith.addi %scan3A_37, %scan3A_38 : i32
      %scan3A_40 = arith.constant 8 : i32
      scf.for %scan3A_42 = %scan3A_37 to %scan3A_39 step %scan3A_40  : i32 {
        %mul3A_43 = arith.constant 16 : i32
        %mul3A_44 = arith.muli %scan3A_42, %mul3A_43 : i32
        %get3A = arith.index_cast %mul3A_44 : i32 to index
        %get3A_45 = tpu.vector_load %arg5[%get3A] {strides = array<i32>} : memref<8192xi32, #tpu.memory_space<vmem>>, vector<16xi32>,
        %shift_right_arithmetic3A = arith.constant 31 : i32
        %shift_right_arithmetic3A_46 = vector.broadcast %shift_right_arithmetic3A : i32 to vector<16xi32>
        %shift_right_arithmetic3A_47 = arith.shrsi %get3A_45, %shift_right_arithmetic3A_46 : vector<16xi32>
        %or3A = arith.constant -2147483648 : i32
        %or3A_48 = vector.broadcast %or3A : i32 to vector<16xi32>
        %or3A_49 = arith.ori %shift_right_arithmetic3A_47, %or3A_48 : vector<16xi32>
        %xor3A = arith.xori %get3A_45, %or3A_49 : vector<16xi32>
        %mul3A_50 = arith.constant 16 : i32
        %mul3A_51 = arith.muli %scan3A_42, %mul3A_50 : i32
        %add3A_52 = arith.addi %add3A_35, %mul3A_51 : i32
        %iota3A_53 = tpu.iota {dimensions = array<i32: 0>} : vector<16xi32>
        %add3A_54 = vector.broadcast %add3A_52 : i32 to vector<16xi32>
        %add3A_55 = arith.addi %add3A_54, %iota3A_53 : vector<16xi32>
        %shift_right_logical3A = arith.constant 8 : i32
        %shift_right_logical3A_56 = vector.broadcast %shift_right_logical3A : i32 to vector<16xi32>
        %shift_right_logical3A_57 = arith.shrui %xor3A, %shift_right_logical3A_56 : vector<16xi32>
        %and3A = arith.constant 4095 : i32
        %and3A_58 = vector.broadcast %and3A : i32 to vector<16xi32>
        %and3A_59 = arith.andi %shift_right_logical3A_57, %and3A_58 : vector<16xi32>
        %shift_right_logical3A_60 = arith.constant 20 : i32
        %shift_right_logical3A_61 = vector.broadcast %shift_right_logical3A_60 : i32 to vector<16xi32>
        %shift_right_logical3A_62 = arith.shrui %xor3A, %shift_right_logical3A_61 : vector<16xi32>
        %get3A_63 = arith.constant 0 : index
        %get3A_64 = tpu.vector_load %arg8[%get3A_63] {strides = array<i32>} : memref<16xi32, #tpu.memory_space<vmem>>, vector<16xi32>,
        %eq3A = arith.cmpi eq, %shift_right_logical3A_62, %get3A_64 : vector<16xi32>
        %add3A_65 = arith.addi %mul3A_8, %and3A_59 : vector<16xi32>
        %select_n3A = arith.select %eq3A, %add3A_65, %add3A_11 : vector<16xi1>, vector<16xi32>
        tpu.vector_store_idx %arg6[%select_n3A], %broadcast_in_dim3A_5 {add = true} : memref<65552xi32, #tpu.memory_space<vmem>>[vector<16xi32>], vector<16xi32>,
        %scan3A_66 = arith.constant 1 : i32
        %scan3A_67 = arith.addi %scan3A_42, %scan3A_66 : i32
        %mul3A_68 = arith.constant 16 : i32
        %mul3A_69 = arith.muli %scan3A_67, %mul3A_68 : i32
        %get3A_70 = arith.index_cast %mul3A_69 : i32 to index
        %get3A_71 = tpu.vector_load %arg5[%get3A_70] {strides = array<i32>} : memref<8192xi32, #tpu.memory_space<vmem>>, vector<16xi32>,
        %shift_right_arithmetic3A_72 = arith.constant 31 : i32
        %shift_right_arithmetic3A_73 = vector.broadcast %shift_right_arithmetic3A_72 : i32 to vector<16xi32>
        %shift_right_arithmetic3A_74 = arith.shrsi %get3A_71, %shift_right_arithmetic3A_73 : vector<16xi32>
        %or3A_75 = arith.constant -2147483648 : i32
        %or3A_76 = vector.broadcast %or3A_75 : i32 to vector<16xi32>
        %or3A_77 = arith.ori %shift_right_arithmetic3A_74, %or3A_76 : vector<16xi32>
        %xor3A_78 = arith.xori %get3A_71, %or3A_77 : vector<16xi32>
        %mul3A_79 = arith.constant 16 : i32
        %mul3A_80 = arith.muli %scan3A_67, %mul3A_79 : i32
        %add3A_81 = arith.addi %add3A_35, %mul3A_80 : i32
        %iota3A_82 = tpu.iota {dimensions = array<i32: 0>} : vector<16xi32>
        %add3A_83 = vector.broadcast %add3A_81 : i32 to vector<16xi32>
        %add3A_84 = arith.addi %add3A_83, %iota3A_82 : vector<16xi32>
        %shift_right_logical3A_85 = arith.constant 8 : i32
        %shift_right_logical3A_86 = vector.broadcast %shift_right_logical3A_85 : i32 to vector<16xi32>
        %shift_right_logical3A_87 = arith.shrui %xor3A_78, %shift_right_logical3A_86 : vector<16xi32>
        %and3A_88 = arith.constant 4095 : i32
        %and3A_89 = vector.broadcast %and3A_88 : i32 to vector<16xi32>
        %and3A_90 = arith.andi %shift_right_logical3A_87, %and3A_89 : vector<16xi32>
        %shift_right_logical3A_91 = arith.constant 20 : i32
        %shift_right_logical3A_92 = vector.broadcast %shift_right_logical3A_91 : i32 to vector<16xi32>
        %shift_right_logical3A_93 = arith.shrui %xor3A_78, %shift_right_logical3A_92 : vector<16xi32>
        %get3A_94 = arith.constant 0 : index
        %get3A_95 = tpu.vector_load %arg8[%get3A_94] {strides = array<i32>} : memref<16xi32, #tpu.memory_space<vmem>>, vector<16xi32>,
        %eq3A_96 = arith.cmpi eq, %shift_right_logical3A_93, %get3A_95 : vector<16xi32>
        %add3A_97 = arith.addi %mul3A_8, %and3A_90 : vector<16xi32>
        %select_n3A_98 = arith.select %eq3A_96, %add3A_97, %add3A_11 : vector<16xi1>, vector<16xi32>
        tpu.vector_store_idx %arg6[%select_n3A_98], %broadcast_in_dim3A_5 {add = true} : memref<65552xi32, #tpu.memory_space<vmem>>[vector<16xi32>], vector<16xi32>,
        %scan3A_99 = arith.constant 2 : i32
        %scan3A_100 = arith.addi %scan3A_42, %scan3A_99 : i32
        %mul3A_101 = arith.constant 16 : i32
        %mul3A_102 = arith.muli %scan3A_100, %mul3A_101 : i32
        %get3A_103 = arith.index_cast %mul3A_102 : i32 to index
        %get3A_104 = tpu.vector_load %arg5[%get3A_103] {strides = array<i32>} : memref<8192xi32, #tpu.memory_space<vmem>>, vector<16xi32>,
        %shift_right_arithmetic3A_105 = arith.constant 31 : i32
        %shift_right_arithmetic3A_106 = vector.broadcast %shift_right_arithmetic3A_105 : i32 to vector<16xi32>
        %shift_right_arithmetic3A_107 = arith.shrsi %get3A_104, %shift_right_arithmetic3A_106 : vector<16xi32>
        %or3A_108 = arith.constant -2147483648 : i32
        %or3A_109 = vector.broadcast %or3A_108 : i32 to vector<16xi32>
        %or3A_110 = arith.ori %shift_right_arithmetic3A_107, %or3A_109 : vector<16xi32>
        %xor3A_111 = arith.xori %get3A_104, %or3A_110 : vector<16xi32>
        %mul3A_112 = arith.constant 16 : i32
        %mul3A_113 = arith.muli %scan3A_100, %mul3A_112 : i32
        %add3A_114 = arith.addi %add3A_35, %mul3A_113 : i32
        %iota3A_115 = tpu.iota {dimensions = array<i32: 0>} : vector<16xi32>
        %add3A_116 = vector.broadcast %add3A_114 : i32 to vector<16xi32>
        %add3A_117 = arith.addi %add3A_116, %iota3A_115 : vector<16xi32>
        %shift_right_logical3A_118 = arith.constant 8 : i32
        %shift_right_logical3A_119 = vector.broadcast %shift_right_logical3A_118 : i32 to vector<16xi32>
        %shift_right_logical3A_120 = arith.shrui %xor3A_111, %shift_right_logical3A_119 : vector<16xi32>
        %and3A_121 = arith.constant 4095 : i32
        %and3A_122 = vector.broadcast %and3A_121 : i32 to vector<16xi32>
        %and3A_123 = arith.andi %shift_right_logical3A_120, %and3A_122 : vector<16xi32>
        %shift_right_logical3A_124 = arith.constant 20 : i32
        %shift_right_logical3A_125 = vector.broadcast %shift_right_logical3A_124 : i32 to vector<16xi32>
        %shift_right_logical3A_126 = arith.shrui %xor3A_111, %shift_right_logical3A_125 : vector<16xi32>
        %get3A_127 = arith.constant 0 : index
        %get3A_128 = tpu.vector_load %arg8[%get3A_127] {strides = array<i32>} : memref<16xi32, #tpu.memory_space<vmem>>, vector<16xi32>,
        %eq3A_129 = arith.cmpi eq, %shift_right_logical3A_126, %get3A_128 : vector<16xi32>
        %add3A_130 = arith.addi %mul3A_8, %and3A_123 : vector<16xi32>
        %select_n3A_131 = arith.select %eq3A_129, %add3A_130, %add3A_11 : vector<16xi1>, vector<16xi32>
        tpu.vector_store_idx %arg6[%select_n3A_131], %broadcast_in_dim3A_5 {add = true} : memref<65552xi32, #tpu.memory_space<vmem>>[vector<16xi32>], vector<16xi32>,
        %scan3A_132 = arith.constant 3 : i32
        %scan3A_133 = arith.addi %scan3A_42, %scan3A_132 : i32
        %mul3A_134 = arith.constant 16 : i32
        %mul3A_135 = arith.muli %scan3A_133, %mul3A_134 : i32
        %get3A_136 = arith.index_cast %mul3A_135 : i32 to index
        %get3A_137 = tpu.vector_load %arg5[%get3A_136] {strides = array<i32>} : memref<8192xi32, #tpu.memory_space<vmem>>, vector<16xi32>,
        %shift_right_arithmetic3A_138 = arith.constant 31 : i32
        %shift_right_arithmetic3A_139 = vector.broadcast %shift_right_arithmetic3A_138 : i32 to vector<16xi32>
        %shift_right_arithmetic3A_140 = arith.shrsi %get3A_137, %shift_right_arithmetic3A_139 : vector<16xi32>
        %or3A_141 = arith.constant -2147483648 : i32
        %or3A_142 = vector.broadcast %or3A_141 : i32 to vector<16xi32>
        %or3A_143 = arith.ori %shift_right_arithmetic3A_140, %or3A_142 : vector<16xi32>
        %xor3A_144 = arith.xori %get3A_137, %or3A_143 : vector<16xi32>
        %mul3A_145 = arith.constant 16 : i32
        %mul3A_146 = arith.muli %scan3A_133, %mul3A_145 : i32
        %add3A_147 = arith.addi %add3A_35, %mul3A_146 : i32
        %iota3A_148 = tpu.iota {dimensions = array<i32: 0>} : vector<16xi32>
        %add3A_149 = vector.broadcast %add3A_147 : i32 to vector<16xi32>
        %add3A_150 = arith.addi %add3A_149, %iota3A_148 : vector<16xi32>
        %shift_right_logical3A_151 = arith.constant 8 : i32
        %shift_right_logical3A_152 = vector.broadcast %shift_right_logical3A_151 : i32 to vector<16xi32>
        %shift_right_logical3A_153 = arith.shrui %xor3A_144, %shift_right_logical3A_152 : vector<16xi32>
        %and3A_154 = arith.constant 4095 : i32
        %and3A_155 = vector.broadcast %and3A_154 : i32 to vector<16xi32>
        %and3A_156 = arith.andi %shift_right_logical3A_153, %and3A_155 : vector<16xi32>
        %shift_right_logical3A_157 = arith.constant 20 : i32
        %shift_right_logical3A_158 = vector.broadcast %shift_right_logical3A_157 : i32 to vector<16xi32>
        %shift_right_logical3A_159 = arith.shrui %xor3A_144, %shift_right_logical3A_158 : vector<16xi32>
        %get3A_160 = arith.constant 0 : index
        %get3A_161 = tpu.vector_load %arg8[%get3A_160] {strides = array<i32>} : memref<16xi32, #tpu.memory_space<vmem>>, vector<16xi32>,
        %eq3A_162 = arith.cmpi eq, %shift_right_logical3A_159, %get3A_161 : vector<16xi32>
        %add3A_163 = arith.addi %mul3A_8, %and3A_156 : vector<16xi32>
        %select_n3A_164 = arith.select %eq3A_162, %add3A_163, %add3A_11 : vector<16xi1>, vector<16xi32>
        tpu.vector_store_idx %arg6[%select_n3A_164], %broadcast_in_dim3A_5 {add = true} : memref<65552xi32, #tpu.memory_space<vmem>>[vector<16xi32>], vector<16xi32>,
        %scan3A_165 = arith.constant 4 : i32
        %scan3A_166 = arith.addi %scan3A_42, %scan3A_165 : i32
        %mul3A_167 = arith.constant 16 : i32
        %mul3A_168 = arith.muli %scan3A_166, %mul3A_167 : i32
        %get3A_169 = arith.index_cast %mul3A_168 : i32 to index
        %get3A_170 = tpu.vector_load %arg5[%get3A_169] {strides = array<i32>} : memref<8192xi32, #tpu.memory_space<vmem>>, vector<16xi32>,
        %shift_right_arithmetic3A_171 = arith.constant 31 : i32
        %shift_right_arithmetic3A_172 = vector.broadcast %shift_right_arithmetic3A_171 : i32 to vector<16xi32>
        %shift_right_arithmetic3A_173 = arith.shrsi %get3A_170, %shift_right_arithmetic3A_172 : vector<16xi32>
        %or3A_174 = arith.constant -2147483648 : i32
        %or3A_175 = vector.broadcast %or3A_174 : i32 to vector<16xi32>
        %or3A_176 = arith.ori %shift_right_arithmetic3A_173, %or3A_175 : vector<16xi32>
        %xor3A_177 = arith.xori %get3A_170, %or3A_176 : vector<16xi32>
        %mul3A_178 = arith.constant 16 : i32
        %mul3A_179 = arith.muli %scan3A_166, %mul3A_178 : i32
        %add3A_180 = arith.addi %add3A_35, %mul3A_179 : i32
        %iota3A_181 = tpu.iota {dimensions = array<i32: 0>} : vector<16xi32>
        %add3A_182 = vector.broadcast %add3A_180 : i32 to vector<16xi32>
        %add3A_183 = arith.addi %add3A_182, %iota3A_181 : vector<16xi32>
        %shift_right_logical3A_184 = arith.constant 8 : i32
        %shift_right_logical3A_185 = vector.broadcast %shift_right_logical3A_184 : i32 to vector<16xi32>
        %shift_right_logical3A_186 = arith.shrui %xor3A_177, %shift_right_logical3A_185 : vector<16xi32>
        %and3A_187 = arith.constant 4095 : i32
        %and3A_188 = vector.broadcast %and3A_187 : i32 to vector<16xi32>
        %and3A_189 = arith.andi %shift_right_logical3A_186, %and3A_188 : vector<16xi32>
        %shift_right_logical3A_190 = arith.constant 20 : i32
        %shift_right_logical3A_191 = vector.broadcast %shift_right_logical3A_190 : i32 to vector<16xi32>
        %shift_right_logical3A_192 = arith.shrui %xor3A_177, %shift_right_logical3A_191 : vector<16xi32>
        %get3A_193 = arith.constant 0 : index
        %get3A_194 = tpu.vector_load %arg8[%get3A_193] {strides = array<i32>} : memref<16xi32, #tpu.memory_space<vmem>>, vector<16xi32>,
        %eq3A_195 = arith.cmpi eq, %shift_right_logical3A_192, %get3A_194 : vector<16xi32>
        %add3A_196 = arith.addi %mul3A_8, %and3A_189 : vector<16xi32>
        %select_n3A_197 = arith.select %eq3A_195, %add3A_196, %add3A_11 : vector<16xi1>, vector<16xi32>
        tpu.vector_store_idx %arg6[%select_n3A_197], %broadcast_in_dim3A_5 {add = true} : memref<65552xi32, #tpu.memory_space<vmem>>[vector<16xi32>], vector<16xi32>,
        %scan3A_198 = arith.constant 5 : i32
        %scan3A_199 = arith.addi %scan3A_42, %scan3A_198 : i32
        %mul3A_200 = arith.constant 16 : i32
        %mul3A_201 = arith.muli %scan3A_199, %mul3A_200 : i32
        %get3A_202 = arith.index_cast %mul3A_201 : i32 to index
        %get3A_203 = tpu.vector_load %arg5[%get3A_202] {strides = array<i32>} : memref<8192xi32, #tpu.memory_space<vmem>>, vector<16xi32>,
        %shift_right_arithmetic3A_204 = arith.constant 31 : i32
        %shift_right_arithmetic3A_205 = vector.broadcast %shift_right_arithmetic3A_204 : i32 to vector<16xi32>
        %shift_right_arithmetic3A_206 = arith.shrsi %get3A_203, %shift_right_arithmetic3A_205 : vector<16xi32>
        %or3A_207 = arith.constant -2147483648 : i32
        %or3A_208 = vector.broadcast %or3A_207 : i32 to vector<16xi32>
        %or3A_209 = arith.ori %shift_right_arithmetic3A_206, %or3A_208 : vector<16xi32>
        %xor3A_210 = arith.xori %get3A_203, %or3A_209 : vector<16xi32>
        %mul3A_211 = arith.constant 16 : i32
        %mul3A_212 = arith.muli %scan3A_199, %mul3A_211 : i32
        %add3A_213 = arith.addi %add3A_35, %mul3A_212 : i32
        %iota3A_214 = tpu.iota {dimensions = array<i32: 0>} : vector<16xi32>
        %add3A_215 = vector.broadcast %add3A_213 : i32 to vector<16xi32>
        %add3A_216 = arith.addi %add3A_215, %iota3A_214 : vector<16xi32>
        %shift_right_logical3A_217 = arith.constant 8 : i32
        %shift_right_logical3A_218 = vector.broadcast %shift_right_logical3A_217 : i32 to vector<16xi32>
        %shift_right_logical3A_219 = arith.shrui %xor3A_210, %shift_right_logical3A_218 : vector<16xi32>
        %and3A_220 = arith.constant 4095 : i32
        %and3A_221 = vector.broadcast %and3A_220 : i32 to vector<16xi32>
        %and3A_222 = arith.andi %shift_right_logical3A_219, %and3A_221 : vector<16xi32>
        %shift_right_logical3A_223 = arith.constant 20 : i32
        %shift_right_logical3A_224 = vector.broadcast %shift_right_logical3A_223 : i32 to vector<16xi32>
        %shift_right_logical3A_225 = arith.shrui %xor3A_210, %shift_right_logical3A_224 : vector<16xi32>
        %get3A_226 = arith.constant 0 : index
        %get3A_227 = tpu.vector_load %arg8[%get3A_226] {strides = array<i32>} : memref<16xi32, #tpu.memory_space<vmem>>, vector<16xi32>,
        %eq3A_228 = arith.cmpi eq, %shift_right_logical3A_225, %get3A_227 : vector<16xi32>
        %add3A_229 = arith.addi %mul3A_8, %and3A_222 : vector<16xi32>
        %select_n3A_230 = arith.select %eq3A_228, %add3A_229, %add3A_11 : vector<16xi1>, vector<16xi32>
        tpu.vector_store_idx %arg6[%select_n3A_230], %broadcast_in_dim3A_5 {add = true} : memref<65552xi32, #tpu.memory_space<vmem>>[vector<16xi32>], vector<16xi32>,
        %scan3A_231 = arith.constant 6 : i32
        %scan3A_232 = arith.addi %scan3A_42, %scan3A_231 : i32
        %mul3A_233 = arith.constant 16 : i32
        %mul3A_234 = arith.muli %scan3A_232, %mul3A_233 : i32
        %get3A_235 = arith.index_cast %mul3A_234 : i32 to index
        %get3A_236 = tpu.vector_load %arg5[%get3A_235] {strides = array<i32>} : memref<8192xi32, #tpu.memory_space<vmem>>, vector<16xi32>,
        %shift_right_arithmetic3A_237 = arith.constant 31 : i32
        %shift_right_arithmetic3A_238 = vector.broadcast %shift_right_arithmetic3A_237 : i32 to vector<16xi32>
        %shift_right_arithmetic3A_239 = arith.shrsi %get3A_236, %shift_right_arithmetic3A_238 : vector<16xi32>
        %or3A_240 = arith.constant -2147483648 : i32
        %or3A_241 = vector.broadcast %or3A_240 : i32 to vector<16xi32>
        %or3A_242 = arith.ori %shift_right_arithmetic3A_239, %or3A_241 : vector<16xi32>
        %xor3A_243 = arith.xori %get3A_236, %or3A_242 : vector<16xi32>
        %mul3A_244 = arith.constant 16 : i32
        %mul3A_245 = arith.muli %scan3A_232, %mul3A_244 : i32
        %add3A_246 = arith.addi %add3A_35, %mul3A_245 : i32
        %iota3A_247 = tpu.iota {dimensions = array<i32: 0>} : vector<16xi32>
        %add3A_248 = vector.broadcast %add3A_246 : i32 to vector<16xi32>
        %add3A_249 = arith.addi %add3A_248, %iota3A_247 : vector<16xi32>
        %shift_right_logical3A_250 = arith.constant 8 : i32
        %shift_right_logical3A_251 = vector.broadcast %shift_right_logical3A_250 : i32 to vector<16xi32>
        %shift_right_logical3A_252 = arith.shrui %xor3A_243, %shift_right_logical3A_251 : vector<16xi32>
        %and3A_253 = arith.constant 4095 : i32
        %and3A_254 = vector.broadcast %and3A_253 : i32 to vector<16xi32>
        %and3A_255 = arith.andi %shift_right_logical3A_252, %and3A_254 : vector<16xi32>
        %shift_right_logical3A_256 = arith.constant 20 : i32
        %shift_right_logical3A_257 = vector.broadcast %shift_right_logical3A_256 : i32 to vector<16xi32>
        %shift_right_logical3A_258 = arith.shrui %xor3A_243, %shift_right_logical3A_257 : vector<16xi32>
        %get3A_259 = arith.constant 0 : index
        %get3A_260 = tpu.vector_load %arg8[%get3A_259] {strides = array<i32>} : memref<16xi32, #tpu.memory_space<vmem>>, vector<16xi32>,
        %eq3A_261 = arith.cmpi eq, %shift_right_logical3A_258, %get3A_260 : vector<16xi32>
        %add3A_262 = arith.addi %mul3A_8, %and3A_255 : vector<16xi32>
        %select_n3A_263 = arith.select %eq3A_261, %add3A_262, %add3A_11 : vector<16xi1>, vector<16xi32>
        tpu.vector_store_idx %arg6[%select_n3A_263], %broadcast_in_dim3A_5 {add = true} : memref<65552xi32, #tpu.memory_space<vmem>>[vector<16xi32>], vector<16xi32>,
        %scan3A_264 = arith.constant 7 : i32
        %scan3A_265 = arith.addi %scan3A_42, %scan3A_264 : i32
        %mul3A_266 = arith.constant 16 : i32
        %mul3A_267 = arith.muli %scan3A_265, %mul3A_266 : i32
        %get3A_268 = arith.index_cast %mul3A_267 : i32 to index
        %get3A_269 = tpu.vector_load %arg5[%get3A_268] {strides = array<i32>} : memref<8192xi32, #tpu.memory_space<vmem>>, vector<16xi32>,
        %shift_right_arithmetic3A_270 = arith.constant 31 : i32
        %shift_right_arithmetic3A_271 = vector.broadcast %shift_right_arithmetic3A_270 : i32 to vector<16xi32>
        %shift_right_arithmetic3A_272 = arith.shrsi %get3A_269, %shift_right_arithmetic3A_271 : vector<16xi32>
        %or3A_273 = arith.constant -2147483648 : i32
        %or3A_274 = vector.broadcast %or3A_273 : i32 to vector<16xi32>
        %or3A_275 = arith.ori %shift_right_arithmetic3A_272, %or3A_274 : vector<16xi32>
        %xor3A_276 = arith.xori %get3A_269, %or3A_275 : vector<16xi32>
        %mul3A_277 = arith.constant 16 : i32
        %mul3A_278 = arith.muli %scan3A_265, %mul3A_277 : i32
        %add3A_279 = arith.addi %add3A_35, %mul3A_278 : i32
        %iota3A_280 = tpu.iota {dimensions = array<i32: 0>} : vector<16xi32>
        %add3A_281 = vector.broadcast %add3A_279 : i32 to vector<16xi32>
        %add3A_282 = arith.addi %add3A_281, %iota3A_280 : vector<16xi32>
        %shift_right_logical3A_283 = arith.constant 8 : i32
        %shift_right_logical3A_284 = vector.broadcast %shift_right_logical3A_283 : i32 to vector<16xi32>
        %shift_right_logical3A_285 = arith.shrui %xor3A_276, %shift_right_logical3A_284 : vector<16xi32>
        %and3A_286 = arith.constant 4095 : i32
        %and3A_287 = vector.broadcast %and3A_286 : i32 to vector<16xi32>
        %and3A_288 = arith.andi %shift_right_logical3A_285, %and3A_287 : vector<16xi32>
        %shift_right_logical3A_289 = arith.constant 20 : i32
        %shift_right_logical3A_290 = vector.broadcast %shift_right_logical3A_289 : i32 to vector<16xi32>
        %shift_right_logical3A_291 = arith.shrui %xor3A_276, %shift_right_logical3A_290 : vector<16xi32>
        %get3A_292 = arith.constant 0 : index
        %get3A_293 = tpu.vector_load %arg8[%get3A_292] {strides = array<i32>} : memref<16xi32, #tpu.memory_space<vmem>>, vector<16xi32>,
        %eq3A_294 = arith.cmpi eq, %shift_right_logical3A_291, %get3A_293 : vector<16xi32>
        %add3A_295 = arith.addi %mul3A_8, %and3A_288 : vector<16xi32>
        %select_n3A_296 = arith.select %eq3A_294, %add3A_295, %add3A_11 : vector<16xi1>, vector<16xi32>
        tpu.vector_store_idx %arg6[%select_n3A_296], %broadcast_in_dim3A_5 {add = true} : memref<65552xi32, #tpu.memory_space<vmem>>[vector<16xi32>], vector<16xi32>,
      }
      %scan3A_41 = arith.constant 512 : i32
    }
    %scan3A_22 = arith.constant 16 : i32
    %scan3A_23 = arith.constant 0 : i32
    %scan3A_24 = arith.constant 0 : i32
    %scan3A_25 = arith.constant 256 : i32
    %scan3A_26 = arith.addi %scan3A_24, %scan3A_25 : i32
    %scan3A_27 = arith.constant 1 : i32
    scf.for %scan3A_29 = %scan3A_24 to %scan3A_26 step %scan3A_27  : i32 {
      %mul3A_30 = arith.constant 16 : i32
      %mul3A_31 = arith.muli %scan3A_29, %mul3A_30 : i32
      %add3A_32 = arith.constant 0 : i32
      %add3A_33 = arith.addi %add3A_32, %mul3A_31 : i32
      %get3A = arith.index_cast %add3A_33 : i32 to index
      %get3A_34 = tpu.vector_load %arg6[%get3A] {strides = array<i32>} : memref<65552xi32, #tpu.memory_space<vmem>>, vector<16xi32>,
      %add3A_35 = arith.addi %broadcast_in_dim3A_3, %get3A_34 : vector<16xi32>
      %mul3A_36 = arith.constant 16 : i32
      %mul3A_37 = arith.muli %scan3A_29, %mul3A_36 : i32
      %add3A_38 = arith.constant 4096 : i32
      %add3A_39 = arith.addi %add3A_38, %mul3A_37 : i32
      %get3A_40 = arith.index_cast %add3A_39 : i32 to index
      %get3A_41 = tpu.vector_load %arg6[%get3A_40] {strides = array<i32>} : memref<65552xi32, #tpu.memory_space<vmem>>, vector<16xi32>,
      %add3A_42 = arith.addi %add3A_35, %get3A_41 : vector<16xi32>
      %mul3A_43 = arith.constant 16 : i32
      %mul3A_44 = arith.muli %scan3A_29, %mul3A_43 : i32
      %add3A_45 = arith.constant 8192 : i32
      %add3A_46 = arith.addi %add3A_45, %mul3A_44 : i32
      %get3A_47 = arith.index_cast %add3A_46 : i32 to index
      %get3A_48 = tpu.vector_load %arg6[%get3A_47] {strides = array<i32>} : memref<65552xi32, #tpu.memory_space<vmem>>, vector<16xi32>,
      %add3A_49 = arith.addi %add3A_42, %get3A_48 : vector<16xi32>
      %mul3A_50 = arith.constant 16 : i32
      %mul3A_51 = arith.muli %scan3A_29, %mul3A_50 : i32
      %add3A_52 = arith.constant 12288 : i32
      %add3A_53 = arith.addi %add3A_52, %mul3A_51 : i32
      %get3A_54 = arith.index_cast %add3A_53 : i32 to index
      %get3A_55 = tpu.vector_load %arg6[%get3A_54] {strides = array<i32>} : memref<65552xi32, #tpu.memory_space<vmem>>, vector<16xi32>,
      %add3A_56 = arith.addi %add3A_49, %get3A_55 : vector<16xi32>
      %mul3A_57 = arith.constant 16 : i32
      %mul3A_58 = arith.muli %scan3A_29, %mul3A_57 : i32
      %add3A_59 = arith.constant 16384 : i32
      %add3A_60 = arith.addi %add3A_59, %mul3A_58 : i32
      %get3A_61 = arith.index_cast %add3A_60 : i32 to index
      %get3A_62 = tpu.vector_load %arg6[%get3A_61] {strides = array<i32>} : memref<65552xi32, #tpu.memory_space<vmem>>, vector<16xi32>,
      %add3A_63 = arith.addi %add3A_56, %get3A_62 : vector<16xi32>
      %mul3A_64 = arith.constant 16 : i32
      %mul3A_65 = arith.muli %scan3A_29, %mul3A_64 : i32
      %add3A_66 = arith.constant 20480 : i32
      %add3A_67 = arith.addi %add3A_66, %mul3A_65 : i32
      %get3A_68 = arith.index_cast %add3A_67 : i32 to index
      %get3A_69 = tpu.vector_load %arg6[%get3A_68] {strides = array<i32>} : memref<65552xi32, #tpu.memory_space<vmem>>, vector<16xi32>,
      %add3A_70 = arith.addi %add3A_63, %get3A_69 : vector<16xi32>
      %mul3A_71 = arith.constant 16 : i32
      %mul3A_72 = arith.muli %scan3A_29, %mul3A_71 : i32
      %add3A_73 = arith.constant 24576 : i32
      %add3A_74 = arith.addi %add3A_73, %mul3A_72 : i32
      %get3A_75 = arith.index_cast %add3A_74 : i32 to index
      %get3A_76 = tpu.vector_load %arg6[%get3A_75] {strides = array<i32>} : memref<65552xi32, #tpu.memory_space<vmem>>, vector<16xi32>,
      %add3A_77 = arith.addi %add3A_70, %get3A_76 : vector<16xi32>
      %mul3A_78 = arith.constant 16 : i32
      %mul3A_79 = arith.muli %scan3A_29, %mul3A_78 : i32
      %add3A_80 = arith.constant 28672 : i32
      %add3A_81 = arith.addi %add3A_80, %mul3A_79 : i32
      %get3A_82 = arith.index_cast %add3A_81 : i32 to index
      %get3A_83 = tpu.vector_load %arg6[%get3A_82] {strides = array<i32>} : memref<65552xi32, #tpu.memory_space<vmem>>, vector<16xi32>,
      %add3A_84 = arith.addi %add3A_77, %get3A_83 : vector<16xi32>
      %mul3A_85 = arith.constant 16 : i32
      %mul3A_86 = arith.muli %scan3A_29, %mul3A_85 : i32
      %add3A_87 = arith.constant 32768 : i32
      %add3A_88 = arith.addi %add3A_87, %mul3A_86 : i32
      %get3A_89 = arith.index_cast %add3A_88 : i32 to index
      %get3A_90 = tpu.vector_load %arg6[%get3A_89] {strides = array<i32>} : memref<65552xi32, #tpu.memory_space<vmem>>, vector<16xi32>,
      %add3A_91 = arith.addi %add3A_84, %get3A_90 : vector<16xi32>
      %mul3A_92 = arith.constant 16 : i32
      %mul3A_93 = arith.muli %scan3A_29, %mul3A_92 : i32
      %add3A_94 = arith.constant 36864 : i32
      %add3A_95 = arith.addi %add3A_94, %mul3A_93 : i32
      %get3A_96 = arith.index_cast %add3A_95 : i32 to index
      %get3A_97 = tpu.vector_load %arg6[%get3A_96] {strides = array<i32>} : memref<65552xi32, #tpu.memory_space<vmem>>, vector<16xi32>,
      %add3A_98 = arith.addi %add3A_91, %get3A_97 : vector<16xi32>
      %mul3A_99 = arith.constant 16 : i32
      %mul3A_100 = arith.muli %scan3A_29, %mul3A_99 : i32
      %add3A_101 = arith.constant 40960 : i32
      %add3A_102 = arith.addi %add3A_101, %mul3A_100 : i32
      %get3A_103 = arith.index_cast %add3A_102 : i32 to index
      %get3A_104 = tpu.vector_load %arg6[%get3A_103] {strides = array<i32>} : memref<65552xi32, #tpu.memory_space<vmem>>, vector<16xi32>,
      %add3A_105 = arith.addi %add3A_98, %get3A_104 : vector<16xi32>
      %mul3A_106 = arith.constant 16 : i32
      %mul3A_107 = arith.muli %scan3A_29, %mul3A_106 : i32
      %add3A_108 = arith.constant 45056 : i32
      %add3A_109 = arith.addi %add3A_108, %mul3A_107 : i32
      %get3A_110 = arith.index_cast %add3A_109 : i32 to index
      %get3A_111 = tpu.vector_load %arg6[%get3A_110] {strides = array<i32>} : memref<65552xi32, #tpu.memory_space<vmem>>, vector<16xi32>,
      %add3A_112 = arith.addi %add3A_105, %get3A_111 : vector<16xi32>
      %mul3A_113 = arith.constant 16 : i32
      %mul3A_114 = arith.muli %scan3A_29, %mul3A_113 : i32
      %add3A_115 = arith.constant 49152 : i32
      %add3A_116 = arith.addi %add3A_115, %mul3A_114 : i32
      %get3A_117 = arith.index_cast %add3A_116 : i32 to index
      %get3A_118 = tpu.vector_load %arg6[%get3A_117] {strides = array<i32>} : memref<65552xi32, #tpu.memory_space<vmem>>, vector<16xi32>,
      %add3A_119 = arith.addi %add3A_112, %get3A_118 : vector<16xi32>
      %mul3A_120 = arith.constant 16 : i32
      %mul3A_121 = arith.muli %scan3A_29, %mul3A_120 : i32
      %add3A_122 = arith.constant 53248 : i32
      %add3A_123 = arith.addi %add3A_122, %mul3A_121 : i32
      %get3A_124 = arith.index_cast %add3A_123 : i32 to index
      %get3A_125 = tpu.vector_load %arg6[%get3A_124] {strides = array<i32>} : memref<65552xi32, #tpu.memory_space<vmem>>, vector<16xi32>,
      %add3A_126 = arith.addi %add3A_119, %get3A_125 : vector<16xi32>
      %mul3A_127 = arith.constant 16 : i32
      %mul3A_128 = arith.muli %scan3A_29, %mul3A_127 : i32
      %add3A_129 = arith.constant 57344 : i32
      %add3A_130 = arith.addi %add3A_129, %mul3A_128 : i32
      %get3A_131 = arith.index_cast %add3A_130 : i32 to index
      %get3A_132 = tpu.vector_load %arg6[%get3A_131] {strides = array<i32>} : memref<65552xi32, #tpu.memory_space<vmem>>, vector<16xi32>,
      %add3A_133 = arith.addi %add3A_126, %get3A_132 : vector<16xi32>
      %mul3A_134 = arith.constant 16 : i32
      %mul3A_135 = arith.muli %scan3A_29, %mul3A_134 : i32
      %add3A_136 = arith.constant 61440 : i32
      %add3A_137 = arith.addi %add3A_136, %mul3A_135 : i32
      %get3A_138 = arith.index_cast %add3A_137 : i32 to index
      %get3A_139 = tpu.vector_load %arg6[%get3A_138] {strides = array<i32>} : memref<65552xi32, #tpu.memory_space<vmem>>, vector<16xi32>,
      %add3A_140 = arith.addi %add3A_133, %get3A_139 : vector<16xi32>
      %mul3A_141 = arith.constant 16 : i32
      %mul3A_142 = arith.muli %scan3A_29, %mul3A_141 : i32
      %swap3A = arith.index_cast %mul3A_142 : i32 to index
      %swap3A_143 = tpu.vector_load %arg7[%swap3A] {strides = array<i32>} : memref<4096xi32, #tpu.memory_space<vmem>>, vector<16xi32>,
      tpu.vector_store %arg7[%swap3A], %add3A_140 {strides = array<i32>} : memref<4096xi32, #tpu.memory_space<vmem>>, vector<16xi32>,
    }
    %scan3A_28 = arith.constant 256 : i32
    "tpu.region"() ({
      %run_scoped3A = tpu.sem_alloc : memref<!tpu.dma_semaphore, #tpu.memory_space<semaphore_mem>>
      %dma_start3A = arith.constant 0 : i32
      %dma_start3A_29 = tpu.memref_slice %arg4[%add3A, %dma_start3A] : memref<32x4096xi32, #tpu.memory_space<hbm>> -> memref<1x4096xi32, #tpu.memory_space<hbm>>
      %dma_start3A_30 = tpu.memref_squeeze %dma_start3A_29 : memref<1x4096xi32, #tpu.memory_space<hbm>> -> memref<4096xi32, #tpu.memory_space<hbm>>
      %dma_start3A_31 = arith.constant 0 : i32
      %dma_start3A_32 = tpu.memref_slice %arg4[%add3A, %dma_start3A_31] : memref<32x4096xi32, #tpu.memory_space<hbm>> -> memref<1x4096xi32, #tpu.memory_space<hbm>>
      %dma_start3A_33 = tpu.memref_squeeze %dma_start3A_32 : memref<1x4096xi32, #tpu.memory_space<hbm>> -> memref<4096xi32, #tpu.memory_space<hbm>>
      tpu.enqueue_dma source(%arg7 : memref<4096xi32, #tpu.memory_space<vmem>>) target(%dma_start3A_33 : memref<4096xi32, #tpu.memory_space<hbm>>) target_semaphore(%run_scoped3A : memref<!tpu.dma_semaphore, #tpu.memory_space<semaphore_mem>>)
      %dma_wait3A = arith.constant 0 : i32
      %dma_wait3A_34 = tpu.memref_slice %arg4[%add3A, %dma_wait3A] : memref<32x4096xi32, #tpu.memory_space<hbm>> -> memref<1x4096xi32, #tpu.memory_space<hbm>>
      %dma_wait3A_35 = tpu.memref_squeeze %dma_wait3A_34 : memref<1x4096xi32, #tpu.memory_space<hbm>> -> memref<4096xi32, #tpu.memory_space<hbm>>
      %dma_wait3A_36 = arith.constant 0 : i32
      %dma_wait3A_37 = tpu.memref_slice %arg4[%add3A, %dma_wait3A_36] : memref<32x4096xi32, #tpu.memory_space<hbm>> -> memref<1x4096xi32, #tpu.memory_space<hbm>>
      %dma_wait3A_38 = tpu.memref_squeeze %dma_wait3A_37 : memref<1x4096xi32, #tpu.memory_space<hbm>> -> memref<4096xi32, #tpu.memory_space<hbm>>
      tpu.wait_dma2 semaphore(%run_scoped3A : memref<!tpu.dma_semaphore, #tpu.memory_space<semaphore_mem>>) src(%arg7 : memref<4096xi32, #tpu.memory_space<vmem>>) dst(%dma_wait3A_38 : memref<4096xi32, #tpu.memory_space<hbm>>)
      tpu.yield
    }) : () -> ()
    return
  }
}

#map = affine_map<(d0, d1) -> (0)>
#map1 = affine_map<(d0, d1) -> (0, 0)>
module attributes {stable_mosaic.version = 14 : i64} {
  func.func @body(%arg0: i32, %arg1: i32, %arg2: memref<4194304xi32, #tpu.memory_space<hbm>>, %arg3: memref<32x4096xi32, #tpu.memory_space<hbm>>, %arg4: memref<8192xi32, #tpu.memory_space<vmem>>, %arg5: memref<65552xi32, #tpu.memory_space<vmem>>, %arg6: memref<4096xi32, #tpu.memory_space<vmem>>) attributes {dimension_semantics = [#tpu.dimension_semantics<core_parallel>, #tpu.dimension_semantics<subcore_parallel>], iteration_bounds = array<i64: 2, 16>, scalar_prefetch = 0 : i64, scratch_operands = 3 : i64, tpu.core_type = #tpu.core_type<sc_vector_subcore>, window_params = [{transform_indices = #map}, {transform_indices = #map1}]} {
    %mul3A = arith.constant 2 : i32
    %mul3A_0 = arith.muli %arg1, %mul3A : i32
    %add3A = arith.addi %mul3A_0, %arg0 : i32
    %mul3A_1 = arith.constant 131072 : i32
    %mul3A_2 = arith.muli %add3A, %mul3A_1 : i32
    %broadcast_in_dim3A = arith.constant 0 : i32
    %broadcast_in_dim3A_3 = vector.broadcast %broadcast_in_dim3A : i32 to vector<16xi32>
    %broadcast_in_dim3A_4 = arith.constant 1 : i32
    %broadcast_in_dim3A_5 = vector.broadcast %broadcast_in_dim3A_4 : i32 to vector<16xi32>
    %iota3A = tpu.iota {dimensions = array<i32: 0>} : vector<16xi32>
    %mul3A_6 = arith.constant 4096 : i32
    %mul3A_7 = vector.broadcast %mul3A_6 : i32 to vector<16xi32>
    %mul3A_8 = arith.muli %iota3A, %mul3A_7 : vector<16xi32>
    %add3A_9 = arith.constant 65536 : i32
    %add3A_10 = vector.broadcast %add3A_9 : i32 to vector<16xi32>
    %add3A_11 = arith.addi %iota3A, %add3A_10 : vector<16xi32>
    %scan3A = arith.constant 0 : i32
    %scan3A_12 = arith.constant 0 : i32
    %scan3A_13 = arith.constant 4096 : i32
    %scan3A_14 = arith.addi %scan3A_12, %scan3A_13 : i32
    %scan3A_15 = arith.constant 8 : i32
    scf.for %scan3A_29 = %scan3A_12 to %scan3A_14 step %scan3A_15  : i32 {
      %mul3A_30 = arith.constant 16 : i32
      %mul3A_31 = arith.muli %scan3A_29, %mul3A_30 : i32
      %swap3A = arith.index_cast %mul3A_31 : i32 to index
      %swap3A_32 = tpu.vector_load %arg5[%swap3A] {strides = array<i32>} : memref<65552xi32, #tpu.memory_space<vmem>>, vector<16xi32>,
      tpu.vector_store %arg5[%swap3A], %broadcast_in_dim3A_3 {strides = array<i32>} : memref<65552xi32, #tpu.memory_space<vmem>>, vector<16xi32>,
      %scan3A_33 = arith.constant 1 : i32
      %scan3A_34 = arith.addi %scan3A_29, %scan3A_33 : i32
      %mul3A_35 = arith.constant 16 : i32
      %mul3A_36 = arith.muli %scan3A_34, %mul3A_35 : i32
      %swap3A_37 = arith.index_cast %mul3A_36 : i32 to index
      %swap3A_38 = tpu.vector_load %arg5[%swap3A_37] {strides = array<i32>} : memref<65552xi32, #tpu.memory_space<vmem>>, vector<16xi32>,
      tpu.vector_store %arg5[%swap3A_37], %broadcast_in_dim3A_3 {strides = array<i32>} : memref<65552xi32, #tpu.memory_space<vmem>>, vector<16xi32>,
      %scan3A_39 = arith.constant 2 : i32
      %scan3A_40 = arith.addi %scan3A_29, %scan3A_39 : i32
      %mul3A_41 = arith.constant 16 : i32
      %mul3A_42 = arith.muli %scan3A_40, %mul3A_41 : i32
      %swap3A_43 = arith.index_cast %mul3A_42 : i32 to index
      %swap3A_44 = tpu.vector_load %arg5[%swap3A_43] {strides = array<i32>} : memref<65552xi32, #tpu.memory_space<vmem>>, vector<16xi32>,
      tpu.vector_store %arg5[%swap3A_43], %broadcast_in_dim3A_3 {strides = array<i32>} : memref<65552xi32, #tpu.memory_space<vmem>>, vector<16xi32>,
      %scan3A_45 = arith.constant 3 : i32
      %scan3A_46 = arith.addi %scan3A_29, %scan3A_45 : i32
      %mul3A_47 = arith.constant 16 : i32
      %mul3A_48 = arith.muli %scan3A_46, %mul3A_47 : i32
      %swap3A_49 = arith.index_cast %mul3A_48 : i32 to index
      %swap3A_50 = tpu.vector_load %arg5[%swap3A_49] {strides = array<i32>} : memref<65552xi32, #tpu.memory_space<vmem>>, vector<16xi32>,
      tpu.vector_store %arg5[%swap3A_49], %broadcast_in_dim3A_3 {strides = array<i32>} : memref<65552xi32, #tpu.memory_space<vmem>>, vector<16xi32>,
      %scan3A_51 = arith.constant 4 : i32
      %scan3A_52 = arith.addi %scan3A_29, %scan3A_51 : i32
      %mul3A_53 = arith.constant 16 : i32
      %mul3A_54 = arith.muli %scan3A_52, %mul3A_53 : i32
      %swap3A_55 = arith.index_cast %mul3A_54 : i32 to index
      %swap3A_56 = tpu.vector_load %arg5[%swap3A_55] {strides = array<i32>} : memref<65552xi32, #tpu.memory_space<vmem>>, vector<16xi32>,
      tpu.vector_store %arg5[%swap3A_55], %broadcast_in_dim3A_3 {strides = array<i32>} : memref<65552xi32, #tpu.memory_space<vmem>>, vector<16xi32>,
      %scan3A_57 = arith.constant 5 : i32
      %scan3A_58 = arith.addi %scan3A_29, %scan3A_57 : i32
      %mul3A_59 = arith.constant 16 : i32
      %mul3A_60 = arith.muli %scan3A_58, %mul3A_59 : i32
      %swap3A_61 = arith.index_cast %mul3A_60 : i32 to index
      %swap3A_62 = tpu.vector_load %arg5[%swap3A_61] {strides = array<i32>} : memref<65552xi32, #tpu.memory_space<vmem>>, vector<16xi32>,
      tpu.vector_store %arg5[%swap3A_61], %broadcast_in_dim3A_3 {strides = array<i32>} : memref<65552xi32, #tpu.memory_space<vmem>>, vector<16xi32>,
      %scan3A_63 = arith.constant 6 : i32
      %scan3A_64 = arith.addi %scan3A_29, %scan3A_63 : i32
      %mul3A_65 = arith.constant 16 : i32
      %mul3A_66 = arith.muli %scan3A_64, %mul3A_65 : i32
      %swap3A_67 = arith.index_cast %mul3A_66 : i32 to index
      %swap3A_68 = tpu.vector_load %arg5[%swap3A_67] {strides = array<i32>} : memref<65552xi32, #tpu.memory_space<vmem>>, vector<16xi32>,
      tpu.vector_store %arg5[%swap3A_67], %broadcast_in_dim3A_3 {strides = array<i32>} : memref<65552xi32, #tpu.memory_space<vmem>>, vector<16xi32>,
      %scan3A_69 = arith.constant 7 : i32
      %scan3A_70 = arith.addi %scan3A_29, %scan3A_69 : i32
      %mul3A_71 = arith.constant 16 : i32
      %mul3A_72 = arith.muli %scan3A_70, %mul3A_71 : i32
      %swap3A_73 = arith.index_cast %mul3A_72 : i32 to index
      %swap3A_74 = tpu.vector_load %arg5[%swap3A_73] {strides = array<i32>} : memref<65552xi32, #tpu.memory_space<vmem>>, vector<16xi32>,
      tpu.vector_store %arg5[%swap3A_73], %broadcast_in_dim3A_3 {strides = array<i32>} : memref<65552xi32, #tpu.memory_space<vmem>>, vector<16xi32>,
    }
    %scan3A_16 = arith.constant 4096 : i32
    %scan3A_17 = arith.constant 0 : i32
    %scan3A_18 = arith.constant 0 : i32
    %scan3A_19 = arith.constant 16 : i32
    %scan3A_20 = arith.addi %scan3A_18, %scan3A_19 : i32
    %scan3A_21 = arith.constant 1 : i32
    scf.for %scan3A_29 = %scan3A_18 to %scan3A_20 step %scan3A_21  : i32 {
      %mul3A_30 = arith.constant 8192 : i32
      %mul3A_31 = arith.muli %scan3A_29, %mul3A_30 : i32
      %add3A_32 = arith.addi %mul3A_2, %mul3A_31 : i32
      "tpu.region"() ({
        %run_scoped3A = tpu.sem_alloc : memref<!tpu.dma_semaphore, #tpu.memory_space<semaphore_mem>>
        %dma_start3A = tpu.memref_slice %arg2[%add3A_32] : memref<4194304xi32, #tpu.memory_space<hbm>> -> memref<8192xi32, #tpu.memory_space<hbm>>
        %dma_start3A_42 = tpu.memref_slice %arg2[%add3A_32] : memref<4194304xi32, #tpu.memory_space<hbm>> -> memref<8192xi32, #tpu.memory_space<hbm>>
        tpu.enqueue_dma source(%dma_start3A_42 : memref<8192xi32, #tpu.memory_space<hbm>>) target(%arg4 : memref<8192xi32, #tpu.memory_space<vmem>>) target_semaphore(%run_scoped3A : memref<!tpu.dma_semaphore, #tpu.memory_space<semaphore_mem>>)
        %dma_wait3A = tpu.memref_slice %arg2[%add3A_32] : memref<4194304xi32, #tpu.memory_space<hbm>> -> memref<8192xi32, #tpu.memory_space<hbm>>
        %dma_wait3A_43 = tpu.memref_slice %arg2[%add3A_32] : memref<4194304xi32, #tpu.memory_space<hbm>> -> memref<8192xi32, #tpu.memory_space<hbm>>
        tpu.wait_dma2 semaphore(%run_scoped3A : memref<!tpu.dma_semaphore, #tpu.memory_space<semaphore_mem>>) src(%dma_wait3A_43 : memref<8192xi32, #tpu.memory_space<hbm>>) dst(%arg4 : memref<8192xi32, #tpu.memory_space<vmem>>)
        tpu.yield
      }) : () -> ()
      %mul3A_33 = arith.constant 8192 : i32
      %mul3A_34 = arith.muli %scan3A_29, %mul3A_33 : i32
      %add3A_35 = arith.addi %mul3A_2, %mul3A_34 : i32
      %scan3A_36 = arith.constant 0 : i32
      %scan3A_37 = arith.constant 0 : i32
      %scan3A_38 = arith.constant 512 : i32
      %scan3A_39 = arith.addi %scan3A_37, %scan3A_38 : i32
      %scan3A_40 = arith.constant 8 : i32
      scf.for %scan3A_42 = %scan3A_37 to %scan3A_39 step %scan3A_40  : i32 {
        %mul3A_43 = arith.constant 16 : i32
        %mul3A_44 = arith.muli %scan3A_42, %mul3A_43 : i32
        %get3A = arith.index_cast %mul3A_44 : i32 to index
        %get3A_45 = tpu.vector_load %arg4[%get3A] {strides = array<i32>} : memref<8192xi32, #tpu.memory_space<vmem>>, vector<16xi32>,
        %shift_right_arithmetic3A = arith.constant 31 : i32
        %shift_right_arithmetic3A_46 = vector.broadcast %shift_right_arithmetic3A : i32 to vector<16xi32>
        %shift_right_arithmetic3A_47 = arith.shrsi %get3A_45, %shift_right_arithmetic3A_46 : vector<16xi32>
        %or3A = arith.constant -2147483648 : i32
        %or3A_48 = vector.broadcast %or3A : i32 to vector<16xi32>
        %or3A_49 = arith.ori %shift_right_arithmetic3A_47, %or3A_48 : vector<16xi32>
        %xor3A = arith.xori %get3A_45, %or3A_49 : vector<16xi32>
        %mul3A_50 = arith.constant 16 : i32
        %mul3A_51 = arith.muli %scan3A_42, %mul3A_50 : i32
        %add3A_52 = arith.addi %add3A_35, %mul3A_51 : i32
        %iota3A_53 = tpu.iota {dimensions = array<i32: 0>} : vector<16xi32>
        %add3A_54 = vector.broadcast %add3A_52 : i32 to vector<16xi32>
        %add3A_55 = arith.addi %add3A_54, %iota3A_53 : vector<16xi32>
        %shift_right_logical3A = arith.constant 20 : i32
        %shift_right_logical3A_56 = vector.broadcast %shift_right_logical3A : i32 to vector<16xi32>
        %shift_right_logical3A_57 = arith.shrui %xor3A, %shift_right_logical3A_56 : vector<16xi32>
        %add3A_58 = arith.addi %mul3A_8, %shift_right_logical3A_57 : vector<16xi32>
        tpu.vector_store_idx %arg5[%add3A_58], %broadcast_in_dim3A_5 {add = true} : memref<65552xi32, #tpu.memory_space<vmem>>[vector<16xi32>], vector<16xi32>,
        %scan3A_59 = arith.constant 1 : i32
        %scan3A_60 = arith.addi %scan3A_42, %scan3A_59 : i32
        %mul3A_61 = arith.constant 16 : i32
        %mul3A_62 = arith.muli %scan3A_60, %mul3A_61 : i32
        %get3A_63 = arith.index_cast %mul3A_62 : i32 to index
        %get3A_64 = tpu.vector_load %arg4[%get3A_63] {strides = array<i32>} : memref<8192xi32, #tpu.memory_space<vmem>>, vector<16xi32>,
        %shift_right_arithmetic3A_65 = arith.constant 31 : i32
        %shift_right_arithmetic3A_66 = vector.broadcast %shift_right_arithmetic3A_65 : i32 to vector<16xi32>
        %shift_right_arithmetic3A_67 = arith.shrsi %get3A_64, %shift_right_arithmetic3A_66 : vector<16xi32>
        %or3A_68 = arith.constant -2147483648 : i32
        %or3A_69 = vector.broadcast %or3A_68 : i32 to vector<16xi32>
        %or3A_70 = arith.ori %shift_right_arithmetic3A_67, %or3A_69 : vector<16xi32>
        %xor3A_71 = arith.xori %get3A_64, %or3A_70 : vector<16xi32>
        %mul3A_72 = arith.constant 16 : i32
        %mul3A_73 = arith.muli %scan3A_60, %mul3A_72 : i32
        %add3A_74 = arith.addi %add3A_35, %mul3A_73 : i32
        %iota3A_75 = tpu.iota {dimensions = array<i32: 0>} : vector<16xi32>
        %add3A_76 = vector.broadcast %add3A_74 : i32 to vector<16xi32>
        %add3A_77 = arith.addi %add3A_76, %iota3A_75 : vector<16xi32>
        %shift_right_logical3A_78 = arith.constant 20 : i32
        %shift_right_logical3A_79 = vector.broadcast %shift_right_logical3A_78 : i32 to vector<16xi32>
        %shift_right_logical3A_80 = arith.shrui %xor3A_71, %shift_right_logical3A_79 : vector<16xi32>
        %add3A_81 = arith.addi %mul3A_8, %shift_right_logical3A_80 : vector<16xi32>
        tpu.vector_store_idx %arg5[%add3A_81], %broadcast_in_dim3A_5 {add = true} : memref<65552xi32, #tpu.memory_space<vmem>>[vector<16xi32>], vector<16xi32>,
        %scan3A_82 = arith.constant 2 : i32
        %scan3A_83 = arith.addi %scan3A_42, %scan3A_82 : i32
        %mul3A_84 = arith.constant 16 : i32
        %mul3A_85 = arith.muli %scan3A_83, %mul3A_84 : i32
        %get3A_86 = arith.index_cast %mul3A_85 : i32 to index
        %get3A_87 = tpu.vector_load %arg4[%get3A_86] {strides = array<i32>} : memref<8192xi32, #tpu.memory_space<vmem>>, vector<16xi32>,
        %shift_right_arithmetic3A_88 = arith.constant 31 : i32
        %shift_right_arithmetic3A_89 = vector.broadcast %shift_right_arithmetic3A_88 : i32 to vector<16xi32>
        %shift_right_arithmetic3A_90 = arith.shrsi %get3A_87, %shift_right_arithmetic3A_89 : vector<16xi32>
        %or3A_91 = arith.constant -2147483648 : i32
        %or3A_92 = vector.broadcast %or3A_91 : i32 to vector<16xi32>
        %or3A_93 = arith.ori %shift_right_arithmetic3A_90, %or3A_92 : vector<16xi32>
        %xor3A_94 = arith.xori %get3A_87, %or3A_93 : vector<16xi32>
        %mul3A_95 = arith.constant 16 : i32
        %mul3A_96 = arith.muli %scan3A_83, %mul3A_95 : i32
        %add3A_97 = arith.addi %add3A_35, %mul3A_96 : i32
        %iota3A_98 = tpu.iota {dimensions = array<i32: 0>} : vector<16xi32>
        %add3A_99 = vector.broadcast %add3A_97 : i32 to vector<16xi32>
        %add3A_100 = arith.addi %add3A_99, %iota3A_98 : vector<16xi32>
        %shift_right_logical3A_101 = arith.constant 20 : i32
        %shift_right_logical3A_102 = vector.broadcast %shift_right_logical3A_101 : i32 to vector<16xi32>
        %shift_right_logical3A_103 = arith.shrui %xor3A_94, %shift_right_logical3A_102 : vector<16xi32>
        %add3A_104 = arith.addi %mul3A_8, %shift_right_logical3A_103 : vector<16xi32>
        tpu.vector_store_idx %arg5[%add3A_104], %broadcast_in_dim3A_5 {add = true} : memref<65552xi32, #tpu.memory_space<vmem>>[vector<16xi32>], vector<16xi32>,
        %scan3A_105 = arith.constant 3 : i32
        %scan3A_106 = arith.addi %scan3A_42, %scan3A_105 : i32
        %mul3A_107 = arith.constant 16 : i32
        %mul3A_108 = arith.muli %scan3A_106, %mul3A_107 : i32
        %get3A_109 = arith.index_cast %mul3A_108 : i32 to index
        %get3A_110 = tpu.vector_load %arg4[%get3A_109] {strides = array<i32>} : memref<8192xi32, #tpu.memory_space<vmem>>, vector<16xi32>,
        %shift_right_arithmetic3A_111 = arith.constant 31 : i32
        %shift_right_arithmetic3A_112 = vector.broadcast %shift_right_arithmetic3A_111 : i32 to vector<16xi32>
        %shift_right_arithmetic3A_113 = arith.shrsi %get3A_110, %shift_right_arithmetic3A_112 : vector<16xi32>
        %or3A_114 = arith.constant -2147483648 : i32
        %or3A_115 = vector.broadcast %or3A_114 : i32 to vector<16xi32>
        %or3A_116 = arith.ori %shift_right_arithmetic3A_113, %or3A_115 : vector<16xi32>
        %xor3A_117 = arith.xori %get3A_110, %or3A_116 : vector<16xi32>
        %mul3A_118 = arith.constant 16 : i32
        %mul3A_119 = arith.muli %scan3A_106, %mul3A_118 : i32
        %add3A_120 = arith.addi %add3A_35, %mul3A_119 : i32
        %iota3A_121 = tpu.iota {dimensions = array<i32: 0>} : vector<16xi32>
        %add3A_122 = vector.broadcast %add3A_120 : i32 to vector<16xi32>
        %add3A_123 = arith.addi %add3A_122, %iota3A_121 : vector<16xi32>
        %shift_right_logical3A_124 = arith.constant 20 : i32
        %shift_right_logical3A_125 = vector.broadcast %shift_right_logical3A_124 : i32 to vector<16xi32>
        %shift_right_logical3A_126 = arith.shrui %xor3A_117, %shift_right_logical3A_125 : vector<16xi32>
        %add3A_127 = arith.addi %mul3A_8, %shift_right_logical3A_126 : vector<16xi32>
        tpu.vector_store_idx %arg5[%add3A_127], %broadcast_in_dim3A_5 {add = true} : memref<65552xi32, #tpu.memory_space<vmem>>[vector<16xi32>], vector<16xi32>,
        %scan3A_128 = arith.constant 4 : i32
        %scan3A_129 = arith.addi %scan3A_42, %scan3A_128 : i32
        %mul3A_130 = arith.constant 16 : i32
        %mul3A_131 = arith.muli %scan3A_129, %mul3A_130 : i32
        %get3A_132 = arith.index_cast %mul3A_131 : i32 to index
        %get3A_133 = tpu.vector_load %arg4[%get3A_132] {strides = array<i32>} : memref<8192xi32, #tpu.memory_space<vmem>>, vector<16xi32>,
        %shift_right_arithmetic3A_134 = arith.constant 31 : i32
        %shift_right_arithmetic3A_135 = vector.broadcast %shift_right_arithmetic3A_134 : i32 to vector<16xi32>
        %shift_right_arithmetic3A_136 = arith.shrsi %get3A_133, %shift_right_arithmetic3A_135 : vector<16xi32>
        %or3A_137 = arith.constant -2147483648 : i32
        %or3A_138 = vector.broadcast %or3A_137 : i32 to vector<16xi32>
        %or3A_139 = arith.ori %shift_right_arithmetic3A_136, %or3A_138 : vector<16xi32>
        %xor3A_140 = arith.xori %get3A_133, %or3A_139 : vector<16xi32>
        %mul3A_141 = arith.constant 16 : i32
        %mul3A_142 = arith.muli %scan3A_129, %mul3A_141 : i32
        %add3A_143 = arith.addi %add3A_35, %mul3A_142 : i32
        %iota3A_144 = tpu.iota {dimensions = array<i32: 0>} : vector<16xi32>
        %add3A_145 = vector.broadcast %add3A_143 : i32 to vector<16xi32>
        %add3A_146 = arith.addi %add3A_145, %iota3A_144 : vector<16xi32>
        %shift_right_logical3A_147 = arith.constant 20 : i32
        %shift_right_logical3A_148 = vector.broadcast %shift_right_logical3A_147 : i32 to vector<16xi32>
        %shift_right_logical3A_149 = arith.shrui %xor3A_140, %shift_right_logical3A_148 : vector<16xi32>
        %add3A_150 = arith.addi %mul3A_8, %shift_right_logical3A_149 : vector<16xi32>
        tpu.vector_store_idx %arg5[%add3A_150], %broadcast_in_dim3A_5 {add = true} : memref<65552xi32, #tpu.memory_space<vmem>>[vector<16xi32>], vector<16xi32>,
        %scan3A_151 = arith.constant 5 : i32
        %scan3A_152 = arith.addi %scan3A_42, %scan3A_151 : i32
        %mul3A_153 = arith.constant 16 : i32
        %mul3A_154 = arith.muli %scan3A_152, %mul3A_153 : i32
        %get3A_155 = arith.index_cast %mul3A_154 : i32 to index
        %get3A_156 = tpu.vector_load %arg4[%get3A_155] {strides = array<i32>} : memref<8192xi32, #tpu.memory_space<vmem>>, vector<16xi32>,
        %shift_right_arithmetic3A_157 = arith.constant 31 : i32
        %shift_right_arithmetic3A_158 = vector.broadcast %shift_right_arithmetic3A_157 : i32 to vector<16xi32>
        %shift_right_arithmetic3A_159 = arith.shrsi %get3A_156, %shift_right_arithmetic3A_158 : vector<16xi32>
        %or3A_160 = arith.constant -2147483648 : i32
        %or3A_161 = vector.broadcast %or3A_160 : i32 to vector<16xi32>
        %or3A_162 = arith.ori %shift_right_arithmetic3A_159, %or3A_161 : vector<16xi32>
        %xor3A_163 = arith.xori %get3A_156, %or3A_162 : vector<16xi32>
        %mul3A_164 = arith.constant 16 : i32
        %mul3A_165 = arith.muli %scan3A_152, %mul3A_164 : i32
        %add3A_166 = arith.addi %add3A_35, %mul3A_165 : i32
        %iota3A_167 = tpu.iota {dimensions = array<i32: 0>} : vector<16xi32>
        %add3A_168 = vector.broadcast %add3A_166 : i32 to vector<16xi32>
        %add3A_169 = arith.addi %add3A_168, %iota3A_167 : vector<16xi32>
        %shift_right_logical3A_170 = arith.constant 20 : i32
        %shift_right_logical3A_171 = vector.broadcast %shift_right_logical3A_170 : i32 to vector<16xi32>
        %shift_right_logical3A_172 = arith.shrui %xor3A_163, %shift_right_logical3A_171 : vector<16xi32>
        %add3A_173 = arith.addi %mul3A_8, %shift_right_logical3A_172 : vector<16xi32>
        tpu.vector_store_idx %arg5[%add3A_173], %broadcast_in_dim3A_5 {add = true} : memref<65552xi32, #tpu.memory_space<vmem>>[vector<16xi32>], vector<16xi32>,
        %scan3A_174 = arith.constant 6 : i32
        %scan3A_175 = arith.addi %scan3A_42, %scan3A_174 : i32
        %mul3A_176 = arith.constant 16 : i32
        %mul3A_177 = arith.muli %scan3A_175, %mul3A_176 : i32
        %get3A_178 = arith.index_cast %mul3A_177 : i32 to index
        %get3A_179 = tpu.vector_load %arg4[%get3A_178] {strides = array<i32>} : memref<8192xi32, #tpu.memory_space<vmem>>, vector<16xi32>,
        %shift_right_arithmetic3A_180 = arith.constant 31 : i32
        %shift_right_arithmetic3A_181 = vector.broadcast %shift_right_arithmetic3A_180 : i32 to vector<16xi32>
        %shift_right_arithmetic3A_182 = arith.shrsi %get3A_179, %shift_right_arithmetic3A_181 : vector<16xi32>
        %or3A_183 = arith.constant -2147483648 : i32
        %or3A_184 = vector.broadcast %or3A_183 : i32 to vector<16xi32>
        %or3A_185 = arith.ori %shift_right_arithmetic3A_182, %or3A_184 : vector<16xi32>
        %xor3A_186 = arith.xori %get3A_179, %or3A_185 : vector<16xi32>
        %mul3A_187 = arith.constant 16 : i32
        %mul3A_188 = arith.muli %scan3A_175, %mul3A_187 : i32
        %add3A_189 = arith.addi %add3A_35, %mul3A_188 : i32
        %iota3A_190 = tpu.iota {dimensions = array<i32: 0>} : vector<16xi32>
        %add3A_191 = vector.broadcast %add3A_189 : i32 to vector<16xi32>
        %add3A_192 = arith.addi %add3A_191, %iota3A_190 : vector<16xi32>
        %shift_right_logical3A_193 = arith.constant 20 : i32
        %shift_right_logical3A_194 = vector.broadcast %shift_right_logical3A_193 : i32 to vector<16xi32>
        %shift_right_logical3A_195 = arith.shrui %xor3A_186, %shift_right_logical3A_194 : vector<16xi32>
        %add3A_196 = arith.addi %mul3A_8, %shift_right_logical3A_195 : vector<16xi32>
        tpu.vector_store_idx %arg5[%add3A_196], %broadcast_in_dim3A_5 {add = true} : memref<65552xi32, #tpu.memory_space<vmem>>[vector<16xi32>], vector<16xi32>,
        %scan3A_197 = arith.constant 7 : i32
        %scan3A_198 = arith.addi %scan3A_42, %scan3A_197 : i32
        %mul3A_199 = arith.constant 16 : i32
        %mul3A_200 = arith.muli %scan3A_198, %mul3A_199 : i32
        %get3A_201 = arith.index_cast %mul3A_200 : i32 to index
        %get3A_202 = tpu.vector_load %arg4[%get3A_201] {strides = array<i32>} : memref<8192xi32, #tpu.memory_space<vmem>>, vector<16xi32>,
        %shift_right_arithmetic3A_203 = arith.constant 31 : i32
        %shift_right_arithmetic3A_204 = vector.broadcast %shift_right_arithmetic3A_203 : i32 to vector<16xi32>
        %shift_right_arithmetic3A_205 = arith.shrsi %get3A_202, %shift_right_arithmetic3A_204 : vector<16xi32>
        %or3A_206 = arith.constant -2147483648 : i32
        %or3A_207 = vector.broadcast %or3A_206 : i32 to vector<16xi32>
        %or3A_208 = arith.ori %shift_right_arithmetic3A_205, %or3A_207 : vector<16xi32>
        %xor3A_209 = arith.xori %get3A_202, %or3A_208 : vector<16xi32>
        %mul3A_210 = arith.constant 16 : i32
        %mul3A_211 = arith.muli %scan3A_198, %mul3A_210 : i32
        %add3A_212 = arith.addi %add3A_35, %mul3A_211 : i32
        %iota3A_213 = tpu.iota {dimensions = array<i32: 0>} : vector<16xi32>
        %add3A_214 = vector.broadcast %add3A_212 : i32 to vector<16xi32>
        %add3A_215 = arith.addi %add3A_214, %iota3A_213 : vector<16xi32>
        %shift_right_logical3A_216 = arith.constant 20 : i32
        %shift_right_logical3A_217 = vector.broadcast %shift_right_logical3A_216 : i32 to vector<16xi32>
        %shift_right_logical3A_218 = arith.shrui %xor3A_209, %shift_right_logical3A_217 : vector<16xi32>
        %add3A_219 = arith.addi %mul3A_8, %shift_right_logical3A_218 : vector<16xi32>
        tpu.vector_store_idx %arg5[%add3A_219], %broadcast_in_dim3A_5 {add = true} : memref<65552xi32, #tpu.memory_space<vmem>>[vector<16xi32>], vector<16xi32>,
      }
      %scan3A_41 = arith.constant 512 : i32
    }
    %scan3A_22 = arith.constant 16 : i32
    %scan3A_23 = arith.constant 0 : i32
    %scan3A_24 = arith.constant 0 : i32
    %scan3A_25 = arith.constant 256 : i32
    %scan3A_26 = arith.addi %scan3A_24, %scan3A_25 : i32
    %scan3A_27 = arith.constant 1 : i32
    scf.for %scan3A_29 = %scan3A_24 to %scan3A_26 step %scan3A_27  : i32 {
      %mul3A_30 = arith.constant 16 : i32
      %mul3A_31 = arith.muli %scan3A_29, %mul3A_30 : i32
      %add3A_32 = arith.constant 0 : i32
      %add3A_33 = arith.addi %add3A_32, %mul3A_31 : i32
      %get3A = arith.index_cast %add3A_33 : i32 to index
      %get3A_34 = tpu.vector_load %arg5[%get3A] {strides = array<i32>} : memref<65552xi32, #tpu.memory_space<vmem>>, vector<16xi32>,
      %add3A_35 = arith.addi %broadcast_in_dim3A_3, %get3A_34 : vector<16xi32>
      %mul3A_36 = arith.constant 16 : i32
      %mul3A_37 = arith.muli %scan3A_29, %mul3A_36 : i32
      %add3A_38 = arith.constant 4096 : i32
      %add3A_39 = arith.addi %add3A_38, %mul3A_37 : i32
      %get3A_40 = arith.index_cast %add3A_39 : i32 to index
      %get3A_41 = tpu.vector_load %arg5[%get3A_40] {strides = array<i32>} : memref<65552xi32, #tpu.memory_space<vmem>>, vector<16xi32>,
      %add3A_42 = arith.addi %add3A_35, %get3A_41 : vector<16xi32>
      %mul3A_43 = arith.constant 16 : i32
      %mul3A_44 = arith.muli %scan3A_29, %mul3A_43 : i32
      %add3A_45 = arith.constant 8192 : i32
      %add3A_46 = arith.addi %add3A_45, %mul3A_44 : i32
      %get3A_47 = arith.index_cast %add3A_46 : i32 to index
      %get3A_48 = tpu.vector_load %arg5[%get3A_47] {strides = array<i32>} : memref<65552xi32, #tpu.memory_space<vmem>>, vector<16xi32>,
      %add3A_49 = arith.addi %add3A_42, %get3A_48 : vector<16xi32>
      %mul3A_50 = arith.constant 16 : i32
      %mul3A_51 = arith.muli %scan3A_29, %mul3A_50 : i32
      %add3A_52 = arith.constant 12288 : i32
      %add3A_53 = arith.addi %add3A_52, %mul3A_51 : i32
      %get3A_54 = arith.index_cast %add3A_53 : i32 to index
      %get3A_55 = tpu.vector_load %arg5[%get3A_54] {strides = array<i32>} : memref<65552xi32, #tpu.memory_space<vmem>>, vector<16xi32>,
      %add3A_56 = arith.addi %add3A_49, %get3A_55 : vector<16xi32>
      %mul3A_57 = arith.constant 16 : i32
      %mul3A_58 = arith.muli %scan3A_29, %mul3A_57 : i32
      %add3A_59 = arith.constant 16384 : i32
      %add3A_60 = arith.addi %add3A_59, %mul3A_58 : i32
      %get3A_61 = arith.index_cast %add3A_60 : i32 to index
      %get3A_62 = tpu.vector_load %arg5[%get3A_61] {strides = array<i32>} : memref<65552xi32, #tpu.memory_space<vmem>>, vector<16xi32>,
      %add3A_63 = arith.addi %add3A_56, %get3A_62 : vector<16xi32>
      %mul3A_64 = arith.constant 16 : i32
      %mul3A_65 = arith.muli %scan3A_29, %mul3A_64 : i32
      %add3A_66 = arith.constant 20480 : i32
      %add3A_67 = arith.addi %add3A_66, %mul3A_65 : i32
      %get3A_68 = arith.index_cast %add3A_67 : i32 to index
      %get3A_69 = tpu.vector_load %arg5[%get3A_68] {strides = array<i32>} : memref<65552xi32, #tpu.memory_space<vmem>>, vector<16xi32>,
      %add3A_70 = arith.addi %add3A_63, %get3A_69 : vector<16xi32>
      %mul3A_71 = arith.constant 16 : i32
      %mul3A_72 = arith.muli %scan3A_29, %mul3A_71 : i32
      %add3A_73 = arith.constant 24576 : i32
      %add3A_74 = arith.addi %add3A_73, %mul3A_72 : i32
      %get3A_75 = arith.index_cast %add3A_74 : i32 to index
      %get3A_76 = tpu.vector_load %arg5[%get3A_75] {strides = array<i32>} : memref<65552xi32, #tpu.memory_space<vmem>>, vector<16xi32>,
      %add3A_77 = arith.addi %add3A_70, %get3A_76 : vector<16xi32>
      %mul3A_78 = arith.constant 16 : i32
      %mul3A_79 = arith.muli %scan3A_29, %mul3A_78 : i32
      %add3A_80 = arith.constant 28672 : i32
      %add3A_81 = arith.addi %add3A_80, %mul3A_79 : i32
      %get3A_82 = arith.index_cast %add3A_81 : i32 to index
      %get3A_83 = tpu.vector_load %arg5[%get3A_82] {strides = array<i32>} : memref<65552xi32, #tpu.memory_space<vmem>>, vector<16xi32>,
      %add3A_84 = arith.addi %add3A_77, %get3A_83 : vector<16xi32>
      %mul3A_85 = arith.constant 16 : i32
      %mul3A_86 = arith.muli %scan3A_29, %mul3A_85 : i32
      %add3A_87 = arith.constant 32768 : i32
      %add3A_88 = arith.addi %add3A_87, %mul3A_86 : i32
      %get3A_89 = arith.index_cast %add3A_88 : i32 to index
      %get3A_90 = tpu.vector_load %arg5[%get3A_89] {strides = array<i32>} : memref<65552xi32, #tpu.memory_space<vmem>>, vector<16xi32>,
      %add3A_91 = arith.addi %add3A_84, %get3A_90 : vector<16xi32>
      %mul3A_92 = arith.constant 16 : i32
      %mul3A_93 = arith.muli %scan3A_29, %mul3A_92 : i32
      %add3A_94 = arith.constant 36864 : i32
      %add3A_95 = arith.addi %add3A_94, %mul3A_93 : i32
      %get3A_96 = arith.index_cast %add3A_95 : i32 to index
      %get3A_97 = tpu.vector_load %arg5[%get3A_96] {strides = array<i32>} : memref<65552xi32, #tpu.memory_space<vmem>>, vector<16xi32>,
      %add3A_98 = arith.addi %add3A_91, %get3A_97 : vector<16xi32>
      %mul3A_99 = arith.constant 16 : i32
      %mul3A_100 = arith.muli %scan3A_29, %mul3A_99 : i32
      %add3A_101 = arith.constant 40960 : i32
      %add3A_102 = arith.addi %add3A_101, %mul3A_100 : i32
      %get3A_103 = arith.index_cast %add3A_102 : i32 to index
      %get3A_104 = tpu.vector_load %arg5[%get3A_103] {strides = array<i32>} : memref<65552xi32, #tpu.memory_space<vmem>>, vector<16xi32>,
      %add3A_105 = arith.addi %add3A_98, %get3A_104 : vector<16xi32>
      %mul3A_106 = arith.constant 16 : i32
      %mul3A_107 = arith.muli %scan3A_29, %mul3A_106 : i32
      %add3A_108 = arith.constant 45056 : i32
      %add3A_109 = arith.addi %add3A_108, %mul3A_107 : i32
      %get3A_110 = arith.index_cast %add3A_109 : i32 to index
      %get3A_111 = tpu.vector_load %arg5[%get3A_110] {strides = array<i32>} : memref<65552xi32, #tpu.memory_space<vmem>>, vector<16xi32>,
      %add3A_112 = arith.addi %add3A_105, %get3A_111 : vector<16xi32>
      %mul3A_113 = arith.constant 16 : i32
      %mul3A_114 = arith.muli %scan3A_29, %mul3A_113 : i32
      %add3A_115 = arith.constant 49152 : i32
      %add3A_116 = arith.addi %add3A_115, %mul3A_114 : i32
      %get3A_117 = arith.index_cast %add3A_116 : i32 to index
      %get3A_118 = tpu.vector_load %arg5[%get3A_117] {strides = array<i32>} : memref<65552xi32, #tpu.memory_space<vmem>>, vector<16xi32>,
      %add3A_119 = arith.addi %add3A_112, %get3A_118 : vector<16xi32>
      %mul3A_120 = arith.constant 16 : i32
      %mul3A_121 = arith.muli %scan3A_29, %mul3A_120 : i32
      %add3A_122 = arith.constant 53248 : i32
      %add3A_123 = arith.addi %add3A_122, %mul3A_121 : i32
      %get3A_124 = arith.index_cast %add3A_123 : i32 to index
      %get3A_125 = tpu.vector_load %arg5[%get3A_124] {strides = array<i32>} : memref<65552xi32, #tpu.memory_space<vmem>>, vector<16xi32>,
      %add3A_126 = arith.addi %add3A_119, %get3A_125 : vector<16xi32>
      %mul3A_127 = arith.constant 16 : i32
      %mul3A_128 = arith.muli %scan3A_29, %mul3A_127 : i32
      %add3A_129 = arith.constant 57344 : i32
      %add3A_130 = arith.addi %add3A_129, %mul3A_128 : i32
      %get3A_131 = arith.index_cast %add3A_130 : i32 to index
      %get3A_132 = tpu.vector_load %arg5[%get3A_131] {strides = array<i32>} : memref<65552xi32, #tpu.memory_space<vmem>>, vector<16xi32>,
      %add3A_133 = arith.addi %add3A_126, %get3A_132 : vector<16xi32>
      %mul3A_134 = arith.constant 16 : i32
      %mul3A_135 = arith.muli %scan3A_29, %mul3A_134 : i32
      %add3A_136 = arith.constant 61440 : i32
      %add3A_137 = arith.addi %add3A_136, %mul3A_135 : i32
      %get3A_138 = arith.index_cast %add3A_137 : i32 to index
      %get3A_139 = tpu.vector_load %arg5[%get3A_138] {strides = array<i32>} : memref<65552xi32, #tpu.memory_space<vmem>>, vector<16xi32>,
      %add3A_140 = arith.addi %add3A_133, %get3A_139 : vector<16xi32>
      %mul3A_141 = arith.constant 16 : i32
      %mul3A_142 = arith.muli %scan3A_29, %mul3A_141 : i32
      %swap3A = arith.index_cast %mul3A_142 : i32 to index
      %swap3A_143 = tpu.vector_load %arg6[%swap3A] {strides = array<i32>} : memref<4096xi32, #tpu.memory_space<vmem>>, vector<16xi32>,
      tpu.vector_store %arg6[%swap3A], %add3A_140 {strides = array<i32>} : memref<4096xi32, #tpu.memory_space<vmem>>, vector<16xi32>,
    }
    %scan3A_28 = arith.constant 256 : i32
    "tpu.region"() ({
      %run_scoped3A = tpu.sem_alloc : memref<!tpu.dma_semaphore, #tpu.memory_space<semaphore_mem>>
      %dma_start3A = arith.constant 0 : i32
      %dma_start3A_29 = tpu.memref_slice %arg3[%add3A, %dma_start3A] : memref<32x4096xi32, #tpu.memory_space<hbm>> -> memref<1x4096xi32, #tpu.memory_space<hbm>>
      %dma_start3A_30 = tpu.memref_squeeze %dma_start3A_29 : memref<1x4096xi32, #tpu.memory_space<hbm>> -> memref<4096xi32, #tpu.memory_space<hbm>>
      %dma_start3A_31 = arith.constant 0 : i32
      %dma_start3A_32 = tpu.memref_slice %arg3[%add3A, %dma_start3A_31] : memref<32x4096xi32, #tpu.memory_space<hbm>> -> memref<1x4096xi32, #tpu.memory_space<hbm>>
      %dma_start3A_33 = tpu.memref_squeeze %dma_start3A_32 : memref<1x4096xi32, #tpu.memory_space<hbm>> -> memref<4096xi32, #tpu.memory_space<hbm>>
      tpu.enqueue_dma source(%arg6 : memref<4096xi32, #tpu.memory_space<vmem>>) target(%dma_start3A_33 : memref<4096xi32, #tpu.memory_space<hbm>>) target_semaphore(%run_scoped3A : memref<!tpu.dma_semaphore, #tpu.memory_space<semaphore_mem>>)
      %dma_wait3A = arith.constant 0 : i32
      %dma_wait3A_34 = tpu.memref_slice %arg3[%add3A, %dma_wait3A] : memref<32x4096xi32, #tpu.memory_space<hbm>> -> memref<1x4096xi32, #tpu.memory_space<hbm>>
      %dma_wait3A_35 = tpu.memref_squeeze %dma_wait3A_34 : memref<1x4096xi32, #tpu.memory_space<hbm>> -> memref<4096xi32, #tpu.memory_space<hbm>>
      %dma_wait3A_36 = arith.constant 0 : i32
      %dma_wait3A_37 = tpu.memref_slice %arg3[%add3A, %dma_wait3A_36] : memref<32x4096xi32, #tpu.memory_space<hbm>> -> memref<1x4096xi32, #tpu.memory_space<hbm>>
      %dma_wait3A_38 = tpu.memref_squeeze %dma_wait3A_37 : memref<1x4096xi32, #tpu.memory_space<hbm>> -> memref<4096xi32, #tpu.memory_space<hbm>>
      tpu.wait_dma2 semaphore(%run_scoped3A : memref<!tpu.dma_semaphore, #tpu.memory_space<semaphore_mem>>) src(%arg6 : memref<4096xi32, #tpu.memory_space<vmem>>) dst(%dma_wait3A_38 : memref<4096xi32, #tpu.memory_space<hbm>>)
      tpu.yield
    }) : () -> ()
    return
  }
}

#map = affine_map<(d0, d1) -> (0)>
#map1 = affine_map<(d0, d1) -> (0, 0)>
module attributes {stable_mosaic.version = 14 : i64} {
  func.func @body(%arg0: i32, %arg1: i32, %arg2: memref<4194304xi32, #tpu.memory_space<hbm>>, %arg3: memref<16xi32, #tpu.memory_space<hbm>>, %arg4: memref<32x2048xi32, #tpu.memory_space<hbm>>, %arg5: memref<8192xi32, #tpu.memory_space<vmem>>, %arg6: memref<32784xi32, #tpu.memory_space<vmem>>, %arg7: memref<2048xi32, #tpu.memory_space<vmem>>, %arg8: memref<16xi32, #tpu.memory_space<vmem>>) attributes {dimension_semantics = [#tpu.dimension_semantics<core_parallel>, #tpu.dimension_semantics<subcore_parallel>], iteration_bounds = array<i64: 2, 16>, scalar_prefetch = 0 : i64, scratch_operands = 4 : i64, tpu.core_type = #tpu.core_type<sc_vector_subcore>, window_params = [{transform_indices = #map}, {transform_indices = #map}, {transform_indices = #map1}]} {
    %mul3A = arith.constant 2 : i32
    %mul3A_0 = arith.muli %arg1, %mul3A : i32
    %add3A = arith.addi %mul3A_0, %arg0 : i32
    %mul3A_1 = arith.constant 131072 : i32
    %mul3A_2 = arith.muli %add3A, %mul3A_1 : i32
    "tpu.region"() ({
      %run_scoped3A = tpu.sem_alloc : memref<!tpu.dma_semaphore, #tpu.memory_space<semaphore_mem>>
      tpu.enqueue_dma source(%arg3 : memref<16xi32, #tpu.memory_space<hbm>>) target(%arg8 : memref<16xi32, #tpu.memory_space<vmem>>) target_semaphore(%run_scoped3A : memref<!tpu.dma_semaphore, #tpu.memory_space<semaphore_mem>>)
      tpu.wait_dma2 semaphore(%run_scoped3A : memref<!tpu.dma_semaphore, #tpu.memory_space<semaphore_mem>>) src(%arg3 : memref<16xi32, #tpu.memory_space<hbm>>) dst(%arg8 : memref<16xi32, #tpu.memory_space<vmem>>)
      tpu.yield
    }) : () -> ()
    %broadcast_in_dim3A = arith.constant 0 : i32
    %broadcast_in_dim3A_3 = vector.broadcast %broadcast_in_dim3A : i32 to vector<16xi32>
    %broadcast_in_dim3A_4 = arith.constant 1 : i32
    %broadcast_in_dim3A_5 = vector.broadcast %broadcast_in_dim3A_4 : i32 to vector<16xi32>
    %iota3A = tpu.iota {dimensions = array<i32: 0>} : vector<16xi32>
    %mul3A_6 = arith.constant 2048 : i32
    %mul3A_7 = vector.broadcast %mul3A_6 : i32 to vector<16xi32>
    %mul3A_8 = arith.muli %iota3A, %mul3A_7 : vector<16xi32>
    %add3A_9 = arith.constant 32768 : i32
    %add3A_10 = vector.broadcast %add3A_9 : i32 to vector<16xi32>
    %add3A_11 = arith.addi %iota3A, %add3A_10 : vector<16xi32>
    %scan3A = arith.constant 0 : i32
    %scan3A_12 = arith.constant 0 : i32
    %scan3A_13 = arith.constant 2048 : i32
    %scan3A_14 = arith.addi %scan3A_12, %scan3A_13 : i32
    %scan3A_15 = arith.constant 8 : i32
    scf.for %scan3A_29 = %scan3A_12 to %scan3A_14 step %scan3A_15  : i32 {
      %mul3A_30 = arith.constant 16 : i32
      %mul3A_31 = arith.muli %scan3A_29, %mul3A_30 : i32
      %swap3A = arith.index_cast %mul3A_31 : i32 to index
      %swap3A_32 = tpu.vector_load %arg6[%swap3A] {strides = array<i32>} : memref<32784xi32, #tpu.memory_space<vmem>>, vector<16xi32>,
      tpu.vector_store %arg6[%swap3A], %broadcast_in_dim3A_3 {strides = array<i32>} : memref<32784xi32, #tpu.memory_space<vmem>>, vector<16xi32>,
      %scan3A_33 = arith.constant 1 : i32
      %scan3A_34 = arith.addi %scan3A_29, %scan3A_33 : i32
      %mul3A_35 = arith.constant 16 : i32
      %mul3A_36 = arith.muli %scan3A_34, %mul3A_35 : i32
      %swap3A_37 = arith.index_cast %mul3A_36 : i32 to index
      %swap3A_38 = tpu.vector_load %arg6[%swap3A_37] {strides = array<i32>} : memref<32784xi32, #tpu.memory_space<vmem>>, vector<16xi32>,
      tpu.vector_store %arg6[%swap3A_37], %broadcast_in_dim3A_3 {strides = array<i32>} : memref<32784xi32, #tpu.memory_space<vmem>>, vector<16xi32>,
      %scan3A_39 = arith.constant 2 : i32
      %scan3A_40 = arith.addi %scan3A_29, %scan3A_39 : i32
      %mul3A_41 = arith.constant 16 : i32
      %mul3A_42 = arith.muli %scan3A_40, %mul3A_41 : i32
      %swap3A_43 = arith.index_cast %mul3A_42 : i32 to index
      %swap3A_44 = tpu.vector_load %arg6[%swap3A_43] {strides = array<i32>} : memref<32784xi32, #tpu.memory_space<vmem>>, vector<16xi32>,
      tpu.vector_store %arg6[%swap3A_43], %broadcast_in_dim3A_3 {strides = array<i32>} : memref<32784xi32, #tpu.memory_space<vmem>>, vector<16xi32>,
      %scan3A_45 = arith.constant 3 : i32
      %scan3A_46 = arith.addi %scan3A_29, %scan3A_45 : i32
      %mul3A_47 = arith.constant 16 : i32
      %mul3A_48 = arith.muli %scan3A_46, %mul3A_47 : i32
      %swap3A_49 = arith.index_cast %mul3A_48 : i32 to index
      %swap3A_50 = tpu.vector_load %arg6[%swap3A_49] {strides = array<i32>} : memref<32784xi32, #tpu.memory_space<vmem>>, vector<16xi32>,
      tpu.vector_store %arg6[%swap3A_49], %broadcast_in_dim3A_3 {strides = array<i32>} : memref<32784xi32, #tpu.memory_space<vmem>>, vector<16xi32>,
      %scan3A_51 = arith.constant 4 : i32
      %scan3A_52 = arith.addi %scan3A_29, %scan3A_51 : i32
      %mul3A_53 = arith.constant 16 : i32
      %mul3A_54 = arith.muli %scan3A_52, %mul3A_53 : i32
      %swap3A_55 = arith.index_cast %mul3A_54 : i32 to index
      %swap3A_56 = tpu.vector_load %arg6[%swap3A_55] {strides = array<i32>} : memref<32784xi32, #tpu.memory_space<vmem>>, vector<16xi32>,
      tpu.vector_store %arg6[%swap3A_55], %broadcast_in_dim3A_3 {strides = array<i32>} : memref<32784xi32, #tpu.memory_space<vmem>>, vector<16xi32>,
      %scan3A_57 = arith.constant 5 : i32
      %scan3A_58 = arith.addi %scan3A_29, %scan3A_57 : i32
      %mul3A_59 = arith.constant 16 : i32
      %mul3A_60 = arith.muli %scan3A_58, %mul3A_59 : i32
      %swap3A_61 = arith.index_cast %mul3A_60 : i32 to index
      %swap3A_62 = tpu.vector_load %arg6[%swap3A_61] {strides = array<i32>} : memref<32784xi32, #tpu.memory_space<vmem>>, vector<16xi32>,
      tpu.vector_store %arg6[%swap3A_61], %broadcast_in_dim3A_3 {strides = array<i32>} : memref<32784xi32, #tpu.memory_space<vmem>>, vector<16xi32>,
      %scan3A_63 = arith.constant 6 : i32
      %scan3A_64 = arith.addi %scan3A_29, %scan3A_63 : i32
      %mul3A_65 = arith.constant 16 : i32
      %mul3A_66 = arith.muli %scan3A_64, %mul3A_65 : i32
      %swap3A_67 = arith.index_cast %mul3A_66 : i32 to index
      %swap3A_68 = tpu.vector_load %arg6[%swap3A_67] {strides = array<i32>} : memref<32784xi32, #tpu.memory_space<vmem>>, vector<16xi32>,
      tpu.vector_store %arg6[%swap3A_67], %broadcast_in_dim3A_3 {strides = array<i32>} : memref<32784xi32, #tpu.memory_space<vmem>>, vector<16xi32>,
      %scan3A_69 = arith.constant 7 : i32
      %scan3A_70 = arith.addi %scan3A_29, %scan3A_69 : i32
      %mul3A_71 = arith.constant 16 : i32
      %mul3A_72 = arith.muli %scan3A_70, %mul3A_71 : i32
      %swap3A_73 = arith.index_cast %mul3A_72 : i32 to index
      %swap3A_74 = tpu.vector_load %arg6[%swap3A_73] {strides = array<i32>} : memref<32784xi32, #tpu.memory_space<vmem>>, vector<16xi32>,
      tpu.vector_store %arg6[%swap3A_73], %broadcast_in_dim3A_3 {strides = array<i32>} : memref<32784xi32, #tpu.memory_space<vmem>>, vector<16xi32>,
    }
    %scan3A_16 = arith.constant 2048 : i32
    %scan3A_17 = arith.constant 0 : i32
    %scan3A_18 = arith.constant 0 : i32
    %scan3A_19 = arith.constant 16 : i32
    %scan3A_20 = arith.addi %scan3A_18, %scan3A_19 : i32
    %scan3A_21 = arith.constant 1 : i32
    scf.for %scan3A_29 = %scan3A_18 to %scan3A_20 step %scan3A_21  : i32 {
      %mul3A_30 = arith.constant 8192 : i32
      %mul3A_31 = arith.muli %scan3A_29, %mul3A_30 : i32
      %add3A_32 = arith.addi %mul3A_2, %mul3A_31 : i32
      "tpu.region"() ({
        %run_scoped3A = tpu.sem_alloc : memref<!tpu.dma_semaphore, #tpu.memory_space<semaphore_mem>>
        %dma_start3A = tpu.memref_slice %arg2[%add3A_32] : memref<4194304xi32, #tpu.memory_space<hbm>> -> memref<8192xi32, #tpu.memory_space<hbm>>
        %dma_start3A_42 = tpu.memref_slice %arg2[%add3A_32] : memref<4194304xi32, #tpu.memory_space<hbm>> -> memref<8192xi32, #tpu.memory_space<hbm>>
        tpu.enqueue_dma source(%dma_start3A_42 : memref<8192xi32, #tpu.memory_space<hbm>>) target(%arg5 : memref<8192xi32, #tpu.memory_space<vmem>>) target_semaphore(%run_scoped3A : memref<!tpu.dma_semaphore, #tpu.memory_space<semaphore_mem>>)
        %dma_wait3A = tpu.memref_slice %arg2[%add3A_32] : memref<4194304xi32, #tpu.memory_space<hbm>> -> memref<8192xi32, #tpu.memory_space<hbm>>
        %dma_wait3A_43 = tpu.memref_slice %arg2[%add3A_32] : memref<4194304xi32, #tpu.memory_space<hbm>> -> memref<8192xi32, #tpu.memory_space<hbm>>
        tpu.wait_dma2 semaphore(%run_scoped3A : memref<!tpu.dma_semaphore, #tpu.memory_space<semaphore_mem>>) src(%dma_wait3A_43 : memref<8192xi32, #tpu.memory_space<hbm>>) dst(%arg5 : memref<8192xi32, #tpu.memory_space<vmem>>)
        tpu.yield
      }) : () -> ()
      %mul3A_33 = arith.constant 8192 : i32
      %mul3A_34 = arith.muli %scan3A_29, %mul3A_33 : i32
      %add3A_35 = arith.addi %mul3A_2, %mul3A_34 : i32
      %scan3A_36 = arith.constant 0 : i32
      %scan3A_37 = arith.constant 0 : i32
      %scan3A_38 = arith.constant 512 : i32
      %scan3A_39 = arith.addi %scan3A_37, %scan3A_38 : i32
      %scan3A_40 = arith.constant 8 : i32
      scf.for %scan3A_42 = %scan3A_37 to %scan3A_39 step %scan3A_40  : i32 {
        %mul3A_43 = arith.constant 16 : i32
        %mul3A_44 = arith.muli %scan3A_42, %mul3A_43 : i32
        %get3A = arith.index_cast %mul3A_44 : i32 to index
        %get3A_45 = tpu.vector_load %arg5[%get3A] {strides = array<i32>} : memref<8192xi32, #tpu.memory_space<vmem>>, vector<16xi32>,
        %shift_right_arithmetic3A = arith.constant 31 : i32
        %shift_right_arithmetic3A_46 = vector.broadcast %shift_right_arithmetic3A : i32 to vector<16xi32>
        %shift_right_arithmetic3A_47 = arith.shrsi %get3A_45, %shift_right_arithmetic3A_46 : vector<16xi32>
        %or3A = arith.constant -2147483648 : i32
        %or3A_48 = vector.broadcast %or3A : i32 to vector<16xi32>
        %or3A_49 = arith.ori %shift_right_arithmetic3A_47, %or3A_48 : vector<16xi32>
        %xor3A = arith.xori %get3A_45, %or3A_49 : vector<16xi32>
        %mul3A_50 = arith.constant 16 : i32
        %mul3A_51 = arith.muli %scan3A_42, %mul3A_50 : i32
        %add3A_52 = arith.addi %add3A_35, %mul3A_51 : i32
        %iota3A_53 = tpu.iota {dimensions = array<i32: 0>} : vector<16xi32>
        %add3A_54 = vector.broadcast %add3A_52 : i32 to vector<16xi32>
        %add3A_55 = arith.addi %add3A_54, %iota3A_53 : vector<16xi32>
        %shift_right_logical3A = arith.constant 11 : i32
        %shift_right_logical3A_56 = vector.broadcast %shift_right_logical3A : i32 to vector<16xi32>
        %shift_right_logical3A_57 = arith.shrui %add3A_55, %shift_right_logical3A_56 : vector<16xi32>
        %get3A_58 = arith.constant 0 : index
        %get3A_59 = tpu.vector_load %arg8[%get3A_58] {strides = array<i32>} : memref<16xi32, #tpu.memory_space<vmem>>, vector<16xi32>,
        %eq3A = arith.cmpi eq, %xor3A, %get3A_59 : vector<16xi32>
        %add3A_60 = arith.addi %mul3A_8, %shift_right_logical3A_57 : vector<16xi32>
        %select_n3A = arith.select %eq3A, %add3A_60, %add3A_11 : vector<16xi1>, vector<16xi32>
        tpu.vector_store_idx %arg6[%select_n3A], %broadcast_in_dim3A_5 {add = true} : memref<32784xi32, #tpu.memory_space<vmem>>[vector<16xi32>], vector<16xi32>,
        %scan3A_61 = arith.constant 1 : i32
        %scan3A_62 = arith.addi %scan3A_42, %scan3A_61 : i32
        %mul3A_63 = arith.constant 16 : i32
        %mul3A_64 = arith.muli %scan3A_62, %mul3A_63 : i32
        %get3A_65 = arith.index_cast %mul3A_64 : i32 to index
        %get3A_66 = tpu.vector_load %arg5[%get3A_65] {strides = array<i32>} : memref<8192xi32, #tpu.memory_space<vmem>>, vector<16xi32>,
        %shift_right_arithmetic3A_67 = arith.constant 31 : i32
        %shift_right_arithmetic3A_68 = vector.broadcast %shift_right_arithmetic3A_67 : i32 to vector<16xi32>
        %shift_right_arithmetic3A_69 = arith.shrsi %get3A_66, %shift_right_arithmetic3A_68 : vector<16xi32>
        %or3A_70 = arith.constant -2147483648 : i32
        %or3A_71 = vector.broadcast %or3A_70 : i32 to vector<16xi32>
        %or3A_72 = arith.ori %shift_right_arithmetic3A_69, %or3A_71 : vector<16xi32>
        %xor3A_73 = arith.xori %get3A_66, %or3A_72 : vector<16xi32>
        %mul3A_74 = arith.constant 16 : i32
        %mul3A_75 = arith.muli %scan3A_62, %mul3A_74 : i32
        %add3A_76 = arith.addi %add3A_35, %mul3A_75 : i32
        %iota3A_77 = tpu.iota {dimensions = array<i32: 0>} : vector<16xi32>
        %add3A_78 = vector.broadcast %add3A_76 : i32 to vector<16xi32>
        %add3A_79 = arith.addi %add3A_78, %iota3A_77 : vector<16xi32>
        %shift_right_logical3A_80 = arith.constant 11 : i32
        %shift_right_logical3A_81 = vector.broadcast %shift_right_logical3A_80 : i32 to vector<16xi32>
        %shift_right_logical3A_82 = arith.shrui %add3A_79, %shift_right_logical3A_81 : vector<16xi32>
        %get3A_83 = arith.constant 0 : index
        %get3A_84 = tpu.vector_load %arg8[%get3A_83] {strides = array<i32>} : memref<16xi32, #tpu.memory_space<vmem>>, vector<16xi32>,
        %eq3A_85 = arith.cmpi eq, %xor3A_73, %get3A_84 : vector<16xi32>
        %add3A_86 = arith.addi %mul3A_8, %shift_right_logical3A_82 : vector<16xi32>
        %select_n3A_87 = arith.select %eq3A_85, %add3A_86, %add3A_11 : vector<16xi1>, vector<16xi32>
        tpu.vector_store_idx %arg6[%select_n3A_87], %broadcast_in_dim3A_5 {add = true} : memref<32784xi32, #tpu.memory_space<vmem>>[vector<16xi32>], vector<16xi32>,
        %scan3A_88 = arith.constant 2 : i32
        %scan3A_89 = arith.addi %scan3A_42, %scan3A_88 : i32
        %mul3A_90 = arith.constant 16 : i32
        %mul3A_91 = arith.muli %scan3A_89, %mul3A_90 : i32
        %get3A_92 = arith.index_cast %mul3A_91 : i32 to index
        %get3A_93 = tpu.vector_load %arg5[%get3A_92] {strides = array<i32>} : memref<8192xi32, #tpu.memory_space<vmem>>, vector<16xi32>,
        %shift_right_arithmetic3A_94 = arith.constant 31 : i32
        %shift_right_arithmetic3A_95 = vector.broadcast %shift_right_arithmetic3A_94 : i32 to vector<16xi32>
        %shift_right_arithmetic3A_96 = arith.shrsi %get3A_93, %shift_right_arithmetic3A_95 : vector<16xi32>
        %or3A_97 = arith.constant -2147483648 : i32
        %or3A_98 = vector.broadcast %or3A_97 : i32 to vector<16xi32>
        %or3A_99 = arith.ori %shift_right_arithmetic3A_96, %or3A_98 : vector<16xi32>
        %xor3A_100 = arith.xori %get3A_93, %or3A_99 : vector<16xi32>
        %mul3A_101 = arith.constant 16 : i32
        %mul3A_102 = arith.muli %scan3A_89, %mul3A_101 : i32
        %add3A_103 = arith.addi %add3A_35, %mul3A_102 : i32
        %iota3A_104 = tpu.iota {dimensions = array<i32: 0>} : vector<16xi32>
        %add3A_105 = vector.broadcast %add3A_103 : i32 to vector<16xi32>
        %add3A_106 = arith.addi %add3A_105, %iota3A_104 : vector<16xi32>
        %shift_right_logical3A_107 = arith.constant 11 : i32
        %shift_right_logical3A_108 = vector.broadcast %shift_right_logical3A_107 : i32 to vector<16xi32>
        %shift_right_logical3A_109 = arith.shrui %add3A_106, %shift_right_logical3A_108 : vector<16xi32>
        %get3A_110 = arith.constant 0 : index
        %get3A_111 = tpu.vector_load %arg8[%get3A_110] {strides = array<i32>} : memref<16xi32, #tpu.memory_space<vmem>>, vector<16xi32>,
        %eq3A_112 = arith.cmpi eq, %xor3A_100, %get3A_111 : vector<16xi32>
        %add3A_113 = arith.addi %mul3A_8, %shift_right_logical3A_109 : vector<16xi32>
        %select_n3A_114 = arith.select %eq3A_112, %add3A_113, %add3A_11 : vector<16xi1>, vector<16xi32>
        tpu.vector_store_idx %arg6[%select_n3A_114], %broadcast_in_dim3A_5 {add = true} : memref<32784xi32, #tpu.memory_space<vmem>>[vector<16xi32>], vector<16xi32>,
        %scan3A_115 = arith.constant 3 : i32
        %scan3A_116 = arith.addi %scan3A_42, %scan3A_115 : i32
        %mul3A_117 = arith.constant 16 : i32
        %mul3A_118 = arith.muli %scan3A_116, %mul3A_117 : i32
        %get3A_119 = arith.index_cast %mul3A_118 : i32 to index
        %get3A_120 = tpu.vector_load %arg5[%get3A_119] {strides = array<i32>} : memref<8192xi32, #tpu.memory_space<vmem>>, vector<16xi32>,
        %shift_right_arithmetic3A_121 = arith.constant 31 : i32
        %shift_right_arithmetic3A_122 = vector.broadcast %shift_right_arithmetic3A_121 : i32 to vector<16xi32>
        %shift_right_arithmetic3A_123 = arith.shrsi %get3A_120, %shift_right_arithmetic3A_122 : vector<16xi32>
        %or3A_124 = arith.constant -2147483648 : i32
        %or3A_125 = vector.broadcast %or3A_124 : i32 to vector<16xi32>
        %or3A_126 = arith.ori %shift_right_arithmetic3A_123, %or3A_125 : vector<16xi32>
        %xor3A_127 = arith.xori %get3A_120, %or3A_126 : vector<16xi32>
        %mul3A_128 = arith.constant 16 : i32
        %mul3A_129 = arith.muli %scan3A_116, %mul3A_128 : i32
        %add3A_130 = arith.addi %add3A_35, %mul3A_129 : i32
        %iota3A_131 = tpu.iota {dimensions = array<i32: 0>} : vector<16xi32>
        %add3A_132 = vector.broadcast %add3A_130 : i32 to vector<16xi32>
        %add3A_133 = arith.addi %add3A_132, %iota3A_131 : vector<16xi32>
        %shift_right_logical3A_134 = arith.constant 11 : i32
        %shift_right_logical3A_135 = vector.broadcast %shift_right_logical3A_134 : i32 to vector<16xi32>
        %shift_right_logical3A_136 = arith.shrui %add3A_133, %shift_right_logical3A_135 : vector<16xi32>
        %get3A_137 = arith.constant 0 : index
        %get3A_138 = tpu.vector_load %arg8[%get3A_137] {strides = array<i32>} : memref<16xi32, #tpu.memory_space<vmem>>, vector<16xi32>,
        %eq3A_139 = arith.cmpi eq, %xor3A_127, %get3A_138 : vector<16xi32>
        %add3A_140 = arith.addi %mul3A_8, %shift_right_logical3A_136 : vector<16xi32>
        %select_n3A_141 = arith.select %eq3A_139, %add3A_140, %add3A_11 : vector<16xi1>, vector<16xi32>
        tpu.vector_store_idx %arg6[%select_n3A_141], %broadcast_in_dim3A_5 {add = true} : memref<32784xi32, #tpu.memory_space<vmem>>[vector<16xi32>], vector<16xi32>,
        %scan3A_142 = arith.constant 4 : i32
        %scan3A_143 = arith.addi %scan3A_42, %scan3A_142 : i32
        %mul3A_144 = arith.constant 16 : i32
        %mul3A_145 = arith.muli %scan3A_143, %mul3A_144 : i32
        %get3A_146 = arith.index_cast %mul3A_145 : i32 to index
        %get3A_147 = tpu.vector_load %arg5[%get3A_146] {strides = array<i32>} : memref<8192xi32, #tpu.memory_space<vmem>>, vector<16xi32>,
        %shift_right_arithmetic3A_148 = arith.constant 31 : i32
        %shift_right_arithmetic3A_149 = vector.broadcast %shift_right_arithmetic3A_148 : i32 to vector<16xi32>
        %shift_right_arithmetic3A_150 = arith.shrsi %get3A_147, %shift_right_arithmetic3A_149 : vector<16xi32>
        %or3A_151 = arith.constant -2147483648 : i32
        %or3A_152 = vector.broadcast %or3A_151 : i32 to vector<16xi32>
        %or3A_153 = arith.ori %shift_right_arithmetic3A_150, %or3A_152 : vector<16xi32>
        %xor3A_154 = arith.xori %get3A_147, %or3A_153 : vector<16xi32>
        %mul3A_155 = arith.constant 16 : i32
        %mul3A_156 = arith.muli %scan3A_143, %mul3A_155 : i32
        %add3A_157 = arith.addi %add3A_35, %mul3A_156 : i32
        %iota3A_158 = tpu.iota {dimensions = array<i32: 0>} : vector<16xi32>
        %add3A_159 = vector.broadcast %add3A_157 : i32 to vector<16xi32>
        %add3A_160 = arith.addi %add3A_159, %iota3A_158 : vector<16xi32>
        %shift_right_logical3A_161 = arith.constant 11 : i32
        %shift_right_logical3A_162 = vector.broadcast %shift_right_logical3A_161 : i32 to vector<16xi32>
        %shift_right_logical3A_163 = arith.shrui %add3A_160, %shift_right_logical3A_162 : vector<16xi32>
        %get3A_164 = arith.constant 0 : index
        %get3A_165 = tpu.vector_load %arg8[%get3A_164] {strides = array<i32>} : memref<16xi32, #tpu.memory_space<vmem>>, vector<16xi32>,
        %eq3A_166 = arith.cmpi eq, %xor3A_154, %get3A_165 : vector<16xi32>
        %add3A_167 = arith.addi %mul3A_8, %shift_right_logical3A_163 : vector<16xi32>
        %select_n3A_168 = arith.select %eq3A_166, %add3A_167, %add3A_11 : vector<16xi1>, vector<16xi32>
        tpu.vector_store_idx %arg6[%select_n3A_168], %broadcast_in_dim3A_5 {add = true} : memref<32784xi32, #tpu.memory_space<vmem>>[vector<16xi32>], vector<16xi32>,
        %scan3A_169 = arith.constant 5 : i32
        %scan3A_170 = arith.addi %scan3A_42, %scan3A_169 : i32
        %mul3A_171 = arith.constant 16 : i32
        %mul3A_172 = arith.muli %scan3A_170, %mul3A_171 : i32
        %get3A_173 = arith.index_cast %mul3A_172 : i32 to index
        %get3A_174 = tpu.vector_load %arg5[%get3A_173] {strides = array<i32>} : memref<8192xi32, #tpu.memory_space<vmem>>, vector<16xi32>,
        %shift_right_arithmetic3A_175 = arith.constant 31 : i32
        %shift_right_arithmetic3A_176 = vector.broadcast %shift_right_arithmetic3A_175 : i32 to vector<16xi32>
        %shift_right_arithmetic3A_177 = arith.shrsi %get3A_174, %shift_right_arithmetic3A_176 : vector<16xi32>
        %or3A_178 = arith.constant -2147483648 : i32
        %or3A_179 = vector.broadcast %or3A_178 : i32 to vector<16xi32>
        %or3A_180 = arith.ori %shift_right_arithmetic3A_177, %or3A_179 : vector<16xi32>
        %xor3A_181 = arith.xori %get3A_174, %or3A_180 : vector<16xi32>
        %mul3A_182 = arith.constant 16 : i32
        %mul3A_183 = arith.muli %scan3A_170, %mul3A_182 : i32
        %add3A_184 = arith.addi %add3A_35, %mul3A_183 : i32
        %iota3A_185 = tpu.iota {dimensions = array<i32: 0>} : vector<16xi32>
        %add3A_186 = vector.broadcast %add3A_184 : i32 to vector<16xi32>
        %add3A_187 = arith.addi %add3A_186, %iota3A_185 : vector<16xi32>
        %shift_right_logical3A_188 = arith.constant 11 : i32
        %shift_right_logical3A_189 = vector.broadcast %shift_right_logical3A_188 : i32 to vector<16xi32>
        %shift_right_logical3A_190 = arith.shrui %add3A_187, %shift_right_logical3A_189 : vector<16xi32>
        %get3A_191 = arith.constant 0 : index
        %get3A_192 = tpu.vector_load %arg8[%get3A_191] {strides = array<i32>} : memref<16xi32, #tpu.memory_space<vmem>>, vector<16xi32>,
        %eq3A_193 = arith.cmpi eq, %xor3A_181, %get3A_192 : vector<16xi32>
        %add3A_194 = arith.addi %mul3A_8, %shift_right_logical3A_190 : vector<16xi32>
        %select_n3A_195 = arith.select %eq3A_193, %add3A_194, %add3A_11 : vector<16xi1>, vector<16xi32>
        tpu.vector_store_idx %arg6[%select_n3A_195], %broadcast_in_dim3A_5 {add = true} : memref<32784xi32, #tpu.memory_space<vmem>>[vector<16xi32>], vector<16xi32>,
        %scan3A_196 = arith.constant 6 : i32
        %scan3A_197 = arith.addi %scan3A_42, %scan3A_196 : i32
        %mul3A_198 = arith.constant 16 : i32
        %mul3A_199 = arith.muli %scan3A_197, %mul3A_198 : i32
        %get3A_200 = arith.index_cast %mul3A_199 : i32 to index
        %get3A_201 = tpu.vector_load %arg5[%get3A_200] {strides = array<i32>} : memref<8192xi32, #tpu.memory_space<vmem>>, vector<16xi32>,
        %shift_right_arithmetic3A_202 = arith.constant 31 : i32
        %shift_right_arithmetic3A_203 = vector.broadcast %shift_right_arithmetic3A_202 : i32 to vector<16xi32>
        %shift_right_arithmetic3A_204 = arith.shrsi %get3A_201, %shift_right_arithmetic3A_203 : vector<16xi32>
        %or3A_205 = arith.constant -2147483648 : i32
        %or3A_206 = vector.broadcast %or3A_205 : i32 to vector<16xi32>
        %or3A_207 = arith.ori %shift_right_arithmetic3A_204, %or3A_206 : vector<16xi32>
        %xor3A_208 = arith.xori %get3A_201, %or3A_207 : vector<16xi32>
        %mul3A_209 = arith.constant 16 : i32
        %mul3A_210 = arith.muli %scan3A_197, %mul3A_209 : i32
        %add3A_211 = arith.addi %add3A_35, %mul3A_210 : i32
        %iota3A_212 = tpu.iota {dimensions = array<i32: 0>} : vector<16xi32>
        %add3A_213 = vector.broadcast %add3A_211 : i32 to vector<16xi32>
        %add3A_214 = arith.addi %add3A_213, %iota3A_212 : vector<16xi32>
        %shift_right_logical3A_215 = arith.constant 11 : i32
        %shift_right_logical3A_216 = vector.broadcast %shift_right_logical3A_215 : i32 to vector<16xi32>
        %shift_right_logical3A_217 = arith.shrui %add3A_214, %shift_right_logical3A_216 : vector<16xi32>
        %get3A_218 = arith.constant 0 : index
        %get3A_219 = tpu.vector_load %arg8[%get3A_218] {strides = array<i32>} : memref<16xi32, #tpu.memory_space<vmem>>, vector<16xi32>,
        %eq3A_220 = arith.cmpi eq, %xor3A_208, %get3A_219 : vector<16xi32>
        %add3A_221 = arith.addi %mul3A_8, %shift_right_logical3A_217 : vector<16xi32>
        %select_n3A_222 = arith.select %eq3A_220, %add3A_221, %add3A_11 : vector<16xi1>, vector<16xi32>
        tpu.vector_store_idx %arg6[%select_n3A_222], %broadcast_in_dim3A_5 {add = true} : memref<32784xi32, #tpu.memory_space<vmem>>[vector<16xi32>], vector<16xi32>,
        %scan3A_223 = arith.constant 7 : i32
        %scan3A_224 = arith.addi %scan3A_42, %scan3A_223 : i32
        %mul3A_225 = arith.constant 16 : i32
        %mul3A_226 = arith.muli %scan3A_224, %mul3A_225 : i32
        %get3A_227 = arith.index_cast %mul3A_226 : i32 to index
        %get3A_228 = tpu.vector_load %arg5[%get3A_227] {strides = array<i32>} : memref<8192xi32, #tpu.memory_space<vmem>>, vector<16xi32>,
        %shift_right_arithmetic3A_229 = arith.constant 31 : i32
        %shift_right_arithmetic3A_230 = vector.broadcast %shift_right_arithmetic3A_229 : i32 to vector<16xi32>
        %shift_right_arithmetic3A_231 = arith.shrsi %get3A_228, %shift_right_arithmetic3A_230 : vector<16xi32>
        %or3A_232 = arith.constant -2147483648 : i32
        %or3A_233 = vector.broadcast %or3A_232 : i32 to vector<16xi32>
        %or3A_234 = arith.ori %shift_right_arithmetic3A_231, %or3A_233 : vector<16xi32>
        %xor3A_235 = arith.xori %get3A_228, %or3A_234 : vector<16xi32>
        %mul3A_236 = arith.constant 16 : i32
        %mul3A_237 = arith.muli %scan3A_224, %mul3A_236 : i32
        %add3A_238 = arith.addi %add3A_35, %mul3A_237 : i32
        %iota3A_239 = tpu.iota {dimensions = array<i32: 0>} : vector<16xi32>
        %add3A_240 = vector.broadcast %add3A_238 : i32 to vector<16xi32>
        %add3A_241 = arith.addi %add3A_240, %iota3A_239 : vector<16xi32>
        %shift_right_logical3A_242 = arith.constant 11 : i32
        %shift_right_logical3A_243 = vector.broadcast %shift_right_logical3A_242 : i32 to vector<16xi32>
        %shift_right_logical3A_244 = arith.shrui %add3A_241, %shift_right_logical3A_243 : vector<16xi32>
        %get3A_245 = arith.constant 0 : index
        %get3A_246 = tpu.vector_load %arg8[%get3A_245] {strides = array<i32>} : memref<16xi32, #tpu.memory_space<vmem>>, vector<16xi32>,
        %eq3A_247 = arith.cmpi eq, %xor3A_235, %get3A_246 : vector<16xi32>
        %add3A_248 = arith.addi %mul3A_8, %shift_right_logical3A_244 : vector<16xi32>
        %select_n3A_249 = arith.select %eq3A_247, %add3A_248, %add3A_11 : vector<16xi1>, vector<16xi32>
        tpu.vector_store_idx %arg6[%select_n3A_249], %broadcast_in_dim3A_5 {add = true} : memref<32784xi32, #tpu.memory_space<vmem>>[vector<16xi32>], vector<16xi32>,
      }
      %scan3A_41 = arith.constant 512 : i32
    }
    %scan3A_22 = arith.constant 16 : i32
    %scan3A_23 = arith.constant 0 : i32
    %scan3A_24 = arith.constant 0 : i32
    %scan3A_25 = arith.constant 128 : i32
    %scan3A_26 = arith.addi %scan3A_24, %scan3A_25 : i32
    %scan3A_27 = arith.constant 1 : i32
    scf.for %scan3A_29 = %scan3A_24 to %scan3A_26 step %scan3A_27  : i32 {
      %mul3A_30 = arith.constant 16 : i32
      %mul3A_31 = arith.muli %scan3A_29, %mul3A_30 : i32
      %add3A_32 = arith.constant 0 : i32
      %add3A_33 = arith.addi %add3A_32, %mul3A_31 : i32
      %get3A = arith.index_cast %add3A_33 : i32 to index
      %get3A_34 = tpu.vector_load %arg6[%get3A] {strides = array<i32>} : memref<32784xi32, #tpu.memory_space<vmem>>, vector<16xi32>,
      %add3A_35 = arith.addi %broadcast_in_dim3A_3, %get3A_34 : vector<16xi32>
      %mul3A_36 = arith.constant 16 : i32
      %mul3A_37 = arith.muli %scan3A_29, %mul3A_36 : i32
      %add3A_38 = arith.constant 2048 : i32
      %add3A_39 = arith.addi %add3A_38, %mul3A_37 : i32
      %get3A_40 = arith.index_cast %add3A_39 : i32 to index
      %get3A_41 = tpu.vector_load %arg6[%get3A_40] {strides = array<i32>} : memref<32784xi32, #tpu.memory_space<vmem>>, vector<16xi32>,
      %add3A_42 = arith.addi %add3A_35, %get3A_41 : vector<16xi32>
      %mul3A_43 = arith.constant 16 : i32
      %mul3A_44 = arith.muli %scan3A_29, %mul3A_43 : i32
      %add3A_45 = arith.constant 4096 : i32
      %add3A_46 = arith.addi %add3A_45, %mul3A_44 : i32
      %get3A_47 = arith.index_cast %add3A_46 : i32 to index
      %get3A_48 = tpu.vector_load %arg6[%get3A_47] {strides = array<i32>} : memref<32784xi32, #tpu.memory_space<vmem>>, vector<16xi32>,
      %add3A_49 = arith.addi %add3A_42, %get3A_48 : vector<16xi32>
      %mul3A_50 = arith.constant 16 : i32
      %mul3A_51 = arith.muli %scan3A_29, %mul3A_50 : i32
      %add3A_52 = arith.constant 6144 : i32
      %add3A_53 = arith.addi %add3A_52, %mul3A_51 : i32
      %get3A_54 = arith.index_cast %add3A_53 : i32 to index
      %get3A_55 = tpu.vector_load %arg6[%get3A_54] {strides = array<i32>} : memref<32784xi32, #tpu.memory_space<vmem>>, vector<16xi32>,
      %add3A_56 = arith.addi %add3A_49, %get3A_55 : vector<16xi32>
      %mul3A_57 = arith.constant 16 : i32
      %mul3A_58 = arith.muli %scan3A_29, %mul3A_57 : i32
      %add3A_59 = arith.constant 8192 : i32
      %add3A_60 = arith.addi %add3A_59, %mul3A_58 : i32
      %get3A_61 = arith.index_cast %add3A_60 : i32 to index
      %get3A_62 = tpu.vector_load %arg6[%get3A_61] {strides = array<i32>} : memref<32784xi32, #tpu.memory_space<vmem>>, vector<16xi32>,
      %add3A_63 = arith.addi %add3A_56, %get3A_62 : vector<16xi32>
      %mul3A_64 = arith.constant 16 : i32
      %mul3A_65 = arith.muli %scan3A_29, %mul3A_64 : i32
      %add3A_66 = arith.constant 10240 : i32
      %add3A_67 = arith.addi %add3A_66, %mul3A_65 : i32
      %get3A_68 = arith.index_cast %add3A_67 : i32 to index
      %get3A_69 = tpu.vector_load %arg6[%get3A_68] {strides = array<i32>} : memref<32784xi32, #tpu.memory_space<vmem>>, vector<16xi32>,
      %add3A_70 = arith.addi %add3A_63, %get3A_69 : vector<16xi32>
      %mul3A_71 = arith.constant 16 : i32
      %mul3A_72 = arith.muli %scan3A_29, %mul3A_71 : i32
      %add3A_73 = arith.constant 12288 : i32
      %add3A_74 = arith.addi %add3A_73, %mul3A_72 : i32
      %get3A_75 = arith.index_cast %add3A_74 : i32 to index
      %get3A_76 = tpu.vector_load %arg6[%get3A_75] {strides = array<i32>} : memref<32784xi32, #tpu.memory_space<vmem>>, vector<16xi32>,
      %add3A_77 = arith.addi %add3A_70, %get3A_76 : vector<16xi32>
      %mul3A_78 = arith.constant 16 : i32
      %mul3A_79 = arith.muli %scan3A_29, %mul3A_78 : i32
      %add3A_80 = arith.constant 14336 : i32
      %add3A_81 = arith.addi %add3A_80, %mul3A_79 : i32
      %get3A_82 = arith.index_cast %add3A_81 : i32 to index
      %get3A_83 = tpu.vector_load %arg6[%get3A_82] {strides = array<i32>} : memref<32784xi32, #tpu.memory_space<vmem>>, vector<16xi32>,
      %add3A_84 = arith.addi %add3A_77, %get3A_83 : vector<16xi32>
      %mul3A_85 = arith.constant 16 : i32
      %mul3A_86 = arith.muli %scan3A_29, %mul3A_85 : i32
      %add3A_87 = arith.constant 16384 : i32
      %add3A_88 = arith.addi %add3A_87, %mul3A_86 : i32
      %get3A_89 = arith.index_cast %add3A_88 : i32 to index
      %get3A_90 = tpu.vector_load %arg6[%get3A_89] {strides = array<i32>} : memref<32784xi32, #tpu.memory_space<vmem>>, vector<16xi32>,
      %add3A_91 = arith.addi %add3A_84, %get3A_90 : vector<16xi32>
      %mul3A_92 = arith.constant 16 : i32
      %mul3A_93 = arith.muli %scan3A_29, %mul3A_92 : i32
      %add3A_94 = arith.constant 18432 : i32
      %add3A_95 = arith.addi %add3A_94, %mul3A_93 : i32
      %get3A_96 = arith.index_cast %add3A_95 : i32 to index
      %get3A_97 = tpu.vector_load %arg6[%get3A_96] {strides = array<i32>} : memref<32784xi32, #tpu.memory_space<vmem>>, vector<16xi32>,
      %add3A_98 = arith.addi %add3A_91, %get3A_97 : vector<16xi32>
      %mul3A_99 = arith.constant 16 : i32
      %mul3A_100 = arith.muli %scan3A_29, %mul3A_99 : i32
      %add3A_101 = arith.constant 20480 : i32
      %add3A_102 = arith.addi %add3A_101, %mul3A_100 : i32
      %get3A_103 = arith.index_cast %add3A_102 : i32 to index
      %get3A_104 = tpu.vector_load %arg6[%get3A_103] {strides = array<i32>} : memref<32784xi32, #tpu.memory_space<vmem>>, vector<16xi32>,
      %add3A_105 = arith.addi %add3A_98, %get3A_104 : vector<16xi32>
      %mul3A_106 = arith.constant 16 : i32
      %mul3A_107 = arith.muli %scan3A_29, %mul3A_106 : i32
      %add3A_108 = arith.constant 22528 : i32
      %add3A_109 = arith.addi %add3A_108, %mul3A_107 : i32
      %get3A_110 = arith.index_cast %add3A_109 : i32 to index
      %get3A_111 = tpu.vector_load %arg6[%get3A_110] {strides = array<i32>} : memref<32784xi32, #tpu.memory_space<vmem>>, vector<16xi32>,
      %add3A_112 = arith.addi %add3A_105, %get3A_111 : vector<16xi32>
      %mul3A_113 = arith.constant 16 : i32
      %mul3A_114 = arith.muli %scan3A_29, %mul3A_113 : i32
      %add3A_115 = arith.constant 24576 : i32
      %add3A_116 = arith.addi %add3A_115, %mul3A_114 : i32
      %get3A_117 = arith.index_cast %add3A_116 : i32 to index
      %get3A_118 = tpu.vector_load %arg6[%get3A_117] {strides = array<i32>} : memref<32784xi32, #tpu.memory_space<vmem>>, vector<16xi32>,
      %add3A_119 = arith.addi %add3A_112, %get3A_118 : vector<16xi32>
      %mul3A_120 = arith.constant 16 : i32
      %mul3A_121 = arith.muli %scan3A_29, %mul3A_120 : i32
      %add3A_122 = arith.constant 26624 : i32
      %add3A_123 = arith.addi %add3A_122, %mul3A_121 : i32
      %get3A_124 = arith.index_cast %add3A_123 : i32 to index
      %get3A_125 = tpu.vector_load %arg6[%get3A_124] {strides = array<i32>} : memref<32784xi32, #tpu.memory_space<vmem>>, vector<16xi32>,
      %add3A_126 = arith.addi %add3A_119, %get3A_125 : vector<16xi32>
      %mul3A_127 = arith.constant 16 : i32
      %mul3A_128 = arith.muli %scan3A_29, %mul3A_127 : i32
      %add3A_129 = arith.constant 28672 : i32
      %add3A_130 = arith.addi %add3A_129, %mul3A_128 : i32
      %get3A_131 = arith.index_cast %add3A_130 : i32 to index
      %get3A_132 = tpu.vector_load %arg6[%get3A_131] {strides = array<i32>} : memref<32784xi32, #tpu.memory_space<vmem>>, vector<16xi32>,
      %add3A_133 = arith.addi %add3A_126, %get3A_132 : vector<16xi32>
      %mul3A_134 = arith.constant 16 : i32
      %mul3A_135 = arith.muli %scan3A_29, %mul3A_134 : i32
      %add3A_136 = arith.constant 30720 : i32
      %add3A_137 = arith.addi %add3A_136, %mul3A_135 : i32
      %get3A_138 = arith.index_cast %add3A_137 : i32 to index
      %get3A_139 = tpu.vector_load %arg6[%get3A_138] {strides = array<i32>} : memref<32784xi32, #tpu.memory_space<vmem>>, vector<16xi32>,
      %add3A_140 = arith.addi %add3A_133, %get3A_139 : vector<16xi32>
      %mul3A_141 = arith.constant 16 : i32
      %mul3A_142 = arith.muli %scan3A_29, %mul3A_141 : i32
      %swap3A = arith.index_cast %mul3A_142 : i32 to index
      %swap3A_143 = tpu.vector_load %arg7[%swap3A] {strides = array<i32>} : memref<2048xi32, #tpu.memory_space<vmem>>, vector<16xi32>,
      tpu.vector_store %arg7[%swap3A], %add3A_140 {strides = array<i32>} : memref<2048xi32, #tpu.memory_space<vmem>>, vector<16xi32>,
    }
    %scan3A_28 = arith.constant 128 : i32
    "tpu.region"() ({
      %run_scoped3A = tpu.sem_alloc : memref<!tpu.dma_semaphore, #tpu.memory_space<semaphore_mem>>
      %dma_start3A = arith.constant 0 : i32
      %dma_start3A_29 = tpu.memref_slice %arg4[%add3A, %dma_start3A] : memref<32x2048xi32, #tpu.memory_space<hbm>> -> memref<1x2048xi32, #tpu.memory_space<hbm>>
      %dma_start3A_30 = tpu.memref_squeeze %dma_start3A_29 : memref<1x2048xi32, #tpu.memory_space<hbm>> -> memref<2048xi32, #tpu.memory_space<hbm>>
      %dma_start3A_31 = arith.constant 0 : i32
      %dma_start3A_32 = tpu.memref_slice %arg4[%add3A, %dma_start3A_31] : memref<32x2048xi32, #tpu.memory_space<hbm>> -> memref<1x2048xi32, #tpu.memory_space<hbm>>
      %dma_start3A_33 = tpu.memref_squeeze %dma_start3A_32 : memref<1x2048xi32, #tpu.memory_space<hbm>> -> memref<2048xi32, #tpu.memory_space<hbm>>
      tpu.enqueue_dma source(%arg7 : memref<2048xi32, #tpu.memory_space<vmem>>) target(%dma_start3A_33 : memref<2048xi32, #tpu.memory_space<hbm>>) target_semaphore(%run_scoped3A : memref<!tpu.dma_semaphore, #tpu.memory_space<semaphore_mem>>)
      %dma_wait3A = arith.constant 0 : i32
      %dma_wait3A_34 = tpu.memref_slice %arg4[%add3A, %dma_wait3A] : memref<32x2048xi32, #tpu.memory_space<hbm>> -> memref<1x2048xi32, #tpu.memory_space<hbm>>
      %dma_wait3A_35 = tpu.memref_squeeze %dma_wait3A_34 : memref<1x2048xi32, #tpu.memory_space<hbm>> -> memref<2048xi32, #tpu.memory_space<hbm>>
      %dma_wait3A_36 = arith.constant 0 : i32
      %dma_wait3A_37 = tpu.memref_slice %arg4[%add3A, %dma_wait3A_36] : memref<32x2048xi32, #tpu.memory_space<hbm>> -> memref<1x2048xi32, #tpu.memory_space<hbm>>
      %dma_wait3A_38 = tpu.memref_squeeze %dma_wait3A_37 : memref<1x2048xi32, #tpu.memory_space<hbm>> -> memref<2048xi32, #tpu.memory_space<hbm>>
      tpu.wait_dma2 semaphore(%run_scoped3A : memref<!tpu.dma_semaphore, #tpu.memory_space<semaphore_mem>>) src(%arg7 : memref<2048xi32, #tpu.memory_space<vmem>>) dst(%dma_wait3A_38 : memref<2048xi32, #tpu.memory_space<hbm>>)
      tpu.yield
    }) : () -> ()
    return
  }
}

#map = affine_map<(d0, d1) -> (0)>
#map1 = affine_map<(d0, d1) -> (0, 0)>
module attributes {stable_mosaic.version = 14 : i64} {
  func.func @body(%arg0: i32, %arg1: i32, %arg2: memref<4194304xi32, #tpu.memory_space<hbm>>, %arg3: memref<32xi32, #tpu.memory_space<hbm>>, %arg4: memref<32x2048xi32, #tpu.memory_space<hbm>>, %arg5: memref<8192xi32, #tpu.memory_space<vmem>>, %arg6: memref<32784xi32, #tpu.memory_space<vmem>>, %arg7: memref<2048xi32, #tpu.memory_space<vmem>>, %arg8: memref<32xi32, #tpu.memory_space<vmem>>) attributes {dimension_semantics = [#tpu.dimension_semantics<core_parallel>, #tpu.dimension_semantics<subcore_parallel>], iteration_bounds = array<i64: 2, 16>, scalar_prefetch = 0 : i64, scratch_operands = 4 : i64, tpu.core_type = #tpu.core_type<sc_vector_subcore>, window_params = [{transform_indices = #map}, {transform_indices = #map}, {transform_indices = #map1}]} {
    %mul3A = arith.constant 2 : i32
    %mul3A_0 = arith.muli %arg1, %mul3A : i32
    %add3A = arith.addi %mul3A_0, %arg0 : i32
    %mul3A_1 = arith.constant 131072 : i32
    %mul3A_2 = arith.muli %add3A, %mul3A_1 : i32
    "tpu.region"() ({
      %run_scoped3A = tpu.sem_alloc : memref<!tpu.dma_semaphore, #tpu.memory_space<semaphore_mem>>
      tpu.enqueue_dma source(%arg3 : memref<32xi32, #tpu.memory_space<hbm>>) target(%arg8 : memref<32xi32, #tpu.memory_space<vmem>>) target_semaphore(%run_scoped3A : memref<!tpu.dma_semaphore, #tpu.memory_space<semaphore_mem>>)
      tpu.wait_dma2 semaphore(%run_scoped3A : memref<!tpu.dma_semaphore, #tpu.memory_space<semaphore_mem>>) src(%arg3 : memref<32xi32, #tpu.memory_space<hbm>>) dst(%arg8 : memref<32xi32, #tpu.memory_space<vmem>>)
      tpu.yield
    }) : () -> ()
    %broadcast_in_dim3A = arith.constant 0 : i32
    %broadcast_in_dim3A_3 = vector.broadcast %broadcast_in_dim3A : i32 to vector<16xi32>
    %broadcast_in_dim3A_4 = arith.constant 1 : i32
    %broadcast_in_dim3A_5 = vector.broadcast %broadcast_in_dim3A_4 : i32 to vector<16xi32>
    %iota3A = tpu.iota {dimensions = array<i32: 0>} : vector<16xi32>
    %mul3A_6 = arith.constant 2048 : i32
    %mul3A_7 = vector.broadcast %mul3A_6 : i32 to vector<16xi32>
    %mul3A_8 = arith.muli %iota3A, %mul3A_7 : vector<16xi32>
    %add3A_9 = arith.constant 32768 : i32
    %add3A_10 = vector.broadcast %add3A_9 : i32 to vector<16xi32>
    %add3A_11 = arith.addi %iota3A, %add3A_10 : vector<16xi32>
    %scan3A = arith.constant 0 : i32
    %scan3A_12 = arith.constant 0 : i32
    %scan3A_13 = arith.constant 2048 : i32
    %scan3A_14 = arith.addi %scan3A_12, %scan3A_13 : i32
    %scan3A_15 = arith.constant 8 : i32
    scf.for %scan3A_29 = %scan3A_12 to %scan3A_14 step %scan3A_15  : i32 {
      %mul3A_30 = arith.constant 16 : i32
      %mul3A_31 = arith.muli %scan3A_29, %mul3A_30 : i32
      %swap3A = arith.index_cast %mul3A_31 : i32 to index
      %swap3A_32 = tpu.vector_load %arg6[%swap3A] {strides = array<i32>} : memref<32784xi32, #tpu.memory_space<vmem>>, vector<16xi32>,
      tpu.vector_store %arg6[%swap3A], %broadcast_in_dim3A_3 {strides = array<i32>} : memref<32784xi32, #tpu.memory_space<vmem>>, vector<16xi32>,
      %scan3A_33 = arith.constant 1 : i32
      %scan3A_34 = arith.addi %scan3A_29, %scan3A_33 : i32
      %mul3A_35 = arith.constant 16 : i32
      %mul3A_36 = arith.muli %scan3A_34, %mul3A_35 : i32
      %swap3A_37 = arith.index_cast %mul3A_36 : i32 to index
      %swap3A_38 = tpu.vector_load %arg6[%swap3A_37] {strides = array<i32>} : memref<32784xi32, #tpu.memory_space<vmem>>, vector<16xi32>,
      tpu.vector_store %arg6[%swap3A_37], %broadcast_in_dim3A_3 {strides = array<i32>} : memref<32784xi32, #tpu.memory_space<vmem>>, vector<16xi32>,
      %scan3A_39 = arith.constant 2 : i32
      %scan3A_40 = arith.addi %scan3A_29, %scan3A_39 : i32
      %mul3A_41 = arith.constant 16 : i32
      %mul3A_42 = arith.muli %scan3A_40, %mul3A_41 : i32
      %swap3A_43 = arith.index_cast %mul3A_42 : i32 to index
      %swap3A_44 = tpu.vector_load %arg6[%swap3A_43] {strides = array<i32>} : memref<32784xi32, #tpu.memory_space<vmem>>, vector<16xi32>,
      tpu.vector_store %arg6[%swap3A_43], %broadcast_in_dim3A_3 {strides = array<i32>} : memref<32784xi32, #tpu.memory_space<vmem>>, vector<16xi32>,
      %scan3A_45 = arith.constant 3 : i32
      %scan3A_46 = arith.addi %scan3A_29, %scan3A_45 : i32
      %mul3A_47 = arith.constant 16 : i32
      %mul3A_48 = arith.muli %scan3A_46, %mul3A_47 : i32
      %swap3A_49 = arith.index_cast %mul3A_48 : i32 to index
      %swap3A_50 = tpu.vector_load %arg6[%swap3A_49] {strides = array<i32>} : memref<32784xi32, #tpu.memory_space<vmem>>, vector<16xi32>,
      tpu.vector_store %arg6[%swap3A_49], %broadcast_in_dim3A_3 {strides = array<i32>} : memref<32784xi32, #tpu.memory_space<vmem>>, vector<16xi32>,
      %scan3A_51 = arith.constant 4 : i32
      %scan3A_52 = arith.addi %scan3A_29, %scan3A_51 : i32
      %mul3A_53 = arith.constant 16 : i32
      %mul3A_54 = arith.muli %scan3A_52, %mul3A_53 : i32
      %swap3A_55 = arith.index_cast %mul3A_54 : i32 to index
      %swap3A_56 = tpu.vector_load %arg6[%swap3A_55] {strides = array<i32>} : memref<32784xi32, #tpu.memory_space<vmem>>, vector<16xi32>,
      tpu.vector_store %arg6[%swap3A_55], %broadcast_in_dim3A_3 {strides = array<i32>} : memref<32784xi32, #tpu.memory_space<vmem>>, vector<16xi32>,
      %scan3A_57 = arith.constant 5 : i32
      %scan3A_58 = arith.addi %scan3A_29, %scan3A_57 : i32
      %mul3A_59 = arith.constant 16 : i32
      %mul3A_60 = arith.muli %scan3A_58, %mul3A_59 : i32
      %swap3A_61 = arith.index_cast %mul3A_60 : i32 to index
      %swap3A_62 = tpu.vector_load %arg6[%swap3A_61] {strides = array<i32>} : memref<32784xi32, #tpu.memory_space<vmem>>, vector<16xi32>,
      tpu.vector_store %arg6[%swap3A_61], %broadcast_in_dim3A_3 {strides = array<i32>} : memref<32784xi32, #tpu.memory_space<vmem>>, vector<16xi32>,
      %scan3A_63 = arith.constant 6 : i32
      %scan3A_64 = arith.addi %scan3A_29, %scan3A_63 : i32
      %mul3A_65 = arith.constant 16 : i32
      %mul3A_66 = arith.muli %scan3A_64, %mul3A_65 : i32
      %swap3A_67 = arith.index_cast %mul3A_66 : i32 to index
      %swap3A_68 = tpu.vector_load %arg6[%swap3A_67] {strides = array<i32>} : memref<32784xi32, #tpu.memory_space<vmem>>, vector<16xi32>,
      tpu.vector_store %arg6[%swap3A_67], %broadcast_in_dim3A_3 {strides = array<i32>} : memref<32784xi32, #tpu.memory_space<vmem>>, vector<16xi32>,
      %scan3A_69 = arith.constant 7 : i32
      %scan3A_70 = arith.addi %scan3A_29, %scan3A_69 : i32
      %mul3A_71 = arith.constant 16 : i32
      %mul3A_72 = arith.muli %scan3A_70, %mul3A_71 : i32
      %swap3A_73 = arith.index_cast %mul3A_72 : i32 to index
      %swap3A_74 = tpu.vector_load %arg6[%swap3A_73] {strides = array<i32>} : memref<32784xi32, #tpu.memory_space<vmem>>, vector<16xi32>,
      tpu.vector_store %arg6[%swap3A_73], %broadcast_in_dim3A_3 {strides = array<i32>} : memref<32784xi32, #tpu.memory_space<vmem>>, vector<16xi32>,
    }
    %scan3A_16 = arith.constant 2048 : i32
    %scan3A_17 = arith.constant 0 : i32
    %scan3A_18 = arith.constant 0 : i32
    %scan3A_19 = arith.constant 16 : i32
    %scan3A_20 = arith.addi %scan3A_18, %scan3A_19 : i32
    %scan3A_21 = arith.constant 1 : i32
    scf.for %scan3A_29 = %scan3A_18 to %scan3A_20 step %scan3A_21  : i32 {
      %mul3A_30 = arith.constant 8192 : i32
      %mul3A_31 = arith.muli %scan3A_29, %mul3A_30 : i32
      %add3A_32 = arith.addi %mul3A_2, %mul3A_31 : i32
      "tpu.region"() ({
        %run_scoped3A = tpu.sem_alloc : memref<!tpu.dma_semaphore, #tpu.memory_space<semaphore_mem>>
        %dma_start3A = tpu.memref_slice %arg2[%add3A_32] : memref<4194304xi32, #tpu.memory_space<hbm>> -> memref<8192xi32, #tpu.memory_space<hbm>>
        %dma_start3A_42 = tpu.memref_slice %arg2[%add3A_32] : memref<4194304xi32, #tpu.memory_space<hbm>> -> memref<8192xi32, #tpu.memory_space<hbm>>
        tpu.enqueue_dma source(%dma_start3A_42 : memref<8192xi32, #tpu.memory_space<hbm>>) target(%arg5 : memref<8192xi32, #tpu.memory_space<vmem>>) target_semaphore(%run_scoped3A : memref<!tpu.dma_semaphore, #tpu.memory_space<semaphore_mem>>)
        %dma_wait3A = tpu.memref_slice %arg2[%add3A_32] : memref<4194304xi32, #tpu.memory_space<hbm>> -> memref<8192xi32, #tpu.memory_space<hbm>>
        %dma_wait3A_43 = tpu.memref_slice %arg2[%add3A_32] : memref<4194304xi32, #tpu.memory_space<hbm>> -> memref<8192xi32, #tpu.memory_space<hbm>>
        tpu.wait_dma2 semaphore(%run_scoped3A : memref<!tpu.dma_semaphore, #tpu.memory_space<semaphore_mem>>) src(%dma_wait3A_43 : memref<8192xi32, #tpu.memory_space<hbm>>) dst(%arg5 : memref<8192xi32, #tpu.memory_space<vmem>>)
        tpu.yield
      }) : () -> ()
      %mul3A_33 = arith.constant 8192 : i32
      %mul3A_34 = arith.muli %scan3A_29, %mul3A_33 : i32
      %add3A_35 = arith.addi %mul3A_2, %mul3A_34 : i32
      %scan3A_36 = arith.constant 0 : i32
      %scan3A_37 = arith.constant 0 : i32
      %scan3A_38 = arith.constant 512 : i32
      %scan3A_39 = arith.addi %scan3A_37, %scan3A_38 : i32
      %scan3A_40 = arith.constant 8 : i32
      scf.for %scan3A_42 = %scan3A_37 to %scan3A_39 step %scan3A_40  : i32 {
        %mul3A_43 = arith.constant 16 : i32
        %mul3A_44 = arith.muli %scan3A_42, %mul3A_43 : i32
        %get3A = arith.index_cast %mul3A_44 : i32 to index
        %get3A_45 = tpu.vector_load %arg5[%get3A] {strides = array<i32>} : memref<8192xi32, #tpu.memory_space<vmem>>, vector<16xi32>,
        %shift_right_arithmetic3A = arith.constant 31 : i32
        %shift_right_arithmetic3A_46 = vector.broadcast %shift_right_arithmetic3A : i32 to vector<16xi32>
        %shift_right_arithmetic3A_47 = arith.shrsi %get3A_45, %shift_right_arithmetic3A_46 : vector<16xi32>
        %or3A = arith.constant -2147483648 : i32
        %or3A_48 = vector.broadcast %or3A : i32 to vector<16xi32>
        %or3A_49 = arith.ori %shift_right_arithmetic3A_47, %or3A_48 : vector<16xi32>
        %xor3A = arith.xori %get3A_45, %or3A_49 : vector<16xi32>
        %mul3A_50 = arith.constant 16 : i32
        %mul3A_51 = arith.muli %scan3A_42, %mul3A_50 : i32
        %add3A_52 = arith.addi %add3A_35, %mul3A_51 : i32
        %iota3A_53 = tpu.iota {dimensions = array<i32: 0>} : vector<16xi32>
        %add3A_54 = vector.broadcast %add3A_52 : i32 to vector<16xi32>
        %add3A_55 = arith.addi %add3A_54, %iota3A_53 : vector<16xi32>
        %and3A = arith.constant 2047 : i32
        %and3A_56 = vector.broadcast %and3A : i32 to vector<16xi32>
        %and3A_57 = arith.andi %add3A_55, %and3A_56 : vector<16xi32>
        %get3A_58 = arith.constant 0 : index
        %get3A_59 = tpu.vector_load %arg8[%get3A_58] {strides = array<i32>} : memref<32xi32, #tpu.memory_space<vmem>>, vector<16xi32>,
        %eq3A = arith.cmpi eq, %xor3A, %get3A_59 : vector<16xi32>
        %shift_right_logical3A = arith.constant 11 : i32
        %shift_right_logical3A_60 = vector.broadcast %shift_right_logical3A : i32 to vector<16xi32>
        %shift_right_logical3A_61 = arith.shrui %add3A_55, %shift_right_logical3A_60 : vector<16xi32>
        %get3A_62 = arith.constant 16 : index
        %get3A_63 = tpu.vector_load %arg8[%get3A_62] {strides = array<i32>} : memref<32xi32, #tpu.memory_space<vmem>>, vector<16xi32>,
        %eq3A_64 = arith.cmpi eq, %shift_right_logical3A_61, %get3A_63 : vector<16xi32>
        %and3A_65 = arith.andi %eq3A, %eq3A_64 : vector<16xi1>
        %add3A_66 = arith.addi %mul3A_8, %and3A_57 : vector<16xi32>
        %select_n3A = arith.select %and3A_65, %add3A_66, %add3A_11 : vector<16xi1>, vector<16xi32>
        tpu.vector_store_idx %arg6[%select_n3A], %broadcast_in_dim3A_5 {add = true} : memref<32784xi32, #tpu.memory_space<vmem>>[vector<16xi32>], vector<16xi32>,
        %scan3A_67 = arith.constant 1 : i32
        %scan3A_68 = arith.addi %scan3A_42, %scan3A_67 : i32
        %mul3A_69 = arith.constant 16 : i32
        %mul3A_70 = arith.muli %scan3A_68, %mul3A_69 : i32
        %get3A_71 = arith.index_cast %mul3A_70 : i32 to index
        %get3A_72 = tpu.vector_load %arg5[%get3A_71] {strides = array<i32>} : memref<8192xi32, #tpu.memory_space<vmem>>, vector<16xi32>,
        %shift_right_arithmetic3A_73 = arith.constant 31 : i32
        %shift_right_arithmetic3A_74 = vector.broadcast %shift_right_arithmetic3A_73 : i32 to vector<16xi32>
        %shift_right_arithmetic3A_75 = arith.shrsi %get3A_72, %shift_right_arithmetic3A_74 : vector<16xi32>
        %or3A_76 = arith.constant -2147483648 : i32
        %or3A_77 = vector.broadcast %or3A_76 : i32 to vector<16xi32>
        %or3A_78 = arith.ori %shift_right_arithmetic3A_75, %or3A_77 : vector<16xi32>
        %xor3A_79 = arith.xori %get3A_72, %or3A_78 : vector<16xi32>
        %mul3A_80 = arith.constant 16 : i32
        %mul3A_81 = arith.muli %scan3A_68, %mul3A_80 : i32
        %add3A_82 = arith.addi %add3A_35, %mul3A_81 : i32
        %iota3A_83 = tpu.iota {dimensions = array<i32: 0>} : vector<16xi32>
        %add3A_84 = vector.broadcast %add3A_82 : i32 to vector<16xi32>
        %add3A_85 = arith.addi %add3A_84, %iota3A_83 : vector<16xi32>
        %and3A_86 = arith.constant 2047 : i32
        %and3A_87 = vector.broadcast %and3A_86 : i32 to vector<16xi32>
        %and3A_88 = arith.andi %add3A_85, %and3A_87 : vector<16xi32>
        %get3A_89 = arith.constant 0 : index
        %get3A_90 = tpu.vector_load %arg8[%get3A_89] {strides = array<i32>} : memref<32xi32, #tpu.memory_space<vmem>>, vector<16xi32>,
        %eq3A_91 = arith.cmpi eq, %xor3A_79, %get3A_90 : vector<16xi32>
        %shift_right_logical3A_92 = arith.constant 11 : i32
        %shift_right_logical3A_93 = vector.broadcast %shift_right_logical3A_92 : i32 to vector<16xi32>
        %shift_right_logical3A_94 = arith.shrui %add3A_85, %shift_right_logical3A_93 : vector<16xi32>
        %get3A_95 = arith.constant 16 : index
        %get3A_96 = tpu.vector_load %arg8[%get3A_95] {strides = array<i32>} : memref<32xi32, #tpu.memory_space<vmem>>, vector<16xi32>,
        %eq3A_97 = arith.cmpi eq, %shift_right_logical3A_94, %get3A_96 : vector<16xi32>
        %and3A_98 = arith.andi %eq3A_91, %eq3A_97 : vector<16xi1>
        %add3A_99 = arith.addi %mul3A_8, %and3A_88 : vector<16xi32>
        %select_n3A_100 = arith.select %and3A_98, %add3A_99, %add3A_11 : vector<16xi1>, vector<16xi32>
        tpu.vector_store_idx %arg6[%select_n3A_100], %broadcast_in_dim3A_5 {add = true} : memref<32784xi32, #tpu.memory_space<vmem>>[vector<16xi32>], vector<16xi32>,
        %scan3A_101 = arith.constant 2 : i32
        %scan3A_102 = arith.addi %scan3A_42, %scan3A_101 : i32
        %mul3A_103 = arith.constant 16 : i32
        %mul3A_104 = arith.muli %scan3A_102, %mul3A_103 : i32
        %get3A_105 = arith.index_cast %mul3A_104 : i32 to index
        %get3A_106 = tpu.vector_load %arg5[%get3A_105] {strides = array<i32>} : memref<8192xi32, #tpu.memory_space<vmem>>, vector<16xi32>,
        %shift_right_arithmetic3A_107 = arith.constant 31 : i32
        %shift_right_arithmetic3A_108 = vector.broadcast %shift_right_arithmetic3A_107 : i32 to vector<16xi32>
        %shift_right_arithmetic3A_109 = arith.shrsi %get3A_106, %shift_right_arithmetic3A_108 : vector<16xi32>
        %or3A_110 = arith.constant -2147483648 : i32
        %or3A_111 = vector.broadcast %or3A_110 : i32 to vector<16xi32>
        %or3A_112 = arith.ori %shift_right_arithmetic3A_109, %or3A_111 : vector<16xi32>
        %xor3A_113 = arith.xori %get3A_106, %or3A_112 : vector<16xi32>
        %mul3A_114 = arith.constant 16 : i32
        %mul3A_115 = arith.muli %scan3A_102, %mul3A_114 : i32
        %add3A_116 = arith.addi %add3A_35, %mul3A_115 : i32
        %iota3A_117 = tpu.iota {dimensions = array<i32: 0>} : vector<16xi32>
        %add3A_118 = vector.broadcast %add3A_116 : i32 to vector<16xi32>
        %add3A_119 = arith.addi %add3A_118, %iota3A_117 : vector<16xi32>
        %and3A_120 = arith.constant 2047 : i32
        %and3A_121 = vector.broadcast %and3A_120 : i32 to vector<16xi32>
        %and3A_122 = arith.andi %add3A_119, %and3A_121 : vector<16xi32>
        %get3A_123 = arith.constant 0 : index
        %get3A_124 = tpu.vector_load %arg8[%get3A_123] {strides = array<i32>} : memref<32xi32, #tpu.memory_space<vmem>>, vector<16xi32>,
        %eq3A_125 = arith.cmpi eq, %xor3A_113, %get3A_124 : vector<16xi32>
        %shift_right_logical3A_126 = arith.constant 11 : i32
        %shift_right_logical3A_127 = vector.broadcast %shift_right_logical3A_126 : i32 to vector<16xi32>
        %shift_right_logical3A_128 = arith.shrui %add3A_119, %shift_right_logical3A_127 : vector<16xi32>
        %get3A_129 = arith.constant 16 : index
        %get3A_130 = tpu.vector_load %arg8[%get3A_129] {strides = array<i32>} : memref<32xi32, #tpu.memory_space<vmem>>, vector<16xi32>,
        %eq3A_131 = arith.cmpi eq, %shift_right_logical3A_128, %get3A_130 : vector<16xi32>
        %and3A_132 = arith.andi %eq3A_125, %eq3A_131 : vector<16xi1>
        %add3A_133 = arith.addi %mul3A_8, %and3A_122 : vector<16xi32>
        %select_n3A_134 = arith.select %and3A_132, %add3A_133, %add3A_11 : vector<16xi1>, vector<16xi32>
        tpu.vector_store_idx %arg6[%select_n3A_134], %broadcast_in_dim3A_5 {add = true} : memref<32784xi32, #tpu.memory_space<vmem>>[vector<16xi32>], vector<16xi32>,
        %scan3A_135 = arith.constant 3 : i32
        %scan3A_136 = arith.addi %scan3A_42, %scan3A_135 : i32
        %mul3A_137 = arith.constant 16 : i32
        %mul3A_138 = arith.muli %scan3A_136, %mul3A_137 : i32
        %get3A_139 = arith.index_cast %mul3A_138 : i32 to index
        %get3A_140 = tpu.vector_load %arg5[%get3A_139] {strides = array<i32>} : memref<8192xi32, #tpu.memory_space<vmem>>, vector<16xi32>,
        %shift_right_arithmetic3A_141 = arith.constant 31 : i32
        %shift_right_arithmetic3A_142 = vector.broadcast %shift_right_arithmetic3A_141 : i32 to vector<16xi32>
        %shift_right_arithmetic3A_143 = arith.shrsi %get3A_140, %shift_right_arithmetic3A_142 : vector<16xi32>
        %or3A_144 = arith.constant -2147483648 : i32
        %or3A_145 = vector.broadcast %or3A_144 : i32 to vector<16xi32>
        %or3A_146 = arith.ori %shift_right_arithmetic3A_143, %or3A_145 : vector<16xi32>
        %xor3A_147 = arith.xori %get3A_140, %or3A_146 : vector<16xi32>
        %mul3A_148 = arith.constant 16 : i32
        %mul3A_149 = arith.muli %scan3A_136, %mul3A_148 : i32
        %add3A_150 = arith.addi %add3A_35, %mul3A_149 : i32
        %iota3A_151 = tpu.iota {dimensions = array<i32: 0>} : vector<16xi32>
        %add3A_152 = vector.broadcast %add3A_150 : i32 to vector<16xi32>
        %add3A_153 = arith.addi %add3A_152, %iota3A_151 : vector<16xi32>
        %and3A_154 = arith.constant 2047 : i32
        %and3A_155 = vector.broadcast %and3A_154 : i32 to vector<16xi32>
        %and3A_156 = arith.andi %add3A_153, %and3A_155 : vector<16xi32>
        %get3A_157 = arith.constant 0 : index
        %get3A_158 = tpu.vector_load %arg8[%get3A_157] {strides = array<i32>} : memref<32xi32, #tpu.memory_space<vmem>>, vector<16xi32>,
        %eq3A_159 = arith.cmpi eq, %xor3A_147, %get3A_158 : vector<16xi32>
        %shift_right_logical3A_160 = arith.constant 11 : i32
        %shift_right_logical3A_161 = vector.broadcast %shift_right_logical3A_160 : i32 to vector<16xi32>
        %shift_right_logical3A_162 = arith.shrui %add3A_153, %shift_right_logical3A_161 : vector<16xi32>
        %get3A_163 = arith.constant 16 : index
        %get3A_164 = tpu.vector_load %arg8[%get3A_163] {strides = array<i32>} : memref<32xi32, #tpu.memory_space<vmem>>, vector<16xi32>,
        %eq3A_165 = arith.cmpi eq, %shift_right_logical3A_162, %get3A_164 : vector<16xi32>
        %and3A_166 = arith.andi %eq3A_159, %eq3A_165 : vector<16xi1>
        %add3A_167 = arith.addi %mul3A_8, %and3A_156 : vector<16xi32>
        %select_n3A_168 = arith.select %and3A_166, %add3A_167, %add3A_11 : vector<16xi1>, vector<16xi32>
        tpu.vector_store_idx %arg6[%select_n3A_168], %broadcast_in_dim3A_5 {add = true} : memref<32784xi32, #tpu.memory_space<vmem>>[vector<16xi32>], vector<16xi32>,
        %scan3A_169 = arith.constant 4 : i32
        %scan3A_170 = arith.addi %scan3A_42, %scan3A_169 : i32
        %mul3A_171 = arith.constant 16 : i32
        %mul3A_172 = arith.muli %scan3A_170, %mul3A_171 : i32
        %get3A_173 = arith.index_cast %mul3A_172 : i32 to index
        %get3A_174 = tpu.vector_load %arg5[%get3A_173] {strides = array<i32>} : memref<8192xi32, #tpu.memory_space<vmem>>, vector<16xi32>,
        %shift_right_arithmetic3A_175 = arith.constant 31 : i32
        %shift_right_arithmetic3A_176 = vector.broadcast %shift_right_arithmetic3A_175 : i32 to vector<16xi32>
        %shift_right_arithmetic3A_177 = arith.shrsi %get3A_174, %shift_right_arithmetic3A_176 : vector<16xi32>
        %or3A_178 = arith.constant -2147483648 : i32
        %or3A_179 = vector.broadcast %or3A_178 : i32 to vector<16xi32>
        %or3A_180 = arith.ori %shift_right_arithmetic3A_177, %or3A_179 : vector<16xi32>
        %xor3A_181 = arith.xori %get3A_174, %or3A_180 : vector<16xi32>
        %mul3A_182 = arith.constant 16 : i32
        %mul3A_183 = arith.muli %scan3A_170, %mul3A_182 : i32
        %add3A_184 = arith.addi %add3A_35, %mul3A_183 : i32
        %iota3A_185 = tpu.iota {dimensions = array<i32: 0>} : vector<16xi32>
        %add3A_186 = vector.broadcast %add3A_184 : i32 to vector<16xi32>
        %add3A_187 = arith.addi %add3A_186, %iota3A_185 : vector<16xi32>
        %and3A_188 = arith.constant 2047 : i32
        %and3A_189 = vector.broadcast %and3A_188 : i32 to vector<16xi32>
        %and3A_190 = arith.andi %add3A_187, %and3A_189 : vector<16xi32>
        %get3A_191 = arith.constant 0 : index
        %get3A_192 = tpu.vector_load %arg8[%get3A_191] {strides = array<i32>} : memref<32xi32, #tpu.memory_space<vmem>>, vector<16xi32>,
        %eq3A_193 = arith.cmpi eq, %xor3A_181, %get3A_192 : vector<16xi32>
        %shift_right_logical3A_194 = arith.constant 11 : i32
        %shift_right_logical3A_195 = vector.broadcast %shift_right_logical3A_194 : i32 to vector<16xi32>
        %shift_right_logical3A_196 = arith.shrui %add3A_187, %shift_right_logical3A_195 : vector<16xi32>
        %get3A_197 = arith.constant 16 : index
        %get3A_198 = tpu.vector_load %arg8[%get3A_197] {strides = array<i32>} : memref<32xi32, #tpu.memory_space<vmem>>, vector<16xi32>,
        %eq3A_199 = arith.cmpi eq, %shift_right_logical3A_196, %get3A_198 : vector<16xi32>
        %and3A_200 = arith.andi %eq3A_193, %eq3A_199 : vector<16xi1>
        %add3A_201 = arith.addi %mul3A_8, %and3A_190 : vector<16xi32>
        %select_n3A_202 = arith.select %and3A_200, %add3A_201, %add3A_11 : vector<16xi1>, vector<16xi32>
        tpu.vector_store_idx %arg6[%select_n3A_202], %broadcast_in_dim3A_5 {add = true} : memref<32784xi32, #tpu.memory_space<vmem>>[vector<16xi32>], vector<16xi32>,
        %scan3A_203 = arith.constant 5 : i32
        %scan3A_204 = arith.addi %scan3A_42, %scan3A_203 : i32
        %mul3A_205 = arith.constant 16 : i32
        %mul3A_206 = arith.muli %scan3A_204, %mul3A_205 : i32
        %get3A_207 = arith.index_cast %mul3A_206 : i32 to index
        %get3A_208 = tpu.vector_load %arg5[%get3A_207] {strides = array<i32>} : memref<8192xi32, #tpu.memory_space<vmem>>, vector<16xi32>,
        %shift_right_arithmetic3A_209 = arith.constant 31 : i32
        %shift_right_arithmetic3A_210 = vector.broadcast %shift_right_arithmetic3A_209 : i32 to vector<16xi32>
        %shift_right_arithmetic3A_211 = arith.shrsi %get3A_208, %shift_right_arithmetic3A_210 : vector<16xi32>
        %or3A_212 = arith.constant -2147483648 : i32
        %or3A_213 = vector.broadcast %or3A_212 : i32 to vector<16xi32>
        %or3A_214 = arith.ori %shift_right_arithmetic3A_211, %or3A_213 : vector<16xi32>
        %xor3A_215 = arith.xori %get3A_208, %or3A_214 : vector<16xi32>
        %mul3A_216 = arith.constant 16 : i32
        %mul3A_217 = arith.muli %scan3A_204, %mul3A_216 : i32
        %add3A_218 = arith.addi %add3A_35, %mul3A_217 : i32
        %iota3A_219 = tpu.iota {dimensions = array<i32: 0>} : vector<16xi32>
        %add3A_220 = vector.broadcast %add3A_218 : i32 to vector<16xi32>
        %add3A_221 = arith.addi %add3A_220, %iota3A_219 : vector<16xi32>
        %and3A_222 = arith.constant 2047 : i32
        %and3A_223 = vector.broadcast %and3A_222 : i32 to vector<16xi32>
        %and3A_224 = arith.andi %add3A_221, %and3A_223 : vector<16xi32>
        %get3A_225 = arith.constant 0 : index
        %get3A_226 = tpu.vector_load %arg8[%get3A_225] {strides = array<i32>} : memref<32xi32, #tpu.memory_space<vmem>>, vector<16xi32>,
        %eq3A_227 = arith.cmpi eq, %xor3A_215, %get3A_226 : vector<16xi32>
        %shift_right_logical3A_228 = arith.constant 11 : i32
        %shift_right_logical3A_229 = vector.broadcast %shift_right_logical3A_228 : i32 to vector<16xi32>
        %shift_right_logical3A_230 = arith.shrui %add3A_221, %shift_right_logical3A_229 : vector<16xi32>
        %get3A_231 = arith.constant 16 : index
        %get3A_232 = tpu.vector_load %arg8[%get3A_231] {strides = array<i32>} : memref<32xi32, #tpu.memory_space<vmem>>, vector<16xi32>,
        %eq3A_233 = arith.cmpi eq, %shift_right_logical3A_230, %get3A_232 : vector<16xi32>
        %and3A_234 = arith.andi %eq3A_227, %eq3A_233 : vector<16xi1>
        %add3A_235 = arith.addi %mul3A_8, %and3A_224 : vector<16xi32>
        %select_n3A_236 = arith.select %and3A_234, %add3A_235, %add3A_11 : vector<16xi1>, vector<16xi32>
        tpu.vector_store_idx %arg6[%select_n3A_236], %broadcast_in_dim3A_5 {add = true} : memref<32784xi32, #tpu.memory_space<vmem>>[vector<16xi32>], vector<16xi32>,
        %scan3A_237 = arith.constant 6 : i32
        %scan3A_238 = arith.addi %scan3A_42, %scan3A_237 : i32
        %mul3A_239 = arith.constant 16 : i32
        %mul3A_240 = arith.muli %scan3A_238, %mul3A_239 : i32
        %get3A_241 = arith.index_cast %mul3A_240 : i32 to index
        %get3A_242 = tpu.vector_load %arg5[%get3A_241] {strides = array<i32>} : memref<8192xi32, #tpu.memory_space<vmem>>, vector<16xi32>,
        %shift_right_arithmetic3A_243 = arith.constant 31 : i32
        %shift_right_arithmetic3A_244 = vector.broadcast %shift_right_arithmetic3A_243 : i32 to vector<16xi32>
        %shift_right_arithmetic3A_245 = arith.shrsi %get3A_242, %shift_right_arithmetic3A_244 : vector<16xi32>
        %or3A_246 = arith.constant -2147483648 : i32
        %or3A_247 = vector.broadcast %or3A_246 : i32 to vector<16xi32>
        %or3A_248 = arith.ori %shift_right_arithmetic3A_245, %or3A_247 : vector<16xi32>
        %xor3A_249 = arith.xori %get3A_242, %or3A_248 : vector<16xi32>
        %mul3A_250 = arith.constant 16 : i32
        %mul3A_251 = arith.muli %scan3A_238, %mul3A_250 : i32
        %add3A_252 = arith.addi %add3A_35, %mul3A_251 : i32
        %iota3A_253 = tpu.iota {dimensions = array<i32: 0>} : vector<16xi32>
        %add3A_254 = vector.broadcast %add3A_252 : i32 to vector<16xi32>
        %add3A_255 = arith.addi %add3A_254, %iota3A_253 : vector<16xi32>
        %and3A_256 = arith.constant 2047 : i32
        %and3A_257 = vector.broadcast %and3A_256 : i32 to vector<16xi32>
        %and3A_258 = arith.andi %add3A_255, %and3A_257 : vector<16xi32>
        %get3A_259 = arith.constant 0 : index
        %get3A_260 = tpu.vector_load %arg8[%get3A_259] {strides = array<i32>} : memref<32xi32, #tpu.memory_space<vmem>>, vector<16xi32>,
        %eq3A_261 = arith.cmpi eq, %xor3A_249, %get3A_260 : vector<16xi32>
        %shift_right_logical3A_262 = arith.constant 11 : i32
        %shift_right_logical3A_263 = vector.broadcast %shift_right_logical3A_262 : i32 to vector<16xi32>
        %shift_right_logical3A_264 = arith.shrui %add3A_255, %shift_right_logical3A_263 : vector<16xi32>
        %get3A_265 = arith.constant 16 : index
        %get3A_266 = tpu.vector_load %arg8[%get3A_265] {strides = array<i32>} : memref<32xi32, #tpu.memory_space<vmem>>, vector<16xi32>,
        %eq3A_267 = arith.cmpi eq, %shift_right_logical3A_264, %get3A_266 : vector<16xi32>
        %and3A_268 = arith.andi %eq3A_261, %eq3A_267 : vector<16xi1>
        %add3A_269 = arith.addi %mul3A_8, %and3A_258 : vector<16xi32>
        %select_n3A_270 = arith.select %and3A_268, %add3A_269, %add3A_11 : vector<16xi1>, vector<16xi32>
        tpu.vector_store_idx %arg6[%select_n3A_270], %broadcast_in_dim3A_5 {add = true} : memref<32784xi32, #tpu.memory_space<vmem>>[vector<16xi32>], vector<16xi32>,
        %scan3A_271 = arith.constant 7 : i32
        %scan3A_272 = arith.addi %scan3A_42, %scan3A_271 : i32
        %mul3A_273 = arith.constant 16 : i32
        %mul3A_274 = arith.muli %scan3A_272, %mul3A_273 : i32
        %get3A_275 = arith.index_cast %mul3A_274 : i32 to index
        %get3A_276 = tpu.vector_load %arg5[%get3A_275] {strides = array<i32>} : memref<8192xi32, #tpu.memory_space<vmem>>, vector<16xi32>,
        %shift_right_arithmetic3A_277 = arith.constant 31 : i32
        %shift_right_arithmetic3A_278 = vector.broadcast %shift_right_arithmetic3A_277 : i32 to vector<16xi32>
        %shift_right_arithmetic3A_279 = arith.shrsi %get3A_276, %shift_right_arithmetic3A_278 : vector<16xi32>
        %or3A_280 = arith.constant -2147483648 : i32
        %or3A_281 = vector.broadcast %or3A_280 : i32 to vector<16xi32>
        %or3A_282 = arith.ori %shift_right_arithmetic3A_279, %or3A_281 : vector<16xi32>
        %xor3A_283 = arith.xori %get3A_276, %or3A_282 : vector<16xi32>
        %mul3A_284 = arith.constant 16 : i32
        %mul3A_285 = arith.muli %scan3A_272, %mul3A_284 : i32
        %add3A_286 = arith.addi %add3A_35, %mul3A_285 : i32
        %iota3A_287 = tpu.iota {dimensions = array<i32: 0>} : vector<16xi32>
        %add3A_288 = vector.broadcast %add3A_286 : i32 to vector<16xi32>
        %add3A_289 = arith.addi %add3A_288, %iota3A_287 : vector<16xi32>
        %and3A_290 = arith.constant 2047 : i32
        %and3A_291 = vector.broadcast %and3A_290 : i32 to vector<16xi32>
        %and3A_292 = arith.andi %add3A_289, %and3A_291 : vector<16xi32>
        %get3A_293 = arith.constant 0 : index
        %get3A_294 = tpu.vector_load %arg8[%get3A_293] {strides = array<i32>} : memref<32xi32, #tpu.memory_space<vmem>>, vector<16xi32>,
        %eq3A_295 = arith.cmpi eq, %xor3A_283, %get3A_294 : vector<16xi32>
        %shift_right_logical3A_296 = arith.constant 11 : i32
        %shift_right_logical3A_297 = vector.broadcast %shift_right_logical3A_296 : i32 to vector<16xi32>
        %shift_right_logical3A_298 = arith.shrui %add3A_289, %shift_right_logical3A_297 : vector<16xi32>
        %get3A_299 = arith.constant 16 : index
        %get3A_300 = tpu.vector_load %arg8[%get3A_299] {strides = array<i32>} : memref<32xi32, #tpu.memory_space<vmem>>, vector<16xi32>,
        %eq3A_301 = arith.cmpi eq, %shift_right_logical3A_298, %get3A_300 : vector<16xi32>
        %and3A_302 = arith.andi %eq3A_295, %eq3A_301 : vector<16xi1>
        %add3A_303 = arith.addi %mul3A_8, %and3A_292 : vector<16xi32>
        %select_n3A_304 = arith.select %and3A_302, %add3A_303, %add3A_11 : vector<16xi1>, vector<16xi32>
        tpu.vector_store_idx %arg6[%select_n3A_304], %broadcast_in_dim3A_5 {add = true} : memref<32784xi32, #tpu.memory_space<vmem>>[vector<16xi32>], vector<16xi32>,
      }
      %scan3A_41 = arith.constant 512 : i32
    }
    %scan3A_22 = arith.constant 16 : i32
    %scan3A_23 = arith.constant 0 : i32
    %scan3A_24 = arith.constant 0 : i32
    %scan3A_25 = arith.constant 128 : i32
    %scan3A_26 = arith.addi %scan3A_24, %scan3A_25 : i32
    %scan3A_27 = arith.constant 1 : i32
    scf.for %scan3A_29 = %scan3A_24 to %scan3A_26 step %scan3A_27  : i32 {
      %mul3A_30 = arith.constant 16 : i32
      %mul3A_31 = arith.muli %scan3A_29, %mul3A_30 : i32
      %add3A_32 = arith.constant 0 : i32
      %add3A_33 = arith.addi %add3A_32, %mul3A_31 : i32
      %get3A = arith.index_cast %add3A_33 : i32 to index
      %get3A_34 = tpu.vector_load %arg6[%get3A] {strides = array<i32>} : memref<32784xi32, #tpu.memory_space<vmem>>, vector<16xi32>,
      %add3A_35 = arith.addi %broadcast_in_dim3A_3, %get3A_34 : vector<16xi32>
      %mul3A_36 = arith.constant 16 : i32
      %mul3A_37 = arith.muli %scan3A_29, %mul3A_36 : i32
      %add3A_38 = arith.constant 2048 : i32
      %add3A_39 = arith.addi %add3A_38, %mul3A_37 : i32
      %get3A_40 = arith.index_cast %add3A_39 : i32 to index
      %get3A_41 = tpu.vector_load %arg6[%get3A_40] {strides = array<i32>} : memref<32784xi32, #tpu.memory_space<vmem>>, vector<16xi32>,
      %add3A_42 = arith.addi %add3A_35, %get3A_41 : vector<16xi32>
      %mul3A_43 = arith.constant 16 : i32
      %mul3A_44 = arith.muli %scan3A_29, %mul3A_43 : i32
      %add3A_45 = arith.constant 4096 : i32
      %add3A_46 = arith.addi %add3A_45, %mul3A_44 : i32
      %get3A_47 = arith.index_cast %add3A_46 : i32 to index
      %get3A_48 = tpu.vector_load %arg6[%get3A_47] {strides = array<i32>} : memref<32784xi32, #tpu.memory_space<vmem>>, vector<16xi32>,
      %add3A_49 = arith.addi %add3A_42, %get3A_48 : vector<16xi32>
      %mul3A_50 = arith.constant 16 : i32
      %mul3A_51 = arith.muli %scan3A_29, %mul3A_50 : i32
      %add3A_52 = arith.constant 6144 : i32
      %add3A_53 = arith.addi %add3A_52, %mul3A_51 : i32
      %get3A_54 = arith.index_cast %add3A_53 : i32 to index
      %get3A_55 = tpu.vector_load %arg6[%get3A_54] {strides = array<i32>} : memref<32784xi32, #tpu.memory_space<vmem>>, vector<16xi32>,
      %add3A_56 = arith.addi %add3A_49, %get3A_55 : vector<16xi32>
      %mul3A_57 = arith.constant 16 : i32
      %mul3A_58 = arith.muli %scan3A_29, %mul3A_57 : i32
      %add3A_59 = arith.constant 8192 : i32
      %add3A_60 = arith.addi %add3A_59, %mul3A_58 : i32
      %get3A_61 = arith.index_cast %add3A_60 : i32 to index
      %get3A_62 = tpu.vector_load %arg6[%get3A_61] {strides = array<i32>} : memref<32784xi32, #tpu.memory_space<vmem>>, vector<16xi32>,
      %add3A_63 = arith.addi %add3A_56, %get3A_62 : vector<16xi32>
      %mul3A_64 = arith.constant 16 : i32
      %mul3A_65 = arith.muli %scan3A_29, %mul3A_64 : i32
      %add3A_66 = arith.constant 10240 : i32
      %add3A_67 = arith.addi %add3A_66, %mul3A_65 : i32
      %get3A_68 = arith.index_cast %add3A_67 : i32 to index
      %get3A_69 = tpu.vector_load %arg6[%get3A_68] {strides = array<i32>} : memref<32784xi32, #tpu.memory_space<vmem>>, vector<16xi32>,
      %add3A_70 = arith.addi %add3A_63, %get3A_69 : vector<16xi32>
      %mul3A_71 = arith.constant 16 : i32
      %mul3A_72 = arith.muli %scan3A_29, %mul3A_71 : i32
      %add3A_73 = arith.constant 12288 : i32
      %add3A_74 = arith.addi %add3A_73, %mul3A_72 : i32
      %get3A_75 = arith.index_cast %add3A_74 : i32 to index
      %get3A_76 = tpu.vector_load %arg6[%get3A_75] {strides = array<i32>} : memref<32784xi32, #tpu.memory_space<vmem>>, vector<16xi32>,
      %add3A_77 = arith.addi %add3A_70, %get3A_76 : vector<16xi32>
      %mul3A_78 = arith.constant 16 : i32
      %mul3A_79 = arith.muli %scan3A_29, %mul3A_78 : i32
      %add3A_80 = arith.constant 14336 : i32
      %add3A_81 = arith.addi %add3A_80, %mul3A_79 : i32
      %get3A_82 = arith.index_cast %add3A_81 : i32 to index
      %get3A_83 = tpu.vector_load %arg6[%get3A_82] {strides = array<i32>} : memref<32784xi32, #tpu.memory_space<vmem>>, vector<16xi32>,
      %add3A_84 = arith.addi %add3A_77, %get3A_83 : vector<16xi32>
      %mul3A_85 = arith.constant 16 : i32
      %mul3A_86 = arith.muli %scan3A_29, %mul3A_85 : i32
      %add3A_87 = arith.constant 16384 : i32
      %add3A_88 = arith.addi %add3A_87, %mul3A_86 : i32
      %get3A_89 = arith.index_cast %add3A_88 : i32 to index
      %get3A_90 = tpu.vector_load %arg6[%get3A_89] {strides = array<i32>} : memref<32784xi32, #tpu.memory_space<vmem>>, vector<16xi32>,
      %add3A_91 = arith.addi %add3A_84, %get3A_90 : vector<16xi32>
      %mul3A_92 = arith.constant 16 : i32
      %mul3A_93 = arith.muli %scan3A_29, %mul3A_92 : i32
      %add3A_94 = arith.constant 18432 : i32
      %add3A_95 = arith.addi %add3A_94, %mul3A_93 : i32
      %get3A_96 = arith.index_cast %add3A_95 : i32 to index
      %get3A_97 = tpu.vector_load %arg6[%get3A_96] {strides = array<i32>} : memref<32784xi32, #tpu.memory_space<vmem>>, vector<16xi32>,
      %add3A_98 = arith.addi %add3A_91, %get3A_97 : vector<16xi32>
      %mul3A_99 = arith.constant 16 : i32
      %mul3A_100 = arith.muli %scan3A_29, %mul3A_99 : i32
      %add3A_101 = arith.constant 20480 : i32
      %add3A_102 = arith.addi %add3A_101, %mul3A_100 : i32
      %get3A_103 = arith.index_cast %add3A_102 : i32 to index
      %get3A_104 = tpu.vector_load %arg6[%get3A_103] {strides = array<i32>} : memref<32784xi32, #tpu.memory_space<vmem>>, vector<16xi32>,
      %add3A_105 = arith.addi %add3A_98, %get3A_104 : vector<16xi32>
      %mul3A_106 = arith.constant 16 : i32
      %mul3A_107 = arith.muli %scan3A_29, %mul3A_106 : i32
      %add3A_108 = arith.constant 22528 : i32
      %add3A_109 = arith.addi %add3A_108, %mul3A_107 : i32
      %get3A_110 = arith.index_cast %add3A_109 : i32 to index
      %get3A_111 = tpu.vector_load %arg6[%get3A_110] {strides = array<i32>} : memref<32784xi32, #tpu.memory_space<vmem>>, vector<16xi32>,
      %add3A_112 = arith.addi %add3A_105, %get3A_111 : vector<16xi32>
      %mul3A_113 = arith.constant 16 : i32
      %mul3A_114 = arith.muli %scan3A_29, %mul3A_113 : i32
      %add3A_115 = arith.constant 24576 : i32
      %add3A_116 = arith.addi %add3A_115, %mul3A_114 : i32
      %get3A_117 = arith.index_cast %add3A_116 : i32 to index
      %get3A_118 = tpu.vector_load %arg6[%get3A_117] {strides = array<i32>} : memref<32784xi32, #tpu.memory_space<vmem>>, vector<16xi32>,
      %add3A_119 = arith.addi %add3A_112, %get3A_118 : vector<16xi32>
      %mul3A_120 = arith.constant 16 : i32
      %mul3A_121 = arith.muli %scan3A_29, %mul3A_120 : i32
      %add3A_122 = arith.constant 26624 : i32
      %add3A_123 = arith.addi %add3A_122, %mul3A_121 : i32
      %get3A_124 = arith.index_cast %add3A_123 : i32 to index
      %get3A_125 = tpu.vector_load %arg6[%get3A_124] {strides = array<i32>} : memref<32784xi32, #tpu.memory_space<vmem>>, vector<16xi32>,
      %add3A_126 = arith.addi %add3A_119, %get3A_125 : vector<16xi32>
      %mul3A_127 = arith.constant 16 : i32
      %mul3A_128 = arith.muli %scan3A_29, %mul3A_127 : i32
      %add3A_129 = arith.constant 28672 : i32
      %add3A_130 = arith.addi %add3A_129, %mul3A_128 : i32
      %get3A_131 = arith.index_cast %add3A_130 : i32 to index
      %get3A_132 = tpu.vector_load %arg6[%get3A_131] {strides = array<i32>} : memref<32784xi32, #tpu.memory_space<vmem>>, vector<16xi32>,
      %add3A_133 = arith.addi %add3A_126, %get3A_132 : vector<16xi32>
      %mul3A_134 = arith.constant 16 : i32
      %mul3A_135 = arith.muli %scan3A_29, %mul3A_134 : i32
      %add3A_136 = arith.constant 30720 : i32
      %add3A_137 = arith.addi %add3A_136, %mul3A_135 : i32
      %get3A_138 = arith.index_cast %add3A_137 : i32 to index
      %get3A_139 = tpu.vector_load %arg6[%get3A_138] {strides = array<i32>} : memref<32784xi32, #tpu.memory_space<vmem>>, vector<16xi32>,
      %add3A_140 = arith.addi %add3A_133, %get3A_139 : vector<16xi32>
      %mul3A_141 = arith.constant 16 : i32
      %mul3A_142 = arith.muli %scan3A_29, %mul3A_141 : i32
      %swap3A = arith.index_cast %mul3A_142 : i32 to index
      %swap3A_143 = tpu.vector_load %arg7[%swap3A] {strides = array<i32>} : memref<2048xi32, #tpu.memory_space<vmem>>, vector<16xi32>,
      tpu.vector_store %arg7[%swap3A], %add3A_140 {strides = array<i32>} : memref<2048xi32, #tpu.memory_space<vmem>>, vector<16xi32>,
    }
    %scan3A_28 = arith.constant 128 : i32
    "tpu.region"() ({
      %run_scoped3A = tpu.sem_alloc : memref<!tpu.dma_semaphore, #tpu.memory_space<semaphore_mem>>
      %dma_start3A = arith.constant 0 : i32
      %dma_start3A_29 = tpu.memref_slice %arg4[%add3A, %dma_start3A] : memref<32x2048xi32, #tpu.memory_space<hbm>> -> memref<1x2048xi32, #tpu.memory_space<hbm>>
      %dma_start3A_30 = tpu.memref_squeeze %dma_start3A_29 : memref<1x2048xi32, #tpu.memory_space<hbm>> -> memref<2048xi32, #tpu.memory_space<hbm>>
      %dma_start3A_31 = arith.constant 0 : i32
      %dma_start3A_32 = tpu.memref_slice %arg4[%add3A, %dma_start3A_31] : memref<32x2048xi32, #tpu.memory_space<hbm>> -> memref<1x2048xi32, #tpu.memory_space<hbm>>
      %dma_start3A_33 = tpu.memref_squeeze %dma_start3A_32 : memref<1x2048xi32, #tpu.memory_space<hbm>> -> memref<2048xi32, #tpu.memory_space<hbm>>
      tpu.enqueue_dma source(%arg7 : memref<2048xi32, #tpu.memory_space<vmem>>) target(%dma_start3A_33 : memref<2048xi32, #tpu.memory_space<hbm>>) target_semaphore(%run_scoped3A : memref<!tpu.dma_semaphore, #tpu.memory_space<semaphore_mem>>)
      %dma_wait3A = arith.constant 0 : i32
      %dma_wait3A_34 = tpu.memref_slice %arg4[%add3A, %dma_wait3A] : memref<32x2048xi32, #tpu.memory_space<hbm>> -> memref<1x2048xi32, #tpu.memory_space<hbm>>
      %dma_wait3A_35 = tpu.memref_squeeze %dma_wait3A_34 : memref<1x2048xi32, #tpu.memory_space<hbm>> -> memref<2048xi32, #tpu.memory_space<hbm>>
      %dma_wait3A_36 = arith.constant 0 : i32
      %dma_wait3A_37 = tpu.memref_slice %arg4[%add3A, %dma_wait3A_36] : memref<32x2048xi32, #tpu.memory_space<hbm>> -> memref<1x2048xi32, #tpu.memory_space<hbm>>
      %dma_wait3A_38 = tpu.memref_squeeze %dma_wait3A_37 : memref<1x2048xi32, #tpu.memory_space<hbm>> -> memref<2048xi32, #tpu.memory_space<hbm>>
      tpu.wait_dma2 semaphore(%run_scoped3A : memref<!tpu.dma_semaphore, #tpu.memory_space<semaphore_mem>>) src(%arg7 : memref<2048xi32, #tpu.memory_space<vmem>>) dst(%dma_wait3A_38 : memref<2048xi32, #tpu.memory_space<hbm>>)
      tpu.yield
    }) : () -> ()
    return
  }
}

#map = affine_map<(d0, d1) -> (0)>
#map1 = affine_map<(d0, d1) -> (0, 0)>
module attributes {stable_mosaic.version = 14 : i64} {
  func.func @body(%arg0: i32, %arg1: i32, %arg2: memref<4194304xi32, #tpu.memory_space<hbm>>, %arg3: memref<16xi32, #tpu.memory_space<hbm>>, %arg4: memref<32x256xi32, #tpu.memory_space<hbm>>, %arg5: memref<8192xi32, #tpu.memory_space<vmem>>, %arg6: memref<4112xi32, #tpu.memory_space<vmem>>, %arg7: memref<256xi32, #tpu.memory_space<vmem>>, %arg8: memref<16xi32, #tpu.memory_space<vmem>>) attributes {dimension_semantics = [#tpu.dimension_semantics<core_parallel>, #tpu.dimension_semantics<subcore_parallel>], iteration_bounds = array<i64: 2, 16>, scalar_prefetch = 0 : i64, scratch_operands = 4 : i64, tpu.core_type = #tpu.core_type<sc_vector_subcore>, window_params = [{transform_indices = #map}, {transform_indices = #map}, {transform_indices = #map1}]} {
    %mul3A = arith.constant 2 : i32
    %mul3A_0 = arith.muli %arg1, %mul3A : i32
    %add3A = arith.addi %mul3A_0, %arg0 : i32
    %mul3A_1 = arith.constant 131072 : i32
    %mul3A_2 = arith.muli %add3A, %mul3A_1 : i32
    "tpu.region"() ({
      %run_scoped3A = tpu.sem_alloc : memref<!tpu.dma_semaphore, #tpu.memory_space<semaphore_mem>>
      tpu.enqueue_dma source(%arg3 : memref<16xi32, #tpu.memory_space<hbm>>) target(%arg8 : memref<16xi32, #tpu.memory_space<vmem>>) target_semaphore(%run_scoped3A : memref<!tpu.dma_semaphore, #tpu.memory_space<semaphore_mem>>)
      tpu.wait_dma2 semaphore(%run_scoped3A : memref<!tpu.dma_semaphore, #tpu.memory_space<semaphore_mem>>) src(%arg3 : memref<16xi32, #tpu.memory_space<hbm>>) dst(%arg8 : memref<16xi32, #tpu.memory_space<vmem>>)
      tpu.yield
    }) : () -> ()
    %broadcast_in_dim3A = arith.constant 0 : i32
    %broadcast_in_dim3A_3 = vector.broadcast %broadcast_in_dim3A : i32 to vector<16xi32>
    %broadcast_in_dim3A_4 = arith.constant 1 : i32
    %broadcast_in_dim3A_5 = vector.broadcast %broadcast_in_dim3A_4 : i32 to vector<16xi32>
    %iota3A = tpu.iota {dimensions = array<i32: 0>} : vector<16xi32>
    %mul3A_6 = arith.constant 256 : i32
    %mul3A_7 = vector.broadcast %mul3A_6 : i32 to vector<16xi32>
    %mul3A_8 = arith.muli %iota3A, %mul3A_7 : vector<16xi32>
    %add3A_9 = arith.constant 4096 : i32
    %add3A_10 = vector.broadcast %add3A_9 : i32 to vector<16xi32>
    %add3A_11 = arith.addi %iota3A, %add3A_10 : vector<16xi32>
    %scan3A = arith.constant 0 : i32
    %scan3A_12 = arith.constant 0 : i32
    %scan3A_13 = arith.constant 256 : i32
    %scan3A_14 = arith.addi %scan3A_12, %scan3A_13 : i32
    %scan3A_15 = arith.constant 8 : i32
    scf.for %scan3A_29 = %scan3A_12 to %scan3A_14 step %scan3A_15  : i32 {
      %mul3A_30 = arith.constant 16 : i32
      %mul3A_31 = arith.muli %scan3A_29, %mul3A_30 : i32
      %swap3A = arith.index_cast %mul3A_31 : i32 to index
      %swap3A_32 = tpu.vector_load %arg6[%swap3A] {strides = array<i32>} : memref<4112xi32, #tpu.memory_space<vmem>>, vector<16xi32>,
      tpu.vector_store %arg6[%swap3A], %broadcast_in_dim3A_3 {strides = array<i32>} : memref<4112xi32, #tpu.memory_space<vmem>>, vector<16xi32>,
      %scan3A_33 = arith.constant 1 : i32
      %scan3A_34 = arith.addi %scan3A_29, %scan3A_33 : i32
      %mul3A_35 = arith.constant 16 : i32
      %mul3A_36 = arith.muli %scan3A_34, %mul3A_35 : i32
      %swap3A_37 = arith.index_cast %mul3A_36 : i32 to index
      %swap3A_38 = tpu.vector_load %arg6[%swap3A_37] {strides = array<i32>} : memref<4112xi32, #tpu.memory_space<vmem>>, vector<16xi32>,
      tpu.vector_store %arg6[%swap3A_37], %broadcast_in_dim3A_3 {strides = array<i32>} : memref<4112xi32, #tpu.memory_space<vmem>>, vector<16xi32>,
      %scan3A_39 = arith.constant 2 : i32
      %scan3A_40 = arith.addi %scan3A_29, %scan3A_39 : i32
      %mul3A_41 = arith.constant 16 : i32
      %mul3A_42 = arith.muli %scan3A_40, %mul3A_41 : i32
      %swap3A_43 = arith.index_cast %mul3A_42 : i32 to index
      %swap3A_44 = tpu.vector_load %arg6[%swap3A_43] {strides = array<i32>} : memref<4112xi32, #tpu.memory_space<vmem>>, vector<16xi32>,
      tpu.vector_store %arg6[%swap3A_43], %broadcast_in_dim3A_3 {strides = array<i32>} : memref<4112xi32, #tpu.memory_space<vmem>>, vector<16xi32>,
      %scan3A_45 = arith.constant 3 : i32
      %scan3A_46 = arith.addi %scan3A_29, %scan3A_45 : i32
      %mul3A_47 = arith.constant 16 : i32
      %mul3A_48 = arith.muli %scan3A_46, %mul3A_47 : i32
      %swap3A_49 = arith.index_cast %mul3A_48 : i32 to index
      %swap3A_50 = tpu.vector_load %arg6[%swap3A_49] {strides = array<i32>} : memref<4112xi32, #tpu.memory_space<vmem>>, vector<16xi32>,
      tpu.vector_store %arg6[%swap3A_49], %broadcast_in_dim3A_3 {strides = array<i32>} : memref<4112xi32, #tpu.memory_space<vmem>>, vector<16xi32>,
      %scan3A_51 = arith.constant 4 : i32
      %scan3A_52 = arith.addi %scan3A_29, %scan3A_51 : i32
      %mul3A_53 = arith.constant 16 : i32
      %mul3A_54 = arith.muli %scan3A_52, %mul3A_53 : i32
      %swap3A_55 = arith.index_cast %mul3A_54 : i32 to index
      %swap3A_56 = tpu.vector_load %arg6[%swap3A_55] {strides = array<i32>} : memref<4112xi32, #tpu.memory_space<vmem>>, vector<16xi32>,
      tpu.vector_store %arg6[%swap3A_55], %broadcast_in_dim3A_3 {strides = array<i32>} : memref<4112xi32, #tpu.memory_space<vmem>>, vector<16xi32>,
      %scan3A_57 = arith.constant 5 : i32
      %scan3A_58 = arith.addi %scan3A_29, %scan3A_57 : i32
      %mul3A_59 = arith.constant 16 : i32
      %mul3A_60 = arith.muli %scan3A_58, %mul3A_59 : i32
      %swap3A_61 = arith.index_cast %mul3A_60 : i32 to index
      %swap3A_62 = tpu.vector_load %arg6[%swap3A_61] {strides = array<i32>} : memref<4112xi32, #tpu.memory_space<vmem>>, vector<16xi32>,
      tpu.vector_store %arg6[%swap3A_61], %broadcast_in_dim3A_3 {strides = array<i32>} : memref<4112xi32, #tpu.memory_space<vmem>>, vector<16xi32>,
      %scan3A_63 = arith.constant 6 : i32
      %scan3A_64 = arith.addi %scan3A_29, %scan3A_63 : i32
      %mul3A_65 = arith.constant 16 : i32
      %mul3A_66 = arith.muli %scan3A_64, %mul3A_65 : i32
      %swap3A_67 = arith.index_cast %mul3A_66 : i32 to index
      %swap3A_68 = tpu.vector_load %arg6[%swap3A_67] {strides = array<i32>} : memref<4112xi32, #tpu.memory_space<vmem>>, vector<16xi32>,
      tpu.vector_store %arg6[%swap3A_67], %broadcast_in_dim3A_3 {strides = array<i32>} : memref<4112xi32, #tpu.memory_space<vmem>>, vector<16xi32>,
      %scan3A_69 = arith.constant 7 : i32
      %scan3A_70 = arith.addi %scan3A_29, %scan3A_69 : i32
      %mul3A_71 = arith.constant 16 : i32
      %mul3A_72 = arith.muli %scan3A_70, %mul3A_71 : i32
      %swap3A_73 = arith.index_cast %mul3A_72 : i32 to index
      %swap3A_74 = tpu.vector_load %arg6[%swap3A_73] {strides = array<i32>} : memref<4112xi32, #tpu.memory_space<vmem>>, vector<16xi32>,
      tpu.vector_store %arg6[%swap3A_73], %broadcast_in_dim3A_3 {strides = array<i32>} : memref<4112xi32, #tpu.memory_space<vmem>>, vector<16xi32>,
    }
    %scan3A_16 = arith.constant 256 : i32
    %scan3A_17 = arith.constant 0 : i32
    %scan3A_18 = arith.constant 0 : i32
    %scan3A_19 = arith.constant 16 : i32
    %scan3A_20 = arith.addi %scan3A_18, %scan3A_19 : i32
    %scan3A_21 = arith.constant 1 : i32
    scf.for %scan3A_29 = %scan3A_18 to %scan3A_20 step %scan3A_21  : i32 {
      %mul3A_30 = arith.constant 8192 : i32
      %mul3A_31 = arith.muli %scan3A_29, %mul3A_30 : i32
      %add3A_32 = arith.addi %mul3A_2, %mul3A_31 : i32
      "tpu.region"() ({
        %run_scoped3A = tpu.sem_alloc : memref<!tpu.dma_semaphore, #tpu.memory_space<semaphore_mem>>
        %dma_start3A = tpu.memref_slice %arg2[%add3A_32] : memref<4194304xi32, #tpu.memory_space<hbm>> -> memref<8192xi32, #tpu.memory_space<hbm>>
        %dma_start3A_42 = tpu.memref_slice %arg2[%add3A_32] : memref<4194304xi32, #tpu.memory_space<hbm>> -> memref<8192xi32, #tpu.memory_space<hbm>>
        tpu.enqueue_dma source(%dma_start3A_42 : memref<8192xi32, #tpu.memory_space<hbm>>) target(%arg5 : memref<8192xi32, #tpu.memory_space<vmem>>) target_semaphore(%run_scoped3A : memref<!tpu.dma_semaphore, #tpu.memory_space<semaphore_mem>>)
        %dma_wait3A = tpu.memref_slice %arg2[%add3A_32] : memref<4194304xi32, #tpu.memory_space<hbm>> -> memref<8192xi32, #tpu.memory_space<hbm>>
        %dma_wait3A_43 = tpu.memref_slice %arg2[%add3A_32] : memref<4194304xi32, #tpu.memory_space<hbm>> -> memref<8192xi32, #tpu.memory_space<hbm>>
        tpu.wait_dma2 semaphore(%run_scoped3A : memref<!tpu.dma_semaphore, #tpu.memory_space<semaphore_mem>>) src(%dma_wait3A_43 : memref<8192xi32, #tpu.memory_space<hbm>>) dst(%arg5 : memref<8192xi32, #tpu.memory_space<vmem>>)
        tpu.yield
      }) : () -> ()
      %mul3A_33 = arith.constant 8192 : i32
      %mul3A_34 = arith.muli %scan3A_29, %mul3A_33 : i32
      %add3A_35 = arith.addi %mul3A_2, %mul3A_34 : i32
      %scan3A_36 = arith.constant 0 : i32
      %scan3A_37 = arith.constant 0 : i32
      %scan3A_38 = arith.constant 512 : i32
      %scan3A_39 = arith.addi %scan3A_37, %scan3A_38 : i32
      %scan3A_40 = arith.constant 8 : i32
      scf.for %scan3A_42 = %scan3A_37 to %scan3A_39 step %scan3A_40  : i32 {
        %mul3A_43 = arith.constant 16 : i32
        %mul3A_44 = arith.muli %scan3A_42, %mul3A_43 : i32
        %get3A = arith.index_cast %mul3A_44 : i32 to index
        %get3A_45 = tpu.vector_load %arg5[%get3A] {strides = array<i32>} : memref<8192xi32, #tpu.memory_space<vmem>>, vector<16xi32>,
        %shift_right_arithmetic3A = arith.constant 31 : i32
        %shift_right_arithmetic3A_46 = vector.broadcast %shift_right_arithmetic3A : i32 to vector<16xi32>
        %shift_right_arithmetic3A_47 = arith.shrsi %get3A_45, %shift_right_arithmetic3A_46 : vector<16xi32>
        %or3A = arith.constant -2147483648 : i32
        %or3A_48 = vector.broadcast %or3A : i32 to vector<16xi32>
        %or3A_49 = arith.ori %shift_right_arithmetic3A_47, %or3A_48 : vector<16xi32>
        %xor3A = arith.xori %get3A_45, %or3A_49 : vector<16xi32>
        %mul3A_50 = arith.constant 16 : i32
        %mul3A_51 = arith.muli %scan3A_42, %mul3A_50 : i32
        %add3A_52 = arith.addi %add3A_35, %mul3A_51 : i32
        %iota3A_53 = tpu.iota {dimensions = array<i32: 0>} : vector<16xi32>
        %add3A_54 = vector.broadcast %add3A_52 : i32 to vector<16xi32>
        %add3A_55 = arith.addi %add3A_54, %iota3A_53 : vector<16xi32>
        %and3A = arith.constant 255 : i32
        %and3A_56 = vector.broadcast %and3A : i32 to vector<16xi32>
        %and3A_57 = arith.andi %xor3A, %and3A_56 : vector<16xi32>
        %shift_right_logical3A = arith.constant 8 : i32
        %shift_right_logical3A_58 = vector.broadcast %shift_right_logical3A : i32 to vector<16xi32>
        %shift_right_logical3A_59 = arith.shrui %xor3A, %shift_right_logical3A_58 : vector<16xi32>
        %get3A_60 = arith.constant 0 : index
        %get3A_61 = tpu.vector_load %arg8[%get3A_60] {strides = array<i32>} : memref<16xi32, #tpu.memory_space<vmem>>, vector<16xi32>,
        %eq3A = arith.cmpi eq, %shift_right_logical3A_59, %get3A_61 : vector<16xi32>
        %add3A_62 = arith.addi %mul3A_8, %and3A_57 : vector<16xi32>
        %select_n3A = arith.select %eq3A, %add3A_62, %add3A_11 : vector<16xi1>, vector<16xi32>
        tpu.vector_store_idx %arg6[%select_n3A], %broadcast_in_dim3A_5 {add = true} : memref<4112xi32, #tpu.memory_space<vmem>>[vector<16xi32>], vector<16xi32>,
        %scan3A_63 = arith.constant 1 : i32
        %scan3A_64 = arith.addi %scan3A_42, %scan3A_63 : i32
        %mul3A_65 = arith.constant 16 : i32
        %mul3A_66 = arith.muli %scan3A_64, %mul3A_65 : i32
        %get3A_67 = arith.index_cast %mul3A_66 : i32 to index
        %get3A_68 = tpu.vector_load %arg5[%get3A_67] {strides = array<i32>} : memref<8192xi32, #tpu.memory_space<vmem>>, vector<16xi32>,
        %shift_right_arithmetic3A_69 = arith.constant 31 : i32
        %shift_right_arithmetic3A_70 = vector.broadcast %shift_right_arithmetic3A_69 : i32 to vector<16xi32>
        %shift_right_arithmetic3A_71 = arith.shrsi %get3A_68, %shift_right_arithmetic3A_70 : vector<16xi32>
        %or3A_72 = arith.constant -2147483648 : i32
        %or3A_73 = vector.broadcast %or3A_72 : i32 to vector<16xi32>
        %or3A_74 = arith.ori %shift_right_arithmetic3A_71, %or3A_73 : vector<16xi32>
        %xor3A_75 = arith.xori %get3A_68, %or3A_74 : vector<16xi32>
        %mul3A_76 = arith.constant 16 : i32
        %mul3A_77 = arith.muli %scan3A_64, %mul3A_76 : i32
        %add3A_78 = arith.addi %add3A_35, %mul3A_77 : i32
        %iota3A_79 = tpu.iota {dimensions = array<i32: 0>} : vector<16xi32>
        %add3A_80 = vector.broadcast %add3A_78 : i32 to vector<16xi32>
        %add3A_81 = arith.addi %add3A_80, %iota3A_79 : vector<16xi32>
        %and3A_82 = arith.constant 255 : i32
        %and3A_83 = vector.broadcast %and3A_82 : i32 to vector<16xi32>
        %and3A_84 = arith.andi %xor3A_75, %and3A_83 : vector<16xi32>
        %shift_right_logical3A_85 = arith.constant 8 : i32
        %shift_right_logical3A_86 = vector.broadcast %shift_right_logical3A_85 : i32 to vector<16xi32>
        %shift_right_logical3A_87 = arith.shrui %xor3A_75, %shift_right_logical3A_86 : vector<16xi32>
        %get3A_88 = arith.constant 0 : index
        %get3A_89 = tpu.vector_load %arg8[%get3A_88] {strides = array<i32>} : memref<16xi32, #tpu.memory_space<vmem>>, vector<16xi32>,
        %eq3A_90 = arith.cmpi eq, %shift_right_logical3A_87, %get3A_89 : vector<16xi32>
        %add3A_91 = arith.addi %mul3A_8, %and3A_84 : vector<16xi32>
        %select_n3A_92 = arith.select %eq3A_90, %add3A_91, %add3A_11 : vector<16xi1>, vector<16xi32>
        tpu.vector_store_idx %arg6[%select_n3A_92], %broadcast_in_dim3A_5 {add = true} : memref<4112xi32, #tpu.memory_space<vmem>>[vector<16xi32>], vector<16xi32>,
        %scan3A_93 = arith.constant 2 : i32
        %scan3A_94 = arith.addi %scan3A_42, %scan3A_93 : i32
        %mul3A_95 = arith.constant 16 : i32
        %mul3A_96 = arith.muli %scan3A_94, %mul3A_95 : i32
        %get3A_97 = arith.index_cast %mul3A_96 : i32 to index
        %get3A_98 = tpu.vector_load %arg5[%get3A_97] {strides = array<i32>} : memref<8192xi32, #tpu.memory_space<vmem>>, vector<16xi32>,
        %shift_right_arithmetic3A_99 = arith.constant 31 : i32
        %shift_right_arithmetic3A_100 = vector.broadcast %shift_right_arithmetic3A_99 : i32 to vector<16xi32>
        %shift_right_arithmetic3A_101 = arith.shrsi %get3A_98, %shift_right_arithmetic3A_100 : vector<16xi32>
        %or3A_102 = arith.constant -2147483648 : i32
        %or3A_103 = vector.broadcast %or3A_102 : i32 to vector<16xi32>
        %or3A_104 = arith.ori %shift_right_arithmetic3A_101, %or3A_103 : vector<16xi32>
        %xor3A_105 = arith.xori %get3A_98, %or3A_104 : vector<16xi32>
        %mul3A_106 = arith.constant 16 : i32
        %mul3A_107 = arith.muli %scan3A_94, %mul3A_106 : i32
        %add3A_108 = arith.addi %add3A_35, %mul3A_107 : i32
        %iota3A_109 = tpu.iota {dimensions = array<i32: 0>} : vector<16xi32>
        %add3A_110 = vector.broadcast %add3A_108 : i32 to vector<16xi32>
        %add3A_111 = arith.addi %add3A_110, %iota3A_109 : vector<16xi32>
        %and3A_112 = arith.constant 255 : i32
        %and3A_113 = vector.broadcast %and3A_112 : i32 to vector<16xi32>
        %and3A_114 = arith.andi %xor3A_105, %and3A_113 : vector<16xi32>
        %shift_right_logical3A_115 = arith.constant 8 : i32
        %shift_right_logical3A_116 = vector.broadcast %shift_right_logical3A_115 : i32 to vector<16xi32>
        %shift_right_logical3A_117 = arith.shrui %xor3A_105, %shift_right_logical3A_116 : vector<16xi32>
        %get3A_118 = arith.constant 0 : index
        %get3A_119 = tpu.vector_load %arg8[%get3A_118] {strides = array<i32>} : memref<16xi32, #tpu.memory_space<vmem>>, vector<16xi32>,
        %eq3A_120 = arith.cmpi eq, %shift_right_logical3A_117, %get3A_119 : vector<16xi32>
        %add3A_121 = arith.addi %mul3A_8, %and3A_114 : vector<16xi32>
        %select_n3A_122 = arith.select %eq3A_120, %add3A_121, %add3A_11 : vector<16xi1>, vector<16xi32>
        tpu.vector_store_idx %arg6[%select_n3A_122], %broadcast_in_dim3A_5 {add = true} : memref<4112xi32, #tpu.memory_space<vmem>>[vector<16xi32>], vector<16xi32>,
        %scan3A_123 = arith.constant 3 : i32
        %scan3A_124 = arith.addi %scan3A_42, %scan3A_123 : i32
        %mul3A_125 = arith.constant 16 : i32
        %mul3A_126 = arith.muli %scan3A_124, %mul3A_125 : i32
        %get3A_127 = arith.index_cast %mul3A_126 : i32 to index
        %get3A_128 = tpu.vector_load %arg5[%get3A_127] {strides = array<i32>} : memref<8192xi32, #tpu.memory_space<vmem>>, vector<16xi32>,
        %shift_right_arithmetic3A_129 = arith.constant 31 : i32
        %shift_right_arithmetic3A_130 = vector.broadcast %shift_right_arithmetic3A_129 : i32 to vector<16xi32>
        %shift_right_arithmetic3A_131 = arith.shrsi %get3A_128, %shift_right_arithmetic3A_130 : vector<16xi32>
        %or3A_132 = arith.constant -2147483648 : i32
        %or3A_133 = vector.broadcast %or3A_132 : i32 to vector<16xi32>
        %or3A_134 = arith.ori %shift_right_arithmetic3A_131, %or3A_133 : vector<16xi32>
        %xor3A_135 = arith.xori %get3A_128, %or3A_134 : vector<16xi32>
        %mul3A_136 = arith.constant 16 : i32
        %mul3A_137 = arith.muli %scan3A_124, %mul3A_136 : i32
        %add3A_138 = arith.addi %add3A_35, %mul3A_137 : i32
        %iota3A_139 = tpu.iota {dimensions = array<i32: 0>} : vector<16xi32>
        %add3A_140 = vector.broadcast %add3A_138 : i32 to vector<16xi32>
        %add3A_141 = arith.addi %add3A_140, %iota3A_139 : vector<16xi32>
        %and3A_142 = arith.constant 255 : i32
        %and3A_143 = vector.broadcast %and3A_142 : i32 to vector<16xi32>
        %and3A_144 = arith.andi %xor3A_135, %and3A_143 : vector<16xi32>
        %shift_right_logical3A_145 = arith.constant 8 : i32
        %shift_right_logical3A_146 = vector.broadcast %shift_right_logical3A_145 : i32 to vector<16xi32>
        %shift_right_logical3A_147 = arith.shrui %xor3A_135, %shift_right_logical3A_146 : vector<16xi32>
        %get3A_148 = arith.constant 0 : index
        %get3A_149 = tpu.vector_load %arg8[%get3A_148] {strides = array<i32>} : memref<16xi32, #tpu.memory_space<vmem>>, vector<16xi32>,
        %eq3A_150 = arith.cmpi eq, %shift_right_logical3A_147, %get3A_149 : vector<16xi32>
        %add3A_151 = arith.addi %mul3A_8, %and3A_144 : vector<16xi32>
        %select_n3A_152 = arith.select %eq3A_150, %add3A_151, %add3A_11 : vector<16xi1>, vector<16xi32>
        tpu.vector_store_idx %arg6[%select_n3A_152], %broadcast_in_dim3A_5 {add = true} : memref<4112xi32, #tpu.memory_space<vmem>>[vector<16xi32>], vector<16xi32>,
        %scan3A_153 = arith.constant 4 : i32
        %scan3A_154 = arith.addi %scan3A_42, %scan3A_153 : i32
        %mul3A_155 = arith.constant 16 : i32
        %mul3A_156 = arith.muli %scan3A_154, %mul3A_155 : i32
        %get3A_157 = arith.index_cast %mul3A_156 : i32 to index
        %get3A_158 = tpu.vector_load %arg5[%get3A_157] {strides = array<i32>} : memref<8192xi32, #tpu.memory_space<vmem>>, vector<16xi32>,
        %shift_right_arithmetic3A_159 = arith.constant 31 : i32
        %shift_right_arithmetic3A_160 = vector.broadcast %shift_right_arithmetic3A_159 : i32 to vector<16xi32>
        %shift_right_arithmetic3A_161 = arith.shrsi %get3A_158, %shift_right_arithmetic3A_160 : vector<16xi32>
        %or3A_162 = arith.constant -2147483648 : i32
        %or3A_163 = vector.broadcast %or3A_162 : i32 to vector<16xi32>
        %or3A_164 = arith.ori %shift_right_arithmetic3A_161, %or3A_163 : vector<16xi32>
        %xor3A_165 = arith.xori %get3A_158, %or3A_164 : vector<16xi32>
        %mul3A_166 = arith.constant 16 : i32
        %mul3A_167 = arith.muli %scan3A_154, %mul3A_166 : i32
        %add3A_168 = arith.addi %add3A_35, %mul3A_167 : i32
        %iota3A_169 = tpu.iota {dimensions = array<i32: 0>} : vector<16xi32>
        %add3A_170 = vector.broadcast %add3A_168 : i32 to vector<16xi32>
        %add3A_171 = arith.addi %add3A_170, %iota3A_169 : vector<16xi32>
        %and3A_172 = arith.constant 255 : i32
        %and3A_173 = vector.broadcast %and3A_172 : i32 to vector<16xi32>
        %and3A_174 = arith.andi %xor3A_165, %and3A_173 : vector<16xi32>
        %shift_right_logical3A_175 = arith.constant 8 : i32
        %shift_right_logical3A_176 = vector.broadcast %shift_right_logical3A_175 : i32 to vector<16xi32>
        %shift_right_logical3A_177 = arith.shrui %xor3A_165, %shift_right_logical3A_176 : vector<16xi32>
        %get3A_178 = arith.constant 0 : index
        %get3A_179 = tpu.vector_load %arg8[%get3A_178] {strides = array<i32>} : memref<16xi32, #tpu.memory_space<vmem>>, vector<16xi32>,
        %eq3A_180 = arith.cmpi eq, %shift_right_logical3A_177, %get3A_179 : vector<16xi32>
        %add3A_181 = arith.addi %mul3A_8, %and3A_174 : vector<16xi32>
        %select_n3A_182 = arith.select %eq3A_180, %add3A_181, %add3A_11 : vector<16xi1>, vector<16xi32>
        tpu.vector_store_idx %arg6[%select_n3A_182], %broadcast_in_dim3A_5 {add = true} : memref<4112xi32, #tpu.memory_space<vmem>>[vector<16xi32>], vector<16xi32>,
        %scan3A_183 = arith.constant 5 : i32
        %scan3A_184 = arith.addi %scan3A_42, %scan3A_183 : i32
        %mul3A_185 = arith.constant 16 : i32
        %mul3A_186 = arith.muli %scan3A_184, %mul3A_185 : i32
        %get3A_187 = arith.index_cast %mul3A_186 : i32 to index
        %get3A_188 = tpu.vector_load %arg5[%get3A_187] {strides = array<i32>} : memref<8192xi32, #tpu.memory_space<vmem>>, vector<16xi32>,
        %shift_right_arithmetic3A_189 = arith.constant 31 : i32
        %shift_right_arithmetic3A_190 = vector.broadcast %shift_right_arithmetic3A_189 : i32 to vector<16xi32>
        %shift_right_arithmetic3A_191 = arith.shrsi %get3A_188, %shift_right_arithmetic3A_190 : vector<16xi32>
        %or3A_192 = arith.constant -2147483648 : i32
        %or3A_193 = vector.broadcast %or3A_192 : i32 to vector<16xi32>
        %or3A_194 = arith.ori %shift_right_arithmetic3A_191, %or3A_193 : vector<16xi32>
        %xor3A_195 = arith.xori %get3A_188, %or3A_194 : vector<16xi32>
        %mul3A_196 = arith.constant 16 : i32
        %mul3A_197 = arith.muli %scan3A_184, %mul3A_196 : i32
        %add3A_198 = arith.addi %add3A_35, %mul3A_197 : i32
        %iota3A_199 = tpu.iota {dimensions = array<i32: 0>} : vector<16xi32>
        %add3A_200 = vector.broadcast %add3A_198 : i32 to vector<16xi32>
        %add3A_201 = arith.addi %add3A_200, %iota3A_199 : vector<16xi32>
        %and3A_202 = arith.constant 255 : i32
        %and3A_203 = vector.broadcast %and3A_202 : i32 to vector<16xi32>
        %and3A_204 = arith.andi %xor3A_195, %and3A_203 : vector<16xi32>
        %shift_right_logical3A_205 = arith.constant 8 : i32
        %shift_right_logical3A_206 = vector.broadcast %shift_right_logical3A_205 : i32 to vector<16xi32>
        %shift_right_logical3A_207 = arith.shrui %xor3A_195, %shift_right_logical3A_206 : vector<16xi32>
        %get3A_208 = arith.constant 0 : index
        %get3A_209 = tpu.vector_load %arg8[%get3A_208] {strides = array<i32>} : memref<16xi32, #tpu.memory_space<vmem>>, vector<16xi32>,
        %eq3A_210 = arith.cmpi eq, %shift_right_logical3A_207, %get3A_209 : vector<16xi32>
        %add3A_211 = arith.addi %mul3A_8, %and3A_204 : vector<16xi32>
        %select_n3A_212 = arith.select %eq3A_210, %add3A_211, %add3A_11 : vector<16xi1>, vector<16xi32>
        tpu.vector_store_idx %arg6[%select_n3A_212], %broadcast_in_dim3A_5 {add = true} : memref<4112xi32, #tpu.memory_space<vmem>>[vector<16xi32>], vector<16xi32>,
        %scan3A_213 = arith.constant 6 : i32
        %scan3A_214 = arith.addi %scan3A_42, %scan3A_213 : i32
        %mul3A_215 = arith.constant 16 : i32
        %mul3A_216 = arith.muli %scan3A_214, %mul3A_215 : i32
        %get3A_217 = arith.index_cast %mul3A_216 : i32 to index
        %get3A_218 = tpu.vector_load %arg5[%get3A_217] {strides = array<i32>} : memref<8192xi32, #tpu.memory_space<vmem>>, vector<16xi32>,
        %shift_right_arithmetic3A_219 = arith.constant 31 : i32
        %shift_right_arithmetic3A_220 = vector.broadcast %shift_right_arithmetic3A_219 : i32 to vector<16xi32>
        %shift_right_arithmetic3A_221 = arith.shrsi %get3A_218, %shift_right_arithmetic3A_220 : vector<16xi32>
        %or3A_222 = arith.constant -2147483648 : i32
        %or3A_223 = vector.broadcast %or3A_222 : i32 to vector<16xi32>
        %or3A_224 = arith.ori %shift_right_arithmetic3A_221, %or3A_223 : vector<16xi32>
        %xor3A_225 = arith.xori %get3A_218, %or3A_224 : vector<16xi32>
        %mul3A_226 = arith.constant 16 : i32
        %mul3A_227 = arith.muli %scan3A_214, %mul3A_226 : i32
        %add3A_228 = arith.addi %add3A_35, %mul3A_227 : i32
        %iota3A_229 = tpu.iota {dimensions = array<i32: 0>} : vector<16xi32>
        %add3A_230 = vector.broadcast %add3A_228 : i32 to vector<16xi32>
        %add3A_231 = arith.addi %add3A_230, %iota3A_229 : vector<16xi32>
        %and3A_232 = arith.constant 255 : i32
        %and3A_233 = vector.broadcast %and3A_232 : i32 to vector<16xi32>
        %and3A_234 = arith.andi %xor3A_225, %and3A_233 : vector<16xi32>
        %shift_right_logical3A_235 = arith.constant 8 : i32
        %shift_right_logical3A_236 = vector.broadcast %shift_right_logical3A_235 : i32 to vector<16xi32>
        %shift_right_logical3A_237 = arith.shrui %xor3A_225, %shift_right_logical3A_236 : vector<16xi32>
        %get3A_238 = arith.constant 0 : index
        %get3A_239 = tpu.vector_load %arg8[%get3A_238] {strides = array<i32>} : memref<16xi32, #tpu.memory_space<vmem>>, vector<16xi32>,
        %eq3A_240 = arith.cmpi eq, %shift_right_logical3A_237, %get3A_239 : vector<16xi32>
        %add3A_241 = arith.addi %mul3A_8, %and3A_234 : vector<16xi32>
        %select_n3A_242 = arith.select %eq3A_240, %add3A_241, %add3A_11 : vector<16xi1>, vector<16xi32>
        tpu.vector_store_idx %arg6[%select_n3A_242], %broadcast_in_dim3A_5 {add = true} : memref<4112xi32, #tpu.memory_space<vmem>>[vector<16xi32>], vector<16xi32>,
        %scan3A_243 = arith.constant 7 : i32
        %scan3A_244 = arith.addi %scan3A_42, %scan3A_243 : i32
        %mul3A_245 = arith.constant 16 : i32
        %mul3A_246 = arith.muli %scan3A_244, %mul3A_245 : i32
        %get3A_247 = arith.index_cast %mul3A_246 : i32 to index
        %get3A_248 = tpu.vector_load %arg5[%get3A_247] {strides = array<i32>} : memref<8192xi32, #tpu.memory_space<vmem>>, vector<16xi32>,
        %shift_right_arithmetic3A_249 = arith.constant 31 : i32
        %shift_right_arithmetic3A_250 = vector.broadcast %shift_right_arithmetic3A_249 : i32 to vector<16xi32>
        %shift_right_arithmetic3A_251 = arith.shrsi %get3A_248, %shift_right_arithmetic3A_250 : vector<16xi32>
        %or3A_252 = arith.constant -2147483648 : i32
        %or3A_253 = vector.broadcast %or3A_252 : i32 to vector<16xi32>
        %or3A_254 = arith.ori %shift_right_arithmetic3A_251, %or3A_253 : vector<16xi32>
        %xor3A_255 = arith.xori %get3A_248, %or3A_254 : vector<16xi32>
        %mul3A_256 = arith.constant 16 : i32
        %mul3A_257 = arith.muli %scan3A_244, %mul3A_256 : i32
        %add3A_258 = arith.addi %add3A_35, %mul3A_257 : i32
        %iota3A_259 = tpu.iota {dimensions = array<i32: 0>} : vector<16xi32>
        %add3A_260 = vector.broadcast %add3A_258 : i32 to vector<16xi32>
        %add3A_261 = arith.addi %add3A_260, %iota3A_259 : vector<16xi32>
        %and3A_262 = arith.constant 255 : i32
        %and3A_263 = vector.broadcast %and3A_262 : i32 to vector<16xi32>
        %and3A_264 = arith.andi %xor3A_255, %and3A_263 : vector<16xi32>
        %shift_right_logical3A_265 = arith.constant 8 : i32
        %shift_right_logical3A_266 = vector.broadcast %shift_right_logical3A_265 : i32 to vector<16xi32>
        %shift_right_logical3A_267 = arith.shrui %xor3A_255, %shift_right_logical3A_266 : vector<16xi32>
        %get3A_268 = arith.constant 0 : index
        %get3A_269 = tpu.vector_load %arg8[%get3A_268] {strides = array<i32>} : memref<16xi32, #tpu.memory_space<vmem>>, vector<16xi32>,
        %eq3A_270 = arith.cmpi eq, %shift_right_logical3A_267, %get3A_269 : vector<16xi32>
        %add3A_271 = arith.addi %mul3A_8, %and3A_264 : vector<16xi32>
        %select_n3A_272 = arith.select %eq3A_270, %add3A_271, %add3A_11 : vector<16xi1>, vector<16xi32>
        tpu.vector_store_idx %arg6[%select_n3A_272], %broadcast_in_dim3A_5 {add = true} : memref<4112xi32, #tpu.memory_space<vmem>>[vector<16xi32>], vector<16xi32>,
      }
      %scan3A_41 = arith.constant 512 : i32
    }
    %scan3A_22 = arith.constant 16 : i32
    %scan3A_23 = arith.constant 0 : i32
    %scan3A_24 = arith.constant 0 : i32
    %scan3A_25 = arith.constant 16 : i32
    %scan3A_26 = arith.addi %scan3A_24, %scan3A_25 : i32
    %scan3A_27 = arith.constant 1 : i32
    scf.for %scan3A_29 = %scan3A_24 to %scan3A_26 step %scan3A_27  : i32 {
      %mul3A_30 = arith.constant 16 : i32
      %mul3A_31 = arith.muli %scan3A_29, %mul3A_30 : i32
      %add3A_32 = arith.constant 0 : i32
      %add3A_33 = arith.addi %add3A_32, %mul3A_31 : i32
      %get3A = arith.index_cast %add3A_33 : i32 to index
      %get3A_34 = tpu.vector_load %arg6[%get3A] {strides = array<i32>} : memref<4112xi32, #tpu.memory_space<vmem>>, vector<16xi32>,
      %add3A_35 = arith.addi %broadcast_in_dim3A_3, %get3A_34 : vector<16xi32>
      %mul3A_36 = arith.constant 16 : i32
      %mul3A_37 = arith.muli %scan3A_29, %mul3A_36 : i32
      %add3A_38 = arith.constant 256 : i32
      %add3A_39 = arith.addi %add3A_38, %mul3A_37 : i32
      %get3A_40 = arith.index_cast %add3A_39 : i32 to index
      %get3A_41 = tpu.vector_load %arg6[%get3A_40] {strides = array<i32>} : memref<4112xi32, #tpu.memory_space<vmem>>, vector<16xi32>,
      %add3A_42 = arith.addi %add3A_35, %get3A_41 : vector<16xi32>
      %mul3A_43 = arith.constant 16 : i32
      %mul3A_44 = arith.muli %scan3A_29, %mul3A_43 : i32
      %add3A_45 = arith.constant 512 : i32
      %add3A_46 = arith.addi %add3A_45, %mul3A_44 : i32
      %get3A_47 = arith.index_cast %add3A_46 : i32 to index
      %get3A_48 = tpu.vector_load %arg6[%get3A_47] {strides = array<i32>} : memref<4112xi32, #tpu.memory_space<vmem>>, vector<16xi32>,
      %add3A_49 = arith.addi %add3A_42, %get3A_48 : vector<16xi32>
      %mul3A_50 = arith.constant 16 : i32
      %mul3A_51 = arith.muli %scan3A_29, %mul3A_50 : i32
      %add3A_52 = arith.constant 768 : i32
      %add3A_53 = arith.addi %add3A_52, %mul3A_51 : i32
      %get3A_54 = arith.index_cast %add3A_53 : i32 to index
      %get3A_55 = tpu.vector_load %arg6[%get3A_54] {strides = array<i32>} : memref<4112xi32, #tpu.memory_space<vmem>>, vector<16xi32>,
      %add3A_56 = arith.addi %add3A_49, %get3A_55 : vector<16xi32>
      %mul3A_57 = arith.constant 16 : i32
      %mul3A_58 = arith.muli %scan3A_29, %mul3A_57 : i32
      %add3A_59 = arith.constant 1024 : i32
      %add3A_60 = arith.addi %add3A_59, %mul3A_58 : i32
      %get3A_61 = arith.index_cast %add3A_60 : i32 to index
      %get3A_62 = tpu.vector_load %arg6[%get3A_61] {strides = array<i32>} : memref<4112xi32, #tpu.memory_space<vmem>>, vector<16xi32>,
      %add3A_63 = arith.addi %add3A_56, %get3A_62 : vector<16xi32>
      %mul3A_64 = arith.constant 16 : i32
      %mul3A_65 = arith.muli %scan3A_29, %mul3A_64 : i32
      %add3A_66 = arith.constant 1280 : i32
      %add3A_67 = arith.addi %add3A_66, %mul3A_65 : i32
      %get3A_68 = arith.index_cast %add3A_67 : i32 to index
      %get3A_69 = tpu.vector_load %arg6[%get3A_68] {strides = array<i32>} : memref<4112xi32, #tpu.memory_space<vmem>>, vector<16xi32>,
      %add3A_70 = arith.addi %add3A_63, %get3A_69 : vector<16xi32>
      %mul3A_71 = arith.constant 16 : i32
      %mul3A_72 = arith.muli %scan3A_29, %mul3A_71 : i32
      %add3A_73 = arith.constant 1536 : i32
      %add3A_74 = arith.addi %add3A_73, %mul3A_72 : i32
      %get3A_75 = arith.index_cast %add3A_74 : i32 to index
      %get3A_76 = tpu.vector_load %arg6[%get3A_75] {strides = array<i32>} : memref<4112xi32, #tpu.memory_space<vmem>>, vector<16xi32>,
      %add3A_77 = arith.addi %add3A_70, %get3A_76 : vector<16xi32>
      %mul3A_78 = arith.constant 16 : i32
      %mul3A_79 = arith.muli %scan3A_29, %mul3A_78 : i32
      %add3A_80 = arith.constant 1792 : i32
      %add3A_81 = arith.addi %add3A_80, %mul3A_79 : i32
      %get3A_82 = arith.index_cast %add3A_81 : i32 to index
      %get3A_83 = tpu.vector_load %arg6[%get3A_82] {strides = array<i32>} : memref<4112xi32, #tpu.memory_space<vmem>>, vector<16xi32>,
      %add3A_84 = arith.addi %add3A_77, %get3A_83 : vector<16xi32>
      %mul3A_85 = arith.constant 16 : i32
      %mul3A_86 = arith.muli %scan3A_29, %mul3A_85 : i32
      %add3A_87 = arith.constant 2048 : i32
      %add3A_88 = arith.addi %add3A_87, %mul3A_86 : i32
      %get3A_89 = arith.index_cast %add3A_88 : i32 to index
      %get3A_90 = tpu.vector_load %arg6[%get3A_89] {strides = array<i32>} : memref<4112xi32, #tpu.memory_space<vmem>>, vector<16xi32>,
      %add3A_91 = arith.addi %add3A_84, %get3A_90 : vector<16xi32>
      %mul3A_92 = arith.constant 16 : i32
      %mul3A_93 = arith.muli %scan3A_29, %mul3A_92 : i32
      %add3A_94 = arith.constant 2304 : i32
      %add3A_95 = arith.addi %add3A_94, %mul3A_93 : i32
      %get3A_96 = arith.index_cast %add3A_95 : i32 to index
      %get3A_97 = tpu.vector_load %arg6[%get3A_96] {strides = array<i32>} : memref<4112xi32, #tpu.memory_space<vmem>>, vector<16xi32>,
      %add3A_98 = arith.addi %add3A_91, %get3A_97 : vector<16xi32>
      %mul3A_99 = arith.constant 16 : i32
      %mul3A_100 = arith.muli %scan3A_29, %mul3A_99 : i32
      %add3A_101 = arith.constant 2560 : i32
      %add3A_102 = arith.addi %add3A_101, %mul3A_100 : i32
      %get3A_103 = arith.index_cast %add3A_102 : i32 to index
      %get3A_104 = tpu.vector_load %arg6[%get3A_103] {strides = array<i32>} : memref<4112xi32, #tpu.memory_space<vmem>>, vector<16xi32>,
      %add3A_105 = arith.addi %add3A_98, %get3A_104 : vector<16xi32>
      %mul3A_106 = arith.constant 16 : i32
      %mul3A_107 = arith.muli %scan3A_29, %mul3A_106 : i32
      %add3A_108 = arith.constant 2816 : i32
      %add3A_109 = arith.addi %add3A_108, %mul3A_107 : i32
      %get3A_110 = arith.index_cast %add3A_109 : i32 to index
      %get3A_111 = tpu.vector_load %arg6[%get3A_110] {strides = array<i32>} : memref<4112xi32, #tpu.memory_space<vmem>>, vector<16xi32>,
      %add3A_112 = arith.addi %add3A_105, %get3A_111 : vector<16xi32>
      %mul3A_113 = arith.constant 16 : i32
      %mul3A_114 = arith.muli %scan3A_29, %mul3A_113 : i32
      %add3A_115 = arith.constant 3072 : i32
      %add3A_116 = arith.addi %add3A_115, %mul3A_114 : i32
      %get3A_117 = arith.index_cast %add3A_116 : i32 to index
      %get3A_118 = tpu.vector_load %arg6[%get3A_117] {strides = array<i32>} : memref<4112xi32, #tpu.memory_space<vmem>>, vector<16xi32>,
      %add3A_119 = arith.addi %add3A_112, %get3A_118 : vector<16xi32>
      %mul3A_120 = arith.constant 16 : i32
      %mul3A_121 = arith.muli %scan3A_29, %mul3A_120 : i32
      %add3A_122 = arith.constant 3328 : i32
      %add3A_123 = arith.addi %add3A_122, %mul3A_121 : i32
      %get3A_124 = arith.index_cast %add3A_123 : i32 to index
      %get3A_125 = tpu.vector_load %arg6[%get3A_124] {strides = array<i32>} : memref<4112xi32, #tpu.memory_space<vmem>>, vector<16xi32>,
      %add3A_126 = arith.addi %add3A_119, %get3A_125 : vector<16xi32>
      %mul3A_127 = arith.constant 16 : i32
      %mul3A_128 = arith.muli %scan3A_29, %mul3A_127 : i32
      %add3A_129 = arith.constant 3584 : i32
      %add3A_130 = arith.addi %add3A_129, %mul3A_128 : i32
      %get3A_131 = arith.index_cast %add3A_130 : i32 to index
      %get3A_132 = tpu.vector_load %arg6[%get3A_131] {strides = array<i32>} : memref<4112xi32, #tpu.memory_space<vmem>>, vector<16xi32>,
      %add3A_133 = arith.addi %add3A_126, %get3A_132 : vector<16xi32>
      %mul3A_134 = arith.constant 16 : i32
      %mul3A_135 = arith.muli %scan3A_29, %mul3A_134 : i32
      %add3A_136 = arith.constant 3840 : i32
      %add3A_137 = arith.addi %add3A_136, %mul3A_135 : i32
      %get3A_138 = arith.index_cast %add3A_137 : i32 to index
      %get3A_139 = tpu.vector_load %arg6[%get3A_138] {strides = array<i32>} : memref<4112xi32, #tpu.memory_space<vmem>>, vector<16xi32>,
      %add3A_140 = arith.addi %add3A_133, %get3A_139 : vector<16xi32>
      %mul3A_141 = arith.constant 16 : i32
      %mul3A_142 = arith.muli %scan3A_29, %mul3A_141 : i32
      %swap3A = arith.index_cast %mul3A_142 : i32 to index
      %swap3A_143 = tpu.vector_load %arg7[%swap3A] {strides = array<i32>} : memref<256xi32, #tpu.memory_space<vmem>>, vector<16xi32>,
      tpu.vector_store %arg7[%swap3A], %add3A_140 {strides = array<i32>} : memref<256xi32, #tpu.memory_space<vmem>>, vector<16xi32>,
    }
    %scan3A_28 = arith.constant 16 : i32
    "tpu.region"() ({
      %run_scoped3A = tpu.sem_alloc : memref<!tpu.dma_semaphore, #tpu.memory_space<semaphore_mem>>
      %dma_start3A = arith.constant 0 : i32
      %dma_start3A_29 = tpu.memref_slice %arg4[%add3A, %dma_start3A] : memref<32x256xi32, #tpu.memory_space<hbm>> -> memref<1x256xi32, #tpu.memory_space<hbm>>
      %dma_start3A_30 = tpu.memref_squeeze %dma_start3A_29 : memref<1x256xi32, #tpu.memory_space<hbm>> -> memref<256xi32, #tpu.memory_space<hbm>>
      %dma_start3A_31 = arith.constant 0 : i32
      %dma_start3A_32 = tpu.memref_slice %arg4[%add3A, %dma_start3A_31] : memref<32x256xi32, #tpu.memory_space<hbm>> -> memref<1x256xi32, #tpu.memory_space<hbm>>
      %dma_start3A_33 = tpu.memref_squeeze %dma_start3A_32 : memref<1x256xi32, #tpu.memory_space<hbm>> -> memref<256xi32, #tpu.memory_space<hbm>>
      tpu.enqueue_dma source(%arg7 : memref<256xi32, #tpu.memory_space<vmem>>) target(%dma_start3A_33 : memref<256xi32, #tpu.memory_space<hbm>>) target_semaphore(%run_scoped3A : memref<!tpu.dma_semaphore, #tpu.memory_space<semaphore_mem>>)
      %dma_wait3A = arith.constant 0 : i32
      %dma_wait3A_34 = tpu.memref_slice %arg4[%add3A, %dma_wait3A] : memref<32x256xi32, #tpu.memory_space<hbm>> -> memref<1x256xi32, #tpu.memory_space<hbm>>
      %dma_wait3A_35 = tpu.memref_squeeze %dma_wait3A_34 : memref<1x256xi32, #tpu.memory_space<hbm>> -> memref<256xi32, #tpu.memory_space<hbm>>
      %dma_wait3A_36 = arith.constant 0 : i32
      %dma_wait3A_37 = tpu.memref_slice %arg4[%add3A, %dma_wait3A_36] : memref<32x256xi32, #tpu.memory_space<hbm>> -> memref<1x256xi32, #tpu.memory_space<hbm>>
      %dma_wait3A_38 = tpu.memref_squeeze %dma_wait3A_37 : memref<1x256xi32, #tpu.memory_space<hbm>> -> memref<256xi32, #tpu.memory_space<hbm>>
      tpu.wait_dma2 semaphore(%run_scoped3A : memref<!tpu.dma_semaphore, #tpu.memory_space<semaphore_mem>>) src(%arg7 : memref<256xi32, #tpu.memory_space<vmem>>) dst(%dma_wait3A_38 : memref<256xi32, #tpu.memory_space<hbm>>)
      tpu.yield
    }) : () -> ()
    return
  }
}

module attributes {stable_mosaic.version = 14 : i64} {
  func.func @body(%arg0: memref<1xi32, #tpu.memory_space<smem>>, %arg1: memref<32x4096xi32, #tpu.memory_space<vmem>>, %arg2: memref<8x128xi32, #tpu.memory_space<vmem>>) attributes {dimension_semantics = [], scalar_prefetch = 0 : i64, scratch_operands = 0 : i64, tpu.core_type = #tpu.core_type<tc>} {
    %get3A = arith.constant 0 : index
    %get3A_0 = arith.constant 0 : index
    %get3A_1 = vector.load %arg1[%get3A, %get3A_0] : memref<32x4096xi32, #tpu.memory_space<vmem>>, vector<32x4096xi32>
    %reduce_sum3A = arith.constant dense<0> : vector<4096xi32>
    %reduce_sum3A_2 = vector.multi_reduction <add>, %get3A_1, %reduce_sum3A [0] : vector<32x4096xi32> to vector<4096xi32>
    %reshape3A = vector.shape_cast %reduce_sum3A_2 : vector<4096xi32> to vector<32x128xi32>
    %iota3A = tpu.iota {dimensions = array<i32: 0>} : vector<128x128xi32>
    %iota3A_3 = tpu.iota {dimensions = array<i32: 1>} : vector<128x128xi32>
    %le3A = arith.cmpi sle, %iota3A, %iota3A_3 : vector<128x128xi32>
    %convert_element_type3A = arith.extui %le3A : vector<128x128xi1> to vector<128x128xi32>
    %convert_element_type3A_4 = arith.sitofp %convert_element_type3A : vector<128x128xi32> to vector<128x128xf32>
    %iota3A_5 = tpu.iota {dimensions = array<i32: 0>} : vector<32x32xi32>
    %iota3A_6 = tpu.iota {dimensions = array<i32: 1>} : vector<32x32xi32>
    %gt3A = arith.cmpi sgt, %iota3A_5, %iota3A_6 : vector<32x32xi32>
    %convert_element_type3A_7 = arith.extui %gt3A : vector<32x32xi1> to vector<32x32xi32>
    %convert_element_type3A_8 = arith.sitofp %convert_element_type3A_7 : vector<32x32xi32> to vector<32x32xf32>
    %broadcast_in_dim3A = arith.constant 0 : i32
    %broadcast_in_dim3A_9 = vector.broadcast %broadcast_in_dim3A : i32 to vector<32x128xi32>
    %shift_right_arithmetic3A = arith.constant 0 : i32
    %shift_right_arithmetic3A_10 = vector.broadcast %shift_right_arithmetic3A : i32 to vector<32x128xi32>
    %shift_right_arithmetic3A_11 = arith.shrsi %reshape3A, %shift_right_arithmetic3A_10 : vector<32x128xi32>
    %and3A = arith.constant 255 : i32
    %and3A_12 = vector.broadcast %and3A : i32 to vector<32x128xi32>
    %and3A_13 = arith.andi %shift_right_arithmetic3A_11, %and3A_12 : vector<32x128xi32>
    %convert_element_type3A_14 = arith.sitofp %and3A_13 : vector<32x128xi32> to vector<32x128xf32>
    %dot_general3A = arith.constant dense<0.000000e+00> : vector<32x128xf32>
    %dot_general3A_15 = tpu.matmul %convert_element_type3A_14, %convert_element_type3A_4, %dot_general3A {dimension_numbers = #tpu.dot_dimension_numbers<[1], [0], [0], [1], [0, 0, 1, 1], [], []>, transpose_lhs_hint = false} : vector<32x128xf32>, vector<128x128xf32>, vector<32x128xf32> -> vector<32x128xf32>
    %slice3A = vector.extract_strided_slice %dot_general3A_15 {offsets = [0, 127], sizes = [32, 1], strides = [1, 1]} : vector<32x128xf32> to vector<32x1xf32>
    %convert_element_type3A_16 = arith.fptosi %slice3A : vector<32x1xf32> to vector<32x1xi32>
    %and3A_17 = arith.constant 255 : i32
    %and3A_18 = vector.broadcast %and3A_17 : i32 to vector<32x1xi32>
    %and3A_19 = arith.andi %convert_element_type3A_16, %and3A_18 : vector<32x1xi32>
    %convert_element_type3A_20 = arith.sitofp %and3A_19 : vector<32x1xi32> to vector<32x1xf32>
    %shift_right_arithmetic3A_21 = arith.constant 8 : i32
    %shift_right_arithmetic3A_22 = vector.broadcast %shift_right_arithmetic3A_21 : i32 to vector<32x1xi32>
    %shift_right_arithmetic3A_23 = arith.shrsi %convert_element_type3A_16, %shift_right_arithmetic3A_22 : vector<32x1xi32>
    %convert_element_type3A_24 = arith.sitofp %shift_right_arithmetic3A_23 : vector<32x1xi32> to vector<32x1xf32>
    %dot_general3A_25 = arith.constant dense<0.000000e+00> : vector<32x1xf32>
    %dot_general3A_26 = tpu.matmul %convert_element_type3A_8, %convert_element_type3A_20, %dot_general3A_25 {dimension_numbers = #tpu.dot_dimension_numbers<[1], [0], [0], [1], [0, 0, 1, 1], [], []>, transpose_lhs_hint = false} : vector<32x32xf32>, vector<32x1xf32>, vector<32x1xf32> -> vector<32x1xf32>
    %convert_element_type3A_27 = arith.fptosi %dot_general3A_26 : vector<32x1xf32> to vector<32x1xi32>
    %dot_general3A_28 = arith.constant dense<0.000000e+00> : vector<32x1xf32>
    %dot_general3A_29 = tpu.matmul %convert_element_type3A_8, %convert_element_type3A_24, %dot_general3A_28 {dimension_numbers = #tpu.dot_dimension_numbers<[1], [0], [0], [1], [0, 0, 1, 1], [], []>, transpose_lhs_hint = false} : vector<32x32xf32>, vector<32x1xf32>, vector<32x1xf32> -> vector<32x1xf32>
    %convert_element_type3A_30 = arith.fptosi %dot_general3A_29 : vector<32x1xf32> to vector<32x1xi32>
    %shift_left3A = arith.constant 8 : i32
    %shift_left3A_31 = vector.broadcast %shift_left3A : i32 to vector<32x1xi32>
    %shift_left3A_32 = arith.shli %convert_element_type3A_30, %shift_left3A_31 : vector<32x1xi32>
    %add3A = arith.addi %convert_element_type3A_27, %shift_left3A_32 : vector<32x1xi32>
    %convert_element_type3A_33 = arith.fptosi %dot_general3A_15 : vector<32x128xf32> to vector<32x128xi32>
    %add3A_34 = vector.broadcast %add3A : vector<32x1xi32> to vector<32x128xi32>
    %add3A_35 = arith.addi %convert_element_type3A_33, %add3A_34 : vector<32x128xi32>
    %shift_left3A_36 = arith.constant 0 : i32
    %shift_left3A_37 = vector.broadcast %shift_left3A_36 : i32 to vector<32x128xi32>
    %shift_left3A_38 = arith.shli %add3A_35, %shift_left3A_37 : vector<32x128xi32>
    %add3A_39 = arith.addi %broadcast_in_dim3A_9, %shift_left3A_38 : vector<32x128xi32>
    %shift_right_arithmetic3A_40 = arith.constant 8 : i32
    %shift_right_arithmetic3A_41 = vector.broadcast %shift_right_arithmetic3A_40 : i32 to vector<32x128xi32>
    %shift_right_arithmetic3A_42 = arith.shrsi %reshape3A, %shift_right_arithmetic3A_41 : vector<32x128xi32>
    %and3A_43 = arith.constant 255 : i32
    %and3A_44 = vector.broadcast %and3A_43 : i32 to vector<32x128xi32>
    %and3A_45 = arith.andi %shift_right_arithmetic3A_42, %and3A_44 : vector<32x128xi32>
    %convert_element_type3A_46 = arith.sitofp %and3A_45 : vector<32x128xi32> to vector<32x128xf32>
    %dot_general3A_47 = arith.constant dense<0.000000e+00> : vector<32x128xf32>
    %dot_general3A_48 = tpu.matmul %convert_element_type3A_46, %convert_element_type3A_4, %dot_general3A_47 {dimension_numbers = #tpu.dot_dimension_numbers<[1], [0], [0], [1], [0, 0, 1, 1], [], []>, transpose_lhs_hint = false} : vector<32x128xf32>, vector<128x128xf32>, vector<32x128xf32> -> vector<32x128xf32>
    %slice3A_49 = vector.extract_strided_slice %dot_general3A_48 {offsets = [0, 127], sizes = [32, 1], strides = [1, 1]} : vector<32x128xf32> to vector<32x1xf32>
    %convert_element_type3A_50 = arith.fptosi %slice3A_49 : vector<32x1xf32> to vector<32x1xi32>
    %and3A_51 = arith.constant 255 : i32
    %and3A_52 = vector.broadcast %and3A_51 : i32 to vector<32x1xi32>
    %and3A_53 = arith.andi %convert_element_type3A_50, %and3A_52 : vector<32x1xi32>
    %convert_element_type3A_54 = arith.sitofp %and3A_53 : vector<32x1xi32> to vector<32x1xf32>
    %shift_right_arithmetic3A_55 = arith.constant 8 : i32
    %shift_right_arithmetic3A_56 = vector.broadcast %shift_right_arithmetic3A_55 : i32 to vector<32x1xi32>
    %shift_right_arithmetic3A_57 = arith.shrsi %convert_element_type3A_50, %shift_right_arithmetic3A_56 : vector<32x1xi32>
    %convert_element_type3A_58 = arith.sitofp %shift_right_arithmetic3A_57 : vector<32x1xi32> to vector<32x1xf32>
    %dot_general3A_59 = arith.constant dense<0.000000e+00> : vector<32x1xf32>
    %dot_general3A_60 = tpu.matmul %convert_element_type3A_8, %convert_element_type3A_54, %dot_general3A_59 {dimension_numbers = #tpu.dot_dimension_numbers<[1], [0], [0], [1], [0, 0, 1, 1], [], []>, transpose_lhs_hint = false} : vector<32x32xf32>, vector<32x1xf32>, vector<32x1xf32> -> vector<32x1xf32>
    %convert_element_type3A_61 = arith.fptosi %dot_general3A_60 : vector<32x1xf32> to vector<32x1xi32>
    %dot_general3A_62 = arith.constant dense<0.000000e+00> : vector<32x1xf32>
    %dot_general3A_63 = tpu.matmul %convert_element_type3A_8, %convert_element_type3A_58, %dot_general3A_62 {dimension_numbers = #tpu.dot_dimension_numbers<[1], [0], [0], [1], [0, 0, 1, 1], [], []>, transpose_lhs_hint = false} : vector<32x32xf32>, vector<32x1xf32>, vector<32x1xf32> -> vector<32x1xf32>
    %convert_element_type3A_64 = arith.fptosi %dot_general3A_63 : vector<32x1xf32> to vector<32x1xi32>
    %shift_left3A_65 = arith.constant 8 : i32
    %shift_left3A_66 = vector.broadcast %shift_left3A_65 : i32 to vector<32x1xi32>
    %shift_left3A_67 = arith.shli %convert_element_type3A_64, %shift_left3A_66 : vector<32x1xi32>
    %add3A_68 = arith.addi %convert_element_type3A_61, %shift_left3A_67 : vector<32x1xi32>
    %convert_element_type3A_69 = arith.fptosi %dot_general3A_48 : vector<32x128xf32> to vector<32x128xi32>
    %add3A_70 = vector.broadcast %add3A_68 : vector<32x1xi32> to vector<32x128xi32>
    %add3A_71 = arith.addi %convert_element_type3A_69, %add3A_70 : vector<32x128xi32>
    %shift_left3A_72 = arith.constant 8 : i32
    %shift_left3A_73 = vector.broadcast %shift_left3A_72 : i32 to vector<32x128xi32>
    %shift_left3A_74 = arith.shli %add3A_71, %shift_left3A_73 : vector<32x128xi32>
    %add3A_75 = arith.addi %add3A_39, %shift_left3A_74 : vector<32x128xi32>
    %shift_right_arithmetic3A_76 = arith.constant 16 : i32
    %shift_right_arithmetic3A_77 = vector.broadcast %shift_right_arithmetic3A_76 : i32 to vector<32x128xi32>
    %shift_right_arithmetic3A_78 = arith.shrsi %reshape3A, %shift_right_arithmetic3A_77 : vector<32x128xi32>
    %and3A_79 = arith.constant 255 : i32
    %and3A_80 = vector.broadcast %and3A_79 : i32 to vector<32x128xi32>
    %and3A_81 = arith.andi %shift_right_arithmetic3A_78, %and3A_80 : vector<32x128xi32>
    %convert_element_type3A_82 = arith.sitofp %and3A_81 : vector<32x128xi32> to vector<32x128xf32>
    %dot_general3A_83 = arith.constant dense<0.000000e+00> : vector<32x128xf32>
    %dot_general3A_84 = tpu.matmul %convert_element_type3A_82, %convert_element_type3A_4, %dot_general3A_83 {dimension_numbers = #tpu.dot_dimension_numbers<[1], [0], [0], [1], [0, 0, 1, 1], [], []>, transpose_lhs_hint = false} : vector<32x128xf32>, vector<128x128xf32>, vector<32x128xf32> -> vector<32x128xf32>
    %slice3A_85 = vector.extract_strided_slice %dot_general3A_84 {offsets = [0, 127], sizes = [32, 1], strides = [1, 1]} : vector<32x128xf32> to vector<32x1xf32>
    %convert_element_type3A_86 = arith.fptosi %slice3A_85 : vector<32x1xf32> to vector<32x1xi32>
    %and3A_87 = arith.constant 255 : i32
    %and3A_88 = vector.broadcast %and3A_87 : i32 to vector<32x1xi32>
    %and3A_89 = arith.andi %convert_element_type3A_86, %and3A_88 : vector<32x1xi32>
    %convert_element_type3A_90 = arith.sitofp %and3A_89 : vector<32x1xi32> to vector<32x1xf32>
    %shift_right_arithmetic3A_91 = arith.constant 8 : i32
    %shift_right_arithmetic3A_92 = vector.broadcast %shift_right_arithmetic3A_91 : i32 to vector<32x1xi32>
    %shift_right_arithmetic3A_93 = arith.shrsi %convert_element_type3A_86, %shift_right_arithmetic3A_92 : vector<32x1xi32>
    %convert_element_type3A_94 = arith.sitofp %shift_right_arithmetic3A_93 : vector<32x1xi32> to vector<32x1xf32>
    %dot_general3A_95 = arith.constant dense<0.000000e+00> : vector<32x1xf32>
    %dot_general3A_96 = tpu.matmul %convert_element_type3A_8, %convert_element_type3A_90, %dot_general3A_95 {dimension_numbers = #tpu.dot_dimension_numbers<[1], [0], [0], [1], [0, 0, 1, 1], [], []>, transpose_lhs_hint = false} : vector<32x32xf32>, vector<32x1xf32>, vector<32x1xf32> -> vector<32x1xf32>
    %convert_element_type3A_97 = arith.fptosi %dot_general3A_96 : vector<32x1xf32> to vector<32x1xi32>
    %dot_general3A_98 = arith.constant dense<0.000000e+00> : vector<32x1xf32>
    %dot_general3A_99 = tpu.matmul %convert_element_type3A_8, %convert_element_type3A_94, %dot_general3A_98 {dimension_numbers = #tpu.dot_dimension_numbers<[1], [0], [0], [1], [0, 0, 1, 1], [], []>, transpose_lhs_hint = false} : vector<32x32xf32>, vector<32x1xf32>, vector<32x1xf32> -> vector<32x1xf32>
    %convert_element_type3A_100 = arith.fptosi %dot_general3A_99 : vector<32x1xf32> to vector<32x1xi32>
    %shift_left3A_101 = arith.constant 8 : i32
    %shift_left3A_102 = vector.broadcast %shift_left3A_101 : i32 to vector<32x1xi32>
    %shift_left3A_103 = arith.shli %convert_element_type3A_100, %shift_left3A_102 : vector<32x1xi32>
    %add3A_104 = arith.addi %convert_element_type3A_97, %shift_left3A_103 : vector<32x1xi32>
    %convert_element_type3A_105 = arith.fptosi %dot_general3A_84 : vector<32x128xf32> to vector<32x128xi32>
    %add3A_106 = vector.broadcast %add3A_104 : vector<32x1xi32> to vector<32x128xi32>
    %add3A_107 = arith.addi %convert_element_type3A_105, %add3A_106 : vector<32x128xi32>
    %shift_left3A_108 = arith.constant 16 : i32
    %shift_left3A_109 = vector.broadcast %shift_left3A_108 : i32 to vector<32x128xi32>
    %shift_left3A_110 = arith.shli %add3A_107, %shift_left3A_109 : vector<32x128xi32>
    %add3A_111 = arith.addi %add3A_75, %shift_left3A_110 : vector<32x128xi32>
    %slice3A_112 = vector.extract_strided_slice %add3A_111 {offsets = [31, 127], sizes = [1, 1], strides = [1, 1]} : vector<32x128xi32> to vector<1x1xi32>
    %squeeze3A = vector.extract %slice3A_112[0, 0] : i32 from vector<1x1xi32>
    %sub3A = vector.broadcast %squeeze3A : i32 to vector<32x128xi32>
    %sub3A_113 = arith.subi %sub3A, %add3A_111 : vector<32x128xi32>
    %get3A_114 = arith.constant 0 : index
    %get3A_115 = memref.load %arg0[%get3A_114] : memref<1xi32, #tpu.memory_space<smem>>
    %lt3A = vector.broadcast %get3A_115 : i32 to vector<32x128xi32>
    %lt3A_116 = arith.cmpi slt, %sub3A_113, %lt3A : vector<32x128xi32>
    %add3A_117 = arith.addi %sub3A_113, %reshape3A : vector<32x128xi32>
    %ge3A = vector.broadcast %get3A_115 : i32 to vector<32x128xi32>
    %ge3A_118 = arith.cmpi sge, %add3A_117, %ge3A : vector<32x128xi32>
    %and3A_119 = arith.andi %lt3A_116, %ge3A_118 : vector<32x128xi1>
    %iota3A_120 = tpu.iota {dimensions = array<i32: 0>} : vector<32x128xi32>
    %mul3A = arith.constant 128 : i32
    %mul3A_121 = vector.broadcast %mul3A : i32 to vector<32x128xi32>
    %mul3A_122 = arith.muli %iota3A_120, %mul3A_121 : vector<32x128xi32>
    %iota3A_123 = tpu.iota {dimensions = array<i32: 1>} : vector<32x128xi32>
    %add3A_124 = arith.addi %mul3A_122, %iota3A_123 : vector<32x128xi32>
    %broadcast_in_dim3A_125 = arith.constant 0 : i32
    %broadcast_in_dim3A_126 = vector.broadcast %broadcast_in_dim3A_125 : i32 to vector<32x128xi32>
    %select_n3A = arith.select %and3A_119, %add3A_124, %broadcast_in_dim3A_126 : vector<32x128xi1>, vector<32x128xi32>
    %reduce_sum3A_127 = vector.shape_cast %select_n3A : vector<32x128xi32> to vector<1x32x128xi32>
    %reduce_sum3A_128 = arith.constant dense<0> : vector<1xi32>
    %reduce_sum3A_129 = vector.multi_reduction <add>, %reduce_sum3A_127, %reduce_sum3A_128 [1, 2] : vector<1x32x128xi32> to vector<1xi32>
    %reduce_sum3A_130 = vector.shape_cast %reduce_sum3A_129 : vector<1xi32> to vector<1x1x1xi32>
    %reduce_sum3A_131 = vector.extract %reduce_sum3A_130[0, 0, 0] : i32 from vector<1x1x1xi32>
    %select_n3A_132 = arith.select %and3A_119, %sub3A_113, %broadcast_in_dim3A_126 : vector<32x128xi1>, vector<32x128xi32>
    %reduce_sum3A_133 = vector.shape_cast %select_n3A_132 : vector<32x128xi32> to vector<1x32x128xi32>
    %reduce_sum3A_134 = arith.constant dense<0> : vector<1xi32>
    %reduce_sum3A_135 = vector.multi_reduction <add>, %reduce_sum3A_133, %reduce_sum3A_134 [1, 2] : vector<1x32x128xi32> to vector<1xi32>
    %reduce_sum3A_136 = vector.shape_cast %reduce_sum3A_135 : vector<1xi32> to vector<1x1x1xi32>
    %reduce_sum3A_137 = vector.extract %reduce_sum3A_136[0, 0, 0] : i32 from vector<1x1x1xi32>
    %select_n3A_138 = arith.select %and3A_119, %reshape3A, %broadcast_in_dim3A_126 : vector<32x128xi1>, vector<32x128xi32>
    %reduce_sum3A_139 = vector.shape_cast %select_n3A_138 : vector<32x128xi32> to vector<1x32x128xi32>
    %reduce_sum3A_140 = arith.constant dense<0> : vector<1xi32>
    %reduce_sum3A_141 = vector.multi_reduction <add>, %reduce_sum3A_139, %reduce_sum3A_140 [1, 2] : vector<1x32x128xi32> to vector<1xi32>
    %reduce_sum3A_142 = vector.shape_cast %reduce_sum3A_141 : vector<1xi32> to vector<1x1x1xi32>
    %reduce_sum3A_143 = vector.extract %reduce_sum3A_142[0, 0, 0] : i32 from vector<1x1x1xi32>
    %iota3A_144 = tpu.iota {dimensions = array<i32: 0>} : vector<8x128xi32>
    %eq3A = arith.constant 0 : i32
    %eq3A_145 = vector.broadcast %eq3A : i32 to vector<8x128xi32>
    %eq3A_146 = arith.cmpi eq, %iota3A_144, %eq3A_145 : vector<8x128xi32>
    %eq3A_147 = arith.constant 1 : i32
    %eq3A_148 = vector.broadcast %eq3A_147 : i32 to vector<8x128xi32>
    %eq3A_149 = arith.cmpi eq, %iota3A_144, %eq3A_148 : vector<8x128xi32>
    %broadcast_in_dim3A_150 = vector.broadcast %reduce_sum3A_137 : i32 to vector<8x128xi32>
    %broadcast_in_dim3A_151 = vector.broadcast %reduce_sum3A_143 : i32 to vector<8x128xi32>
    %select_n3A_152 = arith.select %eq3A_149, %broadcast_in_dim3A_150, %broadcast_in_dim3A_151 : vector<8x128xi1>, vector<8x128xi32>
    %broadcast_in_dim3A_153 = vector.broadcast %reduce_sum3A_131 : i32 to vector<8x128xi32>
    %select_n3A_154 = arith.select %eq3A_146, %broadcast_in_dim3A_153, %select_n3A_152 : vector<8x128xi1>, vector<8x128xi32>
    %swap3A = arith.constant 0 : index
    %swap3A_155 = arith.constant 0 : index
    %swap3A_156 = vector.load %arg2[%swap3A, %swap3A_155] : memref<8x128xi32, #tpu.memory_space<vmem>>, vector<8x128xi32>
    tpu.vector_store %arg2[%swap3A, %swap3A_155], %select_n3A_154 {strides = array<i32>} : memref<8x128xi32, #tpu.memory_space<vmem>>, vector<8x128xi32>,
    return
  }
}

module attributes {stable_mosaic.version = 14 : i64} {
  func.func @body(%arg0: memref<1xi32, #tpu.memory_space<smem>>, %arg1: memref<32x256xi32, #tpu.memory_space<vmem>>, %arg2: memref<8x128xi32, #tpu.memory_space<vmem>>) attributes {dimension_semantics = [], scalar_prefetch = 0 : i64, scratch_operands = 0 : i64, tpu.core_type = #tpu.core_type<tc>} {
    %get3A = arith.constant 0 : index
    %get3A_0 = arith.constant 0 : index
    %get3A_1 = vector.load %arg1[%get3A, %get3A_0] : memref<32x256xi32, #tpu.memory_space<vmem>>, vector<32x256xi32>
    %reduce_sum3A = arith.constant dense<0> : vector<256xi32>
    %reduce_sum3A_2 = vector.multi_reduction <add>, %get3A_1, %reduce_sum3A [0] : vector<32x256xi32> to vector<256xi32>
    %reshape3A = vector.shape_cast %reduce_sum3A_2 : vector<256xi32> to vector<2x128xi32>
    %iota3A = tpu.iota {dimensions = array<i32: 0>} : vector<128x128xi32>
    %iota3A_3 = tpu.iota {dimensions = array<i32: 1>} : vector<128x128xi32>
    %le3A = arith.cmpi sle, %iota3A, %iota3A_3 : vector<128x128xi32>
    %convert_element_type3A = arith.extui %le3A : vector<128x128xi1> to vector<128x128xi32>
    %convert_element_type3A_4 = arith.sitofp %convert_element_type3A : vector<128x128xi32> to vector<128x128xf32>
    %iota3A_5 = tpu.iota {dimensions = array<i32: 0>} : vector<2x2xi32>
    %iota3A_6 = tpu.iota {dimensions = array<i32: 1>} : vector<2x2xi32>
    %gt3A = arith.cmpi sgt, %iota3A_5, %iota3A_6 : vector<2x2xi32>
    %convert_element_type3A_7 = arith.extui %gt3A : vector<2x2xi1> to vector<2x2xi32>
    %convert_element_type3A_8 = arith.sitofp %convert_element_type3A_7 : vector<2x2xi32> to vector<2x2xf32>
    %broadcast_in_dim3A = arith.constant 0 : i32
    %broadcast_in_dim3A_9 = vector.broadcast %broadcast_in_dim3A : i32 to vector<2x128xi32>
    %shift_right_arithmetic3A = arith.constant 0 : i32
    %shift_right_arithmetic3A_10 = vector.broadcast %shift_right_arithmetic3A : i32 to vector<2x128xi32>
    %shift_right_arithmetic3A_11 = arith.shrsi %reshape3A, %shift_right_arithmetic3A_10 : vector<2x128xi32>
    %and3A = arith.constant 255 : i32
    %and3A_12 = vector.broadcast %and3A : i32 to vector<2x128xi32>
    %and3A_13 = arith.andi %shift_right_arithmetic3A_11, %and3A_12 : vector<2x128xi32>
    %convert_element_type3A_14 = arith.sitofp %and3A_13 : vector<2x128xi32> to vector<2x128xf32>
    %dot_general3A = arith.constant dense<0.000000e+00> : vector<2x128xf32>
    %dot_general3A_15 = tpu.matmul %convert_element_type3A_14, %convert_element_type3A_4, %dot_general3A {dimension_numbers = #tpu.dot_dimension_numbers<[1], [0], [0], [1], [0, 0, 1, 1], [], []>, transpose_lhs_hint = false} : vector<2x128xf32>, vector<128x128xf32>, vector<2x128xf32> -> vector<2x128xf32>
    %slice3A = vector.extract_strided_slice %dot_general3A_15 {offsets = [0, 127], sizes = [2, 1], strides = [1, 1]} : vector<2x128xf32> to vector<2x1xf32>
    %convert_element_type3A_16 = arith.fptosi %slice3A : vector<2x1xf32> to vector<2x1xi32>
    %and3A_17 = arith.constant 255 : i32
    %and3A_18 = vector.broadcast %and3A_17 : i32 to vector<2x1xi32>
    %and3A_19 = arith.andi %convert_element_type3A_16, %and3A_18 : vector<2x1xi32>
    %convert_element_type3A_20 = arith.sitofp %and3A_19 : vector<2x1xi32> to vector<2x1xf32>
    %shift_right_arithmetic3A_21 = arith.constant 8 : i32
    %shift_right_arithmetic3A_22 = vector.broadcast %shift_right_arithmetic3A_21 : i32 to vector<2x1xi32>
    %shift_right_arithmetic3A_23 = arith.shrsi %convert_element_type3A_16, %shift_right_arithmetic3A_22 : vector<2x1xi32>
    %convert_element_type3A_24 = arith.sitofp %shift_right_arithmetic3A_23 : vector<2x1xi32> to vector<2x1xf32>
    %dot_general3A_25 = arith.constant dense<0.000000e+00> : vector<2x1xf32>
    %dot_general3A_26 = tpu.matmul %convert_element_type3A_8, %convert_element_type3A_20, %dot_general3A_25 {dimension_numbers = #tpu.dot_dimension_numbers<[1], [0], [0], [1], [0, 0, 1, 1], [], []>, transpose_lhs_hint = false} : vector<2x2xf32>, vector<2x1xf32>, vector<2x1xf32> -> vector<2x1xf32>
    %convert_element_type3A_27 = arith.fptosi %dot_general3A_26 : vector<2x1xf32> to vector<2x1xi32>
    %dot_general3A_28 = arith.constant dense<0.000000e+00> : vector<2x1xf32>
    %dot_general3A_29 = tpu.matmul %convert_element_type3A_8, %convert_element_type3A_24, %dot_general3A_28 {dimension_numbers = #tpu.dot_dimension_numbers<[1], [0], [0], [1], [0, 0, 1, 1], [], []>, transpose_lhs_hint = false} : vector<2x2xf32>, vector<2x1xf32>, vector<2x1xf32> -> vector<2x1xf32>
    %convert_element_type3A_30 = arith.fptosi %dot_general3A_29 : vector<2x1xf32> to vector<2x1xi32>
    %shift_left3A = arith.constant 8 : i32
    %shift_left3A_31 = vector.broadcast %shift_left3A : i32 to vector<2x1xi32>
    %shift_left3A_32 = arith.shli %convert_element_type3A_30, %shift_left3A_31 : vector<2x1xi32>
    %add3A = arith.addi %convert_element_type3A_27, %shift_left3A_32 : vector<2x1xi32>
    %convert_element_type3A_33 = arith.fptosi %dot_general3A_15 : vector<2x128xf32> to vector<2x128xi32>
    %add3A_34 = vector.broadcast %add3A : vector<2x1xi32> to vector<2x128xi32>
    %add3A_35 = arith.addi %convert_element_type3A_33, %add3A_34 : vector<2x128xi32>
    %shift_left3A_36 = arith.constant 0 : i32
    %shift_left3A_37 = vector.broadcast %shift_left3A_36 : i32 to vector<2x128xi32>
    %shift_left3A_38 = arith.shli %add3A_35, %shift_left3A_37 : vector<2x128xi32>
    %add3A_39 = arith.addi %broadcast_in_dim3A_9, %shift_left3A_38 : vector<2x128xi32>
    %shift_right_arithmetic3A_40 = arith.constant 8 : i32
    %shift_right_arithmetic3A_41 = vector.broadcast %shift_right_arithmetic3A_40 : i32 to vector<2x128xi32>
    %shift_right_arithmetic3A_42 = arith.shrsi %reshape3A, %shift_right_arithmetic3A_41 : vector<2x128xi32>
    %and3A_43 = arith.constant 255 : i32
    %and3A_44 = vector.broadcast %and3A_43 : i32 to vector<2x128xi32>
    %and3A_45 = arith.andi %shift_right_arithmetic3A_42, %and3A_44 : vector<2x128xi32>
    %convert_element_type3A_46 = arith.sitofp %and3A_45 : vector<2x128xi32> to vector<2x128xf32>
    %dot_general3A_47 = arith.constant dense<0.000000e+00> : vector<2x128xf32>
    %dot_general3A_48 = tpu.matmul %convert_element_type3A_46, %convert_element_type3A_4, %dot_general3A_47 {dimension_numbers = #tpu.dot_dimension_numbers<[1], [0], [0], [1], [0, 0, 1, 1], [], []>, transpose_lhs_hint = false} : vector<2x128xf32>, vector<128x128xf32>, vector<2x128xf32> -> vector<2x128xf32>
    %slice3A_49 = vector.extract_strided_slice %dot_general3A_48 {offsets = [0, 127], sizes = [2, 1], strides = [1, 1]} : vector<2x128xf32> to vector<2x1xf32>
    %convert_element_type3A_50 = arith.fptosi %slice3A_49 : vector<2x1xf32> to vector<2x1xi32>
    %and3A_51 = arith.constant 255 : i32
    %and3A_52 = vector.broadcast %and3A_51 : i32 to vector<2x1xi32>
    %and3A_53 = arith.andi %convert_element_type3A_50, %and3A_52 : vector<2x1xi32>
    %convert_element_type3A_54 = arith.sitofp %and3A_53 : vector<2x1xi32> to vector<2x1xf32>
    %shift_right_arithmetic3A_55 = arith.constant 8 : i32
    %shift_right_arithmetic3A_56 = vector.broadcast %shift_right_arithmetic3A_55 : i32 to vector<2x1xi32>
    %shift_right_arithmetic3A_57 = arith.shrsi %convert_element_type3A_50, %shift_right_arithmetic3A_56 : vector<2x1xi32>
    %convert_element_type3A_58 = arith.sitofp %shift_right_arithmetic3A_57 : vector<2x1xi32> to vector<2x1xf32>
    %dot_general3A_59 = arith.constant dense<0.000000e+00> : vector<2x1xf32>
    %dot_general3A_60 = tpu.matmul %convert_element_type3A_8, %convert_element_type3A_54, %dot_general3A_59 {dimension_numbers = #tpu.dot_dimension_numbers<[1], [0], [0], [1], [0, 0, 1, 1], [], []>, transpose_lhs_hint = false} : vector<2x2xf32>, vector<2x1xf32>, vector<2x1xf32> -> vector<2x1xf32>
    %convert_element_type3A_61 = arith.fptosi %dot_general3A_60 : vector<2x1xf32> to vector<2x1xi32>
    %dot_general3A_62 = arith.constant dense<0.000000e+00> : vector<2x1xf32>
    %dot_general3A_63 = tpu.matmul %convert_element_type3A_8, %convert_element_type3A_58, %dot_general3A_62 {dimension_numbers = #tpu.dot_dimension_numbers<[1], [0], [0], [1], [0, 0, 1, 1], [], []>, transpose_lhs_hint = false} : vector<2x2xf32>, vector<2x1xf32>, vector<2x1xf32> -> vector<2x1xf32>
    %convert_element_type3A_64 = arith.fptosi %dot_general3A_63 : vector<2x1xf32> to vector<2x1xi32>
    %shift_left3A_65 = arith.constant 8 : i32
    %shift_left3A_66 = vector.broadcast %shift_left3A_65 : i32 to vector<2x1xi32>
    %shift_left3A_67 = arith.shli %convert_element_type3A_64, %shift_left3A_66 : vector<2x1xi32>
    %add3A_68 = arith.addi %convert_element_type3A_61, %shift_left3A_67 : vector<2x1xi32>
    %convert_element_type3A_69 = arith.fptosi %dot_general3A_48 : vector<2x128xf32> to vector<2x128xi32>
    %add3A_70 = vector.broadcast %add3A_68 : vector<2x1xi32> to vector<2x128xi32>
    %add3A_71 = arith.addi %convert_element_type3A_69, %add3A_70 : vector<2x128xi32>
    %shift_left3A_72 = arith.constant 8 : i32
    %shift_left3A_73 = vector.broadcast %shift_left3A_72 : i32 to vector<2x128xi32>
    %shift_left3A_74 = arith.shli %add3A_71, %shift_left3A_73 : vector<2x128xi32>
    %add3A_75 = arith.addi %add3A_39, %shift_left3A_74 : vector<2x128xi32>
    %shift_right_arithmetic3A_76 = arith.constant 16 : i32
    %shift_right_arithmetic3A_77 = vector.broadcast %shift_right_arithmetic3A_76 : i32 to vector<2x128xi32>
    %shift_right_arithmetic3A_78 = arith.shrsi %reshape3A, %shift_right_arithmetic3A_77 : vector<2x128xi32>
    %and3A_79 = arith.constant 255 : i32
    %and3A_80 = vector.broadcast %and3A_79 : i32 to vector<2x128xi32>
    %and3A_81 = arith.andi %shift_right_arithmetic3A_78, %and3A_80 : vector<2x128xi32>
    %convert_element_type3A_82 = arith.sitofp %and3A_81 : vector<2x128xi32> to vector<2x128xf32>
    %dot_general3A_83 = arith.constant dense<0.000000e+00> : vector<2x128xf32>
    %dot_general3A_84 = tpu.matmul %convert_element_type3A_82, %convert_element_type3A_4, %dot_general3A_83 {dimension_numbers = #tpu.dot_dimension_numbers<[1], [0], [0], [1], [0, 0, 1, 1], [], []>, transpose_lhs_hint = false} : vector<2x128xf32>, vector<128x128xf32>, vector<2x128xf32> -> vector<2x128xf32>
    %slice3A_85 = vector.extract_strided_slice %dot_general3A_84 {offsets = [0, 127], sizes = [2, 1], strides = [1, 1]} : vector<2x128xf32> to vector<2x1xf32>
    %convert_element_type3A_86 = arith.fptosi %slice3A_85 : vector<2x1xf32> to vector<2x1xi32>
    %and3A_87 = arith.constant 255 : i32
    %and3A_88 = vector.broadcast %and3A_87 : i32 to vector<2x1xi32>
    %and3A_89 = arith.andi %convert_element_type3A_86, %and3A_88 : vector<2x1xi32>
    %convert_element_type3A_90 = arith.sitofp %and3A_89 : vector<2x1xi32> to vector<2x1xf32>
    %shift_right_arithmetic3A_91 = arith.constant 8 : i32
    %shift_right_arithmetic3A_92 = vector.broadcast %shift_right_arithmetic3A_91 : i32 to vector<2x1xi32>
    %shift_right_arithmetic3A_93 = arith.shrsi %convert_element_type3A_86, %shift_right_arithmetic3A_92 : vector<2x1xi32>
    %convert_element_type3A_94 = arith.sitofp %shift_right_arithmetic3A_93 : vector<2x1xi32> to vector<2x1xf32>
    %dot_general3A_95 = arith.constant dense<0.000000e+00> : vector<2x1xf32>
    %dot_general3A_96 = tpu.matmul %convert_element_type3A_8, %convert_element_type3A_90, %dot_general3A_95 {dimension_numbers = #tpu.dot_dimension_numbers<[1], [0], [0], [1], [0, 0, 1, 1], [], []>, transpose_lhs_hint = false} : vector<2x2xf32>, vector<2x1xf32>, vector<2x1xf32> -> vector<2x1xf32>
    %convert_element_type3A_97 = arith.fptosi %dot_general3A_96 : vector<2x1xf32> to vector<2x1xi32>
    %dot_general3A_98 = arith.constant dense<0.000000e+00> : vector<2x1xf32>
    %dot_general3A_99 = tpu.matmul %convert_element_type3A_8, %convert_element_type3A_94, %dot_general3A_98 {dimension_numbers = #tpu.dot_dimension_numbers<[1], [0], [0], [1], [0, 0, 1, 1], [], []>, transpose_lhs_hint = false} : vector<2x2xf32>, vector<2x1xf32>, vector<2x1xf32> -> vector<2x1xf32>
    %convert_element_type3A_100 = arith.fptosi %dot_general3A_99 : vector<2x1xf32> to vector<2x1xi32>
    %shift_left3A_101 = arith.constant 8 : i32
    %shift_left3A_102 = vector.broadcast %shift_left3A_101 : i32 to vector<2x1xi32>
    %shift_left3A_103 = arith.shli %convert_element_type3A_100, %shift_left3A_102 : vector<2x1xi32>
    %add3A_104 = arith.addi %convert_element_type3A_97, %shift_left3A_103 : vector<2x1xi32>
    %convert_element_type3A_105 = arith.fptosi %dot_general3A_84 : vector<2x128xf32> to vector<2x128xi32>
    %add3A_106 = vector.broadcast %add3A_104 : vector<2x1xi32> to vector<2x128xi32>
    %add3A_107 = arith.addi %convert_element_type3A_105, %add3A_106 : vector<2x128xi32>
    %shift_left3A_108 = arith.constant 16 : i32
    %shift_left3A_109 = vector.broadcast %shift_left3A_108 : i32 to vector<2x128xi32>
    %shift_left3A_110 = arith.shli %add3A_107, %shift_left3A_109 : vector<2x128xi32>
    %add3A_111 = arith.addi %add3A_75, %shift_left3A_110 : vector<2x128xi32>
    %slice3A_112 = vector.extract_strided_slice %add3A_111 {offsets = [1, 127], sizes = [1, 1], strides = [1, 1]} : vector<2x128xi32> to vector<1x1xi32>
    %squeeze3A = vector.extract %slice3A_112[0, 0] : i32 from vector<1x1xi32>
    %sub3A = vector.broadcast %squeeze3A : i32 to vector<2x128xi32>
    %sub3A_113 = arith.subi %sub3A, %add3A_111 : vector<2x128xi32>
    %get3A_114 = arith.constant 0 : index
    %get3A_115 = memref.load %arg0[%get3A_114] : memref<1xi32, #tpu.memory_space<smem>>
    %lt3A = vector.broadcast %get3A_115 : i32 to vector<2x128xi32>
    %lt3A_116 = arith.cmpi slt, %sub3A_113, %lt3A : vector<2x128xi32>
    %add3A_117 = arith.addi %sub3A_113, %reshape3A : vector<2x128xi32>
    %ge3A = vector.broadcast %get3A_115 : i32 to vector<2x128xi32>
    %ge3A_118 = arith.cmpi sge, %add3A_117, %ge3A : vector<2x128xi32>
    %and3A_119 = arith.andi %lt3A_116, %ge3A_118 : vector<2x128xi1>
    %iota3A_120 = tpu.iota {dimensions = array<i32: 0>} : vector<2x128xi32>
    %mul3A = arith.constant 128 : i32
    %mul3A_121 = vector.broadcast %mul3A : i32 to vector<2x128xi32>
    %mul3A_122 = arith.muli %iota3A_120, %mul3A_121 : vector<2x128xi32>
    %iota3A_123 = tpu.iota {dimensions = array<i32: 1>} : vector<2x128xi32>
    %add3A_124 = arith.addi %mul3A_122, %iota3A_123 : vector<2x128xi32>
    %broadcast_in_dim3A_125 = arith.constant 0 : i32
    %broadcast_in_dim3A_126 = vector.broadcast %broadcast_in_dim3A_125 : i32 to vector<2x128xi32>
    %select_n3A = arith.select %and3A_119, %add3A_124, %broadcast_in_dim3A_126 : vector<2x128xi1>, vector<2x128xi32>
    %reduce_sum3A_127 = vector.shape_cast %select_n3A : vector<2x128xi32> to vector<1x2x128xi32>
    %reduce_sum3A_128 = arith.constant dense<0> : vector<1xi32>
    %reduce_sum3A_129 = vector.multi_reduction <add>, %reduce_sum3A_127, %reduce_sum3A_128 [1, 2] : vector<1x2x128xi32> to vector<1xi32>
    %reduce_sum3A_130 = vector.shape_cast %reduce_sum3A_129 : vector<1xi32> to vector<1x1x1xi32>
    %reduce_sum3A_131 = vector.extract %reduce_sum3A_130[0, 0, 0] : i32 from vector<1x1x1xi32>
    %select_n3A_132 = arith.select %and3A_119, %sub3A_113, %broadcast_in_dim3A_126 : vector<2x128xi1>, vector<2x128xi32>
    %reduce_sum3A_133 = vector.shape_cast %select_n3A_132 : vector<2x128xi32> to vector<1x2x128xi32>
    %reduce_sum3A_134 = arith.constant dense<0> : vector<1xi32>
    %reduce_sum3A_135 = vector.multi_reduction <add>, %reduce_sum3A_133, %reduce_sum3A_134 [1, 2] : vector<1x2x128xi32> to vector<1xi32>
    %reduce_sum3A_136 = vector.shape_cast %reduce_sum3A_135 : vector<1xi32> to vector<1x1x1xi32>
    %reduce_sum3A_137 = vector.extract %reduce_sum3A_136[0, 0, 0] : i32 from vector<1x1x1xi32>
    %select_n3A_138 = arith.select %and3A_119, %reshape3A, %broadcast_in_dim3A_126 : vector<2x128xi1>, vector<2x128xi32>
    %reduce_sum3A_139 = vector.shape_cast %select_n3A_138 : vector<2x128xi32> to vector<1x2x128xi32>
    %reduce_sum3A_140 = arith.constant dense<0> : vector<1xi32>
    %reduce_sum3A_141 = vector.multi_reduction <add>, %reduce_sum3A_139, %reduce_sum3A_140 [1, 2] : vector<1x2x128xi32> to vector<1xi32>
    %reduce_sum3A_142 = vector.shape_cast %reduce_sum3A_141 : vector<1xi32> to vector<1x1x1xi32>
    %reduce_sum3A_143 = vector.extract %reduce_sum3A_142[0, 0, 0] : i32 from vector<1x1x1xi32>
    %iota3A_144 = tpu.iota {dimensions = array<i32: 0>} : vector<8x128xi32>
    %eq3A = arith.constant 0 : i32
    %eq3A_145 = vector.broadcast %eq3A : i32 to vector<8x128xi32>
    %eq3A_146 = arith.cmpi eq, %iota3A_144, %eq3A_145 : vector<8x128xi32>
    %eq3A_147 = arith.constant 1 : i32
    %eq3A_148 = vector.broadcast %eq3A_147 : i32 to vector<8x128xi32>
    %eq3A_149 = arith.cmpi eq, %iota3A_144, %eq3A_148 : vector<8x128xi32>
    %broadcast_in_dim3A_150 = vector.broadcast %reduce_sum3A_137 : i32 to vector<8x128xi32>
    %broadcast_in_dim3A_151 = vector.broadcast %reduce_sum3A_143 : i32 to vector<8x128xi32>
    %select_n3A_152 = arith.select %eq3A_149, %broadcast_in_dim3A_150, %broadcast_in_dim3A_151 : vector<8x128xi1>, vector<8x128xi32>
    %broadcast_in_dim3A_153 = vector.broadcast %reduce_sum3A_131 : i32 to vector<8x128xi32>
    %select_n3A_154 = arith.select %eq3A_146, %broadcast_in_dim3A_153, %select_n3A_152 : vector<8x128xi1>, vector<8x128xi32>
    %swap3A = arith.constant 0 : index
    %swap3A_155 = arith.constant 0 : index
    %swap3A_156 = vector.load %arg2[%swap3A, %swap3A_155] : memref<8x128xi32, #tpu.memory_space<vmem>>, vector<8x128xi32>
    tpu.vector_store %arg2[%swap3A, %swap3A_155], %select_n3A_154 {strides = array<i32>} : memref<8x128xi32, #tpu.memory_space<vmem>>, vector<8x128xi32>,
    return
  }
}

module attributes {stable_mosaic.version = 14 : i64} {
  func.func @body(%arg0: memref<1xi32, #tpu.memory_space<smem>>, %arg1: memref<32x2048xi32, #tpu.memory_space<vmem>>, %arg2: memref<8x128xi32, #tpu.memory_space<vmem>>) attributes {dimension_semantics = [], scalar_prefetch = 0 : i64, scratch_operands = 0 : i64, tpu.core_type = #tpu.core_type<tc>} {
    %get3A = arith.constant 0 : index
    %get3A_0 = arith.constant 0 : index
    %get3A_1 = vector.load %arg1[%get3A, %get3A_0] : memref<32x2048xi32, #tpu.memory_space<vmem>>, vector<32x2048xi32>
    %reduce_sum3A = arith.constant dense<0> : vector<2048xi32>
    %reduce_sum3A_2 = vector.multi_reduction <add>, %get3A_1, %reduce_sum3A [0] : vector<32x2048xi32> to vector<2048xi32>
    %reshape3A = vector.shape_cast %reduce_sum3A_2 : vector<2048xi32> to vector<16x128xi32>
    %iota3A = tpu.iota {dimensions = array<i32: 0>} : vector<128x128xi32>
    %iota3A_3 = tpu.iota {dimensions = array<i32: 1>} : vector<128x128xi32>
    %le3A = arith.cmpi sle, %iota3A, %iota3A_3 : vector<128x128xi32>
    %convert_element_type3A = arith.extui %le3A : vector<128x128xi1> to vector<128x128xi32>
    %convert_element_type3A_4 = arith.sitofp %convert_element_type3A : vector<128x128xi32> to vector<128x128xf32>
    %iota3A_5 = tpu.iota {dimensions = array<i32: 0>} : vector<16x16xi32>
    %iota3A_6 = tpu.iota {dimensions = array<i32: 1>} : vector<16x16xi32>
    %gt3A = arith.cmpi sgt, %iota3A_5, %iota3A_6 : vector<16x16xi32>
    %convert_element_type3A_7 = arith.extui %gt3A : vector<16x16xi1> to vector<16x16xi32>
    %convert_element_type3A_8 = arith.sitofp %convert_element_type3A_7 : vector<16x16xi32> to vector<16x16xf32>
    %broadcast_in_dim3A = arith.constant 0 : i32
    %broadcast_in_dim3A_9 = vector.broadcast %broadcast_in_dim3A : i32 to vector<16x128xi32>
    %shift_right_arithmetic3A = arith.constant 0 : i32
    %shift_right_arithmetic3A_10 = vector.broadcast %shift_right_arithmetic3A : i32 to vector<16x128xi32>
    %shift_right_arithmetic3A_11 = arith.shrsi %reshape3A, %shift_right_arithmetic3A_10 : vector<16x128xi32>
    %and3A = arith.constant 255 : i32
    %and3A_12 = vector.broadcast %and3A : i32 to vector<16x128xi32>
    %and3A_13 = arith.andi %shift_right_arithmetic3A_11, %and3A_12 : vector<16x128xi32>
    %convert_element_type3A_14 = arith.sitofp %and3A_13 : vector<16x128xi32> to vector<16x128xf32>
    %dot_general3A = arith.constant dense<0.000000e+00> : vector<16x128xf32>
    %dot_general3A_15 = tpu.matmul %convert_element_type3A_14, %convert_element_type3A_4, %dot_general3A {dimension_numbers = #tpu.dot_dimension_numbers<[1], [0], [0], [1], [0, 0, 1, 1], [], []>, transpose_lhs_hint = false} : vector<16x128xf32>, vector<128x128xf32>, vector<16x128xf32> -> vector<16x128xf32>
    %slice3A = vector.extract_strided_slice %dot_general3A_15 {offsets = [0, 127], sizes = [16, 1], strides = [1, 1]} : vector<16x128xf32> to vector<16x1xf32>
    %convert_element_type3A_16 = arith.fptosi %slice3A : vector<16x1xf32> to vector<16x1xi32>
    %and3A_17 = arith.constant 255 : i32
    %and3A_18 = vector.broadcast %and3A_17 : i32 to vector<16x1xi32>
    %and3A_19 = arith.andi %convert_element_type3A_16, %and3A_18 : vector<16x1xi32>
    %convert_element_type3A_20 = arith.sitofp %and3A_19 : vector<16x1xi32> to vector<16x1xf32>
    %shift_right_arithmetic3A_21 = arith.constant 8 : i32
    %shift_right_arithmetic3A_22 = vector.broadcast %shift_right_arithmetic3A_21 : i32 to vector<16x1xi32>
    %shift_right_arithmetic3A_23 = arith.shrsi %convert_element_type3A_16, %shift_right_arithmetic3A_22 : vector<16x1xi32>
    %convert_element_type3A_24 = arith.sitofp %shift_right_arithmetic3A_23 : vector<16x1xi32> to vector<16x1xf32>
    %dot_general3A_25 = arith.constant dense<0.000000e+00> : vector<16x1xf32>
    %dot_general3A_26 = tpu.matmul %convert_element_type3A_8, %convert_element_type3A_20, %dot_general3A_25 {dimension_numbers = #tpu.dot_dimension_numbers<[1], [0], [0], [1], [0, 0, 1, 1], [], []>, transpose_lhs_hint = false} : vector<16x16xf32>, vector<16x1xf32>, vector<16x1xf32> -> vector<16x1xf32>
    %convert_element_type3A_27 = arith.fptosi %dot_general3A_26 : vector<16x1xf32> to vector<16x1xi32>
    %dot_general3A_28 = arith.constant dense<0.000000e+00> : vector<16x1xf32>
    %dot_general3A_29 = tpu.matmul %convert_element_type3A_8, %convert_element_type3A_24, %dot_general3A_28 {dimension_numbers = #tpu.dot_dimension_numbers<[1], [0], [0], [1], [0, 0, 1, 1], [], []>, transpose_lhs_hint = false} : vector<16x16xf32>, vector<16x1xf32>, vector<16x1xf32> -> vector<16x1xf32>
    %convert_element_type3A_30 = arith.fptosi %dot_general3A_29 : vector<16x1xf32> to vector<16x1xi32>
    %shift_left3A = arith.constant 8 : i32
    %shift_left3A_31 = vector.broadcast %shift_left3A : i32 to vector<16x1xi32>
    %shift_left3A_32 = arith.shli %convert_element_type3A_30, %shift_left3A_31 : vector<16x1xi32>
    %add3A = arith.addi %convert_element_type3A_27, %shift_left3A_32 : vector<16x1xi32>
    %convert_element_type3A_33 = arith.fptosi %dot_general3A_15 : vector<16x128xf32> to vector<16x128xi32>
    %add3A_34 = vector.broadcast %add3A : vector<16x1xi32> to vector<16x128xi32>
    %add3A_35 = arith.addi %convert_element_type3A_33, %add3A_34 : vector<16x128xi32>
    %shift_left3A_36 = arith.constant 0 : i32
    %shift_left3A_37 = vector.broadcast %shift_left3A_36 : i32 to vector<16x128xi32>
    %shift_left3A_38 = arith.shli %add3A_35, %shift_left3A_37 : vector<16x128xi32>
    %add3A_39 = arith.addi %broadcast_in_dim3A_9, %shift_left3A_38 : vector<16x128xi32>
    %shift_right_arithmetic3A_40 = arith.constant 8 : i32
    %shift_right_arithmetic3A_41 = vector.broadcast %shift_right_arithmetic3A_40 : i32 to vector<16x128xi32>
    %shift_right_arithmetic3A_42 = arith.shrsi %reshape3A, %shift_right_arithmetic3A_41 : vector<16x128xi32>
    %and3A_43 = arith.constant 255 : i32
    %and3A_44 = vector.broadcast %and3A_43 : i32 to vector<16x128xi32>
    %and3A_45 = arith.andi %shift_right_arithmetic3A_42, %and3A_44 : vector<16x128xi32>
    %convert_element_type3A_46 = arith.sitofp %and3A_45 : vector<16x128xi32> to vector<16x128xf32>
    %dot_general3A_47 = arith.constant dense<0.000000e+00> : vector<16x128xf32>
    %dot_general3A_48 = tpu.matmul %convert_element_type3A_46, %convert_element_type3A_4, %dot_general3A_47 {dimension_numbers = #tpu.dot_dimension_numbers<[1], [0], [0], [1], [0, 0, 1, 1], [], []>, transpose_lhs_hint = false} : vector<16x128xf32>, vector<128x128xf32>, vector<16x128xf32> -> vector<16x128xf32>
    %slice3A_49 = vector.extract_strided_slice %dot_general3A_48 {offsets = [0, 127], sizes = [16, 1], strides = [1, 1]} : vector<16x128xf32> to vector<16x1xf32>
    %convert_element_type3A_50 = arith.fptosi %slice3A_49 : vector<16x1xf32> to vector<16x1xi32>
    %and3A_51 = arith.constant 255 : i32
    %and3A_52 = vector.broadcast %and3A_51 : i32 to vector<16x1xi32>
    %and3A_53 = arith.andi %convert_element_type3A_50, %and3A_52 : vector<16x1xi32>
    %convert_element_type3A_54 = arith.sitofp %and3A_53 : vector<16x1xi32> to vector<16x1xf32>
    %shift_right_arithmetic3A_55 = arith.constant 8 : i32
    %shift_right_arithmetic3A_56 = vector.broadcast %shift_right_arithmetic3A_55 : i32 to vector<16x1xi32>
    %shift_right_arithmetic3A_57 = arith.shrsi %convert_element_type3A_50, %shift_right_arithmetic3A_56 : vector<16x1xi32>
    %convert_element_type3A_58 = arith.sitofp %shift_right_arithmetic3A_57 : vector<16x1xi32> to vector<16x1xf32>
    %dot_general3A_59 = arith.constant dense<0.000000e+00> : vector<16x1xf32>
    %dot_general3A_60 = tpu.matmul %convert_element_type3A_8, %convert_element_type3A_54, %dot_general3A_59 {dimension_numbers = #tpu.dot_dimension_numbers<[1], [0], [0], [1], [0, 0, 1, 1], [], []>, transpose_lhs_hint = false} : vector<16x16xf32>, vector<16x1xf32>, vector<16x1xf32> -> vector<16x1xf32>
    %convert_element_type3A_61 = arith.fptosi %dot_general3A_60 : vector<16x1xf32> to vector<16x1xi32>
    %dot_general3A_62 = arith.constant dense<0.000000e+00> : vector<16x1xf32>
    %dot_general3A_63 = tpu.matmul %convert_element_type3A_8, %convert_element_type3A_58, %dot_general3A_62 {dimension_numbers = #tpu.dot_dimension_numbers<[1], [0], [0], [1], [0, 0, 1, 1], [], []>, transpose_lhs_hint = false} : vector<16x16xf32>, vector<16x1xf32>, vector<16x1xf32> -> vector<16x1xf32>
    %convert_element_type3A_64 = arith.fptosi %dot_general3A_63 : vector<16x1xf32> to vector<16x1xi32>
    %shift_left3A_65 = arith.constant 8 : i32
    %shift_left3A_66 = vector.broadcast %shift_left3A_65 : i32 to vector<16x1xi32>
    %shift_left3A_67 = arith.shli %convert_element_type3A_64, %shift_left3A_66 : vector<16x1xi32>
    %add3A_68 = arith.addi %convert_element_type3A_61, %shift_left3A_67 : vector<16x1xi32>
    %convert_element_type3A_69 = arith.fptosi %dot_general3A_48 : vector<16x128xf32> to vector<16x128xi32>
    %add3A_70 = vector.broadcast %add3A_68 : vector<16x1xi32> to vector<16x128xi32>
    %add3A_71 = arith.addi %convert_element_type3A_69, %add3A_70 : vector<16x128xi32>
    %shift_left3A_72 = arith.constant 8 : i32
    %shift_left3A_73 = vector.broadcast %shift_left3A_72 : i32 to vector<16x128xi32>
    %shift_left3A_74 = arith.shli %add3A_71, %shift_left3A_73 : vector<16x128xi32>
    %add3A_75 = arith.addi %add3A_39, %shift_left3A_74 : vector<16x128xi32>
    %shift_right_arithmetic3A_76 = arith.constant 16 : i32
    %shift_right_arithmetic3A_77 = vector.broadcast %shift_right_arithmetic3A_76 : i32 to vector<16x128xi32>
    %shift_right_arithmetic3A_78 = arith.shrsi %reshape3A, %shift_right_arithmetic3A_77 : vector<16x128xi32>
    %and3A_79 = arith.constant 255 : i32
    %and3A_80 = vector.broadcast %and3A_79 : i32 to vector<16x128xi32>
    %and3A_81 = arith.andi %shift_right_arithmetic3A_78, %and3A_80 : vector<16x128xi32>
    %convert_element_type3A_82 = arith.sitofp %and3A_81 : vector<16x128xi32> to vector<16x128xf32>
    %dot_general3A_83 = arith.constant dense<0.000000e+00> : vector<16x128xf32>
    %dot_general3A_84 = tpu.matmul %convert_element_type3A_82, %convert_element_type3A_4, %dot_general3A_83 {dimension_numbers = #tpu.dot_dimension_numbers<[1], [0], [0], [1], [0, 0, 1, 1], [], []>, transpose_lhs_hint = false} : vector<16x128xf32>, vector<128x128xf32>, vector<16x128xf32> -> vector<16x128xf32>
    %slice3A_85 = vector.extract_strided_slice %dot_general3A_84 {offsets = [0, 127], sizes = [16, 1], strides = [1, 1]} : vector<16x128xf32> to vector<16x1xf32>
    %convert_element_type3A_86 = arith.fptosi %slice3A_85 : vector<16x1xf32> to vector<16x1xi32>
    %and3A_87 = arith.constant 255 : i32
    %and3A_88 = vector.broadcast %and3A_87 : i32 to vector<16x1xi32>
    %and3A_89 = arith.andi %convert_element_type3A_86, %and3A_88 : vector<16x1xi32>
    %convert_element_type3A_90 = arith.sitofp %and3A_89 : vector<16x1xi32> to vector<16x1xf32>
    %shift_right_arithmetic3A_91 = arith.constant 8 : i32
    %shift_right_arithmetic3A_92 = vector.broadcast %shift_right_arithmetic3A_91 : i32 to vector<16x1xi32>
    %shift_right_arithmetic3A_93 = arith.shrsi %convert_element_type3A_86, %shift_right_arithmetic3A_92 : vector<16x1xi32>
    %convert_element_type3A_94 = arith.sitofp %shift_right_arithmetic3A_93 : vector<16x1xi32> to vector<16x1xf32>
    %dot_general3A_95 = arith.constant dense<0.000000e+00> : vector<16x1xf32>
    %dot_general3A_96 = tpu.matmul %convert_element_type3A_8, %convert_element_type3A_90, %dot_general3A_95 {dimension_numbers = #tpu.dot_dimension_numbers<[1], [0], [0], [1], [0, 0, 1, 1], [], []>, transpose_lhs_hint = false} : vector<16x16xf32>, vector<16x1xf32>, vector<16x1xf32> -> vector<16x1xf32>
    %convert_element_type3A_97 = arith.fptosi %dot_general3A_96 : vector<16x1xf32> to vector<16x1xi32>
    %dot_general3A_98 = arith.constant dense<0.000000e+00> : vector<16x1xf32>
    %dot_general3A_99 = tpu.matmul %convert_element_type3A_8, %convert_element_type3A_94, %dot_general3A_98 {dimension_numbers = #tpu.dot_dimension_numbers<[1], [0], [0], [1], [0, 0, 1, 1], [], []>, transpose_lhs_hint = false} : vector<16x16xf32>, vector<16x1xf32>, vector<16x1xf32> -> vector<16x1xf32>
    %convert_element_type3A_100 = arith.fptosi %dot_general3A_99 : vector<16x1xf32> to vector<16x1xi32>
    %shift_left3A_101 = arith.constant 8 : i32
    %shift_left3A_102 = vector.broadcast %shift_left3A_101 : i32 to vector<16x1xi32>
    %shift_left3A_103 = arith.shli %convert_element_type3A_100, %shift_left3A_102 : vector<16x1xi32>
    %add3A_104 = arith.addi %convert_element_type3A_97, %shift_left3A_103 : vector<16x1xi32>
    %convert_element_type3A_105 = arith.fptosi %dot_general3A_84 : vector<16x128xf32> to vector<16x128xi32>
    %add3A_106 = vector.broadcast %add3A_104 : vector<16x1xi32> to vector<16x128xi32>
    %add3A_107 = arith.addi %convert_element_type3A_105, %add3A_106 : vector<16x128xi32>
    %shift_left3A_108 = arith.constant 16 : i32
    %shift_left3A_109 = vector.broadcast %shift_left3A_108 : i32 to vector<16x128xi32>
    %shift_left3A_110 = arith.shli %add3A_107, %shift_left3A_109 : vector<16x128xi32>
    %add3A_111 = arith.addi %add3A_75, %shift_left3A_110 : vector<16x128xi32>
    %sub3A = arith.subi %add3A_111, %reshape3A : vector<16x128xi32>
    %get3A_112 = arith.constant 0 : index
    %get3A_113 = memref.load %arg0[%get3A_112] : memref<1xi32, #tpu.memory_space<smem>>
    %lt3A = vector.broadcast %get3A_113 : i32 to vector<16x128xi32>
    %lt3A_114 = arith.cmpi slt, %sub3A, %lt3A : vector<16x128xi32>
    %add3A_115 = arith.addi %sub3A, %reshape3A : vector<16x128xi32>
    %ge3A = vector.broadcast %get3A_113 : i32 to vector<16x128xi32>
    %ge3A_116 = arith.cmpi sge, %add3A_115, %ge3A : vector<16x128xi32>
    %and3A_117 = arith.andi %lt3A_114, %ge3A_116 : vector<16x128xi1>
    %iota3A_118 = tpu.iota {dimensions = array<i32: 0>} : vector<16x128xi32>
    %mul3A = arith.constant 128 : i32
    %mul3A_119 = vector.broadcast %mul3A : i32 to vector<16x128xi32>
    %mul3A_120 = arith.muli %iota3A_118, %mul3A_119 : vector<16x128xi32>
    %iota3A_121 = tpu.iota {dimensions = array<i32: 1>} : vector<16x128xi32>
    %add3A_122 = arith.addi %mul3A_120, %iota3A_121 : vector<16x128xi32>
    %broadcast_in_dim3A_123 = arith.constant 0 : i32
    %broadcast_in_dim3A_124 = vector.broadcast %broadcast_in_dim3A_123 : i32 to vector<16x128xi32>
    %select_n3A = arith.select %and3A_117, %add3A_122, %broadcast_in_dim3A_124 : vector<16x128xi1>, vector<16x128xi32>
    %reduce_sum3A_125 = vector.shape_cast %select_n3A : vector<16x128xi32> to vector<1x16x128xi32>
    %reduce_sum3A_126 = arith.constant dense<0> : vector<1xi32>
    %reduce_sum3A_127 = vector.multi_reduction <add>, %reduce_sum3A_125, %reduce_sum3A_126 [1, 2] : vector<1x16x128xi32> to vector<1xi32>
    %reduce_sum3A_128 = vector.shape_cast %reduce_sum3A_127 : vector<1xi32> to vector<1x1x1xi32>
    %reduce_sum3A_129 = vector.extract %reduce_sum3A_128[0, 0, 0] : i32 from vector<1x1x1xi32>
    %select_n3A_130 = arith.select %and3A_117, %sub3A, %broadcast_in_dim3A_124 : vector<16x128xi1>, vector<16x128xi32>
    %reduce_sum3A_131 = vector.shape_cast %select_n3A_130 : vector<16x128xi32> to vector<1x16x128xi32>
    %reduce_sum3A_132 = arith.constant dense<0> : vector<1xi32>
    %reduce_sum3A_133 = vector.multi_reduction <add>, %reduce_sum3A_131, %reduce_sum3A_132 [1, 2] : vector<1x16x128xi32> to vector<1xi32>
    %reduce_sum3A_134 = vector.shape_cast %reduce_sum3A_133 : vector<1xi32> to vector<1x1x1xi32>
    %reduce_sum3A_135 = vector.extract %reduce_sum3A_134[0, 0, 0] : i32 from vector<1x1x1xi32>
    %select_n3A_136 = arith.select %and3A_117, %reshape3A, %broadcast_in_dim3A_124 : vector<16x128xi1>, vector<16x128xi32>
    %reduce_sum3A_137 = vector.shape_cast %select_n3A_136 : vector<16x128xi32> to vector<1x16x128xi32>
    %reduce_sum3A_138 = arith.constant dense<0> : vector<1xi32>
    %reduce_sum3A_139 = vector.multi_reduction <add>, %reduce_sum3A_137, %reduce_sum3A_138 [1, 2] : vector<1x16x128xi32> to vector<1xi32>
    %reduce_sum3A_140 = vector.shape_cast %reduce_sum3A_139 : vector<1xi32> to vector<1x1x1xi32>
    %reduce_sum3A_141 = vector.extract %reduce_sum3A_140[0, 0, 0] : i32 from vector<1x1x1xi32>
    %iota3A_142 = tpu.iota {dimensions = array<i32: 0>} : vector<8x128xi32>
    %eq3A = arith.constant 0 : i32
    %eq3A_143 = vector.broadcast %eq3A : i32 to vector<8x128xi32>
    %eq3A_144 = arith.cmpi eq, %iota3A_142, %eq3A_143 : vector<8x128xi32>
    %eq3A_145 = arith.constant 1 : i32
    %eq3A_146 = vector.broadcast %eq3A_145 : i32 to vector<8x128xi32>
    %eq3A_147 = arith.cmpi eq, %iota3A_142, %eq3A_146 : vector<8x128xi32>
    %broadcast_in_dim3A_148 = vector.broadcast %reduce_sum3A_135 : i32 to vector<8x128xi32>
    %broadcast_in_dim3A_149 = vector.broadcast %reduce_sum3A_141 : i32 to vector<8x128xi32>
    %select_n3A_150 = arith.select %eq3A_147, %broadcast_in_dim3A_148, %broadcast_in_dim3A_149 : vector<8x128xi1>, vector<8x128xi32>
    %broadcast_in_dim3A_151 = vector.broadcast %reduce_sum3A_129 : i32 to vector<8x128xi32>
    %select_n3A_152 = arith.select %eq3A_144, %broadcast_in_dim3A_151, %select_n3A_150 : vector<8x128xi1>, vector<8x128xi32>
    %swap3A = arith.constant 0 : index
    %swap3A_153 = arith.constant 0 : index
    %swap3A_154 = vector.load %arg2[%swap3A, %swap3A_153] : memref<8x128xi32, #tpu.memory_space<vmem>>, vector<8x128xi32>
    tpu.vector_store %arg2[%swap3A, %swap3A_153], %select_n3A_152 {strides = array<i32>} : memref<8x128xi32, #tpu.memory_space<vmem>>, vector<8x128xi32>,
    return
  }
}

module attributes {stable_mosaic.version = 14 : i64} {
  func.func @body(%arg0: memref<1xi32, #tpu.memory_space<smem>>, %arg1: memref<32x2048xi32, #tpu.memory_space<vmem>>, %arg2: memref<8x128xi32, #tpu.memory_space<vmem>>) attributes {dimension_semantics = [], scalar_prefetch = 0 : i64, scratch_operands = 0 : i64, tpu.core_type = #tpu.core_type<tc>} {
    %get3A = arith.constant 0 : index
    %get3A_0 = arith.constant 0 : index
    %get3A_1 = vector.load %arg1[%get3A, %get3A_0] : memref<32x2048xi32, #tpu.memory_space<vmem>>, vector<32x2048xi32>
    %reduce_sum3A = arith.constant dense<0> : vector<2048xi32>
    %reduce_sum3A_2 = vector.multi_reduction <add>, %get3A_1, %reduce_sum3A [0] : vector<32x2048xi32> to vector<2048xi32>
    %reshape3A = vector.shape_cast %reduce_sum3A_2 : vector<2048xi32> to vector<16x128xi32>
    %iota3A = tpu.iota {dimensions = array<i32: 0>} : vector<128x128xi32>
    %iota3A_3 = tpu.iota {dimensions = array<i32: 1>} : vector<128x128xi32>
    %le3A = arith.cmpi sle, %iota3A, %iota3A_3 : vector<128x128xi32>
    %convert_element_type3A = arith.extui %le3A : vector<128x128xi1> to vector<128x128xi32>
    %convert_element_type3A_4 = arith.sitofp %convert_element_type3A : vector<128x128xi32> to vector<128x128xf32>
    %iota3A_5 = tpu.iota {dimensions = array<i32: 0>} : vector<16x16xi32>
    %iota3A_6 = tpu.iota {dimensions = array<i32: 1>} : vector<16x16xi32>
    %gt3A = arith.cmpi sgt, %iota3A_5, %iota3A_6 : vector<16x16xi32>
    %convert_element_type3A_7 = arith.extui %gt3A : vector<16x16xi1> to vector<16x16xi32>
    %convert_element_type3A_8 = arith.sitofp %convert_element_type3A_7 : vector<16x16xi32> to vector<16x16xf32>
    %broadcast_in_dim3A = arith.constant 0 : i32
    %broadcast_in_dim3A_9 = vector.broadcast %broadcast_in_dim3A : i32 to vector<16x128xi32>
    %shift_right_arithmetic3A = arith.constant 0 : i32
    %shift_right_arithmetic3A_10 = vector.broadcast %shift_right_arithmetic3A : i32 to vector<16x128xi32>
    %shift_right_arithmetic3A_11 = arith.shrsi %reshape3A, %shift_right_arithmetic3A_10 : vector<16x128xi32>
    %and3A = arith.constant 255 : i32
    %and3A_12 = vector.broadcast %and3A : i32 to vector<16x128xi32>
    %and3A_13 = arith.andi %shift_right_arithmetic3A_11, %and3A_12 : vector<16x128xi32>
    %convert_element_type3A_14 = arith.sitofp %and3A_13 : vector<16x128xi32> to vector<16x128xf32>
    %dot_general3A = arith.constant dense<0.000000e+00> : vector<16x128xf32>
    %dot_general3A_15 = tpu.matmul %convert_element_type3A_14, %convert_element_type3A_4, %dot_general3A {dimension_numbers = #tpu.dot_dimension_numbers<[1], [0], [0], [1], [0, 0, 1, 1], [], []>, transpose_lhs_hint = false} : vector<16x128xf32>, vector<128x128xf32>, vector<16x128xf32> -> vector<16x128xf32>
    %slice3A = vector.extract_strided_slice %dot_general3A_15 {offsets = [0, 127], sizes = [16, 1], strides = [1, 1]} : vector<16x128xf32> to vector<16x1xf32>
    %convert_element_type3A_16 = arith.fptosi %slice3A : vector<16x1xf32> to vector<16x1xi32>
    %and3A_17 = arith.constant 255 : i32
    %and3A_18 = vector.broadcast %and3A_17 : i32 to vector<16x1xi32>
    %and3A_19 = arith.andi %convert_element_type3A_16, %and3A_18 : vector<16x1xi32>
    %convert_element_type3A_20 = arith.sitofp %and3A_19 : vector<16x1xi32> to vector<16x1xf32>
    %shift_right_arithmetic3A_21 = arith.constant 8 : i32
    %shift_right_arithmetic3A_22 = vector.broadcast %shift_right_arithmetic3A_21 : i32 to vector<16x1xi32>
    %shift_right_arithmetic3A_23 = arith.shrsi %convert_element_type3A_16, %shift_right_arithmetic3A_22 : vector<16x1xi32>
    %convert_element_type3A_24 = arith.sitofp %shift_right_arithmetic3A_23 : vector<16x1xi32> to vector<16x1xf32>
    %dot_general3A_25 = arith.constant dense<0.000000e+00> : vector<16x1xf32>
    %dot_general3A_26 = tpu.matmul %convert_element_type3A_8, %convert_element_type3A_20, %dot_general3A_25 {dimension_numbers = #tpu.dot_dimension_numbers<[1], [0], [0], [1], [0, 0, 1, 1], [], []>, transpose_lhs_hint = false} : vector<16x16xf32>, vector<16x1xf32>, vector<16x1xf32> -> vector<16x1xf32>
    %convert_element_type3A_27 = arith.fptosi %dot_general3A_26 : vector<16x1xf32> to vector<16x1xi32>
    %dot_general3A_28 = arith.constant dense<0.000000e+00> : vector<16x1xf32>
    %dot_general3A_29 = tpu.matmul %convert_element_type3A_8, %convert_element_type3A_24, %dot_general3A_28 {dimension_numbers = #tpu.dot_dimension_numbers<[1], [0], [0], [1], [0, 0, 1, 1], [], []>, transpose_lhs_hint = false} : vector<16x16xf32>, vector<16x1xf32>, vector<16x1xf32> -> vector<16x1xf32>
    %convert_element_type3A_30 = arith.fptosi %dot_general3A_29 : vector<16x1xf32> to vector<16x1xi32>
    %shift_left3A = arith.constant 8 : i32
    %shift_left3A_31 = vector.broadcast %shift_left3A : i32 to vector<16x1xi32>
    %shift_left3A_32 = arith.shli %convert_element_type3A_30, %shift_left3A_31 : vector<16x1xi32>
    %add3A = arith.addi %convert_element_type3A_27, %shift_left3A_32 : vector<16x1xi32>
    %convert_element_type3A_33 = arith.fptosi %dot_general3A_15 : vector<16x128xf32> to vector<16x128xi32>
    %add3A_34 = vector.broadcast %add3A : vector<16x1xi32> to vector<16x128xi32>
    %add3A_35 = arith.addi %convert_element_type3A_33, %add3A_34 : vector<16x128xi32>
    %shift_left3A_36 = arith.constant 0 : i32
    %shift_left3A_37 = vector.broadcast %shift_left3A_36 : i32 to vector<16x128xi32>
    %shift_left3A_38 = arith.shli %add3A_35, %shift_left3A_37 : vector<16x128xi32>
    %add3A_39 = arith.addi %broadcast_in_dim3A_9, %shift_left3A_38 : vector<16x128xi32>
    %shift_right_arithmetic3A_40 = arith.constant 8 : i32
    %shift_right_arithmetic3A_41 = vector.broadcast %shift_right_arithmetic3A_40 : i32 to vector<16x128xi32>
    %shift_right_arithmetic3A_42 = arith.shrsi %reshape3A, %shift_right_arithmetic3A_41 : vector<16x128xi32>
    %and3A_43 = arith.constant 255 : i32
    %and3A_44 = vector.broadcast %and3A_43 : i32 to vector<16x128xi32>
    %and3A_45 = arith.andi %shift_right_arithmetic3A_42, %and3A_44 : vector<16x128xi32>
    %convert_element_type3A_46 = arith.sitofp %and3A_45 : vector<16x128xi32> to vector<16x128xf32>
    %dot_general3A_47 = arith.constant dense<0.000000e+00> : vector<16x128xf32>
    %dot_general3A_48 = tpu.matmul %convert_element_type3A_46, %convert_element_type3A_4, %dot_general3A_47 {dimension_numbers = #tpu.dot_dimension_numbers<[1], [0], [0], [1], [0, 0, 1, 1], [], []>, transpose_lhs_hint = false} : vector<16x128xf32>, vector<128x128xf32>, vector<16x128xf32> -> vector<16x128xf32>
    %slice3A_49 = vector.extract_strided_slice %dot_general3A_48 {offsets = [0, 127], sizes = [16, 1], strides = [1, 1]} : vector<16x128xf32> to vector<16x1xf32>
    %convert_element_type3A_50 = arith.fptosi %slice3A_49 : vector<16x1xf32> to vector<16x1xi32>
    %and3A_51 = arith.constant 255 : i32
    %and3A_52 = vector.broadcast %and3A_51 : i32 to vector<16x1xi32>
    %and3A_53 = arith.andi %convert_element_type3A_50, %and3A_52 : vector<16x1xi32>
    %convert_element_type3A_54 = arith.sitofp %and3A_53 : vector<16x1xi32> to vector<16x1xf32>
    %shift_right_arithmetic3A_55 = arith.constant 8 : i32
    %shift_right_arithmetic3A_56 = vector.broadcast %shift_right_arithmetic3A_55 : i32 to vector<16x1xi32>
    %shift_right_arithmetic3A_57 = arith.shrsi %convert_element_type3A_50, %shift_right_arithmetic3A_56 : vector<16x1xi32>
    %convert_element_type3A_58 = arith.sitofp %shift_right_arithmetic3A_57 : vector<16x1xi32> to vector<16x1xf32>
    %dot_general3A_59 = arith.constant dense<0.000000e+00> : vector<16x1xf32>
    %dot_general3A_60 = tpu.matmul %convert_element_type3A_8, %convert_element_type3A_54, %dot_general3A_59 {dimension_numbers = #tpu.dot_dimension_numbers<[1], [0], [0], [1], [0, 0, 1, 1], [], []>, transpose_lhs_hint = false} : vector<16x16xf32>, vector<16x1xf32>, vector<16x1xf32> -> vector<16x1xf32>
    %convert_element_type3A_61 = arith.fptosi %dot_general3A_60 : vector<16x1xf32> to vector<16x1xi32>
    %dot_general3A_62 = arith.constant dense<0.000000e+00> : vector<16x1xf32>
    %dot_general3A_63 = tpu.matmul %convert_element_type3A_8, %convert_element_type3A_58, %dot_general3A_62 {dimension_numbers = #tpu.dot_dimension_numbers<[1], [0], [0], [1], [0, 0, 1, 1], [], []>, transpose_lhs_hint = false} : vector<16x16xf32>, vector<16x1xf32>, vector<16x1xf32> -> vector<16x1xf32>
    %convert_element_type3A_64 = arith.fptosi %dot_general3A_63 : vector<16x1xf32> to vector<16x1xi32>
    %shift_left3A_65 = arith.constant 8 : i32
    %shift_left3A_66 = vector.broadcast %shift_left3A_65 : i32 to vector<16x1xi32>
    %shift_left3A_67 = arith.shli %convert_element_type3A_64, %shift_left3A_66 : vector<16x1xi32>
    %add3A_68 = arith.addi %convert_element_type3A_61, %shift_left3A_67 : vector<16x1xi32>
    %convert_element_type3A_69 = arith.fptosi %dot_general3A_48 : vector<16x128xf32> to vector<16x128xi32>
    %add3A_70 = vector.broadcast %add3A_68 : vector<16x1xi32> to vector<16x128xi32>
    %add3A_71 = arith.addi %convert_element_type3A_69, %add3A_70 : vector<16x128xi32>
    %shift_left3A_72 = arith.constant 8 : i32
    %shift_left3A_73 = vector.broadcast %shift_left3A_72 : i32 to vector<16x128xi32>
    %shift_left3A_74 = arith.shli %add3A_71, %shift_left3A_73 : vector<16x128xi32>
    %add3A_75 = arith.addi %add3A_39, %shift_left3A_74 : vector<16x128xi32>
    %shift_right_arithmetic3A_76 = arith.constant 16 : i32
    %shift_right_arithmetic3A_77 = vector.broadcast %shift_right_arithmetic3A_76 : i32 to vector<16x128xi32>
    %shift_right_arithmetic3A_78 = arith.shrsi %reshape3A, %shift_right_arithmetic3A_77 : vector<16x128xi32>
    %and3A_79 = arith.constant 255 : i32
    %and3A_80 = vector.broadcast %and3A_79 : i32 to vector<16x128xi32>
    %and3A_81 = arith.andi %shift_right_arithmetic3A_78, %and3A_80 : vector<16x128xi32>
    %convert_element_type3A_82 = arith.sitofp %and3A_81 : vector<16x128xi32> to vector<16x128xf32>
    %dot_general3A_83 = arith.constant dense<0.000000e+00> : vector<16x128xf32>
    %dot_general3A_84 = tpu.matmul %convert_element_type3A_82, %convert_element_type3A_4, %dot_general3A_83 {dimension_numbers = #tpu.dot_dimension_numbers<[1], [0], [0], [1], [0, 0, 1, 1], [], []>, transpose_lhs_hint = false} : vector<16x128xf32>, vector<128x128xf32>, vector<16x128xf32> -> vector<16x128xf32>
    %slice3A_85 = vector.extract_strided_slice %dot_general3A_84 {offsets = [0, 127], sizes = [16, 1], strides = [1, 1]} : vector<16x128xf32> to vector<16x1xf32>
    %convert_element_type3A_86 = arith.fptosi %slice3A_85 : vector<16x1xf32> to vector<16x1xi32>
    %and3A_87 = arith.constant 255 : i32
    %and3A_88 = vector.broadcast %and3A_87 : i32 to vector<16x1xi32>
    %and3A_89 = arith.andi %convert_element_type3A_86, %and3A_88 : vector<16x1xi32>
    %convert_element_type3A_90 = arith.sitofp %and3A_89 : vector<16x1xi32> to vector<16x1xf32>
    %shift_right_arithmetic3A_91 = arith.constant 8 : i32
    %shift_right_arithmetic3A_92 = vector.broadcast %shift_right_arithmetic3A_91 : i32 to vector<16x1xi32>
    %shift_right_arithmetic3A_93 = arith.shrsi %convert_element_type3A_86, %shift_right_arithmetic3A_92 : vector<16x1xi32>
    %convert_element_type3A_94 = arith.sitofp %shift_right_arithmetic3A_93 : vector<16x1xi32> to vector<16x1xf32>
    %dot_general3A_95 = arith.constant dense<0.000000e+00> : vector<16x1xf32>
    %dot_general3A_96 = tpu.matmul %convert_element_type3A_8, %convert_element_type3A_90, %dot_general3A_95 {dimension_numbers = #tpu.dot_dimension_numbers<[1], [0], [0], [1], [0, 0, 1, 1], [], []>, transpose_lhs_hint = false} : vector<16x16xf32>, vector<16x1xf32>, vector<16x1xf32> -> vector<16x1xf32>
    %convert_element_type3A_97 = arith.fptosi %dot_general3A_96 : vector<16x1xf32> to vector<16x1xi32>
    %dot_general3A_98 = arith.constant dense<0.000000e+00> : vector<16x1xf32>
    %dot_general3A_99 = tpu.matmul %convert_element_type3A_8, %convert_element_type3A_94, %dot_general3A_98 {dimension_numbers = #tpu.dot_dimension_numbers<[1], [0], [0], [1], [0, 0, 1, 1], [], []>, transpose_lhs_hint = false} : vector<16x16xf32>, vector<16x1xf32>, vector<16x1xf32> -> vector<16x1xf32>
    %convert_element_type3A_100 = arith.fptosi %dot_general3A_99 : vector<16x1xf32> to vector<16x1xi32>
    %shift_left3A_101 = arith.constant 8 : i32
    %shift_left3A_102 = vector.broadcast %shift_left3A_101 : i32 to vector<16x1xi32>
    %shift_left3A_103 = arith.shli %convert_element_type3A_100, %shift_left3A_102 : vector<16x1xi32>
    %add3A_104 = arith.addi %convert_element_type3A_97, %shift_left3A_103 : vector<16x1xi32>
    %convert_element_type3A_105 = arith.fptosi %dot_general3A_84 : vector<16x128xf32> to vector<16x128xi32>
    %add3A_106 = vector.broadcast %add3A_104 : vector<16x1xi32> to vector<16x128xi32>
    %add3A_107 = arith.addi %convert_element_type3A_105, %add3A_106 : vector<16x128xi32>
    %shift_left3A_108 = arith.constant 16 : i32
    %shift_left3A_109 = vector.broadcast %shift_left3A_108 : i32 to vector<16x128xi32>
    %shift_left3A_110 = arith.shli %add3A_107, %shift_left3A_109 : vector<16x128xi32>
    %add3A_111 = arith.addi %add3A_75, %shift_left3A_110 : vector<16x128xi32>
    %sub3A = arith.subi %add3A_111, %reshape3A : vector<16x128xi32>
    %get3A_112 = arith.constant 0 : index
    %get3A_113 = memref.load %arg0[%get3A_112] : memref<1xi32, #tpu.memory_space<smem>>
    %lt3A = vector.broadcast %get3A_113 : i32 to vector<16x128xi32>
    %lt3A_114 = arith.cmpi slt, %sub3A, %lt3A : vector<16x128xi32>
    %add3A_115 = arith.addi %sub3A, %reshape3A : vector<16x128xi32>
    %ge3A = vector.broadcast %get3A_113 : i32 to vector<16x128xi32>
    %ge3A_116 = arith.cmpi sge, %add3A_115, %ge3A : vector<16x128xi32>
    %and3A_117 = arith.andi %lt3A_114, %ge3A_116 : vector<16x128xi1>
    %iota3A_118 = tpu.iota {dimensions = array<i32: 0>} : vector<16x128xi32>
    %mul3A = arith.constant 128 : i32
    %mul3A_119 = vector.broadcast %mul3A : i32 to vector<16x128xi32>
    %mul3A_120 = arith.muli %iota3A_118, %mul3A_119 : vector<16x128xi32>
    %iota3A_121 = tpu.iota {dimensions = array<i32: 1>} : vector<16x128xi32>
    %add3A_122 = arith.addi %mul3A_120, %iota3A_121 : vector<16x128xi32>
    %broadcast_in_dim3A_123 = arith.constant 0 : i32
    %broadcast_in_dim3A_124 = vector.broadcast %broadcast_in_dim3A_123 : i32 to vector<16x128xi32>
    %select_n3A = arith.select %and3A_117, %add3A_122, %broadcast_in_dim3A_124 : vector<16x128xi1>, vector<16x128xi32>
    %reduce_sum3A_125 = vector.shape_cast %select_n3A : vector<16x128xi32> to vector<1x16x128xi32>
    %reduce_sum3A_126 = arith.constant dense<0> : vector<1xi32>
    %reduce_sum3A_127 = vector.multi_reduction <add>, %reduce_sum3A_125, %reduce_sum3A_126 [1, 2] : vector<1x16x128xi32> to vector<1xi32>
    %reduce_sum3A_128 = vector.shape_cast %reduce_sum3A_127 : vector<1xi32> to vector<1x1x1xi32>
    %reduce_sum3A_129 = vector.extract %reduce_sum3A_128[0, 0, 0] : i32 from vector<1x1x1xi32>
    %select_n3A_130 = arith.select %and3A_117, %sub3A, %broadcast_in_dim3A_124 : vector<16x128xi1>, vector<16x128xi32>
    %reduce_sum3A_131 = vector.shape_cast %select_n3A_130 : vector<16x128xi32> to vector<1x16x128xi32>
    %reduce_sum3A_132 = arith.constant dense<0> : vector<1xi32>
    %reduce_sum3A_133 = vector.multi_reduction <add>, %reduce_sum3A_131, %reduce_sum3A_132 [1, 2] : vector<1x16x128xi32> to vector<1xi32>
    %reduce_sum3A_134 = vector.shape_cast %reduce_sum3A_133 : vector<1xi32> to vector<1x1x1xi32>
    %reduce_sum3A_135 = vector.extract %reduce_sum3A_134[0, 0, 0] : i32 from vector<1x1x1xi32>
    %select_n3A_136 = arith.select %and3A_117, %reshape3A, %broadcast_in_dim3A_124 : vector<16x128xi1>, vector<16x128xi32>
    %reduce_sum3A_137 = vector.shape_cast %select_n3A_136 : vector<16x128xi32> to vector<1x16x128xi32>
    %reduce_sum3A_138 = arith.constant dense<0> : vector<1xi32>
    %reduce_sum3A_139 = vector.multi_reduction <add>, %reduce_sum3A_137, %reduce_sum3A_138 [1, 2] : vector<1x16x128xi32> to vector<1xi32>
    %reduce_sum3A_140 = vector.shape_cast %reduce_sum3A_139 : vector<1xi32> to vector<1x1x1xi32>
    %reduce_sum3A_141 = vector.extract %reduce_sum3A_140[0, 0, 0] : i32 from vector<1x1x1xi32>
    %iota3A_142 = tpu.iota {dimensions = array<i32: 0>} : vector<8x128xi32>
    %eq3A = arith.constant 0 : i32
    %eq3A_143 = vector.broadcast %eq3A : i32 to vector<8x128xi32>
    %eq3A_144 = arith.cmpi eq, %iota3A_142, %eq3A_143 : vector<8x128xi32>
    %eq3A_145 = arith.constant 1 : i32
    %eq3A_146 = vector.broadcast %eq3A_145 : i32 to vector<8x128xi32>
    %eq3A_147 = arith.cmpi eq, %iota3A_142, %eq3A_146 : vector<8x128xi32>
    %broadcast_in_dim3A_148 = vector.broadcast %reduce_sum3A_135 : i32 to vector<8x128xi32>
    %broadcast_in_dim3A_149 = vector.broadcast %reduce_sum3A_141 : i32 to vector<8x128xi32>
    %select_n3A_150 = arith.select %eq3A_147, %broadcast_in_dim3A_148, %broadcast_in_dim3A_149 : vector<8x128xi1>, vector<8x128xi32>
    %broadcast_in_dim3A_151 = vector.broadcast %reduce_sum3A_129 : i32 to vector<8x128xi32>
    %select_n3A_152 = arith.select %eq3A_144, %broadcast_in_dim3A_151, %select_n3A_150 : vector<8x128xi1>, vector<8x128xi32>
    %swap3A = arith.constant 0 : index
    %swap3A_153 = arith.constant 0 : index
    %swap3A_154 = vector.load %arg2[%swap3A, %swap3A_153] : memref<8x128xi32, #tpu.memory_space<vmem>>, vector<8x128xi32>
    tpu.vector_store %arg2[%swap3A, %swap3A_153], %select_n3A_152 {strides = array<i32>} : memref<8x128xi32, #tpu.memory_space<vmem>>, vector<8x128xi32>,
    return
  }
}

module attributes {stable_mosaic.version = 14 : i64} {
  func.func @_mask_body(%arg0: i32, %arg1: memref<2xi32, #tpu.memory_space<smem>>, %arg2: memref<8x32768xf32, #tpu.memory_space<vmem>>, %arg3: memref<8x32768xf32, #tpu.memory_space<vmem>>) attributes {dimension_semantics = [#tpu.dimension_semantics<arbitrary>], iteration_bounds = array<i64: 16>, scalar_prefetch = 0 : i64, scratch_operands = 0 : i64, tpu.core_type = #tpu.core_type<tc>, window_params = [{transform_indices = @transform_0, window_bounds = array<i64: 2>}, {transform_indices = @transform_1, window_bounds = array<i64: 8, 32768>}, {transform_indices = @transform_2, window_bounds = array<i64: 8, 32768>}]} {
    %get3A = arith.constant 0 : index
    %get3A_0 = memref.load %arg1[%get3A] : memref<2xi32, #tpu.memory_space<smem>>
    %get3A_1 = arith.constant 1 : index
    %get3A_2 = memref.load %arg1[%get3A_1] : memref<2xi32, #tpu.memory_space<smem>>
    %xor3A = arith.constant -2147483648 : i32
    %xor3A_3 = arith.xori %get3A_0, %xor3A : i32
    %get3A_4 = arith.constant 0 : index
    %get3A_5 = arith.constant 0 : index
    %get3A_6 = vector.load %arg2[%get3A_4, %get3A_5] : memref<8x32768xf32, #tpu.memory_space<vmem>>, vector<8x32768xf32>
    %bitcast_convert_type3A = tpu.bitcast %get3A_6 : vector<8x32768xf32> -> vector<8x32768xi32>
    %shift_right_arithmetic3A = arith.constant 31 : i32
    %shift_right_arithmetic3A_7 = vector.broadcast %shift_right_arithmetic3A : i32 to vector<8x32768xi32>
    %shift_right_arithmetic3A_8 = arith.shrsi %bitcast_convert_type3A, %shift_right_arithmetic3A_7 : vector<8x32768xi32>
    %or3A = arith.constant -2147483648 : i32
    %or3A_9 = vector.broadcast %or3A : i32 to vector<8x32768xi32>
    %or3A_10 = arith.ori %shift_right_arithmetic3A_8, %or3A_9 : vector<8x32768xi32>
    %xor3A_11 = arith.xori %bitcast_convert_type3A, %or3A_10 : vector<8x32768xi32>
    %iota3A = tpu.iota {dimensions = array<i32: 0>} : vector<8x32768xi32>
    %mul3A = arith.constant 8 : i32
    %mul3A_12 = arith.muli %arg0, %mul3A : i32
    %add3A = vector.broadcast %mul3A_12 : i32 to vector<8x32768xi32>
    %add3A_13 = arith.addi %iota3A, %add3A : vector<8x32768xi32>
    %iota3A_14 = tpu.iota {dimensions = array<i32: 1>} : vector<8x32768xi32>
    %mul3A_15 = arith.constant 32768 : i32
    %mul3A_16 = vector.broadcast %mul3A_15 : i32 to vector<8x32768xi32>
    %mul3A_17 = arith.muli %add3A_13, %mul3A_16 : vector<8x32768xi32>
    %add3A_18 = arith.addi %mul3A_17, %iota3A_14 : vector<8x32768xi32>
    %xor3A_19 = arith.constant -2147483648 : i32
    %xor3A_20 = vector.broadcast %xor3A_19 : i32 to vector<8x32768xi32>
    %xor3A_21 = arith.xori %xor3A_11, %xor3A_20 : vector<8x32768xi32>
    %gt3A = vector.broadcast %xor3A_3 : i32 to vector<8x32768xi32>
    %gt3A_22 = arith.cmpi sgt, %xor3A_21, %gt3A : vector<8x32768xi32>
    %eq3A = vector.broadcast %get3A_0 : i32 to vector<8x32768xi32>
    %eq3A_23 = arith.cmpi eq, %xor3A_11, %eq3A : vector<8x32768xi32>
    %le3A = vector.broadcast %get3A_2 : i32 to vector<8x32768xi32>
    %le3A_24 = arith.cmpi sle, %add3A_18, %le3A : vector<8x32768xi32>
    %and3A = arith.andi %eq3A_23, %le3A_24 : vector<8x32768xi1>
    %or3A_25 = arith.ori %gt3A_22, %and3A : vector<8x32768xi1>
    %convert_element_type3A = arith.extui %or3A_25 : vector<8x32768xi1> to vector<8x32768xi32>
    %convert_element_type3A_26 = arith.sitofp %convert_element_type3A : vector<8x32768xi32> to vector<8x32768xf32>
    %mul3A_27 = arith.mulf %get3A_6, %convert_element_type3A_26 : vector<8x32768xf32>
    %swap3A = arith.constant 0 : index
    %swap3A_28 = arith.constant 0 : index
    %swap3A_29 = vector.load %arg3[%swap3A, %swap3A_28] : memref<8x32768xf32, #tpu.memory_space<vmem>>, vector<8x32768xf32>
    tpu.vector_store %arg3[%swap3A, %swap3A_28], %mul3A_27 {strides = array<i32>} : memref<8x32768xf32, #tpu.memory_space<vmem>>, vector<8x32768xf32>,
    return
  }
  func.func @transform_0(%arg0: i32) -> i32 {
    %c0_i32 = arith.constant 0 : i32
    %c0_i32_0 = arith.constant 0 : i32
    return %c0_i32 : i32
  }
  func.func @transform_1(%arg0: i32) -> (i32, i32) {
    %c0_i32 = arith.constant 0 : i32
    %c0_i32_0 = arith.constant 0 : i32
    return %arg0, %c0_i32 : i32, i32
  }
  func.func @transform_2(%arg0: i32) -> (i32, i32) {
    %c0_i32 = arith.constant 0 : i32
    %c0_i32_0 = arith.constant 0 : i32
    return %arg0, %c0_i32 : i32, i32
  }
}

</mosaic_0001>

<sc_bundles>
// kernel: branch_0_fun.6.cloned.1.call-start
scs
__scs_entry_jumppad:
0x0: {  	(pc) =	sbr.rel $0x88, $3  }
0x1: {  	(tag) =	ssettag $0x0;
	lr =	simm.s32 $0x1  }
0x2: {  	[smem:$0x3FA0] =	sst lr;
	_ =	strace $0xD0000000  }
0x3: {  	_ = 	snop  }
0x4: {  	_ = 	snop  }
0x5: {  	_ = 	snop  }
0x6: {  	_ = 	snop  }
0x7: {  	_ = 	snop  }
__scs_overlays_trampoline_lowered:
0x8: {  	[smem:$0x3FAF] =	sst s0  }
0x9: {  	[smem:$0x3FB0] =	sst s1  }
0xa: {  	[smem:$0x3FB1] =	sst s2  }
0xb: {  	[smem:$0x3FB2] =	sst s3  }
0xc: {  	[smem:$0x3FB3] =	sst s4  }
0xd: {  	[smem:$0x3FB4] =	sst s5  }
0xe: {  	[smem:$0x3FB5] =	sst s6  }
0xf: {  	[smem:$0x3FB6] =	sst s7  }
0x10: {  	[smem:$0x3FB7] =	sst s8  }
0x11: {  	[smem:$0x3FB8] =	sst s9;
	s0 =	simm.s32 @!p0 $0x0  }
0x12: {  	s1 =	sld [smem:$0x3F9E];
	s0 =	simm.s32 @p0 $0x1  }
0x13: {  	[smem:$0x3FB9] =	sst s0;
	s0 =	simm.s32 @!p1 $0x0  }
0x14: {  	s2 =	sld [smem:$0x3F9D];
	s0 =	simm.s32 @p1 $0x1  }
0x15: {  	[smem:$0x3FBA] =	sst s0;
	s0 =	simm.s32 @!p2 $0x0  }
0x16: {  	s3 =	sld [smem:$0x3FDB];
	s0 =	simm.s32 @p2 $0x1  }
0x17: {  	s4 =	simm.s32 $0x1BF5;
	[smem:$0x3FBC] =	sst s0  }
0x18: {  	s0 =	sld [smem:$0x3F9F];
	_ =	swait.ge [sflag:s4], $0x0  }
0x19: {  	s7 =	sld [smem:$0x3FA0]  }
0x1a: {  	s8 =	sadd.s32 $0xFFFFE003, lr  }
0x1b: {  	s9 =	sadd.s32 $0xFFFFFEF7, lr;
	s5 =	simm.s32 $0xFFFFFFFF;
	p2 =	slt.u32 s8, $0xFFFFF086  }
0x1c: {  	p1 =	slt.u32 s9, $0xF7A;
	s5 =	simm.s32 @!p2 $0x0  }
0x1d: {  	s5 =	simm.s32 @p1 $0x1;
	p0 =	seq.s32 s7, s2  }
0x1e: {  	s7 =	smul.u32 @!p0 $0xF7A, s2;
	p2 =	seq.s32 @!p0 s5, $0x0  }
0x1f: {  	s9 =	smul.u32 $0xF7A, s1;
	s8 =	simm.s32 @!p0 $0x1BF5;
	p2 =	por !p2, p0  }
0x20: {  	[sflag:s8] =	ssyncset.s32 @!p0 $0xFFFFF086;
	s6 =	sadd.s32 @!p0 s3, s7;
	s7 =	simm.s32 @!p0 $0x108  }
0x21: {  	s3 =	sadd.s32 s3, s9;
	s6 =	sadd.s32 @!p0 $0x88, s6;
	s7 =	simm.s32 @p2 $0x1082  }
0x22: {  	[simem:s7], [sflag:s8] =	dma.local @!p0 [hbm:s6], $0xF7A  }
0x23: {  	s9 =	sor.u32 $0xD0000000, s2;
	s6 =	simm.s32 $0x108;
	_ =	swait.ge @!p0 [sflag:s8], $0x0  }
0x24: {  	s3 =	sadd.s32 $0x88, s3;
	s6 =	simm.s32 @!p1 $0x1082;
	[sflag:s4] =	ssyncset.s32 $0xFFFFF086  }
0x25: {  	[simem:s6], [sflag:s4] =	dma.local [hbm:s3], $0xF7A  }
0x26: {  	[smem:$0x3FA0] =	sst s1;
	(tag) =	ssettag s2;
	_ =	strace s9  }
0x27: {  	s1 =	sld [smem:$0x3FB0]  }
0x28: {  	s2 =	sld [smem:$0x3FB1]  }
0x29: {  	s4 =	sld [smem:$0x3FB3]  }
0x2a: {  	p0 =	seq.s32 s5, $0x0;
	s5 =	sld [smem:$0x3FB4]  }
0x2b: {  	s6 =	sld [smem:$0x3FB5]  }
0x2c: {  	s7 =	sld [smem:$0x3FB6]  }
0x2d: {  	s3 =	simm.s32 $0x108;
	s8 =	sld [smem:$0x3FB7]  }
0x2e: {  	s3 =	simm.s32 @!p0 $0x1082;
	s9 =	sld [smem:$0x3FB8]  }
0x2f: {  	lr =	sadd.s32 s0, s3;
	s0 =	sld [smem:$0x3FAF]  }
0x30: {  	s3 =	sld [smem:$0x3FB2]  }
0x31: {  	[smem:$0x3FBB] =	sst s10  }
0x32: {  	s10 =	sld [smem:$0x3FB9];
	_ =	sdelay $0x3  }
0x33: {  	p0 =	seq.s32 s10, $0x1;
	s10 =	sld [smem:$0x3FBB];
	_ =	sdelay $0x3  }
0x34: {  	[smem:$0x3FBB] =	sst s10  }
0x35: {  	s10 =	sld [smem:$0x3FBA];
	_ =	sdelay $0x3  }
0x36: {  	p1 =	seq.s32 s10, $0x1;
	s10 =	sld [smem:$0x3FBB];
	_ =	sdelay $0x3  }
0x37: {  	[smem:$0x3FBB] =	sst s10  }
0x38: {  	s10 =	sld [smem:$0x3FBC]  }
0x39: {  	_ = 	snop;
	(pc) =	sbr.ind lr, $3  }
0x3a: {  	_ = 	snop  }
0x3b: {  	_ = 	snop  }
0x3c: {  	p2 =	seq.s32 s10, $0x1;
	s10 =	sld [smem:$0x3FBB]  }
0x3d: {  	_ =	shalt  }
0x3e: {  	_ =	shalt  }
0x3f: {  	_ =	shalt  }
0x40: {  	_ =	shalt  }
0x41: {  	_ =	shalt  }
0x42: {  	_ =	shalt  }
0x43: {  	_ =	shalt  }
0x44: {  	_ =	shalt  }
0x45: {  	_ =	shalt  }
0x46: {  	_ =	shalt  }
0x47: {  	_ =	shalt  }
0x48: {  	_ =	shalt  }
0x49: {  	_ =	shalt  }
0x4a: {  	_ =	shalt  }
0x4b: {  	_ =	shalt  }
0x4c: {  	_ =	shalt  }
0x4d: {  	_ =	shalt  }
0x4e: {  	_ =	shalt  }
0x4f: {  	_ =	shalt  }
0x50: {  	_ =	shalt  }
0x51: {  	_ =	shalt  }
0x52: {  	_ =	shalt  }
0x53: {  	_ =	shalt  }
0x54: {  	_ =	shalt  }
0x55: {  	_ =	shalt  }
0x56: {  	_ =	shalt  }
0x57: {  	_ =	shalt  }
0x58: {  	_ =	shalt  }
0x59: {  	_ =	shalt  }
0x5a: {  	_ =	shalt  }
0x5b: {  	_ =	shalt  }
0x5c: {  	_ =	shalt  }
0x5d: {  	_ =	shalt  }
0x5e: {  	_ =	shalt  }
0x5f: {  	_ =	shalt  }
0x60: {  	_ =	shalt  }
0x61: {  	_ =	shalt  }
0x62: {  	_ =	shalt  }
0x63: {  	_ =	shalt  }
0x64: {  	_ =	shalt  }
0x65: {  	_ =	shalt  }
0x66: {  	_ =	shalt  }
0x67: {  	_ =	shalt  }
0x68: {  	_ =	shalt  }
0x69: {  	_ =	shalt  }
0x6a: {  	_ =	shalt  }
0x6b: {  	_ =	shalt  }
0x6c: {  	_ =	shalt  }
0x6d: {  	_ =	shalt  }
0x6e: {  	_ =	shalt  }
0x6f: {  	_ =	shalt  }
0x70: {  	_ =	shalt  }
0x71: {  	_ =	shalt  }
0x72: {  	_ =	shalt  }
0x73: {  	_ =	shalt  }
0x74: {  	_ =	shalt  }
0x75: {  	_ =	shalt  }
0x76: {  	_ =	shalt  }
0x77: {  	_ =	shalt  }
0x78: {  	_ =	shalt  }
0x79: {  	_ =	shalt  }
0x7a: {  	_ =	shalt  }
0x7b: {  	_ =	shalt  }
0x7c: {  	_ =	shalt  }
0x7d: {  	_ =	shalt  }
0x7e: {  	_ =	shalt  }
0x7f: {  	_ =	shalt  }
0x80: {  	_ =	shalt  }
0x81: {  	_ =	shalt  }
0x82: {  	_ =	shalt  }
0x83: {  	_ =	shalt  }
0x84: {  	_ =	shalt  }
0x85: {  	_ =	shalt  }
0x86: {  	_ =	shalt  }
0x87: {  	_ =	shalt  }
.Lfunc_end0:
.L_simem_size_0:
called_computation_lowered:
.L_overlay_start_0:
0x88: {  	s2 =	sld [smem:$0x3FD9]  }
0x89: {  	s3 =	sld [smem:$0x3FFE];
	_ =	sdelay $0x1  }
0x8a: {  	s1 =	srdreg.scid  }
0x8b: {  	s0 =	sand.u32 $0x1, s1  }
0x8c: {  	s17 =	sshll.u32 s0, $0xA;
	s2 =	sadd.s32 s3, s2  }
0x8d: {  	s2 =	sadd.s32 s2, s17  }
0x8e: {  	[smem:$0x3FC7] =	sst s2  }
0x8f: {  	_ = 	snop  }
0x90: {  	s2 =	sld [smem:$0x3FD0];
	(tm) =	ssettm $0x1  }
0x91: {  	s18 =	sld [smem:$0x3FFB];
	_ =	sdelay $0x3  }
0x92: {  	_ =	strace s18  }
0x93: {  	s3 =	sld [smem:$0x3FFC];
	_ =	sdelay $0x3  }
0x94: {  	_ =	strace s3  }
0x95: {  	s3 =	sld [smem:$0x3FFD];
	_ =	sdelay $0x3  }
0x96: {  	_ =	strace s3  }
0x97: {  	_ =	strace $0x8FFFFFFF  }
0x98: {  	s19 =	sld [smem:$0x3FDB];
	_ =	sdelay $0x1  }
0x99: {  	s4 =	simm.s32 $_scs_section_size  }
0x9a: {  	s5 =	simm.s32 $_size__tile_overlayer_lowered;
	s6 =	simm.s32 $_tile_overlayer_lowered  }
0x9b: {  	s22 =	simm.s32 $0x1BFF;
	s21 =	sshll.u32 s6, $0x1;
	s3 =	sadd.s32 s4, s19  }
0x9c: {  	s7 =	simm.s32 $0x0;
	s20 =	sshll.u32 s5, $0x1;
	s5 =	sadd.s32 s21, s3  }
0x9d: {  	[timem:s7], [sflag:s22] =	dma.local [hbm:s5], s20  }
0x9e: {  	_ =	swait.ge [sflag:s22], s20  }
0x9f: {  	s4 =	ssub.s32 $0x0, s20;
	[sflag:s22] =	ssyncset.done $0x0  }
0xa0: {  	[sflag:s22] =	ssyncadd.s32 s4;
	_ =	sdelay $0x1  }
0xa1: {  	s23 =	simm.s32 $0x1B8B  }
0xa2: {  	_ =	swait.ge [sflag:s23], $0x1  }
0xa3: {  	[sflag:s23] =	ssyncset.done $0x0  }
0xa4: {  	s25 =	simm.s32 $0x1B8E;
	s24 =	sld [smem:$0x3FFE];
	[sflag:s23] =	ssyncadd.s32 $0xFFFFFFFF  }
0xa5: {  	s26 =	simm.s32 $execute0_lowered;
	[smem:$0x3FD2] =	sst s25  }
0xa6: {  	s5 =	sshll.u32 s26, $0x1;
	_ =	strace $0x80000046;
	[dreg:$0x1] =	wrdreg $0xFFFFFFFF  }
0xa7: {  	s28 =	simm.s32 $_size_execute0_lowered;
	s3 =	sadd.s32 s3, s5;
	[dreg:$0x0] =	wrdreg $0x0  }
0xa8: {  	s5 =	sshll.u32 s28, $0x1;
	[dreg:$0x2] =	wrdreg s3  }
0xa9: {  	[dreg:$0x3] =	wrdreg s5  }
0xaa: {  	[dreg:$0x4] =	wrdreg $0xC0  }
0xab: {  	_ =	task [dreg:s7], $0x5FFFF  }
0xac: {  	[dreg:$0x1] =	wrdreg $0xFFFFFFFF  }
0xad: {  	[dreg:$0x0] =	wrdreg $0x60  }
0xae: {  	[dreg:$0x2] =	wrdreg s2  }
0xaf: {  	[dreg:$0x3] =	wrdreg s24  }
0xb0: {  	[dreg:$0x4] =	wrdreg $0x9  }
0xb1: {  	_ =	task.clear_ibuf [dreg:s7], $0x5FFFF;
	_ =	strace $0x90000046  }
0xb2: {  	s29 =	simm.s32 $0x9;
	_ =	strace $0x80000048  }
0xb3: {  	_ =	swait.ge [sflag:s29], $0x1  }
0xb4: {  	[sflag:s29] =	ssyncadd.s32 $0xFFFFFFFF  }
0xb5: {  	_ =	strace $0x90000048  }
0xb6: {  	_ =	sfence  }
0xb7: {  	s30 =	sld [smem:$0x0];
	_ =	sdelay $0x2  }
0xb8: {  	s31 =	sshll.u32 s1, $0xD;
	s1 =	sshrl.u32 s1, $0x2  }
0xb9: {  	s3 =	sand.u32 $0x4000, s31;
	s1 =	sadd.s32 s1, s30  }
0xba: {  	s0 =	sor.u32 s3, s0;
	s1 =	sshll.u32 s1, $0x11  }
0xbb: {  	s0 =	sor.u32 s1, s0  }
0xbc: {  	s0 =	sadd.s32 $0x8F2B, s0  }
0xbd: {  	[sflag:s0] =	ssyncadd.remote.s32 $0x1  }
0xbe: {  	_ =	sfence.sel $0xFFFF  }
0xbf: {  	[dreg:$0x0] =	wrdreg $0xFFFFFFFF;
	(pc) =	sbr.abs _section_cstart, $3  }
0xc0: {  	[dreg:$0x1] =	wrdreg $0xFFFFFFFF  }
0xc1: {  	_ =	task.clear_ibuf [dreg:s7], $0x2FFFF;
	_ =	strace $0x9FFFFFFF  }
0xc2: {  	(tm) =	ssettm $0x7FFFFFFF  }
0xc3: {  	_ =	shalt  }
tec
execute0_lowered:
.L_overlay_start_1:
0x0: {  	(tag) =	ssettag $0x1  }
0x1: {  	s1 =	rddreg [dreg:$0x0]  }
0x2: {  	s5 =	rddreg [dreg:$0x1]  }
0x3: {  	s0 =	rddreg [dreg:$0x2];
	s3 =	simm.s32 $0x0  }
0x4: {  	s2 =	stileid.u32;
	s4 =	srdreg.scid;
	s11 =	simm.s32 $0x2000  }
0x5: {  	s12 =	simm.s32 $0x80;
	s13 =	simm.s32 $0x400;
	s14 =	simm.s32 $0xA080  }
0x6: {  	s15 =	simm.s32 $0x0;
	[smem:$0x7FF] =	sst s3;
	s7 =	sand.u32 $0x1, s4  }
0x7: {  	s6 =	sshll.u32 s2, $0x1;
	s4 =	sadd.s32 $0x4200, s5;
	s8 =	sshll.u32 s2, $0x9  }
0x8: {  	s30 =	sshll.u32 s2, $0x12;
	_ =	strace $0x80000047;
	s6 =	sor.u32 s7, s6  }
0x9: {  	s8 =	sand.u32 $0x1800, s8;
	s9 =	ssub.s32 $0x2, s7;
	s31 =	sshll.u32 s7, $0x11  }
0xa: {  	s10 =	sshll.u32 s6, $0x4;
	s8 =	sadd.s32 s8, s5;
	s28 =	sshrl.u32 s9, $0x1  }
0xb: {  	s5 =	sshll.u32 s6, $0x11;
	s10 =	sand.u32 $0x70, s10;
	s9 =	ssub.s32 s9, s28  }
0xc: {  	v0 =	vimm.s32 $0x0;
	v2 =	vlaneseq.u32;
	s29 =	sadd.s32 s10, s8;
	s7 =	smax.u32 s9, $0x1;
	s8 =	sor.u32 s31, s30  }
0xd: {  	v3 =	vimm.s32 $0x1;
	v1 =	vmul.u32 $0x800, v2;
	v2 =	vor.u32 $0x8000, v2;
	s9 =	simm.s32 $0xA880;
	s10 =	simm.s32 $0x1;
	s6 =	sadd.s32 $0x4400, s29  }
.LBB2_1:
0xe: {  	[tilespmem:s9], [sflag:$0x1] =	stream.linear.gather [hbm4b:s4+s3], $0x80, $0x38;
	[tilespmem:$0xA900] =	vst v63  }
0xf: {  	_ =	swait.ge [sflag:s10], $0x80  }
0x10: {  	[sflag:s10] =	ssyncset.done $0x0  }
0x11: {  	s16 =	simm.s32 $0x2040;
	[sflag:s10] =	ssyncadd.s32 $0xFFFFFF80  }
0x12: {  	[tilespmem:s16+$0xFFFFFFC0] =	vst v0  }
0x13: {  	[tilespmem:s16+$0x30] =	vst v0  }
0x14: {  	[tilespmem:s16+$0x20] =	vst v0  }
0x15: {  	[tilespmem:s16+$0x10] =	vst v0  }
0x16: {  	[tilespmem:s16+$0x0] =	vst v0  }
0x17: {  	[tilespmem:s16+$0xFFFFFFF0] =	vst v0  }
0x18: {  	s17 =	simm.s32 $0x0;
	[tilespmem:s16+$0xFFFFFFE0] =	vst v0  }
.LBB2_2:
0x19: {  	s17 =	sadd.s32 $0x8, s17;
	[tilespmem:s16+$0xFFFFFFD0] =	vst v0;
	s16 =	sadd.s32 $0x80, s16  }
0x1a: {  	[tilespmem:s16+$0xFFFFFFC0] =	vst v0;
	p0 =	slt.u32 s17, $0x7F8  }
0x1b: {  	[tilespmem:s16+$0x30] =	vst v0  }
.Ltmp0:
0x1c: {  	[tilespmem:s16+$0x20] =	vst v0;
	(pc) =	sbr.rel @p0 .LBB2_2-.Ltmp0, $4  }
0x1d: {  	[tilespmem:s16+$0x10] =	vst v0  }
0x1e: {  	[tilespmem:s16+$0x0] =	vst v0  }
0x1f: {  	[tilespmem:s16+$0xFFFFFFF0] =	vst v0  }
0x20: {  	[tilespmem:s16+$0xFFFFFFE0] =	vst v0  }
0x21: {  	[tilespmem:s16+$0xFFFFFFD0] =	vst v0;
	s16 =	simm.s32 $0x0;
	s17 =	smov.u32 s8  }
.LBB2_4:
0x22: {  	s18 =	sshll.u32 s16, $0xD  }
0x23: {  	s18 =	sadd.s32 s5, s18  }
0x24: {  	s18 =	sshrl.u32 s18, $0x3  }
0x25: {  	s18 =	sadd.s32 s1, s18  }
0x26: {  	[tilespmem:s3], [sflag:$0x1] =	stream.linear.gather [hbm4b:s18+s3], $0x2000, $0x38;
	[tilespmem:$0xA900] =	vst v63  }
0x27: {  	_ =	swait.ge [sflag:s10], $0x2000  }
0x28: {  	s19 =	simm.s32 $0x40;
	[sflag:s10] =	ssyncset.done $0x0  }
0x29: {  	s20 =	smov.u32 s17;
	s18 =	simm.s32 $0xFFFFFFF8;
	[sflag:s10] =	ssyncadd.s32 $0xFFFFE000  }
.LBB2_5:
0x2a: {  	v4 =	vld [tilespmem:s19+$0xFFFFFFC0];
	_ =	sdelay $0x2  }
0x2b: {  	v5 =	vld [tilespmem:$0xA880]  }
0x2c: {  	v6 =	vmov s20  }
0x2d: {  	v6 =	vshrl.u32 v6, $0xB;
	v7 =	vshra.s32 v4, $0x1F  }
0x2e: {  	v6 =	vbroadcast v6, $0x0;
	v7 =	vor.u32 $0x80000000, v7  }
0x2f: {  	v4 =	vxor.u32 v4, v7  }
0x30: {  	vm0 =	veq.s32 v4, v5;
	v4 =	vadd.s32 v1, v6  }
0x31: {  	v5 =	vsel vm0, v4, v2;
	_ =	sdelay $0x4  }
0x32: {  	[tilespmem:v5+s11+$0x0] =	vst.idx.add.s32.msk $0xffff, v3  }
0x33: {  	v5 =	vld [tilespmem:s19+$0xFFFFFFD0];
	_ =	sdelay $0x2  }
0x34: {  	v50 =	vld [tilespmem:$0xA880];
	_ =	sdelay $0x1  }
0x35: {  	v51 =	vshra.s32 v5, $0x1F  }
0x36: {  	v7 =	vor.u32 $0x80000000, v51  }
0x37: {  	v5 =	vxor.u32 v5, v7  }
0x38: {  	vm9 =	veq.s32 v5, v50  }
0x39: {  	v5 =	vsel vm9, v4, v2;
	_ =	sdelay $0x4  }
0x3a: {  	[tilespmem:v5+s11+$0x0] =	vst.idx.add.s32.msk $0xffff, v3  }
0x3b: {  	v5 =	vld [tilespmem:s19+$0xFFFFFFE0];
	_ =	sdelay $0x2  }
0x3c: {  	v52 =	vld [tilespmem:$0xA880];
	_ =	sdelay $0x1  }
0x3d: {  	v53 =	vshra.s32 v5, $0x1F  }
0x3e: {  	v7 =	vor.u32 $0x80000000, v53  }
0x3f: {  	v5 =	vxor.u32 v5, v7  }
0x40: {  	vm10 =	veq.s32 v5, v52  }
0x41: {  	v5 =	vsel vm10, v4, v2;
	_ =	sdelay $0x4  }
0x42: {  	[tilespmem:v5+s11+$0x0] =	vst.idx.add.s32.msk $0xffff, v3  }
0x43: {  	v5 =	vld [tilespmem:s19+$0xFFFFFFF0];
	_ =	sdelay $0x2  }
0x44: {  	v54 =	vld [tilespmem:$0xA880];
	_ =	sdelay $0x1  }
0x45: {  	v55 =	vshra.s32 v5, $0x1F  }
0x46: {  	v7 =	vor.u32 $0x80000000, v55  }
0x47: {  	v5 =	vxor.u32 v5, v7  }
0x48: {  	vm11 =	veq.s32 v5, v54  }
0x49: {  	v5 =	vsel vm11, v4, v2;
	_ =	sdelay $0x4  }
0x4a: {  	[tilespmem:v5+s11+$0x0] =	vst.idx.add.s32.msk $0xffff, v3  }
0x4b: {  	v5 =	vld [tilespmem:s19+$0x0];
	_ =	sdelay $0x2  }
0x4c: {  	v56 =	vld [tilespmem:$0xA880];
	_ =	sdelay $0x1  }
0x4d: {  	v57 =	vshra.s32 v5, $0x1F  }
0x4e: {  	v7 =	vor.u32 $0x80000000, v57  }
0x4f: {  	v5 =	vxor.u32 v5, v7  }
0x50: {  	vm12 =	veq.s32 v5, v56  }
0x51: {  	v5 =	vsel vm12, v4, v2;
	_ =	sdelay $0x4  }
0x52: {  	[tilespmem:v5+s11+$0x0] =	vst.idx.add.s32.msk $0xffff, v3  }
0x53: {  	v5 =	vld [tilespmem:s19+$0x10];
	_ =	sdelay $0x2  }
0x54: {  	v58 =	vld [tilespmem:$0xA880];
	_ =	sdelay $0x1  }
0x55: {  	v59 =	vshra.s32 v5, $0x1F  }
0x56: {  	v7 =	vor.u32 $0x80000000, v59  }
0x57: {  	v5 =	vxor.u32 v5, v7  }
0x58: {  	vm13 =	veq.s32 v5, v58  }
0x59: {  	v5 =	vsel vm13, v4, v2;
	_ =	sdelay $0x4  }
0x5a: {  	[tilespmem:v5+s11+$0x0] =	vst.idx.add.s32.msk $0xffff, v3  }
0x5b: {  	v5 =	vld [tilespmem:s19+$0x20];
	_ =	sdelay $0x2  }
0x5c: {  	v60 =	vld [tilespmem:$0xA880];
	_ =	sdelay $0x1  }
0x5d: {  	v61 =	vshra.s32 v5, $0x1F  }
0x5e: {  	v7 =	vor.u32 $0x80000000, v61  }
0x5f: {  	v5 =	vxor.u32 v5, v7  }
0x60: {  	vm14 =	veq.s32 v5, v60  }
0x61: {  	v5 =	vsel vm14, v4, v2;
	_ =	sdelay $0x4  }
0x62: {  	[tilespmem:v5+s11+$0x0] =	vst.idx.add.s32.msk $0xffff, v3  }
0x63: {  	v5 =	vld [tilespmem:s19+$0x30];
	_ =	sdelay $0x2  }
0x64: {  	v62 =	vld [tilespmem:$0xA880];
	_ =	sdelay $0x1  }
0x65: {  	v63 =	vshra.s32 v5, $0x1F  }
0x66: {  	v7 =	vor.u32 $0x80000000, v63  }
0x67: {  	v5 =	vxor.u32 v5, v7  }
0x68: {  	s18 =	sadd.s32 $0x8, s18;
	vm15 =	veq.s32 v5, v62  }
0x69: {  	p0 =	slt.u32 s18, $0x1F8;
	v4 =	vsel vm15, v4, v2  }
.Ltmp1:
0x6a: {  	_ = 	snop;
	(pc) =	sbr.rel @p0 .LBB2_5-.Ltmp1, $2  }
0x6b: {  	_ =	sdelay $0x2  }
0x6c: {  	s20 =	sadd.s32 $0x80, s20;
	s19 =	sadd.s32 $0x80, s19;
	[tilespmem:v4+s11+$0x0] =	vst.idx.add.s32.msk $0xffff, v3  }
0x6d: {  	s16 =	sadd.s32 $0x1, s16  }
0x6e: {  	p0 =	sne.s32 s16, $0x10  }
.Ltmp2:
0x6f: {  	_ = 	snop;
	(pc) =	sbr.rel @p0 .LBB2_4-.Ltmp2, $2  }
0x70: {  	_ =	sdelay $0x2  }
0x71: {  	s17 =	sadd.s32 $0x2000, s17  }
0x72: {  	s16 =	simm.s32 $0x0;
	s17 =	simm.s32 $0x2000  }
0x73: {  	s16 =	sand.u32 $0x7F0, s16;
	v5 =	vld [tilespmem:s17+$0x0]  }
0x74: {  	v4 =	vld [tilespmem:s16+$0x2800]  }
0x75: {  	v6 =	vld [tilespmem:s16+$0x3000]  }
0x76: {  	v7 =	vld [tilespmem:s16+$0x3800]  }
0x77: {  	v8 =	vld [tilespmem:s16+$0x4000]  }
0x78: {  	v9 =	vld [tilespmem:s16+$0x4800]  }
0x79: {  	v4 =	vadd.s32 v5, v4;
	v5 =	vld [tilespmem:s16+$0x5000]  }
0x7a: {  	v4 =	vadd.s32 v6, v4;
	v6 =	vld [tilespmem:s16+$0x5800]  }
0x7b: {  	v4 =	vadd.s32 v7, v4;
	v7 =	vld [tilespmem:s16+$0x6000]  }
0x7c: {  	v60 =	vld [tilespmem:s16+$0x6800];
	v4 =	vadd.s32 v8, v4  }
0x7d: {  	v61 =	vld [tilespmem:s16+$0x7000];
	v4 =	vadd.s32 v9, v4  }
0x7e: {  	v4 =	vadd.s32 v5, v4;
	v5 =	vld [tilespmem:s16+$0x7800]  }
0x7f: {  	v4 =	vadd.s32 v6, v4;
	v6 =	vld [tilespmem:s16+$0x8000]  }
0x80: {  	v4 =	vadd.s32 v7, v4;
	v7 =	vld [tilespmem:s16+$0x8800]  }
0x81: {  	v62 =	vld [tilespmem:s16+$0x9000];
	v4 =	vadd.s32 v60, v4  }
0x82: {  	v63 =	vld [tilespmem:s16+$0x9800];
	v4 =	vadd.s32 v61, v4  }
0x83: {  	v4 =	vadd.s32 v5, v4  }
0x84: {  	v4 =	vadd.s32 v6, v4  }
0x85: {  	v4 =	vadd.s32 v7, v4  }
0x86: {  	v4 =	vadd.s32 v62, v4  }
0x87: {  	s31 =	simm.s32 $0x10;
	s16 =	simm.s32 $0xA080;
	v4 =	vadd.s32 v63, v4  }
0x88: {  	s17 =	sand.u32 $0x7F0, s31;
	[tilespmem:s16+$0x0] =	vst v4  }
0x89: {  	s19 =	simm.s32 $0x20;
	s18 =	simm.s32 $0x2010;
	v4 =	vld [tilespmem:s17+$0x2800]  }
.LBB2_8:
0x8a: {  	p0 =	sne.s32 s19, $0x7F0;
	v5 =	vld [tilespmem:s18+$0x0]  }
0x8b: {  	v6 =	vld [tilespmem:s17+$0x3000]  }
0x8c: {  	v7 =	vld [tilespmem:s17+$0x3800]  }
0x8d: {  	v8 =	vld [tilespmem:s17+$0x4000]  }
0x8e: {  	v9 =	vld [tilespmem:s17+$0x4800]  }
0x8f: {  	v4 =	vadd.s32 v5, v4;
	v5 =	vld [tilespmem:s17+$0x5000]  }
0x90: {  	v4 =	vadd.s32 v6, v4;
	v6 =	vld [tilespmem:s17+$0x5800]  }
0x91: {  	v4 =	vadd.s32 v7, v4;
	v7 =	vld [tilespmem:s17+$0x6000]  }
0x92: {  	v4 =	vadd.s32 v8, v4;
	v8 =	vld [tilespmem:s17+$0x6800]  }
0x93: {  	v4 =	vadd.s32 v9, v4;
	v9 =	vld [tilespmem:s17+$0x7000]  }
0x94: {  	v4 =	vadd.s32 v5, v4;
	v5 =	vld [tilespmem:s17+$0x7800]  }
0x95: {  	v4 =	vadd.s32 v6, v4;
	v6 =	vld [tilespmem:s17+$0x8000]  }
0x96: {  	v4 =	vadd.s32 v7, v4;
	v7 =	vld [tilespmem:s17+$0x8800]  }
0x97: {  	v4 =	vadd.s32 v8, v4;
	v8 =	vld [tilespmem:s17+$0x9000]  }
0x98: {  	v4 =	vadd.s32 v9, v4;
	v9 =	vld [tilespmem:s17+$0x9800]  }
0x99: {  	v4 =	vadd.s32 v5, v4  }
0x9a: {  	v4 =	vadd.s32 v6, v4  }
.Ltmp3:
0x9b: {  	v4 =	vadd.s32 v7, v4;
	(pc) =	sbr.rel @p0 .LBB2_8-.Ltmp3, $4  }
0x9c: {  	v4 =	vadd.s32 v8, v4  }
0x9d: {  	s16 =	sadd.s32 $0x10, s16;
	v4 =	vadd.s32 v9, v4  }
0x9e: {  	s17 =	sand.u32 $0x7F0, s19;
	[tilespmem:s16+$0x0] =	vst v4  }
0x9f: {  	s18 =	sadd.s32 $0x10, s18;
	s19 =	sadd.s32 $0x10, s19;
	v4 =	vld [tilespmem:s17+$0x2800]  }
0xa0: {  	v5 =	vld [tilespmem:s18+$0x0]  }
0xa1: {  	v6 =	vld [tilespmem:s17+$0x3000]  }
0xa2: {  	v7 =	vld [tilespmem:s17+$0x3800]  }
0xa3: {  	v8 =	vld [tilespmem:s17+$0x4000]  }
0xa4: {  	v9 =	vld [tilespmem:s17+$0x4800]  }
0xa5: {  	v4 =	vadd.s32 v5, v4;
	v5 =	vld [tilespmem:s17+$0x5000]  }
0xa6: {  	v56 =	vld [tilespmem:s17+$0x5800];
	v4 =	vadd.s32 v6, v4  }
0xa7: {  	v57 =	vld [tilespmem:s17+$0x6000];
	v4 =	vadd.s32 v7, v4  }
0xa8: {  	v58 =	vld [tilespmem:s17+$0x6800];
	v4 =	vadd.s32 v8, v4  }
0xa9: {  	v59 =	vld [tilespmem:s17+$0x7000];
	v4 =	vadd.s32 v9, v4  }
0xaa: {  	v4 =	vadd.s32 v5, v4;
	v5 =	vld [tilespmem:s17+$0x7800]  }
0xab: {  	v60 =	vld [tilespmem:s17+$0x8000];
	v4 =	vadd.s32 v56, v4  }
0xac: {  	v61 =	vld [tilespmem:s17+$0x8800];
	v4 =	vadd.s32 v57, v4  }
0xad: {  	v62 =	vld [tilespmem:s17+$0x9000];
	v4 =	vadd.s32 v58, v4  }
0xae: {  	v63 =	vld [tilespmem:s17+$0x9800];
	v4 =	vadd.s32 v59, v4  }
0xaf: {  	v4 =	vadd.s32 v5, v4  }
0xb0: {  	v4 =	vadd.s32 v60, v4  }
0xb1: {  	v4 =	vadd.s32 v61, v4  }
0xb2: {  	s15 =	sadd.s32 $0x1, s15;
	v4 =	vadd.s32 v62, v4  }
0xb3: {  	s16 =	sadd.s32 $0x10, s16;
	p0 =	sne.s32 s15, s7;
	v4 =	vadd.s32 v63, v4  }
.Ltmp4:
0xb4: {  	[tilespmem:s16+$0x0] =	vst v4;
	(pc) =	sbr.rel @p0 .LBB2_1-.Ltmp4, $4  }
0xb5: {  	[hbm4b:s6+s12] =	stream.strided.scatter [tilespmem:s14], [sflag:$0x1], $0x800, s13, s12, $0x38;
	[tilespmem:$0xA900] =	vst v63  }
0xb6: {  	_ =	swait.ge [sflag:s10], $0x800  }
0xb7: {  	[sflag:s10] =	ssyncset.done $0x0  }
0xb8: {  	[sflag:s10] =	ssyncadd.s32 $0xFFFFF800  }
0xb9: {  	_ =	sfence.sel $0x180000  }
0xba: {  	[bflag:$0x0] =	sbarrier.arrive $0xFFFF  }
0xbb: {  	p0 =	sne.s32 s2, $0x0;
	_ =	strace $0x90000047  }
0xbc: {  	s0 =	sadd.s32 @!p0 $0x100000, s0;
	[bflag:$0x2] =	sbarrier.arrive $0xFFFF  }
0xbd: {  	[sflag:s0] =	ssyncadd.tile.s32 @!p0 $0x1;
	_ =	shalt  }
.Lfunc_end2:
_tile_overlayer_lowered:
.L_overlay_start_2:
0xbe: {  	(tag) =	ssettag $0x2  }
0xbf: {  	s0 =	rddreg [dreg:$0x0];
	s2 =	stileid.u32  }
0xc0: {  	s1 =	rddreg [dreg:$0x1];
	p0 =	sne.s32 s2, $0x0  }
0xc1: {  	s3 =	rddreg [dreg:$0x2];
	[bflag:$0x3] =	sbarrier.arrive $0xFFFF;
	s2 =	simm.s32 @!p0 $0x1C01  }
0xc2: {  	[timem:s3], [sflag:s2] =	dma.local @!p0 [hbm:s0], s1  }
0xc3: {  	s0 =	simm.s32 @!p0 $0x1  }
0xc4: {  	_ =	swait.ge @!p0 [sflag:s0], s1  }
0xc5: {  	s1 =	ssub.s32 @!p0 $0x0, s1;
	[sflag:s0] =	ssyncset.done @!p0 $0x0  }
0xc6: {  	[sflag:s0] =	ssyncadd.s32 @!p0 s1  }
0xc7: {  	[bflag:$0x3] =	sbarrier.arrive $0xFFFF  }
0xc8: {  	_ =	shalt  }

// kernel: branch_0_fun.9.cloned.1.call-start
scs
__scs_entry_jumppad:
0x0: {  	(pc) =	sbr.rel $0x88, $3  }
0x1: {  	(tag) =	ssettag $0x0;
	lr =	simm.s32 $0x1  }
0x2: {  	[smem:$0x3FA0] =	sst lr;
	_ =	strace $0xD0000000  }
0x3: {  	_ = 	snop  }
0x4: {  	_ = 	snop  }
0x5: {  	_ = 	snop  }
0x6: {  	_ = 	snop  }
0x7: {  	_ = 	snop  }
__scs_overlays_trampoline_lowered:
0x8: {  	[smem:$0x3FAF] =	sst s0  }
0x9: {  	[smem:$0x3FB0] =	sst s1  }
0xa: {  	[smem:$0x3FB1] =	sst s2  }
0xb: {  	[smem:$0x3FB2] =	sst s3  }
0xc: {  	[smem:$0x3FB3] =	sst s4  }
0xd: {  	[smem:$0x3FB4] =	sst s5  }
0xe: {  	[smem:$0x3FB5] =	sst s6  }
0xf: {  	[smem:$0x3FB6] =	sst s7  }
0x10: {  	[smem:$0x3FB7] =	sst s8  }
0x11: {  	[smem:$0x3FB8] =	sst s9;
	s0 =	simm.s32 @!p0 $0x0  }
0x12: {  	s1 =	sld [smem:$0x3F9E];
	s0 =	simm.s32 @p0 $0x1  }
0x13: {  	[smem:$0x3FB9] =	sst s0;
	s0 =	simm.s32 @!p1 $0x0  }
0x14: {  	s2 =	sld [smem:$0x3F9D];
	s0 =	simm.s32 @p1 $0x1  }
0x15: {  	[smem:$0x3FBA] =	sst s0;
	s0 =	simm.s32 @!p2 $0x0  }
0x16: {  	s3 =	sld [smem:$0x3FDB];
	s0 =	simm.s32 @p2 $0x1  }
0x17: {  	s4 =	simm.s32 $0x1BF5;
	[smem:$0x3FBC] =	sst s0  }
0x18: {  	s0 =	sld [smem:$0x3F9F];
	_ =	swait.ge [sflag:s4], $0x0  }
0x19: {  	s7 =	sld [smem:$0x3FA0]  }
0x1a: {  	s8 =	sadd.s32 $0xFFFFE003, lr  }
0x1b: {  	s9 =	sadd.s32 $0xFFFFFEF7, lr;
	s5 =	simm.s32 $0xFFFFFFFF;
	p2 =	slt.u32 s8, $0xFFFFF086  }
0x1c: {  	p1 =	slt.u32 s9, $0xF7A;
	s5 =	simm.s32 @!p2 $0x0  }
0x1d: {  	s5 =	simm.s32 @p1 $0x1;
	p0 =	seq.s32 s7, s2  }
0x1e: {  	s7 =	smul.u32 @!p0 $0xF7A, s2;
	p2 =	seq.s32 @!p0 s5, $0x0  }
0x1f: {  	s9 =	smul.u32 $0xF7A, s1;
	s8 =	simm.s32 @!p0 $0x1BF5;
	p2 =	por !p2, p0  }
0x20: {  	[sflag:s8] =	ssyncset.s32 @!p0 $0xFFFFF086;
	s6 =	sadd.s32 @!p0 s3, s7;
	s7 =	simm.s32 @!p0 $0x108  }
0x21: {  	s3 =	sadd.s32 s3, s9;
	s6 =	sadd.s32 @!p0 $0x88, s6;
	s7 =	simm.s32 @p2 $0x1082  }
0x22: {  	[simem:s7], [sflag:s8] =	dma.local @!p0 [hbm:s6], $0xF7A  }
0x23: {  	s9 =	sor.u32 $0xD0000000, s2;
	s6 =	simm.s32 $0x108;
	_ =	swait.ge @!p0 [sflag:s8], $0x0  }
0x24: {  	s3 =	sadd.s32 $0x88, s3;
	s6 =	simm.s32 @!p1 $0x1082;
	[sflag:s4] =	ssyncset.s32 $0xFFFFF086  }
0x25: {  	[simem:s6], [sflag:s4] =	dma.local [hbm:s3], $0xF7A  }
0x26: {  	[smem:$0x3FA0] =	sst s1;
	(tag) =	ssettag s2;
	_ =	strace s9  }
0x27: {  	s1 =	sld [smem:$0x3FB0]  }
0x28: {  	s2 =	sld [smem:$0x3FB1]  }
0x29: {  	s4 =	sld [smem:$0x3FB3]  }
0x2a: {  	p0 =	seq.s32 s5, $0x0;
	s5 =	sld [smem:$0x3FB4]  }
0x2b: {  	s6 =	sld [smem:$0x3FB5]  }
0x2c: {  	s7 =	sld [smem:$0x3FB6]  }
0x2d: {  	s3 =	simm.s32 $0x108;
	s8 =	sld [smem:$0x3FB7]  }
0x2e: {  	s3 =	simm.s32 @!p0 $0x1082;
	s9 =	sld [smem:$0x3FB8]  }
0x2f: {  	lr =	sadd.s32 s0, s3;
	s0 =	sld [smem:$0x3FAF]  }
0x30: {  	s3 =	sld [smem:$0x3FB2]  }
0x31: {  	[smem:$0x3FBB] =	sst s10  }
0x32: {  	s10 =	sld [smem:$0x3FB9];
	_ =	sdelay $0x3  }
0x33: {  	p0 =	seq.s32 s10, $0x1;
	s10 =	sld [smem:$0x3FBB];
	_ =	sdelay $0x3  }
0x34: {  	[smem:$0x3FBB] =	sst s10  }
0x35: {  	s10 =	sld [smem:$0x3FBA];
	_ =	sdelay $0x3  }
0x36: {  	p1 =	seq.s32 s10, $0x1;
	s10 =	sld [smem:$0x3FBB];
	_ =	sdelay $0x3  }
0x37: {  	[smem:$0x3FBB] =	sst s10  }
0x38: {  	s10 =	sld [smem:$0x3FBC]  }
0x39: {  	_ = 	snop;
	(pc) =	sbr.ind lr, $3  }
0x3a: {  	_ = 	snop  }
0x3b: {  	_ = 	snop  }
0x3c: {  	p2 =	seq.s32 s10, $0x1;
	s10 =	sld [smem:$0x3FBB]  }
0x3d: {  	_ =	shalt  }
0x3e: {  	_ =	shalt  }
0x3f: {  	_ =	shalt  }
0x40: {  	_ =	shalt  }
0x41: {  	_ =	shalt  }
0x42: {  	_ =	shalt  }
0x43: {  	_ =	shalt  }
0x44: {  	_ =	shalt  }
0x45: {  	_ =	shalt  }
0x46: {  	_ =	shalt  }
0x47: {  	_ =	shalt  }
0x48: {  	_ =	shalt  }
0x49: {  	_ =	shalt  }
0x4a: {  	_ =	shalt  }
0x4b: {  	_ =	shalt  }
0x4c: {  	_ =	shalt  }
0x4d: {  	_ =	shalt  }
0x4e: {  	_ =	shalt  }
0x4f: {  	_ =	shalt  }
0x50: {  	_ =	shalt  }
0x51: {  	_ =	shalt  }
0x52: {  	_ =	shalt  }
0x53: {  	_ =	shalt  }
0x54: {  	_ =	shalt  }
0x55: {  	_ =	shalt  }
0x56: {  	_ =	shalt  }
0x57: {  	_ =	shalt  }
0x58: {  	_ =	shalt  }
0x59: {  	_ =	shalt  }
0x5a: {  	_ =	shalt  }
0x5b: {  	_ =	shalt  }
0x5c: {  	_ =	shalt  }
0x5d: {  	_ =	shalt  }
0x5e: {  	_ =	shalt  }
0x5f: {  	_ =	shalt  }
0x60: {  	_ =	shalt  }
0x61: {  	_ =	shalt  }
0x62: {  	_ =	shalt  }
0x63: {  	_ =	shalt  }
0x64: {  	_ =	shalt  }
0x65: {  	_ =	shalt  }
0x66: {  	_ =	shalt  }
0x67: {  	_ =	shalt  }
0x68: {  	_ =	shalt  }
0x69: {  	_ =	shalt  }
0x6a: {  	_ =	shalt  }
0x6b: {  	_ =	shalt  }
0x6c: {  	_ =	shalt  }
0x6d: {  	_ =	shalt  }
0x6e: {  	_ =	shalt  }
0x6f: {  	_ =	shalt  }
0x70: {  	_ =	shalt  }
0x71: {  	_ =	shalt  }
0x72: {  	_ =	shalt  }
0x73: {  	_ =	shalt  }
0x74: {  	_ =	shalt  }
0x75: {  	_ =	shalt  }
0x76: {  	_ =	shalt  }
0x77: {  	_ =	shalt  }
0x78: {  	_ =	shalt  }
0x79: {  	_ =	shalt  }
0x7a: {  	_ =	shalt  }
0x7b: {  	_ =	shalt  }
0x7c: {  	_ =	shalt  }
0x7d: {  	_ =	shalt  }
0x7e: {  	_ =	shalt  }
0x7f: {  	_ =	shalt  }
0x80: {  	_ =	shalt  }
0x81: {  	_ =	shalt  }
0x82: {  	_ =	shalt  }
0x83: {  	_ =	shalt  }
0x84: {  	_ =	shalt  }
0x85: {  	_ =	shalt  }
0x86: {  	_ =	shalt  }
0x87: {  	_ =	shalt  }
.Lfunc_end0:
.L_simem_size_0:
called_computation.1_lowered:
.L_overlay_start_0:
0x88: {  	s2 =	sld [smem:$0x3FD9]  }
0x89: {  	s3 =	sld [smem:$0x3FFE];
	_ =	sdelay $0x1  }
0x8a: {  	s1 =	srdreg.scid  }
0x8b: {  	s0 =	sand.u32 $0x1, s1  }
0x8c: {  	s17 =	sshll.u32 s0, $0xA;
	s2 =	sadd.s32 s3, s2  }
0x8d: {  	s2 =	sadd.s32 s2, s17  }
0x8e: {  	[smem:$0x3FC7] =	sst s2  }
0x8f: {  	_ = 	snop  }
0x90: {  	s2 =	sld [smem:$0x3FD0];
	(tm) =	ssettm $0x1  }
0x91: {  	s18 =	sld [smem:$0x3FFB];
	_ =	sdelay $0x3  }
0x92: {  	_ =	strace s18  }
0x93: {  	s3 =	sld [smem:$0x3FFC];
	_ =	sdelay $0x3  }
0x94: {  	_ =	strace s3  }
0x95: {  	s3 =	sld [smem:$0x3FFD];
	_ =	sdelay $0x3  }
0x96: {  	_ =	strace s3  }
0x97: {  	_ =	strace $0x8FFFFFFF  }
0x98: {  	s19 =	sld [smem:$0x3FDB];
	_ =	sdelay $0x1  }
0x99: {  	s4 =	simm.s32 $_scs_section_size  }
0x9a: {  	s5 =	simm.s32 $_size__tile_overlayer_lowered;
	s6 =	simm.s32 $_tile_overlayer_lowered  }
0x9b: {  	s22 =	simm.s32 $0x1BFF;
	s21 =	sshll.u32 s6, $0x1;
	s3 =	sadd.s32 s4, s19  }
0x9c: {  	s7 =	simm.s32 $0x0;
	s20 =	sshll.u32 s5, $0x1;
	s5 =	sadd.s32 s21, s3  }
0x9d: {  	[timem:s7], [sflag:s22] =	dma.local [hbm:s5], s20  }
0x9e: {  	_ =	swait.ge [sflag:s22], s20  }
0x9f: {  	s4 =	ssub.s32 $0x0, s20;
	[sflag:s22] =	ssyncset.done $0x0  }
0xa0: {  	[sflag:s22] =	ssyncadd.s32 s4;
	_ =	sdelay $0x1  }
0xa1: {  	s23 =	simm.s32 $0x1B8B  }
0xa2: {  	_ =	swait.ge [sflag:s23], $0x1  }
0xa3: {  	[sflag:s23] =	ssyncset.done $0x0  }
0xa4: {  	s25 =	simm.s32 $0x1B8E;
	s24 =	sld [smem:$0x3FFE];
	[sflag:s23] =	ssyncadd.s32 $0xFFFFFFFF  }
0xa5: {  	s26 =	simm.s32 $execute0_lowered;
	[smem:$0x3FD2] =	sst s25  }
0xa6: {  	s5 =	sshll.u32 s26, $0x1;
	_ =	strace $0x80000049;
	[dreg:$0x1] =	wrdreg $0xFFFFFFFF  }
0xa7: {  	s28 =	simm.s32 $_size_execute0_lowered;
	s3 =	sadd.s32 s3, s5;
	[dreg:$0x0] =	wrdreg $0x0  }
0xa8: {  	s5 =	sshll.u32 s28, $0x1;
	[dreg:$0x2] =	wrdreg s3  }
0xa9: {  	[dreg:$0x3] =	wrdreg s5  }
0xaa: {  	[dreg:$0x4] =	wrdreg $0xC0  }
0xab: {  	_ =	task [dreg:s7], $0x5FFFF  }
0xac: {  	[dreg:$0x1] =	wrdreg $0xFFFFFFFF  }
0xad: {  	[dreg:$0x0] =	wrdreg $0x60  }
0xae: {  	[dreg:$0x2] =	wrdreg s2  }
0xaf: {  	[dreg:$0x3] =	wrdreg s24  }
0xb0: {  	[dreg:$0x4] =	wrdreg $0x9  }
0xb1: {  	_ =	task.clear_ibuf [dreg:s7], $0x5FFFF;
	_ =	strace $0x90000049  }
0xb2: {  	s29 =	simm.s32 $0x9;
	_ =	strace $0x8000004B  }
0xb3: {  	_ =	swait.ge [sflag:s29], $0x1  }
0xb4: {  	[sflag:s29] =	ssyncadd.s32 $0xFFFFFFFF  }
0xb5: {  	_ =	strace $0x9000004B  }
0xb6: {  	_ =	sfence  }
0xb7: {  	s30 =	sld [smem:$0x0];
	_ =	sdelay $0x2  }
0xb8: {  	s31 =	sshll.u32 s1, $0xD;
	s1 =	sshrl.u32 s1, $0x2  }
0xb9: {  	s3 =	sand.u32 $0x4000, s31;
	s1 =	sadd.s32 s1, s30  }
0xba: {  	s0 =	sor.u32 s3, s0;
	s1 =	sshll.u32 s1, $0x11  }
0xbb: {  	s0 =	sor.u32 s1, s0  }
0xbc: {  	s0 =	sadd.s32 $0x8F2B, s0  }
0xbd: {  	[sflag:s0] =	ssyncadd.remote.s32 $0x1  }
0xbe: {  	_ =	sfence.sel $0xFFFF  }
0xbf: {  	[dreg:$0x0] =	wrdreg $0xFFFFFFFF;
	(pc) =	sbr.abs _section_cstart, $3  }
0xc0: {  	[dreg:$0x1] =	wrdreg $0xFFFFFFFF  }
0xc1: {  	_ =	task.clear_ibuf [dreg:s7], $0x2FFFF;
	_ =	strace $0x9FFFFFFF  }
0xc2: {  	(tm) =	ssettm $0x7FFFFFFF  }
0xc3: {  	_ =	shalt  }
tec
execute0_lowered:
.L_overlay_start_1:
0x0: {  	(tag) =	ssettag $0x1  }
0x1: {  	s1 =	rddreg [dreg:$0x0]  }
0x2: {  	s5 =	rddreg [dreg:$0x1]  }
0x3: {  	s0 =	rddreg [dreg:$0x2];
	s3 =	simm.s32 $0x0;
	s2 =	stileid.u32  }
0x4: {  	s6 =	srdreg.scid;
	s12 =	simm.s32 $0x80;
	s13 =	simm.s32 $0x400  }
0x5: {  	s14 =	simm.s32 $0xA080;
	s15 =	simm.s32 $0x0;
	[smem:$0x7FF] =	sst s3  }
0x6: {  	s4 =	sadd.s32 $0x4200, s5;
	s6 =	sand.u32 $0x1, s6;
	s7 =	sshll.u32 s2, $0x1  }
0x7: {  	s8 =	sshll.u32 s2, $0x9;
	s29 =	sshll.u32 s2, $0x12;
	_ =	strace $0x8000004A  }
0x8: {  	s9 =	ssub.s32 $0x2, s6;
	s7 =	sor.u32 s6, s7;
	s8 =	sand.u32 $0x1800, s8  }
0x9: {  	s30 =	sshll.u32 s6, $0x11;
	s10 =	sshrl.u32 s9, $0x1;
	s11 =	sshll.u32 s7, $0x4  }
0xa: {  	s5 =	sadd.s32 s8, s5;
	s31 =	sor.u32 s30, s29;
	s26 =	ssub.s32 s9, s10  }
0xb: {  	s28 =	sand.u32 $0x70, s11;
	s8 =	sor.u32 $0x70, s31;
	s10 =	simm.s32 $0x1  }
0xc: {  	v0 =	vimm.s32 $0x0;
	v1 =	vlaneseq.u32;
	s11 =	simm.s32 $0x2000;
	s9 =	sadd.s32 s28, s5;
	s5 =	sshll.u32 s7, $0x11  }
0xd: {  	v4 =	vimm.s32 $0x1;
	v2 =	vmul.u32 $0x800, v1;
	v3 =	vor.u32 $0x8000, v1;
	s7 =	smax.u32 s26, $0x1;
	s6 =	sadd.s32 $0x4800, s9;
	s9 =	simm.s32 $0xA880  }
.LBB2_1:
0xe: {  	[tilespmem:s9], [sflag:$0x1] =	stream.linear.gather [hbm4b:s4+s3], $0x80, $0x38;
	[tilespmem:$0xA900] =	vst v63  }
0xf: {  	_ =	swait.ge [sflag:s10], $0x80  }
0x10: {  	[sflag:s10] =	ssyncset.done $0x0  }
0x11: {  	s16 =	simm.s32 $0x2040;
	[sflag:s10] =	ssyncadd.s32 $0xFFFFFF80  }
0x12: {  	[tilespmem:s16+$0xFFFFFFC0] =	vst v0  }
0x13: {  	[tilespmem:s16+$0x30] =	vst v0  }
0x14: {  	[tilespmem:s16+$0x20] =	vst v0  }
0x15: {  	[tilespmem:s16+$0x10] =	vst v0  }
0x16: {  	[tilespmem:s16+$0x0] =	vst v0  }
0x17: {  	[tilespmem:s16+$0xFFFFFFF0] =	vst v0  }
0x18: {  	s17 =	simm.s32 $0x0;
	[tilespmem:s16+$0xFFFFFFE0] =	vst v0  }
.LBB2_2:
0x19: {  	s17 =	sadd.s32 $0x8, s17;
	[tilespmem:s16+$0xFFFFFFD0] =	vst v0;
	s16 =	sadd.s32 $0x80, s16  }
0x1a: {  	[tilespmem:s16+$0xFFFFFFC0] =	vst v0;
	p0 =	slt.u32 s17, $0x7F8  }
0x1b: {  	[tilespmem:s16+$0x30] =	vst v0  }
.Ltmp0:
0x1c: {  	[tilespmem:s16+$0x20] =	vst v0;
	(pc) =	sbr.rel @p0 .LBB2_2-.Ltmp0, $4  }
0x1d: {  	[tilespmem:s16+$0x10] =	vst v0  }
0x1e: {  	[tilespmem:s16+$0x0] =	vst v0  }
0x1f: {  	[tilespmem:s16+$0xFFFFFFF0] =	vst v0  }
0x20: {  	[tilespmem:s16+$0xFFFFFFE0] =	vst v0  }
0x21: {  	[tilespmem:s16+$0xFFFFFFD0] =	vst v0;
	s16 =	simm.s32 $0x0;
	s17 =	smov.u32 s8  }
.LBB2_4:
0x22: {  	s18 =	sshll.u32 s16, $0xD  }
0x23: {  	s18 =	sadd.s32 s5, s18  }
0x24: {  	s18 =	sshrl.u32 s18, $0x3  }
0x25: {  	s18 =	sadd.s32 s1, s18  }
0x26: {  	[tilespmem:s3], [sflag:$0x1] =	stream.linear.gather [hbm4b:s18+s3], $0x2000, $0x38;
	[tilespmem:$0xA900] =	vst v63  }
0x27: {  	_ =	swait.ge [sflag:s10], $0x2000  }
0x28: {  	s19 =	simm.s32 $0x40;
	[sflag:s10] =	ssyncset.done $0x0  }
0x29: {  	s20 =	smov.u32 s17;
	s18 =	simm.s32 $0xFFFFFFF8;
	[sflag:s10] =	ssyncadd.s32 $0xFFFFE000  }
.LBB2_5:
0x2a: {  	v5 =	vld [tilespmem:s19+$0xFFFFFFC0];
	_ =	sdelay $0x1  }
0x2b: {  	v6 =	vld [tilespmem:$0xA880]  }
0x2c: {  	v7 =	vld [tilespmem:$0xA890];
	_ =	sdelay $0x1  }
0x2d: {  	s21 =	sadd.s32 $0xFFFFFF90, s20;
	v8 =	vshra.s32 v5, $0x1F  }
0x2e: {  	v9 =	vmov s21;
	v8 =	vor.u32 $0x80000000, v8  }
0x2f: {  	v42 =	vor.u32 s21, v1;
	v9 =	vshrl.u32 v9, $0xB;
	v5 =	vxor.u32 v5, v8  }
0x30: {  	vm1 =	veq.s32 v9, v7;
	v8 =	vand.u32 $0x78F, v42;
	vm0 =	veq.s32 v5, v6  }
0x31: {  	v5 =	vor.u32 v2, v8;
	vm0 =	vmand vm1, vm0  }
0x32: {  	v5 =	vsel vm0, v5, v3;
	_ =	sdelay $0x4  }
0x33: {  	[tilespmem:v5+s11+$0x0] =	vst.idx.add.s32.msk $0xffff, v4  }
0x34: {  	v5 =	vld [tilespmem:s19+$0xFFFFFFD0];
	_ =	sdelay $0x1  }
0x35: {  	v6 =	vld [tilespmem:$0xA880]  }
0x36: {  	v7 =	vld [tilespmem:$0xA890];
	_ =	sdelay $0x1  }
0x37: {  	s25 =	sadd.s32 $0xFFFFFFA0, s20;
	v43 =	vshra.s32 v5, $0x1F  }
0x38: {  	v44 =	vmov s25;
	v8 =	vor.u32 $0x80000000, v43  }
0x39: {  	v45 =	vor.u32 s25, v1;
	v9 =	vshrl.u32 v44, $0xB;
	v5 =	vxor.u32 v5, v8  }
0x3a: {  	vm15 =	veq.s32 v9, v7;
	v8 =	vand.u32 $0x7FF, v45;
	vm14 =	veq.s32 v5, v6  }
0x3b: {  	v5 =	vor.u32 v2, v8;
	vm0 =	vmand vm15, vm14  }
0x3c: {  	v5 =	vsel vm0, v5, v3;
	_ =	sdelay $0x4  }
0x3d: {  	[tilespmem:v5+s11+$0x0] =	vst.idx.add.s32.msk $0xffff, v4  }
0x3e: {  	v5 =	vld [tilespmem:s19+$0xFFFFFFE0];
	_ =	sdelay $0x1  }
0x3f: {  	v6 =	vld [tilespmem:$0xA880]  }
0x40: {  	v7 =	vld [tilespmem:$0xA890];
	_ =	sdelay $0x1  }
0x41: {  	s26 =	sadd.s32 $0xFFFFFFB0, s20;
	v46 =	vshra.s32 v5, $0x1F  }
0x42: {  	v47 =	vmov s26;
	v8 =	vor.u32 $0x80000000, v46  }
0x43: {  	v48 =	vor.u32 s26, v1;
	v9 =	vshrl.u32 v47, $0xB;
	v5 =	vxor.u32 v5, v8  }
0x44: {  	vm5 =	veq.s32 v9, v7;
	v8 =	vand.u32 $0x7FF, v48;
	vm4 =	veq.s32 v5, v6  }
0x45: {  	v5 =	vor.u32 v2, v8;
	vm0 =	vmand vm5, vm4  }
0x46: {  	v5 =	vsel vm0, v5, v3;
	_ =	sdelay $0x4  }
0x47: {  	[tilespmem:v5+s11+$0x0] =	vst.idx.add.s32.msk $0xffff, v4  }
0x48: {  	v5 =	vld [tilespmem:s19+$0xFFFFFFF0];
	_ =	sdelay $0x1  }
0x49: {  	v6 =	vld [tilespmem:$0xA880]  }
0x4a: {  	v7 =	vld [tilespmem:$0xA890];
	_ =	sdelay $0x1  }
0x4b: {  	s28 =	sadd.s32 $0xFFFFFFC0, s20;
	v49 =	vshra.s32 v5, $0x1F  }
0x4c: {  	v50 =	vmov s28;
	v8 =	vor.u32 $0x80000000, v49  }
0x4d: {  	v51 =	vor.u32 s28, v1;
	v9 =	vshrl.u32 v50, $0xB;
	v5 =	vxor.u32 v5, v8  }
0x4e: {  	vm7 =	veq.s32 v9, v7;
	v8 =	vand.u32 $0x7FF, v51;
	vm6 =	veq.s32 v5, v6  }
0x4f: {  	v5 =	vor.u32 v2, v8;
	vm0 =	vmand vm7, vm6  }
0x50: {  	v5 =	vsel vm0, v5, v3;
	_ =	sdelay $0x4  }
0x51: {  	[tilespmem:v5+s11+$0x0] =	vst.idx.add.s32.msk $0xffff, v4  }
0x52: {  	v5 =	vld [tilespmem:s19+$0x0];
	_ =	sdelay $0x1  }
0x53: {  	v6 =	vld [tilespmem:$0xA880]  }
0x54: {  	v7 =	vld [tilespmem:$0xA890];
	_ =	sdelay $0x1  }
0x55: {  	s29 =	sadd.s32 $0xFFFFFFD0, s20;
	v52 =	vshra.s32 v5, $0x1F  }
0x56: {  	v53 =	vmov s29;
	v8 =	vor.u32 $0x80000000, v52  }
0x57: {  	v54 =	vor.u32 s29, v1;
	v9 =	vshrl.u32 v53, $0xB;
	v5 =	vxor.u32 v5, v8  }
0x58: {  	vm9 =	veq.s32 v9, v7;
	v8 =	vand.u32 $0x7FF, v54;
	vm8 =	veq.s32 v5, v6  }
0x59: {  	v5 =	vor.u32 v2, v8;
	vm0 =	vmand vm9, vm8  }
0x5a: {  	v5 =	vsel vm0, v5, v3;
	_ =	sdelay $0x4  }
0x5b: {  	[tilespmem:v5+s11+$0x0] =	vst.idx.add.s32.msk $0xffff, v4  }
0x5c: {  	v5 =	vld [tilespmem:s19+$0x10];
	_ =	sdelay $0x1  }
0x5d: {  	v6 =	vld [tilespmem:$0xA880]  }
0x5e: {  	v7 =	vld [tilespmem:$0xA890];
	_ =	sdelay $0x1  }
0x5f: {  	s30 =	sadd.s32 $0xFFFFFFE0, s20;
	v55 =	vshra.s32 v5, $0x1F  }
0x60: {  	v56 =	vmov s30;
	v8 =	vor.u32 $0x80000000, v55  }
0x61: {  	v57 =	vor.u32 s30, v1;
	v9 =	vshrl.u32 v56, $0xB;
	v5 =	vxor.u32 v5, v8  }
0x62: {  	vm11 =	veq.s32 v9, v7;
	v8 =	vand.u32 $0x7FF, v57;
	vm10 =	veq.s32 v5, v6  }
0x63: {  	v5 =	vor.u32 v2, v8;
	vm0 =	vmand vm11, vm10  }
0x64: {  	v5 =	vsel vm0, v5, v3;
	_ =	sdelay $0x4  }
0x65: {  	[tilespmem:v5+s11+$0x0] =	vst.idx.add.s32.msk $0xffff, v4  }
0x66: {  	v5 =	vld [tilespmem:s19+$0x20];
	_ =	sdelay $0x1  }
0x67: {  	v6 =	vld [tilespmem:$0xA880]  }
0x68: {  	v7 =	vld [tilespmem:$0xA890];
	_ =	sdelay $0x1  }
0x69: {  	s31 =	sadd.s32 $0xFFFFFFF0, s20;
	v58 =	vshra.s32 v5, $0x1F  }
0x6a: {  	v59 =	vmov s31;
	v8 =	vor.u32 $0x80000000, v58  }
0x6b: {  	v60 =	vor.u32 s31, v1;
	v9 =	vshrl.u32 v59, $0xB;
	v5 =	vxor.u32 v5, v8  }
0x6c: {  	vm13 =	veq.s32 v9, v7;
	v8 =	vand.u32 $0x7FF, v60;
	vm12 =	veq.s32 v5, v6  }
0x6d: {  	v5 =	vor.u32 v2, v8;
	vm0 =	vmand vm13, vm12  }
0x6e: {  	v5 =	vsel vm0, v5, v3;
	_ =	sdelay $0x4  }
0x6f: {  	[tilespmem:v5+s11+$0x0] =	vst.idx.add.s32.msk $0xffff, v4  }
0x70: {  	v5 =	vld [tilespmem:s19+$0x30];
	_ =	sdelay $0x1  }
0x71: {  	v6 =	vld [tilespmem:$0xA880]  }
0x72: {  	v7 =	vld [tilespmem:$0xA890];
	_ =	sdelay $0x1  }
0x73: {  	v61 =	vshra.s32 v5, $0x1F  }
0x74: {  	v62 =	vmov s20;
	v8 =	vor.u32 $0x80000000, v61  }
0x75: {  	v63 =	vor.u32 s20, v1;
	v9 =	vshrl.u32 v62, $0xB;
	v5 =	vxor.u32 v5, v8  }
0x76: {  	vm15 =	veq.s32 v9, v7;
	vm14 =	veq.s32 v5, v6;
	v5 =	vand.u32 $0x7FF, v63  }
0x77: {  	s18 =	sadd.s32 $0x8, s18;
	vm0 =	vmand vm15, vm14;
	v5 =	vor.u32 v2, v5  }
0x78: {  	p0 =	slt.u32 s18, $0x1F8;
	v5 =	vsel vm0, v5, v3  }
.Ltmp1:
0x79: {  	_ = 	snop;
	(pc) =	sbr.rel @p0 .LBB2_5-.Ltmp1, $2  }
0x7a: {  	_ =	sdelay $0x2  }
0x7b: {  	s20 =	sadd.s32 $0x80, s20;
	s19 =	sadd.s32 $0x80, s19;
	[tilespmem:v5+s11+$0x0] =	vst.idx.add.s32.msk $0xffff, v4  }
0x7c: {  	s16 =	sadd.s32 $0x1, s16  }
0x7d: {  	p0 =	sne.s32 s16, $0x10  }
.Ltmp2:
0x7e: {  	_ = 	snop;
	(pc) =	sbr.rel @p0 .LBB2_4-.Ltmp2, $2  }
0x7f: {  	_ =	sdelay $0x2  }
0x80: {  	s17 =	sadd.s32 $0x2000, s17  }
0x81: {  	s16 =	simm.s32 $0x0;
	s17 =	simm.s32 $0x2000  }
0x82: {  	s16 =	sand.u32 $0x7F0, s16;
	v6 =	vld [tilespmem:s17+$0x0]  }
0x83: {  	v5 =	vld [tilespmem:s16+$0x2800]  }
0x84: {  	v7 =	vld [tilespmem:s16+$0x3000]  }
0x85: {  	v8 =	vld [tilespmem:s16+$0x3800]  }
0x86: {  	v9 =	vld [tilespmem:s16+$0x4000]  }
0x87: {  	v10 =	vld [tilespmem:s16+$0x4800]  }
0x88: {  	v5 =	vadd.s32 v6, v5;
	v6 =	vld [tilespmem:s16+$0x5000]  }
0x89: {  	v5 =	vadd.s32 v7, v5;
	v7 =	vld [tilespmem:s16+$0x5800]  }
0x8a: {  	v58 =	vld [tilespmem:s16+$0x6000];
	v5 =	vadd.s32 v8, v5  }
0x8b: {  	v59 =	vld [tilespmem:s16+$0x6800];
	v5 =	vadd.s32 v9, v5  }
0x8c: {  	v60 =	vld [tilespmem:s16+$0x7000];
	v5 =	vadd.s32 v10, v5  }
0x8d: {  	v5 =	vadd.s32 v6, v5;
	v6 =	vld [tilespmem:s16+$0x7800]  }
0x8e: {  	v5 =	vadd.s32 v7, v5;
	v7 =	vld [tilespmem:s16+$0x8000]  }
0x8f: {  	v61 =	vld [tilespmem:s16+$0x8800];
	v5 =	vadd.s32 v58, v5  }
0x90: {  	v62 =	vld [tilespmem:s16+$0x9000];
	v5 =	vadd.s32 v59, v5  }
0x91: {  	v63 =	vld [tilespmem:s16+$0x9800];
	v5 =	vadd.s32 v60, v5  }
0x92: {  	v5 =	vadd.s32 v6, v5  }
0x93: {  	v5 =	vadd.s32 v7, v5  }
0x94: {  	v5 =	vadd.s32 v61, v5  }
0x95: {  	v5 =	vadd.s32 v62, v5  }
0x96: {  	s31 =	simm.s32 $0x10;
	s16 =	simm.s32 $0xA080;
	v5 =	vadd.s32 v63, v5  }
0x97: {  	s17 =	sand.u32 $0x7F0, s31;
	[tilespmem:s16+$0x0] =	vst v5  }
0x98: {  	s19 =	simm.s32 $0x20;
	s18 =	simm.s32 $0x2010;
	v5 =	vld [tilespmem:s17+$0x2800]  }
.LBB2_8:
0x99: {  	p0 =	sne.s32 s19, $0x7F0;
	v6 =	vld [tilespmem:s18+$0x0]  }
0x9a: {  	v7 =	vld [tilespmem:s17+$0x3000]  }
0x9b: {  	v8 =	vld [tilespmem:s17+$0x3800]  }
0x9c: {  	v9 =	vld [tilespmem:s17+$0x4000]  }
0x9d: {  	v10 =	vld [tilespmem:s17+$0x4800]  }
0x9e: {  	v5 =	vadd.s32 v6, v5;
	v6 =	vld [tilespmem:s17+$0x5000]  }
0x9f: {  	v5 =	vadd.s32 v7, v5;
	v7 =	vld [tilespmem:s17+$0x5800]  }
0xa0: {  	v5 =	vadd.s32 v8, v5;
	v8 =	vld [tilespmem:s17+$0x6000]  }
0xa1: {  	v5 =	vadd.s32 v9, v5;
	v9 =	vld [tilespmem:s17+$0x6800]  }
0xa2: {  	v5 =	vadd.s32 v10, v5;
	v10 =	vld [tilespmem:s17+$0x7000]  }
0xa3: {  	v5 =	vadd.s32 v6, v5;
	v6 =	vld [tilespmem:s17+$0x7800]  }
0xa4: {  	v5 =	vadd.s32 v7, v5;
	v7 =	vld [tilespmem:s17+$0x8000]  }
0xa5: {  	v5 =	vadd.s32 v8, v5;
	v8 =	vld [tilespmem:s17+$0x8800]  }
0xa6: {  	v5 =	vadd.s32 v9, v5;
	v9 =	vld [tilespmem:s17+$0x9000]  }
0xa7: {  	v5 =	vadd.s32 v10, v5;
	v10 =	vld [tilespmem:s17+$0x9800]  }
0xa8: {  	v5 =	vadd.s32 v6, v5  }
0xa9: {  	v5 =	vadd.s32 v7, v5  }
.Ltmp3:
0xaa: {  	v5 =	vadd.s32 v8, v5;
	(pc) =	sbr.rel @p0 .LBB2_8-.Ltmp3, $4  }
0xab: {  	v5 =	vadd.s32 v9, v5  }
0xac: {  	s16 =	sadd.s32 $0x10, s16;
	v5 =	vadd.s32 v10, v5  }
0xad: {  	s17 =	sand.u32 $0x7F0, s19;
	[tilespmem:s16+$0x0] =	vst v5  }
0xae: {  	s18 =	sadd.s32 $0x10, s18;
	s19 =	sadd.s32 $0x10, s19;
	v5 =	vld [tilespmem:s17+$0x2800]  }
0xaf: {  	v6 =	vld [tilespmem:s18+$0x0]  }
0xb0: {  	v7 =	vld [tilespmem:s17+$0x3000]  }
0xb1: {  	v8 =	vld [tilespmem:s17+$0x3800]  }
0xb2: {  	v9 =	vld [tilespmem:s17+$0x4000]  }
0xb3: {  	v10 =	vld [tilespmem:s17+$0x4800]  }
0xb4: {  	v5 =	vadd.s32 v6, v5;
	v6 =	vld [tilespmem:s17+$0x5000]  }
0xb5: {  	v5 =	vadd.s32 v7, v5;
	v7 =	vld [tilespmem:s17+$0x5800]  }
0xb6: {  	v58 =	vld [tilespmem:s17+$0x6000];
	v5 =	vadd.s32 v8, v5  }
0xb7: {  	v59 =	vld [tilespmem:s17+$0x6800];
	v5 =	vadd.s32 v9, v5  }
0xb8: {  	v60 =	vld [tilespmem:s17+$0x7000];
	v5 =	vadd.s32 v10, v5  }
0xb9: {  	v5 =	vadd.s32 v6, v5;
	v6 =	vld [tilespmem:s17+$0x7800]  }
0xba: {  	v5 =	vadd.s32 v7, v5;
	v7 =	vld [tilespmem:s17+$0x8000]  }
0xbb: {  	v61 =	vld [tilespmem:s17+$0x8800];
	v5 =	vadd.s32 v58, v5  }
0xbc: {  	v62 =	vld [tilespmem:s17+$0x9000];
	v5 =	vadd.s32 v59, v5  }
0xbd: {  	v63 =	vld [tilespmem:s17+$0x9800];
	v5 =	vadd.s32 v60, v5  }
0xbe: {  	v5 =	vadd.s32 v6, v5  }
0xbf: {  	v5 =	vadd.s32 v7, v5  }
0xc0: {  	v5 =	vadd.s32 v61, v5  }
0xc1: {  	s15 =	sadd.s32 $0x1, s15;
	v5 =	vadd.s32 v62, v5  }
0xc2: {  	s16 =	sadd.s32 $0x10, s16;
	p0 =	sne.s32 s15, s7;
	v5 =	vadd.s32 v63, v5  }
.Ltmp4:
0xc3: {  	[tilespmem:s16+$0x0] =	vst v5;
	(pc) =	sbr.rel @p0 .LBB2_1-.Ltmp4, $4  }
0xc4: {  	[hbm4b:s6+s12] =	stream.strided.scatter [tilespmem:s14], [sflag:$0x1], $0x800, s13, s12, $0x38;
	[tilespmem:$0xA900] =	vst v63  }
0xc5: {  	_ =	swait.ge [sflag:s10], $0x800  }
0xc6: {  	[sflag:s10] =	ssyncset.done $0x0  }
0xc7: {  	[sflag:s10] =	ssyncadd.s32 $0xFFFFF800  }
0xc8: {  	_ =	sfence.sel $0x180000  }
0xc9: {  	[bflag:$0x0] =	sbarrier.arrive $0xFFFF  }
0xca: {  	p0 =	sne.s32 s2, $0x0;
	_ =	strace $0x9000004A  }
0xcb: {  	s0 =	sadd.s32 @!p0 $0x100000, s0;
	[bflag:$0x2] =	sbarrier.arrive $0xFFFF  }
0xcc: {  	[sflag:s0] =	ssyncadd.tile.s32 @!p0 $0x1;
	_ =	shalt  }
.Lfunc_end2:
_tile_overlayer_lowered:
.L_overlay_start_2:
0xcd: {  	(tag) =	ssettag $0x2  }
0xce: {  	s0 =	rddreg [dreg:$0x0];
	s2 =	stileid.u32  }
0xcf: {  	s1 =	rddreg [dreg:$0x1];
	p0 =	sne.s32 s2, $0x0  }
0xd0: {  	s3 =	rddreg [dreg:$0x2];
	[bflag:$0x3] =	sbarrier.arrive $0xFFFF;
	s2 =	simm.s32 @!p0 $0x1C01  }
0xd1: {  	[timem:s3], [sflag:s2] =	dma.local @!p0 [hbm:s0], s1  }
0xd2: {  	s0 =	simm.s32 @!p0 $0x1  }
0xd3: {  	_ =	swait.ge @!p0 [sflag:s0], s1  }
0xd4: {  	s1 =	ssub.s32 @!p0 $0x0, s1;
	[sflag:s0] =	ssyncset.done @!p0 $0x0  }
0xd5: {  	[sflag:s0] =	ssyncadd.s32 @!p0 s1  }
0xd6: {  	[bflag:$0x3] =	sbarrier.arrive $0xFFFF  }
0xd7: {  	_ =	shalt  }

// kernel: kernel.12.cloned.1.call-start
scs
__scs_entry_jumppad:
0x0: {  	(pc) =	sbr.rel $0x88, $3  }
0x1: {  	(tag) =	ssettag $0x0;
	lr =	simm.s32 $0x1  }
0x2: {  	[smem:$0x3FA0] =	sst lr;
	_ =	strace $0xD0000000  }
0x3: {  	_ = 	snop  }
0x4: {  	_ = 	snop  }
0x5: {  	_ = 	snop  }
0x6: {  	_ = 	snop  }
0x7: {  	_ = 	snop  }
__scs_overlays_trampoline_lowered:
0x8: {  	[smem:$0x3FAF] =	sst s0  }
0x9: {  	[smem:$0x3FB0] =	sst s1  }
0xa: {  	[smem:$0x3FB1] =	sst s2  }
0xb: {  	[smem:$0x3FB2] =	sst s3  }
0xc: {  	[smem:$0x3FB3] =	sst s4  }
0xd: {  	[smem:$0x3FB4] =	sst s5  }
0xe: {  	[smem:$0x3FB5] =	sst s6  }
0xf: {  	[smem:$0x3FB6] =	sst s7  }
0x10: {  	[smem:$0x3FB7] =	sst s8  }
0x11: {  	[smem:$0x3FB8] =	sst s9;
	s0 =	simm.s32 @!p0 $0x0  }
0x12: {  	s1 =	sld [smem:$0x3F9E];
	s0 =	simm.s32 @p0 $0x1  }
0x13: {  	[smem:$0x3FB9] =	sst s0;
	s0 =	simm.s32 @!p1 $0x0  }
0x14: {  	s2 =	sld [smem:$0x3F9D];
	s0 =	simm.s32 @p1 $0x1  }
0x15: {  	[smem:$0x3FBA] =	sst s0;
	s0 =	simm.s32 @!p2 $0x0  }
0x16: {  	s3 =	sld [smem:$0x3FDB];
	s0 =	simm.s32 @p2 $0x1  }
0x17: {  	s4 =	simm.s32 $0x1BF5;
	[smem:$0x3FBC] =	sst s0  }
0x18: {  	s0 =	sld [smem:$0x3F9F];
	_ =	swait.ge [sflag:s4], $0x0  }
0x19: {  	s7 =	sld [smem:$0x3FA0]  }
0x1a: {  	s8 =	sadd.s32 $0xFFFFE003, lr  }
0x1b: {  	s9 =	sadd.s32 $0xFFFFFEF7, lr;
	s5 =	simm.s32 $0xFFFFFFFF;
	p2 =	slt.u32 s8, $0xFFFFF086  }
0x1c: {  	p1 =	slt.u32 s9, $0xF7A;
	s5 =	simm.s32 @!p2 $0x0  }
0x1d: {  	s5 =	simm.s32 @p1 $0x1;
	p0 =	seq.s32 s7, s2  }
0x1e: {  	s7 =	smul.u32 @!p0 $0xF7A, s2;
	p2 =	seq.s32 @!p0 s5, $0x0  }
0x1f: {  	s9 =	smul.u32 $0xF7A, s1;
	s8 =	simm.s32 @!p0 $0x1BF5;
	p2 =	por !p2, p0  }
0x20: {  	[sflag:s8] =	ssyncset.s32 @!p0 $0xFFFFF086;
	s6 =	sadd.s32 @!p0 s3, s7;
	s7 =	simm.s32 @!p0 $0x108  }
0x21: {  	s3 =	sadd.s32 s3, s9;
	s6 =	sadd.s32 @!p0 $0x88, s6;
	s7 =	simm.s32 @p2 $0x1082  }
0x22: {  	[simem:s7], [sflag:s8] =	dma.local @!p0 [hbm:s6], $0xF7A  }
0x23: {  	s9 =	sor.u32 $0xD0000000, s2;
	s6 =	simm.s32 $0x108;
	_ =	swait.ge @!p0 [sflag:s8], $0x0  }
0x24: {  	s3 =	sadd.s32 $0x88, s3;
	s6 =	simm.s32 @!p1 $0x1082;
	[sflag:s4] =	ssyncset.s32 $0xFFFFF086  }
0x25: {  	[simem:s6], [sflag:s4] =	dma.local [hbm:s3], $0xF7A  }
0x26: {  	[smem:$0x3FA0] =	sst s1;
	(tag) =	ssettag s2;
	_ =	strace s9  }
0x27: {  	s1 =	sld [smem:$0x3FB0]  }
0x28: {  	s2 =	sld [smem:$0x3FB1]  }
0x29: {  	s4 =	sld [smem:$0x3FB3]  }
0x2a: {  	p0 =	seq.s32 s5, $0x0;
	s5 =	sld [smem:$0x3FB4]  }
0x2b: {  	s6 =	sld [smem:$0x3FB5]  }
0x2c: {  	s7 =	sld [smem:$0x3FB6]  }
0x2d: {  	s3 =	simm.s32 $0x108;
	s8 =	sld [smem:$0x3FB7]  }
0x2e: {  	s3 =	simm.s32 @!p0 $0x1082;
	s9 =	sld [smem:$0x3FB8]  }
0x2f: {  	lr =	sadd.s32 s0, s3;
	s0 =	sld [smem:$0x3FAF]  }
0x30: {  	s3 =	sld [smem:$0x3FB2]  }
0x31: {  	[smem:$0x3FBB] =	sst s10  }
0x32: {  	s10 =	sld [smem:$0x3FB9];
	_ =	sdelay $0x3  }
0x33: {  	p0 =	seq.s32 s10, $0x1;
	s10 =	sld [smem:$0x3FBB];
	_ =	sdelay $0x3  }
0x34: {  	[smem:$0x3FBB] =	sst s10  }
0x35: {  	s10 =	sld [smem:$0x3FBA];
	_ =	sdelay $0x3  }
0x36: {  	p1 =	seq.s32 s10, $0x1;
	s10 =	sld [smem:$0x3FBB];
	_ =	sdelay $0x3  }
0x37: {  	[smem:$0x3FBB] =	sst s10  }
0x38: {  	s10 =	sld [smem:$0x3FBC]  }
0x39: {  	_ = 	snop;
	(pc) =	sbr.ind lr, $3  }
0x3a: {  	_ = 	snop  }
0x3b: {  	_ = 	snop  }
0x3c: {  	p2 =	seq.s32 s10, $0x1;
	s10 =	sld [smem:$0x3FBB]  }
0x3d: {  	_ =	shalt  }
0x3e: {  	_ =	shalt  }
0x3f: {  	_ =	shalt  }
0x40: {  	_ =	shalt  }
0x41: {  	_ =	shalt  }
0x42: {  	_ =	shalt  }
0x43: {  	_ =	shalt  }
0x44: {  	_ =	shalt  }
0x45: {  	_ =	shalt  }
0x46: {  	_ =	shalt  }
0x47: {  	_ =	shalt  }
0x48: {  	_ =	shalt  }
0x49: {  	_ =	shalt  }
0x4a: {  	_ =	shalt  }
0x4b: {  	_ =	shalt  }
0x4c: {  	_ =	shalt  }
0x4d: {  	_ =	shalt  }
0x4e: {  	_ =	shalt  }
0x4f: {  	_ =	shalt  }
0x50: {  	_ =	shalt  }
0x51: {  	_ =	shalt  }
0x52: {  	_ =	shalt  }
0x53: {  	_ =	shalt  }
0x54: {  	_ =	shalt  }
0x55: {  	_ =	shalt  }
0x56: {  	_ =	shalt  }
0x57: {  	_ =	shalt  }
0x58: {  	_ =	shalt  }
0x59: {  	_ =	shalt  }
0x5a: {  	_ =	shalt  }
0x5b: {  	_ =	shalt  }
0x5c: {  	_ =	shalt  }
0x5d: {  	_ =	shalt  }
0x5e: {  	_ =	shalt  }
0x5f: {  	_ =	shalt  }
0x60: {  	_ =	shalt  }
0x61: {  	_ =	shalt  }
0x62: {  	_ =	shalt  }
0x63: {  	_ =	shalt  }
0x64: {  	_ =	shalt  }
0x65: {  	_ =	shalt  }
0x66: {  	_ =	shalt  }
0x67: {  	_ =	shalt  }
0x68: {  	_ =	shalt  }
0x69: {  	_ =	shalt  }
0x6a: {  	_ =	shalt  }
0x6b: {  	_ =	shalt  }
0x6c: {  	_ =	shalt  }
0x6d: {  	_ =	shalt  }
0x6e: {  	_ =	shalt  }
0x6f: {  	_ =	shalt  }
0x70: {  	_ =	shalt  }
0x71: {  	_ =	shalt  }
0x72: {  	_ =	shalt  }
0x73: {  	_ =	shalt  }
0x74: {  	_ =	shalt  }
0x75: {  	_ =	shalt  }
0x76: {  	_ =	shalt  }
0x77: {  	_ =	shalt  }
0x78: {  	_ =	shalt  }
0x79: {  	_ =	shalt  }
0x7a: {  	_ =	shalt  }
0x7b: {  	_ =	shalt  }
0x7c: {  	_ =	shalt  }
0x7d: {  	_ =	shalt  }
0x7e: {  	_ =	shalt  }
0x7f: {  	_ =	shalt  }
0x80: {  	_ =	shalt  }
0x81: {  	_ =	shalt  }
0x82: {  	_ =	shalt  }
0x83: {  	_ =	shalt  }
0x84: {  	_ =	shalt  }
0x85: {  	_ =	shalt  }
0x86: {  	_ =	shalt  }
0x87: {  	_ =	shalt  }
.Lfunc_end0:
.L_simem_size_0:
called_computation.3_lowered:
.L_overlay_start_0:
0x88: {  	s2 =	sld [smem:$0x3FD9]  }
0x89: {  	s3 =	sld [smem:$0x3FFE];
	_ =	sdelay $0x1  }
0x8a: {  	s1 =	srdreg.scid  }
0x8b: {  	s0 =	sand.u32 $0x1, s1  }
0x8c: {  	s17 =	sshll.u32 s0, $0xA;
	s2 =	sadd.s32 s3, s2  }
0x8d: {  	s2 =	sadd.s32 s2, s17  }
0x8e: {  	[smem:$0x3FC7] =	sst s2  }
0x8f: {  	_ = 	snop  }
0x90: {  	s2 =	sld [smem:$0x3FD0];
	(tm) =	ssettm $0x1  }
0x91: {  	s18 =	sld [smem:$0x3FFB];
	_ =	sdelay $0x3  }
0x92: {  	_ =	strace s18  }
0x93: {  	s3 =	sld [smem:$0x3FFC];
	_ =	sdelay $0x3  }
0x94: {  	_ =	strace s3  }
0x95: {  	s3 =	sld [smem:$0x3FFD];
	_ =	sdelay $0x3  }
0x96: {  	_ =	strace s3  }
0x97: {  	_ =	strace $0x8FFFFFFF  }
0x98: {  	s19 =	sld [smem:$0x3FDB];
	_ =	sdelay $0x1  }
0x99: {  	s4 =	simm.s32 $_scs_section_size  }
0x9a: {  	s5 =	simm.s32 $_size__tile_overlayer_lowered;
	s6 =	simm.s32 $_tile_overlayer_lowered  }
0x9b: {  	s22 =	simm.s32 $0x1BFF;
	s21 =	sshll.u32 s6, $0x1;
	s3 =	sadd.s32 s4, s19  }
0x9c: {  	s7 =	simm.s32 $0x0;
	s20 =	sshll.u32 s5, $0x1;
	s5 =	sadd.s32 s21, s3  }
0x9d: {  	[timem:s7], [sflag:s22] =	dma.local [hbm:s5], s20  }
0x9e: {  	_ =	swait.ge [sflag:s22], s20  }
0x9f: {  	s4 =	ssub.s32 $0x0, s20;
	[sflag:s22] =	ssyncset.done $0x0  }
0xa0: {  	[sflag:s22] =	ssyncadd.s32 s4;
	_ =	sdelay $0x1  }
0xa1: {  	s23 =	simm.s32 $0x1B8B  }
0xa2: {  	_ =	swait.ge [sflag:s23], $0x1  }
0xa3: {  	[sflag:s23] =	ssyncset.done $0x0  }
0xa4: {  	s25 =	simm.s32 $0x1B8E;
	s24 =	sld [smem:$0x3FFE];
	[sflag:s23] =	ssyncadd.s32 $0xFFFFFFFF  }
0xa5: {  	s26 =	simm.s32 $execute0_lowered;
	[smem:$0x3FD2] =	sst s25  }
0xa6: {  	s5 =	sshll.u32 s26, $0x1;
	_ =	strace $0x8000004F;
	[dreg:$0x1] =	wrdreg $0xFFFFFFFF  }
0xa7: {  	s28 =	simm.s32 $_size_execute0_lowered;
	s3 =	sadd.s32 s3, s5;
	[dreg:$0x0] =	wrdreg $0x0  }
0xa8: {  	s5 =	sshll.u32 s28, $0x1;
	[dreg:$0x2] =	wrdreg s3  }
0xa9: {  	[dreg:$0x3] =	wrdreg s5  }
0xaa: {  	[dreg:$0x4] =	wrdreg $0xC0  }
0xab: {  	_ =	task [dreg:s7], $0x5FFFF  }
0xac: {  	[dreg:$0x1] =	wrdreg $0xFFFFFFFF  }
0xad: {  	[dreg:$0x0] =	wrdreg $0x60  }
0xae: {  	[dreg:$0x2] =	wrdreg s2  }
0xaf: {  	[dreg:$0x3] =	wrdreg s24  }
0xb0: {  	[dreg:$0x4] =	wrdreg $0x9  }
0xb1: {  	_ =	task.clear_ibuf [dreg:s7], $0x5FFFF;
	_ =	strace $0x9000004F  }
0xb2: {  	s29 =	simm.s32 $0x9;
	_ =	strace $0x80000051  }
0xb3: {  	_ =	swait.ge [sflag:s29], $0x1  }
0xb4: {  	[sflag:s29] =	ssyncadd.s32 $0xFFFFFFFF  }
0xb5: {  	_ =	strace $0x90000051  }
0xb6: {  	_ =	sfence  }
0xb7: {  	s30 =	sld [smem:$0x0];
	_ =	sdelay $0x2  }
0xb8: {  	s31 =	sshll.u32 s1, $0xD;
	s1 =	sshrl.u32 s1, $0x2  }
0xb9: {  	s3 =	sand.u32 $0x4000, s31;
	s1 =	sadd.s32 s1, s30  }
0xba: {  	s0 =	sor.u32 s3, s0;
	s1 =	sshll.u32 s1, $0x11  }
0xbb: {  	s0 =	sor.u32 s1, s0  }
0xbc: {  	s0 =	sadd.s32 $0x8F2B, s0  }
0xbd: {  	[sflag:s0] =	ssyncadd.remote.s32 $0x1  }
0xbe: {  	_ =	sfence.sel $0xFFFF  }
0xbf: {  	[dreg:$0x0] =	wrdreg $0xFFFFFFFF;
	(pc) =	sbr.abs _section_cstart, $3  }
0xc0: {  	[dreg:$0x1] =	wrdreg $0xFFFFFFFF  }
0xc1: {  	_ =	task.clear_ibuf [dreg:s7], $0x2FFFF;
	_ =	strace $0x9FFFFFFF  }
0xc2: {  	(tm) =	ssettm $0x7FFFFFFF  }
0xc3: {  	_ =	shalt  }
tec
execute0_lowered:
.L_overlay_start_1:
0x0: {  	(tag) =	ssettag $0x1  }
0x1: {  	s4 =	rddreg [dreg:$0x0]  }
0x2: {  	s5 =	rddreg [dreg:$0x1]  }
0x3: {  	s0 =	rddreg [dreg:$0x2];
	s2 =	simm.s32 $0x0;
	s1 =	stileid.u32  }
0x4: {  	s3 =	srdreg.scid;
	s10 =	simm.s32 $0x80;
	s11 =	simm.s32 $0x400  }
0x5: {  	s12 =	simm.s32 $0x12080;
	s13 =	simm.s32 $0x0;
	[smem:$0x7FF] =	sst s2  }
0x6: {  	s6 =	sshll.u32 s1, $0xA;
	s7 =	sand.u32 $0x1, s3;
	s8 =	sshll.u32 s1, $0x1  }
0x7: {  	s3 =	sadd.s32 $0x4000, s5;
	_ =	strace $0x80000050;
	s6 =	sand.u32 $0x3000, s6  }
0x8: {  	s8 =	sor.u32 s7, s8;
	s30 =	ssub.s32 $0x2, s7;
	s5 =	sadd.s32 s6, s5  }
0x9: {  	s31 =	sshll.u32 s8, $0x4;
	s9 =	sshrl.u32 s30, $0x1;
	s8 =	sshll.u32 s8, $0xE  }
0xa: {  	s7 =	sand.u32 $0x70, s31;
	s6 =	ssub.s32 s30, s9;
	s4 =	sadd.s32 s4, s8  }
0xb: {  	v0 =	vimm.s32 $0x0;
	v2 =	vlaneseq.u32;
	s8 =	simm.s32 $0x1;
	s9 =	simm.s32 $0x2000;
	s5 =	sadd.s32 s7, s5  }
0xc: {  	v3 =	vimm.s32 $0x1;
	v1 =	vmul.u32 $0x1000, v2;
	v2 =	vor.u32 $0x10000, v2;
	s6 =	smax.u32 s6, $0x1;
	s7 =	simm.s32 $0x13080;
	s5 =	sadd.s32 $0x4200, s5  }
.LBB2_1:
0xd: {  	[tilespmem:s7], [sflag:$0x1] =	stream.linear.gather [hbm4b:s3+s2], $0x80, $0x38;
	[tilespmem:$0x13100] =	vst v63  }
0xe: {  	_ =	swait.ge [sflag:s8], $0x80  }
0xf: {  	[sflag:s8] =	ssyncset.done $0x0  }
0x10: {  	s14 =	simm.s32 $0x2040;
	[sflag:s8] =	ssyncadd.s32 $0xFFFFFF80  }
0x11: {  	[tilespmem:s14+$0xFFFFFFC0] =	vst v0  }
0x12: {  	[tilespmem:s14+$0x30] =	vst v0  }
0x13: {  	[tilespmem:s14+$0x20] =	vst v0  }
0x14: {  	[tilespmem:s14+$0x10] =	vst v0  }
0x15: {  	[tilespmem:s14+$0x0] =	vst v0  }
0x16: {  	[tilespmem:s14+$0xFFFFFFF0] =	vst v0  }
0x17: {  	s15 =	simm.s32 $0x0;
	[tilespmem:s14+$0xFFFFFFE0] =	vst v0  }
.LBB2_2:
0x18: {  	s15 =	sadd.s32 $0x8, s15;
	[tilespmem:s14+$0xFFFFFFD0] =	vst v0;
	s14 =	sadd.s32 $0x80, s14  }
0x19: {  	[tilespmem:s14+$0xFFFFFFC0] =	vst v0;
	p0 =	slt.u32 s15, $0xFF8  }
0x1a: {  	[tilespmem:s14+$0x30] =	vst v0  }
.Ltmp0:
0x1b: {  	[tilespmem:s14+$0x20] =	vst v0;
	(pc) =	sbr.rel @p0 .LBB2_2-.Ltmp0, $4  }
0x1c: {  	[tilespmem:s14+$0x10] =	vst v0  }
0x1d: {  	[tilespmem:s14+$0x0] =	vst v0  }
0x1e: {  	[tilespmem:s14+$0xFFFFFFF0] =	vst v0  }
0x1f: {  	[tilespmem:s14+$0xFFFFFFE0] =	vst v0  }
0x20: {  	[tilespmem:s14+$0xFFFFFFD0] =	vst v0;
	s14 =	simm.s32 $0x0  }
.LBB2_4:
0x21: {  	s15 =	sshll.u32 s14, $0xA  }
0x22: {  	s15 =	sadd.s32 s15, s4  }
0x23: {  	[tilespmem:s2], [sflag:$0x1] =	stream.linear.gather [hbm4b:s15+s2], $0x2000, $0x38;
	[tilespmem:$0x13100] =	vst v63  }
0x24: {  	_ =	swait.ge [sflag:s8], $0x2000  }
0x25: {  	[sflag:s8] =	ssyncset.done $0x0  }
0x26: {  	s16 =	simm.s32 $0x40;
	s15 =	simm.s32 $0xFFFFFFF8;
	[sflag:s8] =	ssyncadd.s32 $0xFFFFE000  }
.LBB2_5:
0x27: {  	v4 =	vld [tilespmem:s16+$0xFFFFFFC0];
	_ =	sdelay $0x4  }
0x28: {  	v6 =	vld [tilespmem:$0x13080];
	v5 =	vshra.s32 v4, $0x1F  }
0x29: {  	v5 =	vor.u32 $0x80000000, v5  }
0x2a: {  	v4 =	vxor.u32 v4, v5  }
0x2b: {  	v5 =	vshrl.u32 v4, $0x8  }
0x2c: {  	v4 =	vshrl.u32 v4, $0x14;
	v5 =	vand.u32 $0xFFF, v5  }
0x2d: {  	vm0 =	veq.s32 v4, v6;
	v4 =	vor.u32 v1, v5  }
0x2e: {  	v4 =	vsel vm0, v4, v2;
	_ =	sdelay $0x4  }
0x2f: {  	[tilespmem:v4+s9+$0x0] =	vst.idx.add.s32.msk $0xffff, v3  }
0x30: {  	v4 =	vld [tilespmem:s16+$0xFFFFFFD0];
	_ =	sdelay $0x4  }
0x31: {  	v57 =	vld [tilespmem:$0x13080];
	v5 =	vshra.s32 v4, $0x1F  }
0x32: {  	v5 =	vor.u32 $0x80000000, v5  }
0x33: {  	v4 =	vxor.u32 v4, v5  }
0x34: {  	v5 =	vshrl.u32 v4, $0x8  }
0x35: {  	v4 =	vshrl.u32 v4, $0x14;
	v5 =	vand.u32 $0xFFF, v5  }
0x36: {  	vm9 =	veq.s32 v4, v57;
	v4 =	vor.u32 v1, v5  }
0x37: {  	v4 =	vsel vm9, v4, v2;
	_ =	sdelay $0x4  }
0x38: {  	[tilespmem:v4+s9+$0x0] =	vst.idx.add.s32.msk $0xffff, v3  }
0x39: {  	v4 =	vld [tilespmem:s16+$0xFFFFFFE0];
	_ =	sdelay $0x4  }
0x3a: {  	v58 =	vld [tilespmem:$0x13080];
	v5 =	vshra.s32 v4, $0x1F  }
0x3b: {  	v5 =	vor.u32 $0x80000000, v5  }
0x3c: {  	v4 =	vxor.u32 v4, v5  }
0x3d: {  	v5 =	vshrl.u32 v4, $0x8  }
0x3e: {  	v4 =	vshrl.u32 v4, $0x14;
	v5 =	vand.u32 $0xFFF, v5  }
0x3f: {  	vm10 =	veq.s32 v4, v58;
	v4 =	vor.u32 v1, v5  }
0x40: {  	v4 =	vsel vm10, v4, v2;
	_ =	sdelay $0x4  }
0x41: {  	[tilespmem:v4+s9+$0x0] =	vst.idx.add.s32.msk $0xffff, v3  }
0x42: {  	v4 =	vld [tilespmem:s16+$0xFFFFFFF0];
	_ =	sdelay $0x4  }
0x43: {  	v59 =	vld [tilespmem:$0x13080];
	v5 =	vshra.s32 v4, $0x1F  }
0x44: {  	v5 =	vor.u32 $0x80000000, v5  }
0x45: {  	v4 =	vxor.u32 v4, v5  }
0x46: {  	v5 =	vshrl.u32 v4, $0x8  }
0x47: {  	v4 =	vshrl.u32 v4, $0x14;
	v5 =	vand.u32 $0xFFF, v5  }
0x48: {  	vm11 =	veq.s32 v4, v59;
	v4 =	vor.u32 v1, v5  }
0x49: {  	v4 =	vsel vm11, v4, v2;
	_ =	sdelay $0x4  }
0x4a: {  	[tilespmem:v4+s9+$0x0] =	vst.idx.add.s32.msk $0xffff, v3  }
0x4b: {  	v4 =	vld [tilespmem:s16+$0x0];
	_ =	sdelay $0x4  }
0x4c: {  	v60 =	vld [tilespmem:$0x13080];
	v5 =	vshra.s32 v4, $0x1F  }
0x4d: {  	v5 =	vor.u32 $0x80000000, v5  }
0x4e: {  	v4 =	vxor.u32 v4, v5  }
0x4f: {  	v5 =	vshrl.u32 v4, $0x8  }
0x50: {  	v4 =	vshrl.u32 v4, $0x14;
	v5 =	vand.u32 $0xFFF, v5  }
0x51: {  	vm12 =	veq.s32 v4, v60;
	v4 =	vor.u32 v1, v5  }
0x52: {  	v4 =	vsel vm12, v4, v2;
	_ =	sdelay $0x4  }
0x53: {  	[tilespmem:v4+s9+$0x0] =	vst.idx.add.s32.msk $0xffff, v3  }
0x54: {  	v4 =	vld [tilespmem:s16+$0x10];
	_ =	sdelay $0x4  }
0x55: {  	v61 =	vld [tilespmem:$0x13080];
	v5 =	vshra.s32 v4, $0x1F  }
0x56: {  	v5 =	vor.u32 $0x80000000, v5  }
0x57: {  	v4 =	vxor.u32 v4, v5  }
0x58: {  	v5 =	vshrl.u32 v4, $0x8  }
0x59: {  	v4 =	vshrl.u32 v4, $0x14;
	v5 =	vand.u32 $0xFFF, v5  }
0x5a: {  	vm13 =	veq.s32 v4, v61;
	v4 =	vor.u32 v1, v5  }
0x5b: {  	v4 =	vsel vm13, v4, v2;
	_ =	sdelay $0x4  }
0x5c: {  	[tilespmem:v4+s9+$0x0] =	vst.idx.add.s32.msk $0xffff, v3  }
0x5d: {  	v4 =	vld [tilespmem:s16+$0x20];
	_ =	sdelay $0x4  }
0x5e: {  	v62 =	vld [tilespmem:$0x13080];
	v5 =	vshra.s32 v4, $0x1F  }
0x5f: {  	v5 =	vor.u32 $0x80000000, v5  }
0x60: {  	v4 =	vxor.u32 v4, v5  }
0x61: {  	v5 =	vshrl.u32 v4, $0x8  }
0x62: {  	v4 =	vshrl.u32 v4, $0x14;
	v5 =	vand.u32 $0xFFF, v5  }
0x63: {  	vm14 =	veq.s32 v4, v62;
	v4 =	vor.u32 v1, v5  }
0x64: {  	v4 =	vsel vm14, v4, v2;
	_ =	sdelay $0x4  }
0x65: {  	[tilespmem:v4+s9+$0x0] =	vst.idx.add.s32.msk $0xffff, v3  }
0x66: {  	v4 =	vld [tilespmem:s16+$0x30];
	_ =	sdelay $0x4  }
0x67: {  	v63 =	vld [tilespmem:$0x13080];
	v5 =	vshra.s32 v4, $0x1F  }
0x68: {  	v5 =	vor.u32 $0x80000000, v5  }
0x69: {  	v4 =	vxor.u32 v4, v5  }
0x6a: {  	v5 =	vshrl.u32 v4, $0x8  }
0x6b: {  	v4 =	vshrl.u32 v4, $0x14;
	v5 =	vand.u32 $0xFFF, v5  }
0x6c: {  	s15 =	sadd.s32 $0x8, s15;
	vm15 =	veq.s32 v4, v63;
	v4 =	vor.u32 v1, v5  }
0x6d: {  	p0 =	slt.u32 s15, $0x1F8;
	v4 =	vsel vm15, v4, v2  }
.Ltmp1:
0x6e: {  	_ = 	snop;
	(pc) =	sbr.rel @p0 .LBB2_5-.Ltmp1, $2  }
0x6f: {  	_ =	sdelay $0x2  }
0x70: {  	s16 =	sadd.s32 $0x80, s16;
	[tilespmem:v4+s9+$0x0] =	vst.idx.add.s32.msk $0xffff, v3  }
0x71: {  	s14 =	sadd.s32 $0x1, s14  }
0x72: {  	p0 =	sne.s32 s14, $0x10  }
.Ltmp2:
0x73: {  	_ = 	snop;
	(pc) =	sbr.rel @p0 .LBB2_4-.Ltmp2, $1  }
0x74: {  	_ =	sdelay $0x3  }
0x75: {  	s14 =	simm.s32 $0x0;
	s15 =	simm.s32 $0x2000  }
0x76: {  	s14 =	sand.u32 $0xFF0, s14;
	v5 =	vld [tilespmem:s15+$0x0]  }
0x77: {  	v4 =	vld [tilespmem:s14+$0x3000]  }
0x78: {  	v6 =	vld [tilespmem:s14+$0x4000]  }
0x79: {  	v7 =	vld [tilespmem:s14+$0x5000]  }
0x7a: {  	v8 =	vld [tilespmem:s14+$0x6000]  }
0x7b: {  	v9 =	vld [tilespmem:s14+$0x7000]  }
0x7c: {  	v4 =	vadd.s32 v5, v4;
	v5 =	vld [tilespmem:s14+$0x8000]  }
0x7d: {  	v4 =	vadd.s32 v6, v4;
	v6 =	vld [tilespmem:s14+$0x9000]  }
0x7e: {  	v4 =	vadd.s32 v7, v4;
	v7 =	vld [tilespmem:s14+$0xA000]  }
0x7f: {  	v60 =	vld [tilespmem:s14+$0xB000];
	v4 =	vadd.s32 v8, v4  }
0x80: {  	v61 =	vld [tilespmem:s14+$0xC000];
	v4 =	vadd.s32 v9, v4  }
0x81: {  	v4 =	vadd.s32 v5, v4;
	v5 =	vld [tilespmem:s14+$0xD000]  }
0x82: {  	v4 =	vadd.s32 v6, v4;
	v6 =	vld [tilespmem:s14+$0xE000]  }
0x83: {  	v4 =	vadd.s32 v7, v4;
	v7 =	vld [tilespmem:s14+$0xF000]  }
0x84: {  	v62 =	vld [tilespmem:s14+$0x10000];
	v4 =	vadd.s32 v60, v4  }
0x85: {  	v63 =	vld [tilespmem:s14+$0x11000];
	v4 =	vadd.s32 v61, v4  }
0x86: {  	v4 =	vadd.s32 v5, v4  }
0x87: {  	v4 =	vadd.s32 v6, v4  }
0x88: {  	v4 =	vadd.s32 v7, v4  }
0x89: {  	v4 =	vadd.s32 v62, v4  }
0x8a: {  	s31 =	simm.s32 $0x10;
	s14 =	simm.s32 $0x12080;
	v4 =	vadd.s32 v63, v4  }
0x8b: {  	s15 =	sand.u32 $0xFF0, s31;
	[tilespmem:s14+$0x0] =	vst v4  }
0x8c: {  	s17 =	simm.s32 $0x20;
	s16 =	simm.s32 $0x2010;
	v4 =	vld [tilespmem:s15+$0x3000]  }
.LBB2_8:
0x8d: {  	p0 =	sne.s32 s17, $0xFF0;
	v5 =	vld [tilespmem:s16+$0x0]  }
0x8e: {  	v6 =	vld [tilespmem:s15+$0x4000]  }
0x8f: {  	v7 =	vld [tilespmem:s15+$0x5000]  }
0x90: {  	v8 =	vld [tilespmem:s15+$0x6000]  }
0x91: {  	v9 =	vld [tilespmem:s15+$0x7000]  }
0x92: {  	v4 =	vadd.s32 v5, v4;
	v5 =	vld [tilespmem:s15+$0x8000]  }
0x93: {  	v4 =	vadd.s32 v6, v4;
	v6 =	vld [tilespmem:s15+$0x9000]  }
0x94: {  	v4 =	vadd.s32 v7, v4;
	v7 =	vld [tilespmem:s15+$0xA000]  }
0x95: {  	v4 =	vadd.s32 v8, v4;
	v8 =	vld [tilespmem:s15+$0xB000]  }
0x96: {  	v4 =	vadd.s32 v9, v4;
	v9 =	vld [tilespmem:s15+$0xC000]  }
0x97: {  	v4 =	vadd.s32 v5, v4;
	v5 =	vld [tilespmem:s15+$0xD000]  }
0x98: {  	v4 =	vadd.s32 v6, v4;
	v6 =	vld [tilespmem:s15+$0xE000]  }
0x99: {  	v4 =	vadd.s32 v7, v4;
	v7 =	vld [tilespmem:s15+$0xF000]  }
0x9a: {  	v4 =	vadd.s32 v8, v4;
	v8 =	vld [tilespmem:s15+$0x10000]  }
0x9b: {  	v4 =	vadd.s32 v9, v4;
	v9 =	vld [tilespmem:s15+$0x11000]  }
0x9c: {  	v4 =	vadd.s32 v5, v4  }
0x9d: {  	v4 =	vadd.s32 v6, v4  }
.Ltmp3:
0x9e: {  	v4 =	vadd.s32 v7, v4;
	(pc) =	sbr.rel @p0 .LBB2_8-.Ltmp3, $4  }
0x9f: {  	v4 =	vadd.s32 v8, v4  }
0xa0: {  	s14 =	sadd.s32 $0x10, s14;
	v4 =	vadd.s32 v9, v4  }
0xa1: {  	s15 =	sand.u32 $0xFF0, s17;
	[tilespmem:s14+$0x0] =	vst v4  }
0xa2: {  	s16 =	sadd.s32 $0x10, s16;
	s17 =	sadd.s32 $0x10, s17;
	v4 =	vld [tilespmem:s15+$0x3000]  }
0xa3: {  	v5 =	vld [tilespmem:s16+$0x0]  }
0xa4: {  	v6 =	vld [tilespmem:s15+$0x4000]  }
0xa5: {  	v7 =	vld [tilespmem:s15+$0x5000]  }
0xa6: {  	v8 =	vld [tilespmem:s15+$0x6000]  }
0xa7: {  	v9 =	vld [tilespmem:s15+$0x7000]  }
0xa8: {  	v4 =	vadd.s32 v5, v4;
	v5 =	vld [tilespmem:s15+$0x8000]  }
0xa9: {  	v56 =	vld [tilespmem:s15+$0x9000];
	v4 =	vadd.s32 v6, v4  }
0xaa: {  	v57 =	vld [tilespmem:s15+$0xA000];
	v4 =	vadd.s32 v7, v4  }
0xab: {  	v58 =	vld [tilespmem:s15+$0xB000];
	v4 =	vadd.s32 v8, v4  }
0xac: {  	v59 =	vld [tilespmem:s15+$0xC000];
	v4 =	vadd.s32 v9, v4  }
0xad: {  	v4 =	vadd.s32 v5, v4;
	v5 =	vld [tilespmem:s15+$0xD000]  }
0xae: {  	v60 =	vld [tilespmem:s15+$0xE000];
	v4 =	vadd.s32 v56, v4  }
0xaf: {  	v61 =	vld [tilespmem:s15+$0xF000];
	v4 =	vadd.s32 v57, v4  }
0xb0: {  	v62 =	vld [tilespmem:s15+$0x10000];
	v4 =	vadd.s32 v58, v4  }
0xb1: {  	v63 =	vld [tilespmem:s15+$0x11000];
	v4 =	vadd.s32 v59, v4  }
0xb2: {  	v4 =	vadd.s32 v5, v4  }
0xb3: {  	v4 =	vadd.s32 v60, v4  }
0xb4: {  	v4 =	vadd.s32 v61, v4  }
0xb5: {  	s13 =	sadd.s32 $0x1, s13;
	v4 =	vadd.s32 v62, v4  }
0xb6: {  	s14 =	sadd.s32 $0x10, s14;
	p0 =	sne.s32 s13, s6;
	v4 =	vadd.s32 v63, v4  }
.Ltmp4:
0xb7: {  	[tilespmem:s14+$0x0] =	vst v4;
	(pc) =	sbr.rel @p0 .LBB2_1-.Ltmp4, $4  }
0xb8: {  	[hbm4b:s5+s10] =	stream.strided.scatter [tilespmem:s12], [sflag:$0x1], $0x1000, s11, s10, $0x38;
	[tilespmem:$0x13100] =	vst v63  }
0xb9: {  	_ =	swait.ge [sflag:s8], $0x1000  }
0xba: {  	[sflag:s8] =	ssyncset.done $0x0  }
0xbb: {  	[sflag:s8] =	ssyncadd.s32 $0xFFFFF000  }
0xbc: {  	_ =	sfence.sel $0x180000  }
0xbd: {  	[bflag:$0x0] =	sbarrier.arrive $0xFFFF  }
0xbe: {  	p0 =	sne.s32 s1, $0x0;
	_ =	strace $0x90000050  }
0xbf: {  	s0 =	sadd.s32 @!p0 $0x100000, s0;
	[bflag:$0x2] =	sbarrier.arrive $0xFFFF  }
0xc0: {  	[sflag:s0] =	ssyncadd.tile.s32 @!p0 $0x1;
	_ =	shalt  }
.Lfunc_end2:
_tile_overlayer_lowered:
.L_overlay_start_2:
0xc1: {  	(tag) =	ssettag $0x2  }
0xc2: {  	s0 =	rddreg [dreg:$0x0];
	s2 =	stileid.u32  }
0xc3: {  	s1 =	rddreg [dreg:$0x1];
	p0 =	sne.s32 s2, $0x0  }
0xc4: {  	s3 =	rddreg [dreg:$0x2];
	[bflag:$0x3] =	sbarrier.arrive $0xFFFF;
	s2 =	simm.s32 @!p0 $0x1C01  }
0xc5: {  	[timem:s3], [sflag:s2] =	dma.local @!p0 [hbm:s0], s1  }
0xc6: {  	s0 =	simm.s32 @!p0 $0x1  }
0xc7: {  	_ =	swait.ge @!p0 [sflag:s0], s1  }
0xc8: {  	s1 =	ssub.s32 @!p0 $0x0, s1;
	[sflag:s0] =	ssyncset.done @!p0 $0x0  }
0xc9: {  	[sflag:s0] =	ssyncadd.s32 @!p0 s1  }
0xca: {  	[bflag:$0x3] =	sbarrier.arrive $0xFFFF  }
0xcb: {  	_ =	shalt  }

// kernel: kernel.15.cloned.1.call-start
scs
__scs_entry_jumppad:
0x0: {  	(pc) =	sbr.rel $0x88, $3  }
0x1: {  	(tag) =	ssettag $0x0;
	lr =	simm.s32 $0x1  }
0x2: {  	[smem:$0x3FA0] =	sst lr;
	_ =	strace $0xD0000000  }
0x3: {  	_ = 	snop  }
0x4: {  	_ = 	snop  }
0x5: {  	_ = 	snop  }
0x6: {  	_ = 	snop  }
0x7: {  	_ = 	snop  }
__scs_overlays_trampoline_lowered:
0x8: {  	[smem:$0x3FAF] =	sst s0  }
0x9: {  	[smem:$0x3FB0] =	sst s1  }
0xa: {  	[smem:$0x3FB1] =	sst s2  }
0xb: {  	[smem:$0x3FB2] =	sst s3  }
0xc: {  	[smem:$0x3FB3] =	sst s4  }
0xd: {  	[smem:$0x3FB4] =	sst s5  }
0xe: {  	[smem:$0x3FB5] =	sst s6  }
0xf: {  	[smem:$0x3FB6] =	sst s7  }
0x10: {  	[smem:$0x3FB7] =	sst s8  }
0x11: {  	[smem:$0x3FB8] =	sst s9;
	s0 =	simm.s32 @!p0 $0x0  }
0x12: {  	s1 =	sld [smem:$0x3F9E];
	s0 =	simm.s32 @p0 $0x1  }
0x13: {  	[smem:$0x3FB9] =	sst s0;
	s0 =	simm.s32 @!p1 $0x0  }
0x14: {  	s2 =	sld [smem:$0x3F9D];
	s0 =	simm.s32 @p1 $0x1  }
0x15: {  	[smem:$0x3FBA] =	sst s0;
	s0 =	simm.s32 @!p2 $0x0  }
0x16: {  	s3 =	sld [smem:$0x3FDB];
	s0 =	simm.s32 @p2 $0x1  }
0x17: {  	s4 =	simm.s32 $0x1BF5;
	[smem:$0x3FBC] =	sst s0  }
0x18: {  	s0 =	sld [smem:$0x3F9F];
	_ =	swait.ge [sflag:s4], $0x0  }
0x19: {  	s7 =	sld [smem:$0x3FA0]  }
0x1a: {  	s8 =	sadd.s32 $0xFFFFE003, lr  }
0x1b: {  	s9 =	sadd.s32 $0xFFFFFEF7, lr;
	s5 =	simm.s32 $0xFFFFFFFF;
	p2 =	slt.u32 s8, $0xFFFFF086  }
0x1c: {  	p1 =	slt.u32 s9, $0xF7A;
	s5 =	simm.s32 @!p2 $0x0  }
0x1d: {  	s5 =	simm.s32 @p1 $0x1;
	p0 =	seq.s32 s7, s2  }
0x1e: {  	s7 =	smul.u32 @!p0 $0xF7A, s2;
	p2 =	seq.s32 @!p0 s5, $0x0  }
0x1f: {  	s9 =	smul.u32 $0xF7A, s1;
	s8 =	simm.s32 @!p0 $0x1BF5;
	p2 =	por !p2, p0  }
0x20: {  	[sflag:s8] =	ssyncset.s32 @!p0 $0xFFFFF086;
	s6 =	sadd.s32 @!p0 s3, s7;
	s7 =	simm.s32 @!p0 $0x108  }
0x21: {  	s3 =	sadd.s32 s3, s9;
	s6 =	sadd.s32 @!p0 $0x88, s6;
	s7 =	simm.s32 @p2 $0x1082  }
0x22: {  	[simem:s7], [sflag:s8] =	dma.local @!p0 [hbm:s6], $0xF7A  }
0x23: {  	s9 =	sor.u32 $0xD0000000, s2;
	s6 =	simm.s32 $0x108;
	_ =	swait.ge @!p0 [sflag:s8], $0x0  }
0x24: {  	s3 =	sadd.s32 $0x88, s3;
	s6 =	simm.s32 @!p1 $0x1082;
	[sflag:s4] =	ssyncset.s32 $0xFFFFF086  }
0x25: {  	[simem:s6], [sflag:s4] =	dma.local [hbm:s3], $0xF7A  }
0x26: {  	[smem:$0x3FA0] =	sst s1;
	(tag) =	ssettag s2;
	_ =	strace s9  }
0x27: {  	s1 =	sld [smem:$0x3FB0]  }
0x28: {  	s2 =	sld [smem:$0x3FB1]  }
0x29: {  	s4 =	sld [smem:$0x3FB3]  }
0x2a: {  	p0 =	seq.s32 s5, $0x0;
	s5 =	sld [smem:$0x3FB4]  }
0x2b: {  	s6 =	sld [smem:$0x3FB5]  }
0x2c: {  	s7 =	sld [smem:$0x3FB6]  }
0x2d: {  	s3 =	simm.s32 $0x108;
	s8 =	sld [smem:$0x3FB7]  }
0x2e: {  	s3 =	simm.s32 @!p0 $0x1082;
	s9 =	sld [smem:$0x3FB8]  }
0x2f: {  	lr =	sadd.s32 s0, s3;
	s0 =	sld [smem:$0x3FAF]  }
0x30: {  	s3 =	sld [smem:$0x3FB2]  }
0x31: {  	[smem:$0x3FBB] =	sst s10  }
0x32: {  	s10 =	sld [smem:$0x3FB9];
	_ =	sdelay $0x3  }
0x33: {  	p0 =	seq.s32 s10, $0x1;
	s10 =	sld [smem:$0x3FBB];
	_ =	sdelay $0x3  }
0x34: {  	[smem:$0x3FBB] =	sst s10  }
0x35: {  	s10 =	sld [smem:$0x3FBA];
	_ =	sdelay $0x3  }
0x36: {  	p1 =	seq.s32 s10, $0x1;
	s10 =	sld [smem:$0x3FBB];
	_ =	sdelay $0x3  }
0x37: {  	[smem:$0x3FBB] =	sst s10  }
0x38: {  	s10 =	sld [smem:$0x3FBC]  }
0x39: {  	_ = 	snop;
	(pc) =	sbr.ind lr, $3  }
0x3a: {  	_ = 	snop  }
0x3b: {  	_ = 	snop  }
0x3c: {  	p2 =	seq.s32 s10, $0x1;
	s10 =	sld [smem:$0x3FBB]  }
0x3d: {  	_ =	shalt  }
0x3e: {  	_ =	shalt  }
0x3f: {  	_ =	shalt  }
0x40: {  	_ =	shalt  }
0x41: {  	_ =	shalt  }
0x42: {  	_ =	shalt  }
0x43: {  	_ =	shalt  }
0x44: {  	_ =	shalt  }
0x45: {  	_ =	shalt  }
0x46: {  	_ =	shalt  }
0x47: {  	_ =	shalt  }
0x48: {  	_ =	shalt  }
0x49: {  	_ =	shalt  }
0x4a: {  	_ =	shalt  }
0x4b: {  	_ =	shalt  }
0x4c: {  	_ =	shalt  }
0x4d: {  	_ =	shalt  }
0x4e: {  	_ =	shalt  }
0x4f: {  	_ =	shalt  }
0x50: {  	_ =	shalt  }
0x51: {  	_ =	shalt  }
0x52: {  	_ =	shalt  }
0x53: {  	_ =	shalt  }
0x54: {  	_ =	shalt  }
0x55: {  	_ =	shalt  }
0x56: {  	_ =	shalt  }
0x57: {  	_ =	shalt  }
0x58: {  	_ =	shalt  }
0x59: {  	_ =	shalt  }
0x5a: {  	_ =	shalt  }
0x5b: {  	_ =	shalt  }
0x5c: {  	_ =	shalt  }
0x5d: {  	_ =	shalt  }
0x5e: {  	_ =	shalt  }
0x5f: {  	_ =	shalt  }
0x60: {  	_ =	shalt  }
0x61: {  	_ =	shalt  }
0x62: {  	_ =	shalt  }
0x63: {  	_ =	shalt  }
0x64: {  	_ =	shalt  }
0x65: {  	_ =	shalt  }
0x66: {  	_ =	shalt  }
0x67: {  	_ =	shalt  }
0x68: {  	_ =	shalt  }
0x69: {  	_ =	shalt  }
0x6a: {  	_ =	shalt  }
0x6b: {  	_ =	shalt  }
0x6c: {  	_ =	shalt  }
0x6d: {  	_ =	shalt  }
0x6e: {  	_ =	shalt  }
0x6f: {  	_ =	shalt  }
0x70: {  	_ =	shalt  }
0x71: {  	_ =	shalt  }
0x72: {  	_ =	shalt  }
0x73: {  	_ =	shalt  }
0x74: {  	_ =	shalt  }
0x75: {  	_ =	shalt  }
0x76: {  	_ =	shalt  }
0x77: {  	_ =	shalt  }
0x78: {  	_ =	shalt  }
0x79: {  	_ =	shalt  }
0x7a: {  	_ =	shalt  }
0x7b: {  	_ =	shalt  }
0x7c: {  	_ =	shalt  }
0x7d: {  	_ =	shalt  }
0x7e: {  	_ =	shalt  }
0x7f: {  	_ =	shalt  }
0x80: {  	_ =	shalt  }
0x81: {  	_ =	shalt  }
0x82: {  	_ =	shalt  }
0x83: {  	_ =	shalt  }
0x84: {  	_ =	shalt  }
0x85: {  	_ =	shalt  }
0x86: {  	_ =	shalt  }
0x87: {  	_ =	shalt  }
.Lfunc_end0:
.L_simem_size_0:
called_computation.4_lowered:
.L_overlay_start_0:
0x88: {  	s2 =	sld [smem:$0x3FD9]  }
0x89: {  	s3 =	sld [smem:$0x3FFE];
	_ =	sdelay $0x1  }
0x8a: {  	s1 =	srdreg.scid  }
0x8b: {  	s0 =	sand.u32 $0x1, s1  }
0x8c: {  	s17 =	sshll.u32 s0, $0xA;
	s2 =	sadd.s32 s3, s2  }
0x8d: {  	s2 =	sadd.s32 s2, s17  }
0x8e: {  	[smem:$0x3FC7] =	sst s2  }
0x8f: {  	_ = 	snop  }
0x90: {  	s2 =	sld [smem:$0x3FD0];
	(tm) =	ssettm $0x1  }
0x91: {  	s18 =	sld [smem:$0x3FFB];
	_ =	sdelay $0x3  }
0x92: {  	_ =	strace s18  }
0x93: {  	s3 =	sld [smem:$0x3FFC];
	_ =	sdelay $0x3  }
0x94: {  	_ =	strace s3  }
0x95: {  	s3 =	sld [smem:$0x3FFD];
	_ =	sdelay $0x3  }
0x96: {  	_ =	strace s3  }
0x97: {  	_ =	strace $0x8FFFFFFF  }
0x98: {  	s19 =	sld [smem:$0x3FDB];
	_ =	sdelay $0x1  }
0x99: {  	s4 =	simm.s32 $_scs_section_size  }
0x9a: {  	s5 =	simm.s32 $_size__tile_overlayer_lowered;
	s6 =	simm.s32 $_tile_overlayer_lowered  }
0x9b: {  	s22 =	simm.s32 $0x1BFF;
	s21 =	sshll.u32 s6, $0x1;
	s3 =	sadd.s32 s4, s19  }
0x9c: {  	s7 =	simm.s32 $0x0;
	s20 =	sshll.u32 s5, $0x1;
	s5 =	sadd.s32 s21, s3  }
0x9d: {  	[timem:s7], [sflag:s22] =	dma.local [hbm:s5], s20  }
0x9e: {  	_ =	swait.ge [sflag:s22], s20  }
0x9f: {  	s4 =	ssub.s32 $0x0, s20;
	[sflag:s22] =	ssyncset.done $0x0  }
0xa0: {  	[sflag:s22] =	ssyncadd.s32 s4;
	_ =	sdelay $0x1  }
0xa1: {  	s23 =	simm.s32 $0x1B8B  }
0xa2: {  	_ =	swait.ge [sflag:s23], $0x1  }
0xa3: {  	[sflag:s23] =	ssyncset.done $0x0  }
0xa4: {  	s25 =	simm.s32 $0x1B8E;
	s24 =	sld [smem:$0x3FFE];
	[sflag:s23] =	ssyncadd.s32 $0xFFFFFFFF  }
0xa5: {  	s26 =	simm.s32 $execute0_lowered;
	[smem:$0x3FD2] =	sst s25  }
0xa6: {  	s5 =	sshll.u32 s26, $0x1;
	_ =	strace $0x80000052;
	[dreg:$0x1] =	wrdreg $0xFFFFFFFF  }
0xa7: {  	s28 =	simm.s32 $_size_execute0_lowered;
	s3 =	sadd.s32 s3, s5;
	[dreg:$0x0] =	wrdreg $0x0  }
0xa8: {  	s5 =	sshll.u32 s28, $0x1;
	[dreg:$0x2] =	wrdreg s3  }
0xa9: {  	[dreg:$0x3] =	wrdreg s5  }
0xaa: {  	[dreg:$0x4] =	wrdreg $0xC0  }
0xab: {  	_ =	task [dreg:s7], $0x5FFFF  }
0xac: {  	[dreg:$0x1] =	wrdreg $0xFFFFFFFF  }
0xad: {  	[dreg:$0x0] =	wrdreg $0x60  }
0xae: {  	[dreg:$0x2] =	wrdreg s2  }
0xaf: {  	[dreg:$0x3] =	wrdreg s24  }
0xb0: {  	[dreg:$0x4] =	wrdreg $0x9  }
0xb1: {  	_ =	task.clear_ibuf [dreg:s7], $0x5FFFF;
	_ =	strace $0x90000052  }
0xb2: {  	s29 =	simm.s32 $0x9;
	_ =	strace $0x80000054  }
0xb3: {  	_ =	swait.ge [sflag:s29], $0x1  }
0xb4: {  	[sflag:s29] =	ssyncadd.s32 $0xFFFFFFFF  }
0xb5: {  	_ =	strace $0x90000054  }
0xb6: {  	_ =	sfence  }
0xb7: {  	s30 =	sld [smem:$0x0];
	_ =	sdelay $0x2  }
0xb8: {  	s31 =	sshll.u32 s1, $0xD;
	s1 =	sshrl.u32 s1, $0x2  }
0xb9: {  	s3 =	sand.u32 $0x4000, s31;
	s1 =	sadd.s32 s1, s30  }
0xba: {  	s0 =	sor.u32 s3, s0;
	s1 =	sshll.u32 s1, $0x11  }
0xbb: {  	s0 =	sor.u32 s1, s0  }
0xbc: {  	s0 =	sadd.s32 $0x8F2B, s0  }
0xbd: {  	[sflag:s0] =	ssyncadd.remote.s32 $0x1  }
0xbe: {  	_ =	sfence.sel $0xFFFF  }
0xbf: {  	[dreg:$0x0] =	wrdreg $0xFFFFFFFF;
	(pc) =	sbr.abs _section_cstart, $3  }
0xc0: {  	[dreg:$0x1] =	wrdreg $0xFFFFFFFF  }
0xc1: {  	_ =	task.clear_ibuf [dreg:s7], $0x2FFFF;
	_ =	strace $0x9FFFFFFF  }
0xc2: {  	(tm) =	ssettm $0x7FFFFFFF  }
0xc3: {  	_ =	shalt  }
tec
execute0_lowered:
.L_overlay_start_1:
0x0: {  	(tag) =	ssettag $0x1  }
0x1: {  	s4 =	rddreg [dreg:$0x0]  }
0x2: {  	s5 =	rddreg [dreg:$0x1]  }
0x3: {  	s0 =	rddreg [dreg:$0x2];
	s2 =	simm.s32 $0x0;
	s1 =	stileid.u32  }
0x4: {  	s3 =	srdreg.scid;
	s10 =	simm.s32 $0x80;
	s11 =	simm.s32 $0x400  }
0x5: {  	s12 =	simm.s32 $0x3080;
	s13 =	simm.s32 $0x0;
	[smem:$0x7FF] =	sst s2  }
0x6: {  	s6 =	sshll.u32 s1, $0x6;
	s7 =	sand.u32 $0x1, s3;
	s8 =	sshll.u32 s1, $0x1  }
0x7: {  	s3 =	sadd.s32 $0x3E00, s5;
	_ =	strace $0x80000053;
	s6 =	sand.u32 $0x300, s6  }
0x8: {  	s8 =	sor.u32 s7, s8;
	s30 =	ssub.s32 $0x2, s7;
	s5 =	sadd.s32 s6, s5  }
0x9: {  	s31 =	sshll.u32 s8, $0x4;
	s9 =	sshrl.u32 s30, $0x1;
	s8 =	sshll.u32 s8, $0xE  }
0xa: {  	s7 =	sand.u32 $0x70, s31;
	s6 =	ssub.s32 s30, s9;
	s4 =	sadd.s32 s4, s8  }
0xb: {  	v0 =	vimm.s32 $0x0;
	v2 =	vlaneseq.u32;
	s8 =	simm.s32 $0x1;
	s9 =	simm.s32 $0x2000;
	s5 =	sadd.s32 s7, s5  }
0xc: {  	v3 =	vimm.s32 $0x1;
	v1 =	vmul.u32 $0x100, v2;
	v2 =	vor.u32 $0x1000, v2;
	s6 =	smax.u32 s6, $0x1;
	s7 =	simm.s32 $0x3180;
	s5 =	sadd.s32 $0x4200, s5  }
.LBB2_1:
0xd: {  	[tilespmem:s7], [sflag:$0x1] =	stream.linear.gather [hbm4b:s3+s2], $0x80, $0x38;
	[tilespmem:$0x3200] =	vst v63  }
0xe: {  	_ =	swait.ge [sflag:s8], $0x80  }
0xf: {  	[sflag:s8] =	ssyncset.done $0x0  }
0x10: {  	s14 =	simm.s32 $0x2040;
	[sflag:s8] =	ssyncadd.s32 $0xFFFFFF80  }
0x11: {  	[tilespmem:s14+$0xFFFFFFC0] =	vst v0  }
0x12: {  	[tilespmem:s14+$0x30] =	vst v0  }
0x13: {  	[tilespmem:s14+$0x20] =	vst v0  }
0x14: {  	[tilespmem:s14+$0x10] =	vst v0  }
0x15: {  	[tilespmem:s14+$0x0] =	vst v0  }
0x16: {  	[tilespmem:s14+$0xFFFFFFF0] =	vst v0  }
0x17: {  	s15 =	simm.s32 $0x0;
	[tilespmem:s14+$0xFFFFFFE0] =	vst v0  }
.LBB2_2:
0x18: {  	s15 =	sadd.s32 $0x8, s15;
	[tilespmem:s14+$0xFFFFFFD0] =	vst v0;
	s14 =	sadd.s32 $0x80, s14  }
0x19: {  	[tilespmem:s14+$0xFFFFFFC0] =	vst v0;
	p0 =	slt.u32 s15, $0xF8  }
0x1a: {  	[tilespmem:s14+$0x30] =	vst v0  }
.Ltmp0:
0x1b: {  	[tilespmem:s14+$0x20] =	vst v0;
	(pc) =	sbr.rel @p0 .LBB2_2-.Ltmp0, $4  }
0x1c: {  	[tilespmem:s14+$0x10] =	vst v0  }
0x1d: {  	[tilespmem:s14+$0x0] =	vst v0  }
0x1e: {  	[tilespmem:s14+$0xFFFFFFF0] =	vst v0  }
0x1f: {  	[tilespmem:s14+$0xFFFFFFE0] =	vst v0  }
0x20: {  	[tilespmem:s14+$0xFFFFFFD0] =	vst v0;
	s14 =	simm.s32 $0x0  }
.LBB2_4:
0x21: {  	s15 =	sshll.u32 s14, $0xA  }
0x22: {  	s15 =	sadd.s32 s15, s4  }
0x23: {  	[tilespmem:s2], [sflag:$0x1] =	stream.linear.gather [hbm4b:s15+s2], $0x2000, $0x38;
	[tilespmem:$0x3200] =	vst v63  }
0x24: {  	_ =	swait.ge [sflag:s8], $0x2000  }
0x25: {  	[sflag:s8] =	ssyncset.done $0x0  }
0x26: {  	s16 =	simm.s32 $0x40;
	s15 =	simm.s32 $0xFFFFFFF8;
	[sflag:s8] =	ssyncadd.s32 $0xFFFFE000  }
.LBB2_5:
0x27: {  	v4 =	vld [tilespmem:s16+$0xFFFFFFC0];
	_ =	sdelay $0x3  }
0x28: {  	v5 =	vld [tilespmem:$0x3180]  }
0x29: {  	v6 =	vshra.s32 v4, $0x1F  }
0x2a: {  	v6 =	vor.u32 $0x80000000, v6  }
0x2b: {  	v4 =	vxor.u32 v4, v6  }
0x2c: {  	v6 =	vand.u32 $0xFF, v4;
	v4 =	vshrl.u32 v4, $0x8  }
0x2d: {  	vm0 =	veq.s32 v4, v5;
	v4 =	vor.u32 v1, v6  }
0x2e: {  	v4 =	vsel vm0, v4, v2;
	_ =	sdelay $0x4  }
0x2f: {  	[tilespmem:v4+s9+$0x0] =	vst.idx.add.s32.msk $0xffff, v3  }
0x30: {  	v4 =	vld [tilespmem:s16+$0xFFFFFFD0];
	_ =	sdelay $0x3  }
0x31: {  	v5 =	vld [tilespmem:$0x3180]  }
0x32: {  	v57 =	vshra.s32 v4, $0x1F  }
0x33: {  	v6 =	vor.u32 $0x80000000, v57  }
0x34: {  	v4 =	vxor.u32 v4, v6  }
0x35: {  	v6 =	vand.u32 $0xFF, v4;
	v4 =	vshrl.u32 v4, $0x8  }
0x36: {  	vm9 =	veq.s32 v4, v5;
	v4 =	vor.u32 v1, v6  }
0x37: {  	v4 =	vsel vm9, v4, v2;
	_ =	sdelay $0x4  }
0x38: {  	[tilespmem:v4+s9+$0x0] =	vst.idx.add.s32.msk $0xffff, v3  }
0x39: {  	v4 =	vld [tilespmem:s16+$0xFFFFFFE0];
	_ =	sdelay $0x3  }
0x3a: {  	v5 =	vld [tilespmem:$0x3180]  }
0x3b: {  	v58 =	vshra.s32 v4, $0x1F  }
0x3c: {  	v6 =	vor.u32 $0x80000000, v58  }
0x3d: {  	v4 =	vxor.u32 v4, v6  }
0x3e: {  	v6 =	vand.u32 $0xFF, v4;
	v4 =	vshrl.u32 v4, $0x8  }
0x3f: {  	vm10 =	veq.s32 v4, v5;
	v4 =	vor.u32 v1, v6  }
0x40: {  	v4 =	vsel vm10, v4, v2;
	_ =	sdelay $0x4  }
0x41: {  	[tilespmem:v4+s9+$0x0] =	vst.idx.add.s32.msk $0xffff, v3  }
0x42: {  	v4 =	vld [tilespmem:s16+$0xFFFFFFF0];
	_ =	sdelay $0x3  }
0x43: {  	v5 =	vld [tilespmem:$0x3180]  }
0x44: {  	v59 =	vshra.s32 v4, $0x1F  }
0x45: {  	v6 =	vor.u32 $0x80000000, v59  }
0x46: {  	v4 =	vxor.u32 v4, v6  }
0x47: {  	v6 =	vand.u32 $0xFF, v4;
	v4 =	vshrl.u32 v4, $0x8  }
0x48: {  	vm11 =	veq.s32 v4, v5;
	v4 =	vor.u32 v1, v6  }
0x49: {  	v4 =	vsel vm11, v4, v2;
	_ =	sdelay $0x4  }
0x4a: {  	[tilespmem:v4+s9+$0x0] =	vst.idx.add.s32.msk $0xffff, v3  }
0x4b: {  	v4 =	vld [tilespmem:s16+$0x0];
	_ =	sdelay $0x3  }
0x4c: {  	v5 =	vld [tilespmem:$0x3180]  }
0x4d: {  	v60 =	vshra.s32 v4, $0x1F  }
0x4e: {  	v6 =	vor.u32 $0x80000000, v60  }
0x4f: {  	v4 =	vxor.u32 v4, v6  }
0x50: {  	v6 =	vand.u32 $0xFF, v4;
	v4 =	vshrl.u32 v4, $0x8  }
0x51: {  	vm12 =	veq.s32 v4, v5;
	v4 =	vor.u32 v1, v6  }
0x52: {  	v4 =	vsel vm12, v4, v2;
	_ =	sdelay $0x4  }
0x53: {  	[tilespmem:v4+s9+$0x0] =	vst.idx.add.s32.msk $0xffff, v3  }
0x54: {  	v4 =	vld [tilespmem:s16+$0x10];
	_ =	sdelay $0x3  }
0x55: {  	v5 =	vld [tilespmem:$0x3180]  }
0x56: {  	v61 =	vshra.s32 v4, $0x1F  }
0x57: {  	v6 =	vor.u32 $0x80000000, v61  }
0x58: {  	v4 =	vxor.u32 v4, v6  }
0x59: {  	v6 =	vand.u32 $0xFF, v4;
	v4 =	vshrl.u32 v4, $0x8  }
0x5a: {  	vm13 =	veq.s32 v4, v5;
	v4 =	vor.u32 v1, v6  }
0x5b: {  	v4 =	vsel vm13, v4, v2;
	_ =	sdelay $0x4  }
0x5c: {  	[tilespmem:v4+s9+$0x0] =	vst.idx.add.s32.msk $0xffff, v3  }
0x5d: {  	v4 =	vld [tilespmem:s16+$0x20];
	_ =	sdelay $0x3  }
0x5e: {  	v5 =	vld [tilespmem:$0x3180]  }
0x5f: {  	v62 =	vshra.s32 v4, $0x1F  }
0x60: {  	v6 =	vor.u32 $0x80000000, v62  }
0x61: {  	v4 =	vxor.u32 v4, v6  }
0x62: {  	v6 =	vand.u32 $0xFF, v4;
	v4 =	vshrl.u32 v4, $0x8  }
0x63: {  	vm14 =	veq.s32 v4, v5;
	v4 =	vor.u32 v1, v6  }
0x64: {  	v4 =	vsel vm14, v4, v2;
	_ =	sdelay $0x4  }
0x65: {  	[tilespmem:v4+s9+$0x0] =	vst.idx.add.s32.msk $0xffff, v3  }
0x66: {  	v4 =	vld [tilespmem:s16+$0x30];
	_ =	sdelay $0x3  }
0x67: {  	v5 =	vld [tilespmem:$0x3180]  }
0x68: {  	v63 =	vshra.s32 v4, $0x1F  }
0x69: {  	v6 =	vor.u32 $0x80000000, v63  }
0x6a: {  	v4 =	vxor.u32 v4, v6  }
0x6b: {  	v6 =	vand.u32 $0xFF, v4;
	v4 =	vshrl.u32 v4, $0x8  }
0x6c: {  	s15 =	sadd.s32 $0x8, s15;
	vm15 =	veq.s32 v4, v5;
	v4 =	vor.u32 v1, v6  }
0x6d: {  	p0 =	slt.u32 s15, $0x1F8;
	v4 =	vsel vm15, v4, v2  }
.Ltmp1:
0x6e: {  	_ = 	snop;
	(pc) =	sbr.rel @p0 .LBB2_5-.Ltmp1, $2  }
0x6f: {  	_ =	sdelay $0x2  }
0x70: {  	s16 =	sadd.s32 $0x80, s16;
	[tilespmem:v4+s9+$0x0] =	vst.idx.add.s32.msk $0xffff, v3  }
0x71: {  	s14 =	sadd.s32 $0x1, s14  }
0x72: {  	p0 =	sne.s32 s14, $0x10  }
.Ltmp2:
0x73: {  	_ = 	snop;
	(pc) =	sbr.rel @p0 .LBB2_4-.Ltmp2, $1  }
0x74: {  	_ =	sdelay $0x3  }
0x75: {  	s14 =	simm.s32 $0x0;
	s15 =	simm.s32 $0x2000  }
0x76: {  	s14 =	sand.u32 $0xF0, s14;
	v5 =	vld [tilespmem:s15+$0x0]  }
0x77: {  	v4 =	vld [tilespmem:s14+$0x2100]  }
0x78: {  	v6 =	vld [tilespmem:s14+$0x2200]  }
0x79: {  	v7 =	vld [tilespmem:s14+$0x2300]  }
0x7a: {  	v8 =	vld [tilespmem:s14+$0x2400]  }
0x7b: {  	v9 =	vld [tilespmem:s14+$0x2500]  }
0x7c: {  	v4 =	vadd.s32 v5, v4;
	v5 =	vld [tilespmem:s14+$0x2600]  }
0x7d: {  	v4 =	vadd.s32 v6, v4;
	v6 =	vld [tilespmem:s14+$0x2700]  }
0x7e: {  	v4 =	vadd.s32 v7, v4;
	v7 =	vld [tilespmem:s14+$0x2800]  }
0x7f: {  	v60 =	vld [tilespmem:s14+$0x2900];
	v4 =	vadd.s32 v8, v4  }
0x80: {  	v61 =	vld [tilespmem:s14+$0x2A00];
	v4 =	vadd.s32 v9, v4  }
0x81: {  	v4 =	vadd.s32 v5, v4;
	v5 =	vld [tilespmem:s14+$0x2B00]  }
0x82: {  	v4 =	vadd.s32 v6, v4;
	v6 =	vld [tilespmem:s14+$0x2C00]  }
0x83: {  	v4 =	vadd.s32 v7, v4;
	v7 =	vld [tilespmem:s14+$0x2D00]  }
0x84: {  	v62 =	vld [tilespmem:s14+$0x2E00];
	v4 =	vadd.s32 v60, v4  }
0x85: {  	v63 =	vld [tilespmem:s14+$0x2F00];
	v4 =	vadd.s32 v61, v4  }
0x86: {  	v4 =	vadd.s32 v5, v4  }
0x87: {  	v4 =	vadd.s32 v6, v4  }
0x88: {  	v4 =	vadd.s32 v7, v4  }
0x89: {  	v4 =	vadd.s32 v62, v4  }
0x8a: {  	s31 =	simm.s32 $0x10;
	s14 =	simm.s32 $0x3080;
	v4 =	vadd.s32 v63, v4  }
0x8b: {  	s15 =	sand.u32 $0xF0, s31;
	[tilespmem:s14+$0x0] =	vst v4  }
0x8c: {  	s17 =	simm.s32 $0x20;
	s16 =	simm.s32 $0x2010;
	v4 =	vld [tilespmem:s15+$0x2100]  }
.LBB2_8:
0x8d: {  	p0 =	sne.s32 s17, $0xF0;
	v5 =	vld [tilespmem:s16+$0x0]  }
0x8e: {  	v6 =	vld [tilespmem:s15+$0x2200]  }
0x8f: {  	v7 =	vld [tilespmem:s15+$0x2300]  }
0x90: {  	v8 =	vld [tilespmem:s15+$0x2400]  }
0x91: {  	v9 =	vld [tilespmem:s15+$0x2500]  }
0x92: {  	v4 =	vadd.s32 v5, v4;
	v5 =	vld [tilespmem:s15+$0x2600]  }
0x93: {  	v4 =	vadd.s32 v6, v4;
	v6 =	vld [tilespmem:s15+$0x2700]  }
0x94: {  	v4 =	vadd.s32 v7, v4;
	v7 =	vld [tilespmem:s15+$0x2800]  }
0x95: {  	v4 =	vadd.s32 v8, v4;
	v8 =	vld [tilespmem:s15+$0x2900]  }
0x96: {  	v4 =	vadd.s32 v9, v4;
	v9 =	vld [tilespmem:s15+$0x2A00]  }
0x97: {  	v4 =	vadd.s32 v5, v4;
	v5 =	vld [tilespmem:s15+$0x2B00]  }
0x98: {  	v4 =	vadd.s32 v6, v4;
	v6 =	vld [tilespmem:s15+$0x2C00]  }
0x99: {  	v4 =	vadd.s32 v7, v4;
	v7 =	vld [tilespmem:s15+$0x2D00]  }
0x9a: {  	v4 =	vadd.s32 v8, v4;
	v8 =	vld [tilespmem:s15+$0x2E00]  }
0x9b: {  	v4 =	vadd.s32 v9, v4;
	v9 =	vld [tilespmem:s15+$0x2F00]  }
0x9c: {  	v4 =	vadd.s32 v5, v4  }
0x9d: {  	v4 =	vadd.s32 v6, v4  }
.Ltmp3:
0x9e: {  	v4 =	vadd.s32 v7, v4;
	(pc) =	sbr.rel @p0 .LBB2_8-.Ltmp3, $4  }
0x9f: {  	v4 =	vadd.s32 v8, v4  }
0xa0: {  	s14 =	sadd.s32 $0x10, s14;
	v4 =	vadd.s32 v9, v4  }
0xa1: {  	s15 =	sand.u32 $0xF0, s17;
	[tilespmem:s14+$0x0] =	vst v4  }
0xa2: {  	s16 =	sadd.s32 $0x10, s16;
	s17 =	sadd.s32 $0x10, s17;
	v4 =	vld [tilespmem:s15+$0x2100]  }
0xa3: {  	v5 =	vld [tilespmem:s16+$0x0]  }
0xa4: {  	v6 =	vld [tilespmem:s15+$0x2200]  }
0xa5: {  	v7 =	vld [tilespmem:s15+$0x2300]  }
0xa6: {  	v8 =	vld [tilespmem:s15+$0x2400]  }
0xa7: {  	v9 =	vld [tilespmem:s15+$0x2500]  }
0xa8: {  	v4 =	vadd.s32 v5, v4;
	v5 =	vld [tilespmem:s15+$0x2600]  }
0xa9: {  	v56 =	vld [tilespmem:s15+$0x2700];
	v4 =	vadd.s32 v6, v4  }
0xaa: {  	v57 =	vld [tilespmem:s15+$0x2800];
	v4 =	vadd.s32 v7, v4  }
0xab: {  	v58 =	vld [tilespmem:s15+$0x2900];
	v4 =	vadd.s32 v8, v4  }
0xac: {  	v59 =	vld [tilespmem:s15+$0x2A00];
	v4 =	vadd.s32 v9, v4  }
0xad: {  	v4 =	vadd.s32 v5, v4;
	v5 =	vld [tilespmem:s15+$0x2B00]  }
0xae: {  	v60 =	vld [tilespmem:s15+$0x2C00];
	v4 =	vadd.s32 v56, v4  }
0xaf: {  	v61 =	vld [tilespmem:s15+$0x2D00];
	v4 =	vadd.s32 v57, v4  }
0xb0: {  	v62 =	vld [tilespmem:s15+$0x2E00];
	v4 =	vadd.s32 v58, v4  }
0xb1: {  	v63 =	vld [tilespmem:s15+$0x2F00];
	v4 =	vadd.s32 v59, v4  }
0xb2: {  	v4 =	vadd.s32 v5, v4  }
0xb3: {  	v4 =	vadd.s32 v60, v4  }
0xb4: {  	v4 =	vadd.s32 v61, v4  }
0xb5: {  	s13 =	sadd.s32 $0x1, s13;
	v4 =	vadd.s32 v62, v4  }
0xb6: {  	s14 =	sadd.s32 $0x10, s14;
	p0 =	sne.s32 s13, s6;
	v4 =	vadd.s32 v63, v4  }
.Ltmp4:
0xb7: {  	[tilespmem:s14+$0x0] =	vst v4;
	(pc) =	sbr.rel @p0 .LBB2_1-.Ltmp4, $4  }
0xb8: {  	[hbm4b:s5+s10] =	stream.strided.scatter [tilespmem:s12], [sflag:$0x1], $0x100, s11, s10, $0x38;
	[tilespmem:$0x3200] =	vst v63  }
0xb9: {  	_ =	swait.ge [sflag:s8], $0x100  }
0xba: {  	[sflag:s8] =	ssyncset.done $0x0  }
0xbb: {  	[sflag:s8] =	ssyncadd.s32 $0xFFFFFF00  }
0xbc: {  	_ =	sfence.sel $0x180000  }
0xbd: {  	[bflag:$0x0] =	sbarrier.arrive $0xFFFF  }
0xbe: {  	p0 =	sne.s32 s1, $0x0;
	_ =	strace $0x90000053  }
0xbf: {  	s0 =	sadd.s32 @!p0 $0x100000, s0;
	[bflag:$0x2] =	sbarrier.arrive $0xFFFF  }
0xc0: {  	[sflag:s0] =	ssyncadd.tile.s32 @!p0 $0x1;
	_ =	shalt  }
.Lfunc_end2:
_tile_overlayer_lowered:
.L_overlay_start_2:
0xc1: {  	(tag) =	ssettag $0x2  }
0xc2: {  	s0 =	rddreg [dreg:$0x0];
	s2 =	stileid.u32  }
0xc3: {  	s1 =	rddreg [dreg:$0x1];
	p0 =	sne.s32 s2, $0x0  }
0xc4: {  	s3 =	rddreg [dreg:$0x2];
	[bflag:$0x3] =	sbarrier.arrive $0xFFFF;
	s2 =	simm.s32 @!p0 $0x1C01  }
0xc5: {  	[timem:s3], [sflag:s2] =	dma.local @!p0 [hbm:s0], s1  }
0xc6: {  	s0 =	simm.s32 @!p0 $0x1  }
0xc7: {  	_ =	swait.ge @!p0 [sflag:s0], s1  }
0xc8: {  	s1 =	ssub.s32 @!p0 $0x0, s1;
	[sflag:s0] =	ssyncset.done @!p0 $0x0  }
0xc9: {  	[sflag:s0] =	ssyncadd.s32 @!p0 s1  }
0xca: {  	[bflag:$0x3] =	sbarrier.arrive $0xFFFF  }
0xcb: {  	_ =	shalt  }

// kernel: kernel.9.cloned.1.call-start
scs
__scs_entry_jumppad:
0x0: {  	(pc) =	sbr.rel $0x88, $3  }
0x1: {  	(tag) =	ssettag $0x0;
	lr =	simm.s32 $0x1  }
0x2: {  	[smem:$0x3FA0] =	sst lr;
	_ =	strace $0xD0000000  }
0x3: {  	_ = 	snop  }
0x4: {  	_ = 	snop  }
0x5: {  	_ = 	snop  }
0x6: {  	_ = 	snop  }
0x7: {  	_ = 	snop  }
__scs_overlays_trampoline_lowered:
0x8: {  	[smem:$0x3FAF] =	sst s0  }
0x9: {  	[smem:$0x3FB0] =	sst s1  }
0xa: {  	[smem:$0x3FB1] =	sst s2  }
0xb: {  	[smem:$0x3FB2] =	sst s3  }
0xc: {  	[smem:$0x3FB3] =	sst s4  }
0xd: {  	[smem:$0x3FB4] =	sst s5  }
0xe: {  	[smem:$0x3FB5] =	sst s6  }
0xf: {  	[smem:$0x3FB6] =	sst s7  }
0x10: {  	[smem:$0x3FB7] =	sst s8  }
0x11: {  	[smem:$0x3FB8] =	sst s9;
	s0 =	simm.s32 @!p0 $0x0  }
0x12: {  	s1 =	sld [smem:$0x3F9E];
	s0 =	simm.s32 @p0 $0x1  }
0x13: {  	[smem:$0x3FB9] =	sst s0;
	s0 =	simm.s32 @!p1 $0x0  }
0x14: {  	s2 =	sld [smem:$0x3F9D];
	s0 =	simm.s32 @p1 $0x1  }
0x15: {  	[smem:$0x3FBA] =	sst s0;
	s0 =	simm.s32 @!p2 $0x0  }
0x16: {  	s3 =	sld [smem:$0x3FDB];
	s0 =	simm.s32 @p2 $0x1  }
0x17: {  	s4 =	simm.s32 $0x1BF5;
	[smem:$0x3FBC] =	sst s0  }
0x18: {  	s0 =	sld [smem:$0x3F9F];
	_ =	swait.ge [sflag:s4], $0x0  }
0x19: {  	s7 =	sld [smem:$0x3FA0]  }
0x1a: {  	s8 =	sadd.s32 $0xFFFFE003, lr  }
0x1b: {  	s9 =	sadd.s32 $0xFFFFFEF7, lr;
	s5 =	simm.s32 $0xFFFFFFFF;
	p2 =	slt.u32 s8, $0xFFFFF086  }
0x1c: {  	p1 =	slt.u32 s9, $0xF7A;
	s5 =	simm.s32 @!p2 $0x0  }
0x1d: {  	s5 =	simm.s32 @p1 $0x1;
	p0 =	seq.s32 s7, s2  }
0x1e: {  	s7 =	smul.u32 @!p0 $0xF7A, s2;
	p2 =	seq.s32 @!p0 s5, $0x0  }
0x1f: {  	s9 =	smul.u32 $0xF7A, s1;
	s8 =	simm.s32 @!p0 $0x1BF5;
	p2 =	por !p2, p0  }
0x20: {  	[sflag:s8] =	ssyncset.s32 @!p0 $0xFFFFF086;
	s6 =	sadd.s32 @!p0 s3, s7;
	s7 =	simm.s32 @!p0 $0x108  }
0x21: {  	s3 =	sadd.s32 s3, s9;
	s6 =	sadd.s32 @!p0 $0x88, s6;
	s7 =	simm.s32 @p2 $0x1082  }
0x22: {  	[simem:s7], [sflag:s8] =	dma.local @!p0 [hbm:s6], $0xF7A  }
0x23: {  	s9 =	sor.u32 $0xD0000000, s2;
	s6 =	simm.s32 $0x108;
	_ =	swait.ge @!p0 [sflag:s8], $0x0  }
0x24: {  	s3 =	sadd.s32 $0x88, s3;
	s6 =	simm.s32 @!p1 $0x1082;
	[sflag:s4] =	ssyncset.s32 $0xFFFFF086  }
0x25: {  	[simem:s6], [sflag:s4] =	dma.local [hbm:s3], $0xF7A  }
0x26: {  	[smem:$0x3FA0] =	sst s1;
	(tag) =	ssettag s2;
	_ =	strace s9  }
0x27: {  	s1 =	sld [smem:$0x3FB0]  }
0x28: {  	s2 =	sld [smem:$0x3FB1]  }
0x29: {  	s4 =	sld [smem:$0x3FB3]  }
0x2a: {  	p0 =	seq.s32 s5, $0x0;
	s5 =	sld [smem:$0x3FB4]  }
0x2b: {  	s6 =	sld [smem:$0x3FB5]  }
0x2c: {  	s7 =	sld [smem:$0x3FB6]  }
0x2d: {  	s3 =	simm.s32 $0x108;
	s8 =	sld [smem:$0x3FB7]  }
0x2e: {  	s3 =	simm.s32 @!p0 $0x1082;
	s9 =	sld [smem:$0x3FB8]  }
0x2f: {  	lr =	sadd.s32 s0, s3;
	s0 =	sld [smem:$0x3FAF]  }
0x30: {  	s3 =	sld [smem:$0x3FB2]  }
0x31: {  	[smem:$0x3FBB] =	sst s10  }
0x32: {  	s10 =	sld [smem:$0x3FB9];
	_ =	sdelay $0x3  }
0x33: {  	p0 =	seq.s32 s10, $0x1;
	s10 =	sld [smem:$0x3FBB];
	_ =	sdelay $0x3  }
0x34: {  	[smem:$0x3FBB] =	sst s10  }
0x35: {  	s10 =	sld [smem:$0x3FBA];
	_ =	sdelay $0x3  }
0x36: {  	p1 =	seq.s32 s10, $0x1;
	s10 =	sld [smem:$0x3FBB];
	_ =	sdelay $0x3  }
0x37: {  	[smem:$0x3FBB] =	sst s10  }
0x38: {  	s10 =	sld [smem:$0x3FBC]  }
0x39: {  	_ = 	snop;
	(pc) =	sbr.ind lr, $3  }
0x3a: {  	_ = 	snop  }
0x3b: {  	_ = 	snop  }
0x3c: {  	p2 =	seq.s32 s10, $0x1;
	s10 =	sld [smem:$0x3FBB]  }
0x3d: {  	_ =	shalt  }
0x3e: {  	_ =	shalt  }
0x3f: {  	_ =	shalt  }
0x40: {  	_ =	shalt  }
0x41: {  	_ =	shalt  }
0x42: {  	_ =	shalt  }
0x43: {  	_ =	shalt  }
0x44: {  	_ =	shalt  }
0x45: {  	_ =	shalt  }
0x46: {  	_ =	shalt  }
0x47: {  	_ =	shalt  }
0x48: {  	_ =	shalt  }
0x49: {  	_ =	shalt  }
0x4a: {  	_ =	shalt  }
0x4b: {  	_ =	shalt  }
0x4c: {  	_ =	shalt  }
0x4d: {  	_ =	shalt  }
0x4e: {  	_ =	shalt  }
0x4f: {  	_ =	shalt  }
0x50: {  	_ =	shalt  }
0x51: {  	_ =	shalt  }
0x52: {  	_ =	shalt  }
0x53: {  	_ =	shalt  }
0x54: {  	_ =	shalt  }
0x55: {  	_ =	shalt  }
0x56: {  	_ =	shalt  }
0x57: {  	_ =	shalt  }
0x58: {  	_ =	shalt  }
0x59: {  	_ =	shalt  }
0x5a: {  	_ =	shalt  }
0x5b: {  	_ =	shalt  }
0x5c: {  	_ =	shalt  }
0x5d: {  	_ =	shalt  }
0x5e: {  	_ =	shalt  }
0x5f: {  	_ =	shalt  }
0x60: {  	_ =	shalt  }
0x61: {  	_ =	shalt  }
0x62: {  	_ =	shalt  }
0x63: {  	_ =	shalt  }
0x64: {  	_ =	shalt  }
0x65: {  	_ =	shalt  }
0x66: {  	_ =	shalt  }
0x67: {  	_ =	shalt  }
0x68: {  	_ =	shalt  }
0x69: {  	_ =	shalt  }
0x6a: {  	_ =	shalt  }
0x6b: {  	_ =	shalt  }
0x6c: {  	_ =	shalt  }
0x6d: {  	_ =	shalt  }
0x6e: {  	_ =	shalt  }
0x6f: {  	_ =	shalt  }
0x70: {  	_ =	shalt  }
0x71: {  	_ =	shalt  }
0x72: {  	_ =	shalt  }
0x73: {  	_ =	shalt  }
0x74: {  	_ =	shalt  }
0x75: {  	_ =	shalt  }
0x76: {  	_ =	shalt  }
0x77: {  	_ =	shalt  }
0x78: {  	_ =	shalt  }
0x79: {  	_ =	shalt  }
0x7a: {  	_ =	shalt  }
0x7b: {  	_ =	shalt  }
0x7c: {  	_ =	shalt  }
0x7d: {  	_ =	shalt  }
0x7e: {  	_ =	shalt  }
0x7f: {  	_ =	shalt  }
0x80: {  	_ =	shalt  }
0x81: {  	_ =	shalt  }
0x82: {  	_ =	shalt  }
0x83: {  	_ =	shalt  }
0x84: {  	_ =	shalt  }
0x85: {  	_ =	shalt  }
0x86: {  	_ =	shalt  }
0x87: {  	_ =	shalt  }
.Lfunc_end0:
.L_simem_size_0:
called_computation.2_lowered:
.L_overlay_start_0:
0x88: {  	s2 =	sld [smem:$0x3FD9]  }
0x89: {  	s3 =	sld [smem:$0x3FFE];
	_ =	sdelay $0x1  }
0x8a: {  	s1 =	srdreg.scid  }
0x8b: {  	s0 =	sand.u32 $0x1, s1  }
0x8c: {  	s17 =	sshll.u32 s0, $0xA;
	s2 =	sadd.s32 s3, s2  }
0x8d: {  	s2 =	sadd.s32 s2, s17  }
0x8e: {  	[smem:$0x3FC7] =	sst s2  }
0x8f: {  	_ = 	snop  }
0x90: {  	s2 =	sld [smem:$0x3FD0];
	(tm) =	ssettm $0x1  }
0x91: {  	s18 =	sld [smem:$0x3FFB];
	_ =	sdelay $0x3  }
0x92: {  	_ =	strace s18  }
0x93: {  	s3 =	sld [smem:$0x3FFC];
	_ =	sdelay $0x3  }
0x94: {  	_ =	strace s3  }
0x95: {  	s3 =	sld [smem:$0x3FFD];
	_ =	sdelay $0x3  }
0x96: {  	_ =	strace s3  }
0x97: {  	_ =	strace $0x8FFFFFFF  }
0x98: {  	s19 =	sld [smem:$0x3FDB];
	_ =	sdelay $0x1  }
0x99: {  	s4 =	simm.s32 $_scs_section_size  }
0x9a: {  	s5 =	simm.s32 $_size__tile_overlayer_lowered;
	s6 =	simm.s32 $_tile_overlayer_lowered  }
0x9b: {  	s22 =	simm.s32 $0x1BFF;
	s21 =	sshll.u32 s6, $0x1;
	s3 =	sadd.s32 s4, s19  }
0x9c: {  	s7 =	simm.s32 $0x0;
	s20 =	sshll.u32 s5, $0x1;
	s5 =	sadd.s32 s21, s3  }
0x9d: {  	[timem:s7], [sflag:s22] =	dma.local [hbm:s5], s20  }
0x9e: {  	_ =	swait.ge [sflag:s22], s20  }
0x9f: {  	s4 =	ssub.s32 $0x0, s20;
	[sflag:s22] =	ssyncset.done $0x0  }
0xa0: {  	[sflag:s22] =	ssyncadd.s32 s4;
	_ =	sdelay $0x1  }
0xa1: {  	s23 =	simm.s32 $0x1B8B  }
0xa2: {  	_ =	swait.ge [sflag:s23], $0x1  }
0xa3: {  	[sflag:s23] =	ssyncset.done $0x0  }
0xa4: {  	s25 =	simm.s32 $0x1B8E;
	s24 =	sld [smem:$0x3FFE];
	[sflag:s23] =	ssyncadd.s32 $0xFFFFFFFF  }
0xa5: {  	s26 =	simm.s32 $execute0_lowered;
	[smem:$0x3FD2] =	sst s25  }
0xa6: {  	s5 =	sshll.u32 s26, $0x1;
	_ =	strace $0x8000004C;
	[dreg:$0x1] =	wrdreg $0xFFFFFFFF  }
0xa7: {  	s28 =	simm.s32 $_size_execute0_lowered;
	s3 =	sadd.s32 s3, s5;
	[dreg:$0x0] =	wrdreg $0x0  }
0xa8: {  	s5 =	sshll.u32 s28, $0x1;
	[dreg:$0x2] =	wrdreg s3  }
0xa9: {  	[dreg:$0x3] =	wrdreg s5  }
0xaa: {  	[dreg:$0x4] =	wrdreg $0xC0  }
0xab: {  	_ =	task [dreg:s7], $0x5FFFF  }
0xac: {  	[dreg:$0x1] =	wrdreg $0xFFFFFFFF  }
0xad: {  	[dreg:$0x0] =	wrdreg $0x60  }
0xae: {  	[dreg:$0x2] =	wrdreg s2  }
0xaf: {  	[dreg:$0x3] =	wrdreg s24  }
0xb0: {  	[dreg:$0x4] =	wrdreg $0x9  }
0xb1: {  	_ =	task.clear_ibuf [dreg:s7], $0x5FFFF;
	_ =	strace $0x9000004C  }
0xb2: {  	s29 =	simm.s32 $0x9;
	_ =	strace $0x8000004E  }
0xb3: {  	_ =	swait.ge [sflag:s29], $0x1  }
0xb4: {  	[sflag:s29] =	ssyncadd.s32 $0xFFFFFFFF  }
0xb5: {  	_ =	strace $0x9000004E  }
0xb6: {  	_ =	sfence  }
0xb7: {  	s30 =	sld [smem:$0x0];
	_ =	sdelay $0x2  }
0xb8: {  	s31 =	sshll.u32 s1, $0xD;
	s1 =	sshrl.u32 s1, $0x2  }
0xb9: {  	s3 =	sand.u32 $0x4000, s31;
	s1 =	sadd.s32 s1, s30  }
0xba: {  	s0 =	sor.u32 s3, s0;
	s1 =	sshll.u32 s1, $0x11  }
0xbb: {  	s0 =	sor.u32 s1, s0  }
0xbc: {  	s0 =	sadd.s32 $0x8F2B, s0  }
0xbd: {  	[sflag:s0] =	ssyncadd.remote.s32 $0x1  }
0xbe: {  	_ =	sfence.sel $0xFFFF  }
0xbf: {  	[dreg:$0x0] =	wrdreg $0xFFFFFFFF;
	(pc) =	sbr.abs _section_cstart, $3  }
0xc0: {  	[dreg:$0x1] =	wrdreg $0xFFFFFFFF  }
0xc1: {  	_ =	task.clear_ibuf [dreg:s7], $0x2FFFF;
	_ =	strace $0x9FFFFFFF  }
0xc2: {  	(tm) =	ssettm $0x7FFFFFFF  }
0xc3: {  	_ =	shalt  }
tec
execute0_lowered:
.L_overlay_start_1:
0x0: {  	(tag) =	ssettag $0x1  }
0x1: {  	s3 =	rddreg [dreg:$0x0]  }
0x2: {  	s4 =	rddreg [dreg:$0x1]  }
0x3: {  	s0 =	rddreg [dreg:$0x2]  }
0x4: {  	s2 =	simm.s32 $0x0;
	s1 =	stileid.u32;
	s5 =	srdreg.scid  }
0x5: {  	s9 =	simm.s32 $0x400;
	s10 =	simm.s32 $0x12080;
	s11 =	simm.s32 $0x0  }
0x6: {  	[smem:$0x7FF] =	sst s2;
	s5 =	sand.u32 $0x1, s5;
	s6 =	sshll.u32 s1, $0x1  }
0x7: {  	s7 =	sshll.u32 s1, $0xA;
	_ =	strace $0x8000004D;
	s6 =	sor.u32 s5, s6  }
0x8: {  	s7 =	sand.u32 $0x3000, s7;
	s5 =	ssub.s32 $0x2, s5;
	s8 =	sshll.u32 s6, $0x4  }
0x9: {  	s4 =	sadd.s32 s7, s4;
	s31 =	sshrl.u32 s5, $0x1;
	s6 =	sshll.u32 s6, $0xE  }
0xa: {  	s7 =	simm.s32 $0x2000;
	s8 =	sand.u32 $0x70, s8;
	s5 =	ssub.s32 s5, s31  }
0xb: {  	v1 =	vlaneseq.u32;
	s3 =	sadd.s32 s3, s6;
	s6 =	simm.s32 $0x1;
	s4 =	sadd.s32 s8, s4  }
0xc: {  	v0 =	vimm.s32 $0x0;
	v2 =	vimm.s32 $0x1;
	v1 =	vmul.u32 $0x1000, v1;
	s5 =	smax.u32 s5, $0x1;
	s8 =	simm.s32 $0x80;
	s4 =	sadd.s32 $0x3C00, s4  }
.LBB2_1:
0xd: {  	s12 =	simm.s32 $0x2040  }
0xe: {  	[tilespmem:s12+$0xFFFFFFC0] =	vst v0  }
0xf: {  	[tilespmem:s12+$0x30] =	vst v0  }
0x10: {  	[tilespmem:s12+$0x20] =	vst v0  }
0x11: {  	[tilespmem:s12+$0x10] =	vst v0  }
0x12: {  	[tilespmem:s12+$0x0] =	vst v0  }
0x13: {  	[tilespmem:s12+$0xFFFFFFF0] =	vst v0  }
0x14: {  	s13 =	simm.s32 $0x0;
	[tilespmem:s12+$0xFFFFFFE0] =	vst v0  }
.LBB2_2:
0x15: {  	s13 =	sadd.s32 $0x8, s13;
	[tilespmem:s12+$0xFFFFFFD0] =	vst v0;
	s12 =	sadd.s32 $0x80, s12  }
0x16: {  	[tilespmem:s12+$0xFFFFFFC0] =	vst v0;
	p0 =	slt.u32 s13, $0xFF8  }
0x17: {  	[tilespmem:s12+$0x30] =	vst v0  }
.Ltmp0:
0x18: {  	[tilespmem:s12+$0x20] =	vst v0;
	(pc) =	sbr.rel @p0 .LBB2_2-.Ltmp0, $4  }
0x19: {  	[tilespmem:s12+$0x10] =	vst v0  }
0x1a: {  	[tilespmem:s12+$0x0] =	vst v0  }
0x1b: {  	[tilespmem:s12+$0xFFFFFFF0] =	vst v0  }
0x1c: {  	[tilespmem:s12+$0xFFFFFFE0] =	vst v0  }
0x1d: {  	[tilespmem:s12+$0xFFFFFFD0] =	vst v0;
	s12 =	simm.s32 $0x0  }
.LBB2_4:
0x1e: {  	s13 =	sshll.u32 s12, $0xA  }
0x1f: {  	s13 =	sadd.s32 s13, s3  }
0x20: {  	[tilespmem:s2], [sflag:$0x1] =	stream.linear.gather [hbm4b:s13+s2], $0x2000, $0x38;
	[tilespmem:$0x13080] =	vst v63  }
0x21: {  	_ =	swait.ge [sflag:s6], $0x2000  }
0x22: {  	[sflag:s6] =	ssyncset.done $0x0  }
0x23: {  	s14 =	simm.s32 $0x40;
	s13 =	simm.s32 $0xFFFFFFF8;
	[sflag:s6] =	ssyncadd.s32 $0xFFFFE000  }
.LBB2_5:
0x24: {  	v3 =	vld [tilespmem:s14+$0xFFFFFFC0];
	_ =	sdelay $0x4  }
0x25: {  	v4 =	vshra.s32 v3, $0x1F  }
0x26: {  	v4 =	vor.u32 $0x80000000, v4  }
0x27: {  	v3 =	vxor.u32 v3, v4  }
0x28: {  	v3 =	vshrl.u32 v3, $0x14  }
0x29: {  	v49 =	vand.u32 $0xF80, v3  }
0x2a: {  	v3 =	vand.u32 $0x7F, v3;
	v4 =	vor.u32 v1, v49  }
0x2b: {  	v3 =	vor.u32 v3, v4;
	_ =	sdelay $0x4  }
0x2c: {  	[tilespmem:v3+s7+$0x0] =	vst.idx.add.s32.msk $0xffff, v2  }
0x2d: {  	v3 =	vld [tilespmem:s14+$0xFFFFFFD0];
	_ =	sdelay $0x4  }
0x2e: {  	v50 =	vshra.s32 v3, $0x1F  }
0x2f: {  	v4 =	vor.u32 $0x80000000, v50  }
0x30: {  	v3 =	vxor.u32 v3, v4  }
0x31: {  	v3 =	vshrl.u32 v3, $0x14  }
0x32: {  	v51 =	vand.u32 $0xF80, v3  }
0x33: {  	v3 =	vand.u32 $0x7F, v3;
	v4 =	vor.u32 v1, v51  }
0x34: {  	v3 =	vor.u32 v3, v4;
	_ =	sdelay $0x4  }
0x35: {  	[tilespmem:v3+s7+$0x0] =	vst.idx.add.s32.msk $0xffff, v2  }
0x36: {  	v3 =	vld [tilespmem:s14+$0xFFFFFFE0];
	_ =	sdelay $0x4  }
0x37: {  	v52 =	vshra.s32 v3, $0x1F  }
0x38: {  	v4 =	vor.u32 $0x80000000, v52  }
0x39: {  	v3 =	vxor.u32 v3, v4  }
0x3a: {  	v3 =	vshrl.u32 v3, $0x14  }
0x3b: {  	v53 =	vand.u32 $0xF80, v3  }
0x3c: {  	v3 =	vand.u32 $0x7F, v3;
	v4 =	vor.u32 v1, v53  }
0x3d: {  	v3 =	vor.u32 v3, v4;
	_ =	sdelay $0x4  }
0x3e: {  	[tilespmem:v3+s7+$0x0] =	vst.idx.add.s32.msk $0xffff, v2  }
0x3f: {  	v3 =	vld [tilespmem:s14+$0xFFFFFFF0];
	_ =	sdelay $0x4  }
0x40: {  	v54 =	vshra.s32 v3, $0x1F  }
0x41: {  	v4 =	vor.u32 $0x80000000, v54  }
0x42: {  	v3 =	vxor.u32 v3, v4  }
0x43: {  	v3 =	vshrl.u32 v3, $0x14  }
0x44: {  	v55 =	vand.u32 $0xF80, v3  }
0x45: {  	v3 =	vand.u32 $0x7F, v3;
	v4 =	vor.u32 v1, v55  }
0x46: {  	v3 =	vor.u32 v3, v4;
	_ =	sdelay $0x4  }
0x47: {  	[tilespmem:v3+s7+$0x0] =	vst.idx.add.s32.msk $0xffff, v2  }
0x48: {  	v3 =	vld [tilespmem:s14+$0x0];
	_ =	sdelay $0x4  }
0x49: {  	v56 =	vshra.s32 v3, $0x1F  }
0x4a: {  	v4 =	vor.u32 $0x80000000, v56  }
0x4b: {  	v3 =	vxor.u32 v3, v4  }
0x4c: {  	v3 =	vshrl.u32 v3, $0x14  }
0x4d: {  	v57 =	vand.u32 $0xF80, v3  }
0x4e: {  	v3 =	vand.u32 $0x7F, v3;
	v4 =	vor.u32 v1, v57  }
0x4f: {  	v3 =	vor.u32 v3, v4;
	_ =	sdelay $0x4  }
0x50: {  	[tilespmem:v3+s7+$0x0] =	vst.idx.add.s32.msk $0xffff, v2  }
0x51: {  	v3 =	vld [tilespmem:s14+$0x10];
	_ =	sdelay $0x4  }
0x52: {  	v58 =	vshra.s32 v3, $0x1F  }
0x53: {  	v4 =	vor.u32 $0x80000000, v58  }
0x54: {  	v3 =	vxor.u32 v3, v4  }
0x55: {  	v3 =	vshrl.u32 v3, $0x14  }
0x56: {  	v59 =	vand.u32 $0xF80, v3  }
0x57: {  	v3 =	vand.u32 $0x7F, v3;
	v4 =	vor.u32 v1, v59  }
0x58: {  	v3 =	vor.u32 v3, v4;
	_ =	sdelay $0x4  }
0x59: {  	[tilespmem:v3+s7+$0x0] =	vst.idx.add.s32.msk $0xffff, v2  }
0x5a: {  	v3 =	vld [tilespmem:s14+$0x20];
	_ =	sdelay $0x4  }
0x5b: {  	v60 =	vshra.s32 v3, $0x1F  }
0x5c: {  	v4 =	vor.u32 $0x80000000, v60  }
0x5d: {  	v3 =	vxor.u32 v3, v4  }
0x5e: {  	v3 =	vshrl.u32 v3, $0x14  }
0x5f: {  	v61 =	vand.u32 $0xF80, v3  }
0x60: {  	v3 =	vand.u32 $0x7F, v3;
	v4 =	vor.u32 v1, v61  }
0x61: {  	v3 =	vor.u32 v3, v4;
	_ =	sdelay $0x4  }
0x62: {  	[tilespmem:v3+s7+$0x0] =	vst.idx.add.s32.msk $0xffff, v2  }
0x63: {  	v3 =	vld [tilespmem:s14+$0x30];
	_ =	sdelay $0x4  }
0x64: {  	v62 =	vshra.s32 v3, $0x1F  }
0x65: {  	v4 =	vor.u32 $0x80000000, v62  }
0x66: {  	v3 =	vxor.u32 v3, v4  }
0x67: {  	v3 =	vshrl.u32 v3, $0x14  }
0x68: {  	v63 =	vand.u32 $0xF80, v3  }
0x69: {  	s13 =	sadd.s32 $0x8, s13;
	v3 =	vand.u32 $0x7F, v3;
	v4 =	vor.u32 v1, v63  }
0x6a: {  	p0 =	slt.u32 s13, $0x1F8;
	v3 =	vor.u32 v3, v4  }
.Ltmp1:
0x6b: {  	_ = 	snop;
	(pc) =	sbr.rel @p0 .LBB2_5-.Ltmp1, $2  }
0x6c: {  	_ =	sdelay $0x2  }
0x6d: {  	s14 =	sadd.s32 $0x80, s14;
	[tilespmem:v3+s7+$0x0] =	vst.idx.add.s32.msk $0xffff, v2  }
0x6e: {  	s12 =	sadd.s32 $0x1, s12  }
0x6f: {  	p0 =	sne.s32 s12, $0x10  }
.Ltmp2:
0x70: {  	_ = 	snop;
	(pc) =	sbr.rel @p0 .LBB2_4-.Ltmp2, $1  }
0x71: {  	_ =	sdelay $0x3  }
0x72: {  	s12 =	simm.s32 $0x0;
	s13 =	simm.s32 $0x2000  }
0x73: {  	s12 =	sand.u32 $0xFF0, s12;
	v4 =	vld [tilespmem:s13+$0x0]  }
0x74: {  	v3 =	vld [tilespmem:s12+$0x3000]  }
0x75: {  	v5 =	vld [tilespmem:s12+$0x4000]  }
0x76: {  	v6 =	vld [tilespmem:s12+$0x5000]  }
0x77: {  	v7 =	vld [tilespmem:s12+$0x6000]  }
0x78: {  	v8 =	vld [tilespmem:s12+$0x7000]  }
0x79: {  	v3 =	vadd.s32 v4, v3;
	v4 =	vld [tilespmem:s12+$0x8000]  }
0x7a: {  	v3 =	vadd.s32 v5, v3;
	v5 =	vld [tilespmem:s12+$0x9000]  }
0x7b: {  	v58 =	vld [tilespmem:s12+$0xA000];
	v3 =	vadd.s32 v6, v3  }
0x7c: {  	v59 =	vld [tilespmem:s12+$0xB000];
	v3 =	vadd.s32 v7, v3  }
0x7d: {  	v60 =	vld [tilespmem:s12+$0xC000];
	v3 =	vadd.s32 v8, v3  }
0x7e: {  	v3 =	vadd.s32 v4, v3;
	v4 =	vld [tilespmem:s12+$0xD000]  }
0x7f: {  	v3 =	vadd.s32 v5, v3;
	v5 =	vld [tilespmem:s12+$0xE000]  }
0x80: {  	v61 =	vld [tilespmem:s12+$0xF000];
	v3 =	vadd.s32 v58, v3  }
0x81: {  	v62 =	vld [tilespmem:s12+$0x10000];
	v3 =	vadd.s32 v59, v3  }
0x82: {  	v63 =	vld [tilespmem:s12+$0x11000];
	v3 =	vadd.s32 v60, v3  }
0x83: {  	v3 =	vadd.s32 v4, v3  }
0x84: {  	v3 =	vadd.s32 v5, v3  }
0x85: {  	v3 =	vadd.s32 v61, v3  }
0x86: {  	v3 =	vadd.s32 v62, v3  }
0x87: {  	s31 =	simm.s32 $0x10;
	s12 =	simm.s32 $0x12080;
	v3 =	vadd.s32 v63, v3  }
0x88: {  	s13 =	sand.u32 $0xFF0, s31;
	[tilespmem:s12+$0x0] =	vst v3  }
0x89: {  	s15 =	simm.s32 $0x20;
	s14 =	simm.s32 $0x2010;
	v3 =	vld [tilespmem:s13+$0x3000]  }
.LBB2_8:
0x8a: {  	p0 =	sne.s32 s15, $0xFF0;
	v4 =	vld [tilespmem:s14+$0x0]  }
0x8b: {  	v5 =	vld [tilespmem:s13+$0x4000]  }
0x8c: {  	v6 =	vld [tilespmem:s13+$0x5000]  }
0x8d: {  	v7 =	vld [tilespmem:s13+$0x6000]  }
0x8e: {  	v8 =	vld [tilespmem:s13+$0x7000]  }
0x8f: {  	v3 =	vadd.s32 v4, v3;
	v4 =	vld [tilespmem:s13+$0x8000]  }
0x90: {  	v3 =	vadd.s32 v5, v3;
	v5 =	vld [tilespmem:s13+$0x9000]  }
0x91: {  	v3 =	vadd.s32 v6, v3;
	v6 =	vld [tilespmem:s13+$0xA000]  }
0x92: {  	v3 =	vadd.s32 v7, v3;
	v7 =	vld [tilespmem:s13+$0xB000]  }
0x93: {  	v3 =	vadd.s32 v8, v3;
	v8 =	vld [tilespmem:s13+$0xC000]  }
0x94: {  	v3 =	vadd.s32 v4, v3;
	v4 =	vld [tilespmem:s13+$0xD000]  }
0x95: {  	v3 =	vadd.s32 v5, v3;
	v5 =	vld [tilespmem:s13+$0xE000]  }
0x96: {  	v3 =	vadd.s32 v6, v3;
	v6 =	vld [tilespmem:s13+$0xF000]  }
0x97: {  	v3 =	vadd.s32 v7, v3;
	v7 =	vld [tilespmem:s13+$0x10000]  }
0x98: {  	v3 =	vadd.s32 v8, v3;
	v8 =	vld [tilespmem:s13+$0x11000]  }
0x99: {  	v3 =	vadd.s32 v4, v3  }
0x9a: {  	v3 =	vadd.s32 v5, v3  }
.Ltmp3:
0x9b: {  	v3 =	vadd.s32 v6, v3;
	(pc) =	sbr.rel @p0 .LBB2_8-.Ltmp3, $4  }
0x9c: {  	v3 =	vadd.s32 v7, v3  }
0x9d: {  	s12 =	sadd.s32 $0x10, s12;
	v3 =	vadd.s32 v8, v3  }
0x9e: {  	s13 =	sand.u32 $0xFF0, s15;
	[tilespmem:s12+$0x0] =	vst v3  }
0x9f: {  	s14 =	sadd.s32 $0x10, s14;
	s15 =	sadd.s32 $0x10, s15;
	v3 =	vld [tilespmem:s13+$0x3000]  }
0xa0: {  	v4 =	vld [tilespmem:s14+$0x0]  }
0xa1: {  	v5 =	vld [tilespmem:s13+$0x4000]  }
0xa2: {  	v6 =	vld [tilespmem:s13+$0x5000]  }
0xa3: {  	v7 =	vld [tilespmem:s13+$0x6000]  }
0xa4: {  	v8 =	vld [tilespmem:s13+$0x7000]  }
0xa5: {  	v54 =	vld [tilespmem:s13+$0x8000];
	v3 =	vadd.s32 v4, v3  }
0xa6: {  	v55 =	vld [tilespmem:s13+$0x9000];
	v3 =	vadd.s32 v5, v3  }
0xa7: {  	v56 =	vld [tilespmem:s13+$0xA000];
	v3 =	vadd.s32 v6, v3  }
0xa8: {  	v57 =	vld [tilespmem:s13+$0xB000];
	v3 =	vadd.s32 v7, v3  }
0xa9: {  	v58 =	vld [tilespmem:s13+$0xC000];
	v3 =	vadd.s32 v8, v3  }
0xaa: {  	v59 =	vld [tilespmem:s13+$0xD000];
	v3 =	vadd.s32 v54, v3  }
0xab: {  	v60 =	vld [tilespmem:s13+$0xE000];
	v3 =	vadd.s32 v55, v3  }
0xac: {  	v61 =	vld [tilespmem:s13+$0xF000];
	v3 =	vadd.s32 v56, v3  }
0xad: {  	v62 =	vld [tilespmem:s13+$0x10000];
	v3 =	vadd.s32 v57, v3  }
0xae: {  	v63 =	vld [tilespmem:s13+$0x11000];
	v3 =	vadd.s32 v58, v3  }
0xaf: {  	v3 =	vadd.s32 v59, v3  }
0xb0: {  	v3 =	vadd.s32 v60, v3  }
0xb1: {  	v3 =	vadd.s32 v61, v3  }
0xb2: {  	s11 =	sadd.s32 $0x1, s11;
	v3 =	vadd.s32 v62, v3  }
0xb3: {  	s12 =	sadd.s32 $0x10, s12;
	p0 =	sne.s32 s11, s5;
	v3 =	vadd.s32 v63, v3  }
.Ltmp4:
0xb4: {  	[tilespmem:s12+$0x0] =	vst v3;
	(pc) =	sbr.rel @p0 .LBB2_1-.Ltmp4, $4  }
0xb5: {  	[hbm4b:s4+s8] =	stream.strided.scatter [tilespmem:s10], [sflag:$0x1], $0x1000, s9, s8, $0x38;
	[tilespmem:$0x13080] =	vst v63  }
0xb6: {  	_ =	swait.ge [sflag:s6], $0x1000  }
0xb7: {  	[sflag:s6] =	ssyncset.done $0x0  }
0xb8: {  	[sflag:s6] =	ssyncadd.s32 $0xFFFFF000  }
0xb9: {  	_ =	sfence.sel $0x180000  }
0xba: {  	[bflag:$0x0] =	sbarrier.arrive $0xFFFF  }
0xbb: {  	p0 =	sne.s32 s1, $0x0;
	_ =	strace $0x9000004D  }
0xbc: {  	s0 =	sadd.s32 @!p0 $0x100000, s0;
	[bflag:$0x2] =	sbarrier.arrive $0xFFFF  }
0xbd: {  	[sflag:s0] =	ssyncadd.tile.s32 @!p0 $0x1;
	_ =	shalt  }
.Lfunc_end2:
_tile_overlayer_lowered:
.L_overlay_start_2:
0xbe: {  	(tag) =	ssettag $0x2  }
0xbf: {  	s0 =	rddreg [dreg:$0x0];
	s2 =	stileid.u32  }
0xc0: {  	s1 =	rddreg [dreg:$0x1];
	p0 =	sne.s32 s2, $0x0  }
0xc1: {  	s3 =	rddreg [dreg:$0x2];
	[bflag:$0x3] =	sbarrier.arrive $0xFFFF;
	s2 =	simm.s32 @!p0 $0x1C01  }
0xc2: {  	[timem:s3], [sflag:s2] =	dma.local @!p0 [hbm:s0], s1  }
0xc3: {  	s0 =	simm.s32 @!p0 $0x1  }
0xc4: {  	_ =	swait.ge @!p0 [sflag:s0], s1  }
0xc5: {  	s1 =	ssub.s32 @!p0 $0x0, s1;
	[sflag:s0] =	ssyncset.done @!p0 $0x0  }
0xc6: {  	[sflag:s0] =	ssyncadd.s32 @!p0 s1  }
0xc7: {  	[bflag:$0x3] =	sbarrier.arrive $0xFFFF  }
0xc8: {  	_ =	shalt  }

</sc_bundles>
